<compile_context>
chip_gen: v7x
topology: tpu7x:2x2x1
jax: 0.10.2.dev20260603
libtpu: 0.0.44.dev20260713+nightly
codegen_flags: <defaults>
</compile_context>

<pallas_src>
import jax
import jax.numpy as jnp
from jax import lax
from jax.experimental import pallas as pl
from jax.experimental.pallas import tpu as pltpu
from jax.experimental.pallas import tpu_sc as plsc

VOCAB = 1000000
ROWS = 4096
CHUNK_SIZE = 16
N_CHUNKS = 4
BATCH = 16384

NC = 2
NS = 16
NW = NC * NS
BPW = BATCH // NW
PW = BPW * N_CHUNKS
NSLICE = PW // 128


def _body(x_hbm, h01_hbm, t0_hbm, t1_hbm, out_hbm,
          xv, cw, ti0, ti1, g, sem):
    wid = lax.axis_index("s") * NC + lax.axis_index("c")
    base = wid * BPW

    pltpu.sync_copy(x_hbm.at[pl.ds(base, BPW)], xv)

    cw_copies = []
    for j in range(NSLICE):
        c, jj = divmod(j, NSLICE // N_CHUNKS)
        idx = xv.at[pl.ds(jj * 128, 128)]
        cw_copies.append(pltpu.async_copy(
            h01_hbm.at[c].at[idx], cw.at[pl.ds(j * 128, 128)], sem))

    t0_copies = []
    for j in range(NSLICE):
        cw_copies[j].wait()
        for k in range(8):
            sl = pl.ds((j * 8 + k) * 16, 16)
            w = cw[sl]
            ti0[sl] = lax.bitwise_and(w, 0xFFFF)
            ti1[sl] = lax.shift_right_logical(w, 16)
        t0_copies.append(pltpu.async_copy(
            t0_hbm.at[ti0.at[pl.ds(j * 128, 128)]],
            g.at[pl.ds(j * 128, 128)], sem))

    t1_copies = []
    for j in range(NSLICE):
        t0_copies[j].wait()
        t1_copies.append(pltpu.async_copy(
            t1_hbm.at[ti1.at[pl.ds(j * 128, 128)]],
            g.at[pl.ds(j * 128, 128)], sem, add=True))
    for cp in t1_copies:
        cp.wait()

    for c in range(N_CHUNKS):
        pltpu.sync_copy(g.at[pl.ds(c * BPW, BPW), :],
                        out_hbm.at[pl.ds(base, BPW),
                                   pl.ds(c * CHUNK_SIZE, CHUNK_SIZE)])


@jax.jit
def _run(x, h01p, t0f, t1f):
    mesh = plsc.VectorSubcoreMesh(core_axis_name="c", subcore_axis_name="s")
    f = pl.kernel(
        _body,
        out_type=jax.ShapeDtypeStruct((BATCH, N_CHUNKS * CHUNK_SIZE),
                                      jnp.float32),
        mesh=mesh,
        scratch_types=[
            pltpu.VMEM((BPW,), jnp.int32),
            pltpu.VMEM((PW,), jnp.int32),
            pltpu.VMEM((PW,), jnp.int32),
            pltpu.VMEM((PW,), jnp.int32),
            pltpu.VMEM((PW, CHUNK_SIZE), jnp.float32),
            pltpu.SemaphoreType.DMA,
        ],
        compiler_params=pltpu.CompilerParams(use_tc_tiling_on_sc=False),
    )
    return f(x, h01p, t0f, t1f)


def kernel(x, table0, table1, h0, h1):
    c4 = jnp.arange(N_CHUNKS, dtype=jnp.int32)
    lo = h0 + c4[None, :] * ROWS
    hi = h1 + c4[None, :] * ROWS
    h01p = (lo | (hi << 16)).T
    t0f = table0.transpose(1, 0, 2).reshape(ROWS * N_CHUNKS, CHUNK_SIZE)
    t1f = table1.transpose(1, 0, 2).reshape(ROWS * N_CHUNKS, CHUNK_SIZE)
    return _run(x, h01p, t0f, t1f)

# --- scband reference (transcript-rebuilt; emitter-appended) ---
"""Pipeline reference for scband-ccembedding-584115552840 (READ-ONLY COPY).

The authoritative reference and input builder live on the scoring server;
editing this copy changes nothing except your own understanding.
"""

import jax, jax.numpy as jnp
import numpy as np

VOCAB = 1000000
ROWS = 4096
CHUNK_SIZE = 16
N_CHUNKS = 4
BATCH = 16384


def setup_inputs(seed: int = 0) -> dict:
    key = jax.random.key(seed)
    k1, k2, k3, k4, k5 = jax.random.split(key, 5)
    dim = CHUNK_SIZE * N_CHUNKS
    bound = dim ** (-0.5)
    x = jax.random.randint(k1, (BATCH,), 0, VOCAB, dtype=jnp.int32)
    table0 = jax.random.uniform(k2, (ROWS, N_CHUNKS, CHUNK_SIZE), minval=-bound, maxval=bound, dtype=jnp.float32)
    table1 = jax.random.uniform(k3, (ROWS, N_CHUNKS, CHUNK_SIZE), minval=-bound, maxval=bound, dtype=jnp.float32)
    h0 = jax.random.randint(k4, (VOCAB, N_CHUNKS), 0, ROWS, dtype=jnp.int32)
    h1 = jax.random.randint(k5, (VOCAB, N_CHUNKS), 0, ROWS, dtype=jnp.int32)
    return {"x": x, "table0": table0, "table1": table1, "h0": h0, "h1": h1}


def reference(x, table0, table1, h0, h1):
    # part0 = table0[h0[x], range(n_chunks)] -> gather rows per chunk
    n_chunks = table0.shape[1]
    chunk_idx = jnp.arange(n_chunks)
    codes0 = h0[x]  # [B, n_chunks]
    codes1 = h1[x]  # [B, n_chunks]
    part0 = table0[codes0, chunk_idx]  # [B, n_chunks, chunk_size]
    part1 = table1[codes1, chunk_idx]  # [B, n_chunks, chunk_size]
    out = part0 + part1
    return out.reshape(out.shape[0], -1)

if __name__ == "__main__":
    import jax
    _d = setup_inputs()
    print(jax.jit(kernel)(*tuple(_d.values())))

</pallas_src>

<mosaic_0001>
#map = affine_map<(d0, d1) -> (0)>
#map1 = affine_map<(d0, d1) -> (0, 0)>
module attributes {stable_mosaic.version = 14 : i64} {
  func.func @_body(%arg0: i32, %arg1: i32, %arg2: memref<16384xi32, #tpu.memory_space<hbm>>, %arg3: memref<4x1000000xi32, #tpu.memory_space<hbm>>, %arg4: memref<16384x16xf32, #tpu.memory_space<hbm>>, %arg5: memref<16384x16xf32, #tpu.memory_space<hbm>>, %arg6: memref<16384x64xf32, #tpu.memory_space<hbm>>, %arg7: memref<512xi32, #tpu.memory_space<vmem>>, %arg8: memref<2048xi32, #tpu.memory_space<vmem>>, %arg9: memref<2048xi32, #tpu.memory_space<vmem>>, %arg10: memref<2048xi32, #tpu.memory_space<vmem>>, %arg11: memref<2048x16xf32, #tpu.memory_space<vmem>>, %arg12: memref<!tpu.dma_semaphore, #tpu.memory_space<semaphore_mem>>) attributes {dimension_semantics = [#tpu.dimension_semantics<core_parallel>, #tpu.dimension_semantics<subcore_parallel>], iteration_bounds = array<i64: 2, 16>, scalar_prefetch = 0 : i64, scratch_operands = 6 : i64, tpu.core_type = #tpu.core_type<sc_vector_subcore>, window_params = [{transform_indices = #map}, {transform_indices = #map1}, {transform_indices = #map1}, {transform_indices = #map1}, {transform_indices = #map1}]} {
    %mul3A = arith.constant 2 : i32
    %mul3A_0 = arith.muli %arg1, %mul3A : i32
    %add3A = arith.addi %mul3A_0, %arg0 : i32
    %mul3A_1 = arith.constant 512 : i32
    %mul3A_2 = arith.muli %add3A, %mul3A_1 : i32
    "tpu.region"() ({
      %run_scoped3A = tpu.sem_alloc : memref<!tpu.dma_semaphore, #tpu.memory_space<semaphore_mem>>
      %dma_start3A_3005 = tpu.memref_slice %arg2[%mul3A_2] : memref<16384xi32, #tpu.memory_space<hbm>> -> memref<512xi32, #tpu.memory_space<hbm>>
      %dma_start3A_3006 = tpu.memref_slice %arg2[%mul3A_2] : memref<16384xi32, #tpu.memory_space<hbm>> -> memref<512xi32, #tpu.memory_space<hbm>>
      tpu.enqueue_dma source(%dma_start3A_3006 : memref<512xi32, #tpu.memory_space<hbm>>) target(%arg7 : memref<512xi32, #tpu.memory_space<vmem>>) target_semaphore(%run_scoped3A : memref<!tpu.dma_semaphore, #tpu.memory_space<semaphore_mem>>)
      %dma_wait3A_3007 = tpu.memref_slice %arg2[%mul3A_2] : memref<16384xi32, #tpu.memory_space<hbm>> -> memref<512xi32, #tpu.memory_space<hbm>>
      %dma_wait3A_3008 = tpu.memref_slice %arg2[%mul3A_2] : memref<16384xi32, #tpu.memory_space<hbm>> -> memref<512xi32, #tpu.memory_space<hbm>>
      tpu.wait_dma2 semaphore(%run_scoped3A : memref<!tpu.dma_semaphore, #tpu.memory_space<semaphore_mem>>) src(%dma_wait3A_3008 : memref<512xi32, #tpu.memory_space<hbm>>) dst(%arg7 : memref<512xi32, #tpu.memory_space<vmem>>)
      tpu.yield
    }) : () -> ()
    %dma_start3A = arith.constant 0 : i32
    %dma_start3A_3 = arith.constant 0 : i32
    %dma_start3A_4 = tpu.memref_slice %arg8[%dma_start3A_3] : memref<2048xi32, #tpu.memory_space<vmem>> -> memref<128xi32, #tpu.memory_space<vmem>>
    %dma_start3A_5 = arith.constant 0 : i32
    %dma_start3A_6 = tpu.memref_slice %arg7[%dma_start3A_5] : memref<512xi32, #tpu.memory_space<vmem>> -> memref<128xi32, #tpu.memory_space<vmem>>
    %dma_start3A_7 = arith.constant 0 : i32
    %dma_start3A_8 = tpu.memref_slice %arg3[%dma_start3A, %dma_start3A_7] : memref<4x1000000xi32, #tpu.memory_space<hbm>> -> memref<1x1000000xi32, #tpu.memory_space<hbm>>
    %dma_start3A_9 = tpu.memref_squeeze %dma_start3A_8 : memref<1x1000000xi32, #tpu.memory_space<hbm>> -> memref<1000000xi32, #tpu.memory_space<hbm>>
    %dma_start3A_10 = arith.constant 0 : i32
    %dma_start3A_11 = tpu.memref_slice %dma_start3A_9[%dma_start3A_10] : memref<1000000xi32, #tpu.memory_space<hbm>> -> memref<1000000xi32, #tpu.memory_space<hbm>>
    tpu.enqueue_indirect_dma source(%dma_start3A_11 : memref<1000000xi32, #tpu.memory_space<hbm>>) target(%dma_start3A_4 : memref<128xi32, #tpu.memory_space<vmem>>) offsets(%dma_start3A_6 : memref<128xi32, #tpu.memory_space<vmem>>) semaphore(%arg12 : memref<!tpu.dma_semaphore, #tpu.memory_space<semaphore_mem>>)
    %dma_start3A_12 = arith.constant 0 : i32
    %dma_start3A_13 = arith.constant 128 : i32
    %dma_start3A_14 = tpu.memref_slice %arg8[%dma_start3A_13] : memref<2048xi32, #tpu.memory_space<vmem>> -> memref<128xi32, #tpu.memory_space<vmem>>
    %dma_start3A_15 = arith.constant 128 : i32
    %dma_start3A_16 = tpu.memref_slice %arg7[%dma_start3A_15] : memref<512xi32, #tpu.memory_space<vmem>> -> memref<128xi32, #tpu.memory_space<vmem>>
    %dma_start3A_17 = arith.constant 0 : i32
    %dma_start3A_18 = tpu.memref_slice %arg3[%dma_start3A_12, %dma_start3A_17] : memref<4x1000000xi32, #tpu.memory_space<hbm>> -> memref<1x1000000xi32, #tpu.memory_space<hbm>>
    %dma_start3A_19 = tpu.memref_squeeze %dma_start3A_18 : memref<1x1000000xi32, #tpu.memory_space<hbm>> -> memref<1000000xi32, #tpu.memory_space<hbm>>
    %dma_start3A_20 = arith.constant 0 : i32
    %dma_start3A_21 = tpu.memref_slice %dma_start3A_19[%dma_start3A_20] : memref<1000000xi32, #tpu.memory_space<hbm>> -> memref<1000000xi32, #tpu.memory_space<hbm>>
    tpu.enqueue_indirect_dma source(%dma_start3A_21 : memref<1000000xi32, #tpu.memory_space<hbm>>) target(%dma_start3A_14 : memref<128xi32, #tpu.memory_space<vmem>>) offsets(%dma_start3A_16 : memref<128xi32, #tpu.memory_space<vmem>>) semaphore(%arg12 : memref<!tpu.dma_semaphore, #tpu.memory_space<semaphore_mem>>)
    %dma_start3A_22 = arith.constant 0 : i32
    %dma_start3A_23 = arith.constant 256 : i32
    %dma_start3A_24 = tpu.memref_slice %arg8[%dma_start3A_23] : memref<2048xi32, #tpu.memory_space<vmem>> -> memref<128xi32, #tpu.memory_space<vmem>>
    %dma_start3A_25 = arith.constant 256 : i32
    %dma_start3A_26 = tpu.memref_slice %arg7[%dma_start3A_25] : memref<512xi32, #tpu.memory_space<vmem>> -> memref<128xi32, #tpu.memory_space<vmem>>
    %dma_start3A_27 = arith.constant 0 : i32
    %dma_start3A_28 = tpu.memref_slice %arg3[%dma_start3A_22, %dma_start3A_27] : memref<4x1000000xi32, #tpu.memory_space<hbm>> -> memref<1x1000000xi32, #tpu.memory_space<hbm>>
    %dma_start3A_29 = tpu.memref_squeeze %dma_start3A_28 : memref<1x1000000xi32, #tpu.memory_space<hbm>> -> memref<1000000xi32, #tpu.memory_space<hbm>>
    %dma_start3A_30 = arith.constant 0 : i32
    %dma_start3A_31 = tpu.memref_slice %dma_start3A_29[%dma_start3A_30] : memref<1000000xi32, #tpu.memory_space<hbm>> -> memref<1000000xi32, #tpu.memory_space<hbm>>
    tpu.enqueue_indirect_dma source(%dma_start3A_31 : memref<1000000xi32, #tpu.memory_space<hbm>>) target(%dma_start3A_24 : memref<128xi32, #tpu.memory_space<vmem>>) offsets(%dma_start3A_26 : memref<128xi32, #tpu.memory_space<vmem>>) semaphore(%arg12 : memref<!tpu.dma_semaphore, #tpu.memory_space<semaphore_mem>>)
    %dma_start3A_32 = arith.constant 0 : i32
    %dma_start3A_33 = arith.constant 384 : i32
    %dma_start3A_34 = tpu.memref_slice %arg8[%dma_start3A_33] : memref<2048xi32, #tpu.memory_space<vmem>> -> memref<128xi32, #tpu.memory_space<vmem>>
    %dma_start3A_35 = arith.constant 384 : i32
    %dma_start3A_36 = tpu.memref_slice %arg7[%dma_start3A_35] : memref<512xi32, #tpu.memory_space<vmem>> -> memref<128xi32, #tpu.memory_space<vmem>>
    %dma_start3A_37 = arith.constant 0 : i32
    %dma_start3A_38 = tpu.memref_slice %arg3[%dma_start3A_32, %dma_start3A_37] : memref<4x1000000xi32, #tpu.memory_space<hbm>> -> memref<1x1000000xi32, #tpu.memory_space<hbm>>
    %dma_start3A_39 = tpu.memref_squeeze %dma_start3A_38 : memref<1x1000000xi32, #tpu.memory_space<hbm>> -> memref<1000000xi32, #tpu.memory_space<hbm>>
    %dma_start3A_40 = arith.constant 0 : i32
    %dma_start3A_41 = tpu.memref_slice %dma_start3A_39[%dma_start3A_40] : memref<1000000xi32, #tpu.memory_space<hbm>> -> memref<1000000xi32, #tpu.memory_space<hbm>>
    tpu.enqueue_indirect_dma source(%dma_start3A_41 : memref<1000000xi32, #tpu.memory_space<hbm>>) target(%dma_start3A_34 : memref<128xi32, #tpu.memory_space<vmem>>) offsets(%dma_start3A_36 : memref<128xi32, #tpu.memory_space<vmem>>) semaphore(%arg12 : memref<!tpu.dma_semaphore, #tpu.memory_space<semaphore_mem>>)
    %dma_start3A_42 = arith.constant 1 : i32
    %dma_start3A_43 = arith.constant 512 : i32
    %dma_start3A_44 = tpu.memref_slice %arg8[%dma_start3A_43] : memref<2048xi32, #tpu.memory_space<vmem>> -> memref<128xi32, #tpu.memory_space<vmem>>
    %dma_start3A_45 = arith.constant 0 : i32
    %dma_start3A_46 = tpu.memref_slice %arg7[%dma_start3A_45] : memref<512xi32, #tpu.memory_space<vmem>> -> memref<128xi32, #tpu.memory_space<vmem>>
    %dma_start3A_47 = arith.constant 0 : i32
    %dma_start3A_48 = tpu.memref_slice %arg3[%dma_start3A_42, %dma_start3A_47] : memref<4x1000000xi32, #tpu.memory_space<hbm>> -> memref<1x1000000xi32, #tpu.memory_space<hbm>>
    %dma_start3A_49 = tpu.memref_squeeze %dma_start3A_48 : memref<1x1000000xi32, #tpu.memory_space<hbm>> -> memref<1000000xi32, #tpu.memory_space<hbm>>
    %dma_start3A_50 = arith.constant 0 : i32
    %dma_start3A_51 = tpu.memref_slice %dma_start3A_49[%dma_start3A_50] : memref<1000000xi32, #tpu.memory_space<hbm>> -> memref<1000000xi32, #tpu.memory_space<hbm>>
    tpu.enqueue_indirect_dma source(%dma_start3A_51 : memref<1000000xi32, #tpu.memory_space<hbm>>) target(%dma_start3A_44 : memref<128xi32, #tpu.memory_space<vmem>>) offsets(%dma_start3A_46 : memref<128xi32, #tpu.memory_space<vmem>>) semaphore(%arg12 : memref<!tpu.dma_semaphore, #tpu.memory_space<semaphore_mem>>)
    %dma_start3A_52 = arith.constant 1 : i32
    %dma_start3A_53 = arith.constant 640 : i32
    %dma_start3A_54 = tpu.memref_slice %arg8[%dma_start3A_53] : memref<2048xi32, #tpu.memory_space<vmem>> -> memref<128xi32, #tpu.memory_space<vmem>>
    %dma_start3A_55 = arith.constant 128 : i32
    %dma_start3A_56 = tpu.memref_slice %arg7[%dma_start3A_55] : memref<512xi32, #tpu.memory_space<vmem>> -> memref<128xi32, #tpu.memory_space<vmem>>
    %dma_start3A_57 = arith.constant 0 : i32
    %dma_start3A_58 = tpu.memref_slice %arg3[%dma_start3A_52, %dma_start3A_57] : memref<4x1000000xi32, #tpu.memory_space<hbm>> -> memref<1x1000000xi32, #tpu.memory_space<hbm>>
    %dma_start3A_59 = tpu.memref_squeeze %dma_start3A_58 : memref<1x1000000xi32, #tpu.memory_space<hbm>> -> memref<1000000xi32, #tpu.memory_space<hbm>>
    %dma_start3A_60 = arith.constant 0 : i32
    %dma_start3A_61 = tpu.memref_slice %dma_start3A_59[%dma_start3A_60] : memref<1000000xi32, #tpu.memory_space<hbm>> -> memref<1000000xi32, #tpu.memory_space<hbm>>
    tpu.enqueue_indirect_dma source(%dma_start3A_61 : memref<1000000xi32, #tpu.memory_space<hbm>>) target(%dma_start3A_54 : memref<128xi32, #tpu.memory_space<vmem>>) offsets(%dma_start3A_56 : memref<128xi32, #tpu.memory_space<vmem>>) semaphore(%arg12 : memref<!tpu.dma_semaphore, #tpu.memory_space<semaphore_mem>>)
    %dma_start3A_62 = arith.constant 1 : i32
    %dma_start3A_63 = arith.constant 768 : i32
    %dma_start3A_64 = tpu.memref_slice %arg8[%dma_start3A_63] : memref<2048xi32, #tpu.memory_space<vmem>> -> memref<128xi32, #tpu.memory_space<vmem>>
    %dma_start3A_65 = arith.constant 256 : i32
    %dma_start3A_66 = tpu.memref_slice %arg7[%dma_start3A_65] : memref<512xi32, #tpu.memory_space<vmem>> -> memref<128xi32, #tpu.memory_space<vmem>>
    %dma_start3A_67 = arith.constant 0 : i32
    %dma_start3A_68 = tpu.memref_slice %arg3[%dma_start3A_62, %dma_start3A_67] : memref<4x1000000xi32, #tpu.memory_space<hbm>> -> memref<1x1000000xi32, #tpu.memory_space<hbm>>
    %dma_start3A_69 = tpu.memref_squeeze %dma_start3A_68 : memref<1x1000000xi32, #tpu.memory_space<hbm>> -> memref<1000000xi32, #tpu.memory_space<hbm>>
    %dma_start3A_70 = arith.constant 0 : i32
    %dma_start3A_71 = tpu.memref_slice %dma_start3A_69[%dma_start3A_70] : memref<1000000xi32, #tpu.memory_space<hbm>> -> memref<1000000xi32, #tpu.memory_space<hbm>>
    tpu.enqueue_indirect_dma source(%dma_start3A_71 : memref<1000000xi32, #tpu.memory_space<hbm>>) target(%dma_start3A_64 : memref<128xi32, #tpu.memory_space<vmem>>) offsets(%dma_start3A_66 : memref<128xi32, #tpu.memory_space<vmem>>) semaphore(%arg12 : memref<!tpu.dma_semaphore, #tpu.memory_space<semaphore_mem>>)
    %dma_start3A_72 = arith.constant 1 : i32
    %dma_start3A_73 = arith.constant 896 : i32
    %dma_start3A_74 = tpu.memref_slice %arg8[%dma_start3A_73] : memref<2048xi32, #tpu.memory_space<vmem>> -> memref<128xi32, #tpu.memory_space<vmem>>
    %dma_start3A_75 = arith.constant 384 : i32
    %dma_start3A_76 = tpu.memref_slice %arg7[%dma_start3A_75] : memref<512xi32, #tpu.memory_space<vmem>> -> memref<128xi32, #tpu.memory_space<vmem>>
    %dma_start3A_77 = arith.constant 0 : i32
    %dma_start3A_78 = tpu.memref_slice %arg3[%dma_start3A_72, %dma_start3A_77] : memref<4x1000000xi32, #tpu.memory_space<hbm>> -> memref<1x1000000xi32, #tpu.memory_space<hbm>>
    %dma_start3A_79 = tpu.memref_squeeze %dma_start3A_78 : memref<1x1000000xi32, #tpu.memory_space<hbm>> -> memref<1000000xi32, #tpu.memory_space<hbm>>
    %dma_start3A_80 = arith.constant 0 : i32
    %dma_start3A_81 = tpu.memref_slice %dma_start3A_79[%dma_start3A_80] : memref<1000000xi32, #tpu.memory_space<hbm>> -> memref<1000000xi32, #tpu.memory_space<hbm>>
    tpu.enqueue_indirect_dma source(%dma_start3A_81 : memref<1000000xi32, #tpu.memory_space<hbm>>) target(%dma_start3A_74 : memref<128xi32, #tpu.memory_space<vmem>>) offsets(%dma_start3A_76 : memref<128xi32, #tpu.memory_space<vmem>>) semaphore(%arg12 : memref<!tpu.dma_semaphore, #tpu.memory_space<semaphore_mem>>)
    %dma_start3A_82 = arith.constant 2 : i32
    %dma_start3A_83 = arith.constant 1024 : i32
    %dma_start3A_84 = tpu.memref_slice %arg8[%dma_start3A_83] : memref<2048xi32, #tpu.memory_space<vmem>> -> memref<128xi32, #tpu.memory_space<vmem>>
    %dma_start3A_85 = arith.constant 0 : i32
    %dma_start3A_86 = tpu.memref_slice %arg7[%dma_start3A_85] : memref<512xi32, #tpu.memory_space<vmem>> -> memref<128xi32, #tpu.memory_space<vmem>>
    %dma_start3A_87 = arith.constant 0 : i32
    %dma_start3A_88 = tpu.memref_slice %arg3[%dma_start3A_82, %dma_start3A_87] : memref<4x1000000xi32, #tpu.memory_space<hbm>> -> memref<1x1000000xi32, #tpu.memory_space<hbm>>
    %dma_start3A_89 = tpu.memref_squeeze %dma_start3A_88 : memref<1x1000000xi32, #tpu.memory_space<hbm>> -> memref<1000000xi32, #tpu.memory_space<hbm>>
    %dma_start3A_90 = arith.constant 0 : i32
    %dma_start3A_91 = tpu.memref_slice %dma_start3A_89[%dma_start3A_90] : memref<1000000xi32, #tpu.memory_space<hbm>> -> memref<1000000xi32, #tpu.memory_space<hbm>>
    tpu.enqueue_indirect_dma source(%dma_start3A_91 : memref<1000000xi32, #tpu.memory_space<hbm>>) target(%dma_start3A_84 : memref<128xi32, #tpu.memory_space<vmem>>) offsets(%dma_start3A_86 : memref<128xi32, #tpu.memory_space<vmem>>) semaphore(%arg12 : memref<!tpu.dma_semaphore, #tpu.memory_space<semaphore_mem>>)
    %dma_start3A_92 = arith.constant 2 : i32
    %dma_start3A_93 = arith.constant 1152 : i32
    %dma_start3A_94 = tpu.memref_slice %arg8[%dma_start3A_93] : memref<2048xi32, #tpu.memory_space<vmem>> -> memref<128xi32, #tpu.memory_space<vmem>>
    %dma_start3A_95 = arith.constant 128 : i32
    %dma_start3A_96 = tpu.memref_slice %arg7[%dma_start3A_95] : memref<512xi32, #tpu.memory_space<vmem>> -> memref<128xi32, #tpu.memory_space<vmem>>
    %dma_start3A_97 = arith.constant 0 : i32
    %dma_start3A_98 = tpu.memref_slice %arg3[%dma_start3A_92, %dma_start3A_97] : memref<4x1000000xi32, #tpu.memory_space<hbm>> -> memref<1x1000000xi32, #tpu.memory_space<hbm>>
    %dma_start3A_99 = tpu.memref_squeeze %dma_start3A_98 : memref<1x1000000xi32, #tpu.memory_space<hbm>> -> memref<1000000xi32, #tpu.memory_space<hbm>>
    %dma_start3A_100 = arith.constant 0 : i32
    %dma_start3A_101 = tpu.memref_slice %dma_start3A_99[%dma_start3A_100] : memref<1000000xi32, #tpu.memory_space<hbm>> -> memref<1000000xi32, #tpu.memory_space<hbm>>
    tpu.enqueue_indirect_dma source(%dma_start3A_101 : memref<1000000xi32, #tpu.memory_space<hbm>>) target(%dma_start3A_94 : memref<128xi32, #tpu.memory_space<vmem>>) offsets(%dma_start3A_96 : memref<128xi32, #tpu.memory_space<vmem>>) semaphore(%arg12 : memref<!tpu.dma_semaphore, #tpu.memory_space<semaphore_mem>>)
    %dma_start3A_102 = arith.constant 2 : i32
    %dma_start3A_103 = arith.constant 1280 : i32
    %dma_start3A_104 = tpu.memref_slice %arg8[%dma_start3A_103] : memref<2048xi32, #tpu.memory_space<vmem>> -> memref<128xi32, #tpu.memory_space<vmem>>
    %dma_start3A_105 = arith.constant 256 : i32
    %dma_start3A_106 = tpu.memref_slice %arg7[%dma_start3A_105] : memref<512xi32, #tpu.memory_space<vmem>> -> memref<128xi32, #tpu.memory_space<vmem>>
    %dma_start3A_107 = arith.constant 0 : i32
    %dma_start3A_108 = tpu.memref_slice %arg3[%dma_start3A_102, %dma_start3A_107] : memref<4x1000000xi32, #tpu.memory_space<hbm>> -> memref<1x1000000xi32, #tpu.memory_space<hbm>>
    %dma_start3A_109 = tpu.memref_squeeze %dma_start3A_108 : memref<1x1000000xi32, #tpu.memory_space<hbm>> -> memref<1000000xi32, #tpu.memory_space<hbm>>
    %dma_start3A_110 = arith.constant 0 : i32
    %dma_start3A_111 = tpu.memref_slice %dma_start3A_109[%dma_start3A_110] : memref<1000000xi32, #tpu.memory_space<hbm>> -> memref<1000000xi32, #tpu.memory_space<hbm>>
    tpu.enqueue_indirect_dma source(%dma_start3A_111 : memref<1000000xi32, #tpu.memory_space<hbm>>) target(%dma_start3A_104 : memref<128xi32, #tpu.memory_space<vmem>>) offsets(%dma_start3A_106 : memref<128xi32, #tpu.memory_space<vmem>>) semaphore(%arg12 : memref<!tpu.dma_semaphore, #tpu.memory_space<semaphore_mem>>)
    %dma_start3A_112 = arith.constant 2 : i32
    %dma_start3A_113 = arith.constant 1408 : i32
    %dma_start3A_114 = tpu.memref_slice %arg8[%dma_start3A_113] : memref<2048xi32, #tpu.memory_space<vmem>> -> memref<128xi32, #tpu.memory_space<vmem>>
    %dma_start3A_115 = arith.constant 384 : i32
    %dma_start3A_116 = tpu.memref_slice %arg7[%dma_start3A_115] : memref<512xi32, #tpu.memory_space<vmem>> -> memref<128xi32, #tpu.memory_space<vmem>>
    %dma_start3A_117 = arith.constant 0 : i32
    %dma_start3A_118 = tpu.memref_slice %arg3[%dma_start3A_112, %dma_start3A_117] : memref<4x1000000xi32, #tpu.memory_space<hbm>> -> memref<1x1000000xi32, #tpu.memory_space<hbm>>
    %dma_start3A_119 = tpu.memref_squeeze %dma_start3A_118 : memref<1x1000000xi32, #tpu.memory_space<hbm>> -> memref<1000000xi32, #tpu.memory_space<hbm>>
    %dma_start3A_120 = arith.constant 0 : i32
    %dma_start3A_121 = tpu.memref_slice %dma_start3A_119[%dma_start3A_120] : memref<1000000xi32, #tpu.memory_space<hbm>> -> memref<1000000xi32, #tpu.memory_space<hbm>>
    tpu.enqueue_indirect_dma source(%dma_start3A_121 : memref<1000000xi32, #tpu.memory_space<hbm>>) target(%dma_start3A_114 : memref<128xi32, #tpu.memory_space<vmem>>) offsets(%dma_start3A_116 : memref<128xi32, #tpu.memory_space<vmem>>) semaphore(%arg12 : memref<!tpu.dma_semaphore, #tpu.memory_space<semaphore_mem>>)
    %dma_start3A_122 = arith.constant 3 : i32
    %dma_start3A_123 = arith.constant 1536 : i32
    %dma_start3A_124 = tpu.memref_slice %arg8[%dma_start3A_123] : memref<2048xi32, #tpu.memory_space<vmem>> -> memref<128xi32, #tpu.memory_space<vmem>>
    %dma_start3A_125 = arith.constant 0 : i32
    %dma_start3A_126 = tpu.memref_slice %arg7[%dma_start3A_125] : memref<512xi32, #tpu.memory_space<vmem>> -> memref<128xi32, #tpu.memory_space<vmem>>
    %dma_start3A_127 = arith.constant 0 : i32
    %dma_start3A_128 = tpu.memref_slice %arg3[%dma_start3A_122, %dma_start3A_127] : memref<4x1000000xi32, #tpu.memory_space<hbm>> -> memref<1x1000000xi32, #tpu.memory_space<hbm>>
    %dma_start3A_129 = tpu.memref_squeeze %dma_start3A_128 : memref<1x1000000xi32, #tpu.memory_space<hbm>> -> memref<1000000xi32, #tpu.memory_space<hbm>>
    %dma_start3A_130 = arith.constant 0 : i32
    %dma_start3A_131 = tpu.memref_slice %dma_start3A_129[%dma_start3A_130] : memref<1000000xi32, #tpu.memory_space<hbm>> -> memref<1000000xi32, #tpu.memory_space<hbm>>
    tpu.enqueue_indirect_dma source(%dma_start3A_131 : memref<1000000xi32, #tpu.memory_space<hbm>>) target(%dma_start3A_124 : memref<128xi32, #tpu.memory_space<vmem>>) offsets(%dma_start3A_126 : memref<128xi32, #tpu.memory_space<vmem>>) semaphore(%arg12 : memref<!tpu.dma_semaphore, #tpu.memory_space<semaphore_mem>>)
    %dma_start3A_132 = arith.constant 3 : i32
    %dma_start3A_133 = arith.constant 1664 : i32
    %dma_start3A_134 = tpu.memref_slice %arg8[%dma_start3A_133] : memref<2048xi32, #tpu.memory_space<vmem>> -> memref<128xi32, #tpu.memory_space<vmem>>
    %dma_start3A_135 = arith.constant 128 : i32
    %dma_start3A_136 = tpu.memref_slice %arg7[%dma_start3A_135] : memref<512xi32, #tpu.memory_space<vmem>> -> memref<128xi32, #tpu.memory_space<vmem>>
    %dma_start3A_137 = arith.constant 0 : i32
    %dma_start3A_138 = tpu.memref_slice %arg3[%dma_start3A_132, %dma_start3A_137] : memref<4x1000000xi32, #tpu.memory_space<hbm>> -> memref<1x1000000xi32, #tpu.memory_space<hbm>>
    %dma_start3A_139 = tpu.memref_squeeze %dma_start3A_138 : memref<1x1000000xi32, #tpu.memory_space<hbm>> -> memref<1000000xi32, #tpu.memory_space<hbm>>
    %dma_start3A_140 = arith.constant 0 : i32
    %dma_start3A_141 = tpu.memref_slice %dma_start3A_139[%dma_start3A_140] : memref<1000000xi32, #tpu.memory_space<hbm>> -> memref<1000000xi32, #tpu.memory_space<hbm>>
    tpu.enqueue_indirect_dma source(%dma_start3A_141 : memref<1000000xi32, #tpu.memory_space<hbm>>) target(%dma_start3A_134 : memref<128xi32, #tpu.memory_space<vmem>>) offsets(%dma_start3A_136 : memref<128xi32, #tpu.memory_space<vmem>>) semaphore(%arg12 : memref<!tpu.dma_semaphore, #tpu.memory_space<semaphore_mem>>)
    %dma_start3A_142 = arith.constant 3 : i32
    %dma_start3A_143 = arith.constant 1792 : i32
    %dma_start3A_144 = tpu.memref_slice %arg8[%dma_start3A_143] : memref<2048xi32, #tpu.memory_space<vmem>> -> memref<128xi32, #tpu.memory_space<vmem>>
    %dma_start3A_145 = arith.constant 256 : i32
    %dma_start3A_146 = tpu.memref_slice %arg7[%dma_start3A_145] : memref<512xi32, #tpu.memory_space<vmem>> -> memref<128xi32, #tpu.memory_space<vmem>>
    %dma_start3A_147 = arith.constant 0 : i32
    %dma_start3A_148 = tpu.memref_slice %arg3[%dma_start3A_142, %dma_start3A_147] : memref<4x1000000xi32, #tpu.memory_space<hbm>> -> memref<1x1000000xi32, #tpu.memory_space<hbm>>
    %dma_start3A_149 = tpu.memref_squeeze %dma_start3A_148 : memref<1x1000000xi32, #tpu.memory_space<hbm>> -> memref<1000000xi32, #tpu.memory_space<hbm>>
    %dma_start3A_150 = arith.constant 0 : i32
    %dma_start3A_151 = tpu.memref_slice %dma_start3A_149[%dma_start3A_150] : memref<1000000xi32, #tpu.memory_space<hbm>> -> memref<1000000xi32, #tpu.memory_space<hbm>>
    tpu.enqueue_indirect_dma source(%dma_start3A_151 : memref<1000000xi32, #tpu.memory_space<hbm>>) target(%dma_start3A_144 : memref<128xi32, #tpu.memory_space<vmem>>) offsets(%dma_start3A_146 : memref<128xi32, #tpu.memory_space<vmem>>) semaphore(%arg12 : memref<!tpu.dma_semaphore, #tpu.memory_space<semaphore_mem>>)
    %dma_start3A_152 = arith.constant 3 : i32
    %dma_start3A_153 = arith.constant 1920 : i32
    %dma_start3A_154 = tpu.memref_slice %arg8[%dma_start3A_153] : memref<2048xi32, #tpu.memory_space<vmem>> -> memref<128xi32, #tpu.memory_space<vmem>>
    %dma_start3A_155 = arith.constant 384 : i32
    %dma_start3A_156 = tpu.memref_slice %arg7[%dma_start3A_155] : memref<512xi32, #tpu.memory_space<vmem>> -> memref<128xi32, #tpu.memory_space<vmem>>
    %dma_start3A_157 = arith.constant 0 : i32
    %dma_start3A_158 = tpu.memref_slice %arg3[%dma_start3A_152, %dma_start3A_157] : memref<4x1000000xi32, #tpu.memory_space<hbm>> -> memref<1x1000000xi32, #tpu.memory_space<hbm>>
    %dma_start3A_159 = tpu.memref_squeeze %dma_start3A_158 : memref<1x1000000xi32, #tpu.memory_space<hbm>> -> memref<1000000xi32, #tpu.memory_space<hbm>>
    %dma_start3A_160 = arith.constant 0 : i32
    %dma_start3A_161 = tpu.memref_slice %dma_start3A_159[%dma_start3A_160] : memref<1000000xi32, #tpu.memory_space<hbm>> -> memref<1000000xi32, #tpu.memory_space<hbm>>
    tpu.enqueue_indirect_dma source(%dma_start3A_161 : memref<1000000xi32, #tpu.memory_space<hbm>>) target(%dma_start3A_154 : memref<128xi32, #tpu.memory_space<vmem>>) offsets(%dma_start3A_156 : memref<128xi32, #tpu.memory_space<vmem>>) semaphore(%arg12 : memref<!tpu.dma_semaphore, #tpu.memory_space<semaphore_mem>>)
    %dma_wait3A = arith.constant 0 : i32
    %dma_wait3A_162 = arith.constant 0 : i32
    %dma_wait3A_163 = tpu.memref_slice %arg8[%dma_wait3A_162] : memref<2048xi32, #tpu.memory_space<vmem>> -> memref<128xi32, #tpu.memory_space<vmem>>
    %dma_wait3A_164 = arith.constant 0 : i32
    %dma_wait3A_165 = tpu.memref_slice %arg7[%dma_wait3A_164] : memref<512xi32, #tpu.memory_space<vmem>> -> memref<128xi32, #tpu.memory_space<vmem>>
    %dma_wait3A_166 = arith.constant 0 : i32
    %dma_wait3A_167 = tpu.memref_slice %arg3[%dma_wait3A, %dma_wait3A_166] : memref<4x1000000xi32, #tpu.memory_space<hbm>> -> memref<1x1000000xi32, #tpu.memory_space<hbm>>
    %dma_wait3A_168 = tpu.memref_squeeze %dma_wait3A_167 : memref<1x1000000xi32, #tpu.memory_space<hbm>> -> memref<1000000xi32, #tpu.memory_space<hbm>>
    %dma_wait3A_169 = arith.constant 0 : i32
    %dma_wait3A_170 = tpu.memref_slice %dma_wait3A_168[%dma_wait3A_169] : memref<1000000xi32, #tpu.memory_space<hbm>> -> memref<1000000xi32, #tpu.memory_space<hbm>>
    tpu.wait_indirect_dma semaphore(%arg12 : memref<!tpu.dma_semaphore, #tpu.memory_space<semaphore_mem>>) src(%dma_wait3A_170 : memref<1000000xi32, #tpu.memory_space<hbm>>) dst(%dma_wait3A_163 : memref<128xi32, #tpu.memory_space<vmem>>)
    %get3A = arith.constant 0 : index
    %get3A_171 = tpu.vector_load %arg8[%get3A] {strides = array<i32>} : memref<2048xi32, #tpu.memory_space<vmem>>, vector<16xi32>,
    %get3A_172 = vector.shape_cast %get3A_171 : vector<16xi32> to vector<16xi32>
    %and3A = arith.constant 65535 : i32
    %and3A_173 = vector.broadcast %and3A : i32 to vector<16xi32>
    %and3A_174 = arith.andi %get3A_172, %and3A_173 : vector<16xi32>
    %swap3A = arith.constant 0 : index
    %swap3A_175 = tpu.vector_load %arg9[%swap3A] {strides = array<i32>} : memref<2048xi32, #tpu.memory_space<vmem>>, vector<16xi32>,
    %swap3A_176 = vector.shape_cast %swap3A_175 : vector<16xi32> to vector<16xi32>
    %swap3A_177 = vector.shape_cast %and3A_174 : vector<16xi32> to vector<16xi32>
    tpu.vector_store %arg9[%swap3A], %swap3A_177 {strides = array<i32>} : memref<2048xi32, #tpu.memory_space<vmem>>, vector<16xi32>,
    %shift_right_logical3A = arith.constant 16 : i32
    %shift_right_logical3A_178 = vector.broadcast %shift_right_logical3A : i32 to vector<16xi32>
    %shift_right_logical3A_179 = arith.shrui %get3A_172, %shift_right_logical3A_178 : vector<16xi32>
    %swap3A_180 = arith.constant 0 : index
    %swap3A_181 = tpu.vector_load %arg10[%swap3A_180] {strides = array<i32>} : memref<2048xi32, #tpu.memory_space<vmem>>, vector<16xi32>,
    %swap3A_182 = vector.shape_cast %swap3A_181 : vector<16xi32> to vector<16xi32>
    %swap3A_183 = vector.shape_cast %shift_right_logical3A_179 : vector<16xi32> to vector<16xi32>
    tpu.vector_store %arg10[%swap3A_180], %swap3A_183 {strides = array<i32>} : memref<2048xi32, #tpu.memory_space<vmem>>, vector<16xi32>,
    %get3A_184 = arith.constant 16 : index
    %get3A_185 = tpu.vector_load %arg8[%get3A_184] {strides = array<i32>} : memref<2048xi32, #tpu.memory_space<vmem>>, vector<16xi32>,
    %get3A_186 = vector.shape_cast %get3A_185 : vector<16xi32> to vector<16xi32>
    %and3A_187 = arith.constant 65535 : i32
    %and3A_188 = vector.broadcast %and3A_187 : i32 to vector<16xi32>
    %and3A_189 = arith.andi %get3A_186, %and3A_188 : vector<16xi32>
    %swap3A_190 = arith.constant 16 : index
    %swap3A_191 = tpu.vector_load %arg9[%swap3A_190] {strides = array<i32>} : memref<2048xi32, #tpu.memory_space<vmem>>, vector<16xi32>,
    %swap3A_192 = vector.shape_cast %swap3A_191 : vector<16xi32> to vector<16xi32>
    %swap3A_193 = vector.shape_cast %and3A_189 : vector<16xi32> to vector<16xi32>
    tpu.vector_store %arg9[%swap3A_190], %swap3A_193 {strides = array<i32>} : memref<2048xi32, #tpu.memory_space<vmem>>, vector<16xi32>,
    %shift_right_logical3A_194 = arith.constant 16 : i32
    %shift_right_logical3A_195 = vector.broadcast %shift_right_logical3A_194 : i32 to vector<16xi32>
    %shift_right_logical3A_196 = arith.shrui %get3A_186, %shift_right_logical3A_195 : vector<16xi32>
    %swap3A_197 = arith.constant 16 : index
    %swap3A_198 = tpu.vector_load %arg10[%swap3A_197] {strides = array<i32>} : memref<2048xi32, #tpu.memory_space<vmem>>, vector<16xi32>,
    %swap3A_199 = vector.shape_cast %swap3A_198 : vector<16xi32> to vector<16xi32>
    %swap3A_200 = vector.shape_cast %shift_right_logical3A_196 : vector<16xi32> to vector<16xi32>
    tpu.vector_store %arg10[%swap3A_197], %swap3A_200 {strides = array<i32>} : memref<2048xi32, #tpu.memory_space<vmem>>, vector<16xi32>,
    %get3A_201 = arith.constant 32 : index
    %get3A_202 = tpu.vector_load %arg8[%get3A_201] {strides = array<i32>} : memref<2048xi32, #tpu.memory_space<vmem>>, vector<16xi32>,
    %get3A_203 = vector.shape_cast %get3A_202 : vector<16xi32> to vector<16xi32>
    %and3A_204 = arith.constant 65535 : i32
    %and3A_205 = vector.broadcast %and3A_204 : i32 to vector<16xi32>
    %and3A_206 = arith.andi %get3A_203, %and3A_205 : vector<16xi32>
    %swap3A_207 = arith.constant 32 : index
    %swap3A_208 = tpu.vector_load %arg9[%swap3A_207] {strides = array<i32>} : memref<2048xi32, #tpu.memory_space<vmem>>, vector<16xi32>,
    %swap3A_209 = vector.shape_cast %swap3A_208 : vector<16xi32> to vector<16xi32>
    %swap3A_210 = vector.shape_cast %and3A_206 : vector<16xi32> to vector<16xi32>
    tpu.vector_store %arg9[%swap3A_207], %swap3A_210 {strides = array<i32>} : memref<2048xi32, #tpu.memory_space<vmem>>, vector<16xi32>,
    %shift_right_logical3A_211 = arith.constant 16 : i32
    %shift_right_logical3A_212 = vector.broadcast %shift_right_logical3A_211 : i32 to vector<16xi32>
    %shift_right_logical3A_213 = arith.shrui %get3A_203, %shift_right_logical3A_212 : vector<16xi32>
    %swap3A_214 = arith.constant 32 : index
    %swap3A_215 = tpu.vector_load %arg10[%swap3A_214] {strides = array<i32>} : memref<2048xi32, #tpu.memory_space<vmem>>, vector<16xi32>,
    %swap3A_216 = vector.shape_cast %swap3A_215 : vector<16xi32> to vector<16xi32>
    %swap3A_217 = vector.shape_cast %shift_right_logical3A_213 : vector<16xi32> to vector<16xi32>
    tpu.vector_store %arg10[%swap3A_214], %swap3A_217 {strides = array<i32>} : memref<2048xi32, #tpu.memory_space<vmem>>, vector<16xi32>,
    %get3A_218 = arith.constant 48 : index
    %get3A_219 = tpu.vector_load %arg8[%get3A_218] {strides = array<i32>} : memref<2048xi32, #tpu.memory_space<vmem>>, vector<16xi32>,
    %get3A_220 = vector.shape_cast %get3A_219 : vector<16xi32> to vector<16xi32>
    %and3A_221 = arith.constant 65535 : i32
    %and3A_222 = vector.broadcast %and3A_221 : i32 to vector<16xi32>
    %and3A_223 = arith.andi %get3A_220, %and3A_222 : vector<16xi32>
    %swap3A_224 = arith.constant 48 : index
    %swap3A_225 = tpu.vector_load %arg9[%swap3A_224] {strides = array<i32>} : memref<2048xi32, #tpu.memory_space<vmem>>, vector<16xi32>,
    %swap3A_226 = vector.shape_cast %swap3A_225 : vector<16xi32> to vector<16xi32>
    %swap3A_227 = vector.shape_cast %and3A_223 : vector<16xi32> to vector<16xi32>
    tpu.vector_store %arg9[%swap3A_224], %swap3A_227 {strides = array<i32>} : memref<2048xi32, #tpu.memory_space<vmem>>, vector<16xi32>,
    %shift_right_logical3A_228 = arith.constant 16 : i32
    %shift_right_logical3A_229 = vector.broadcast %shift_right_logical3A_228 : i32 to vector<16xi32>
    %shift_right_logical3A_230 = arith.shrui %get3A_220, %shift_right_logical3A_229 : vector<16xi32>
    %swap3A_231 = arith.constant 48 : index
    %swap3A_232 = tpu.vector_load %arg10[%swap3A_231] {strides = array<i32>} : memref<2048xi32, #tpu.memory_space<vmem>>, vector<16xi32>,
    %swap3A_233 = vector.shape_cast %swap3A_232 : vector<16xi32> to vector<16xi32>
    %swap3A_234 = vector.shape_cast %shift_right_logical3A_230 : vector<16xi32> to vector<16xi32>
    tpu.vector_store %arg10[%swap3A_231], %swap3A_234 {strides = array<i32>} : memref<2048xi32, #tpu.memory_space<vmem>>, vector<16xi32>,
    %get3A_235 = arith.constant 64 : index
    %get3A_236 = tpu.vector_load %arg8[%get3A_235] {strides = array<i32>} : memref<2048xi32, #tpu.memory_space<vmem>>, vector<16xi32>,
    %get3A_237 = vector.shape_cast %get3A_236 : vector<16xi32> to vector<16xi32>
    %and3A_238 = arith.constant 65535 : i32
    %and3A_239 = vector.broadcast %and3A_238 : i32 to vector<16xi32>
    %and3A_240 = arith.andi %get3A_237, %and3A_239 : vector<16xi32>
    %swap3A_241 = arith.constant 64 : index
    %swap3A_242 = tpu.vector_load %arg9[%swap3A_241] {strides = array<i32>} : memref<2048xi32, #tpu.memory_space<vmem>>, vector<16xi32>,
    %swap3A_243 = vector.shape_cast %swap3A_242 : vector<16xi32> to vector<16xi32>
    %swap3A_244 = vector.shape_cast %and3A_240 : vector<16xi32> to vector<16xi32>
    tpu.vector_store %arg9[%swap3A_241], %swap3A_244 {strides = array<i32>} : memref<2048xi32, #tpu.memory_space<vmem>>, vector<16xi32>,
    %shift_right_logical3A_245 = arith.constant 16 : i32
    %shift_right_logical3A_246 = vector.broadcast %shift_right_logical3A_245 : i32 to vector<16xi32>
    %shift_right_logical3A_247 = arith.shrui %get3A_237, %shift_right_logical3A_246 : vector<16xi32>
    %swap3A_248 = arith.constant 64 : index
    %swap3A_249 = tpu.vector_load %arg10[%swap3A_248] {strides = array<i32>} : memref<2048xi32, #tpu.memory_space<vmem>>, vector<16xi32>,
    %swap3A_250 = vector.shape_cast %swap3A_249 : vector<16xi32> to vector<16xi32>
    %swap3A_251 = vector.shape_cast %shift_right_logical3A_247 : vector<16xi32> to vector<16xi32>
    tpu.vector_store %arg10[%swap3A_248], %swap3A_251 {strides = array<i32>} : memref<2048xi32, #tpu.memory_space<vmem>>, vector<16xi32>,
    %get3A_252 = arith.constant 80 : index
    %get3A_253 = tpu.vector_load %arg8[%get3A_252] {strides = array<i32>} : memref<2048xi32, #tpu.memory_space<vmem>>, vector<16xi32>,
    %get3A_254 = vector.shape_cast %get3A_253 : vector<16xi32> to vector<16xi32>
    %and3A_255 = arith.constant 65535 : i32
    %and3A_256 = vector.broadcast %and3A_255 : i32 to vector<16xi32>
    %and3A_257 = arith.andi %get3A_254, %and3A_256 : vector<16xi32>
    %swap3A_258 = arith.constant 80 : index
    %swap3A_259 = tpu.vector_load %arg9[%swap3A_258] {strides = array<i32>} : memref<2048xi32, #tpu.memory_space<vmem>>, vector<16xi32>,
    %swap3A_260 = vector.shape_cast %swap3A_259 : vector<16xi32> to vector<16xi32>
    %swap3A_261 = vector.shape_cast %and3A_257 : vector<16xi32> to vector<16xi32>
    tpu.vector_store %arg9[%swap3A_258], %swap3A_261 {strides = array<i32>} : memref<2048xi32, #tpu.memory_space<vmem>>, vector<16xi32>,
    %shift_right_logical3A_262 = arith.constant 16 : i32
    %shift_right_logical3A_263 = vector.broadcast %shift_right_logical3A_262 : i32 to vector<16xi32>
    %shift_right_logical3A_264 = arith.shrui %get3A_254, %shift_right_logical3A_263 : vector<16xi32>
    %swap3A_265 = arith.constant 80 : index
    %swap3A_266 = tpu.vector_load %arg10[%swap3A_265] {strides = array<i32>} : memref<2048xi32, #tpu.memory_space<vmem>>, vector<16xi32>,
    %swap3A_267 = vector.shape_cast %swap3A_266 : vector<16xi32> to vector<16xi32>
    %swap3A_268 = vector.shape_cast %shift_right_logical3A_264 : vector<16xi32> to vector<16xi32>
    tpu.vector_store %arg10[%swap3A_265], %swap3A_268 {strides = array<i32>} : memref<2048xi32, #tpu.memory_space<vmem>>, vector<16xi32>,
    %get3A_269 = arith.constant 96 : index
    %get3A_270 = tpu.vector_load %arg8[%get3A_269] {strides = array<i32>} : memref<2048xi32, #tpu.memory_space<vmem>>, vector<16xi32>,
    %get3A_271 = vector.shape_cast %get3A_270 : vector<16xi32> to vector<16xi32>
    %and3A_272 = arith.constant 65535 : i32
    %and3A_273 = vector.broadcast %and3A_272 : i32 to vector<16xi32>
    %and3A_274 = arith.andi %get3A_271, %and3A_273 : vector<16xi32>
    %swap3A_275 = arith.constant 96 : index
    %swap3A_276 = tpu.vector_load %arg9[%swap3A_275] {strides = array<i32>} : memref<2048xi32, #tpu.memory_space<vmem>>, vector<16xi32>,
    %swap3A_277 = vector.shape_cast %swap3A_276 : vector<16xi32> to vector<16xi32>
    %swap3A_278 = vector.shape_cast %and3A_274 : vector<16xi32> to vector<16xi32>
    tpu.vector_store %arg9[%swap3A_275], %swap3A_278 {strides = array<i32>} : memref<2048xi32, #tpu.memory_space<vmem>>, vector<16xi32>,
    %shift_right_logical3A_279 = arith.constant 16 : i32
    %shift_right_logical3A_280 = vector.broadcast %shift_right_logical3A_279 : i32 to vector<16xi32>
    %shift_right_logical3A_281 = arith.shrui %get3A_271, %shift_right_logical3A_280 : vector<16xi32>
    %swap3A_282 = arith.constant 96 : index
    %swap3A_283 = tpu.vector_load %arg10[%swap3A_282] {strides = array<i32>} : memref<2048xi32, #tpu.memory_space<vmem>>, vector<16xi32>,
    %swap3A_284 = vector.shape_cast %swap3A_283 : vector<16xi32> to vector<16xi32>
    %swap3A_285 = vector.shape_cast %shift_right_logical3A_281 : vector<16xi32> to vector<16xi32>
    tpu.vector_store %arg10[%swap3A_282], %swap3A_285 {strides = array<i32>} : memref<2048xi32, #tpu.memory_space<vmem>>, vector<16xi32>,
    %get3A_286 = arith.constant 112 : index
    %get3A_287 = tpu.vector_load %arg8[%get3A_286] {strides = array<i32>} : memref<2048xi32, #tpu.memory_space<vmem>>, vector<16xi32>,
    %get3A_288 = vector.shape_cast %get3A_287 : vector<16xi32> to vector<16xi32>
    %and3A_289 = arith.constant 65535 : i32
    %and3A_290 = vector.broadcast %and3A_289 : i32 to vector<16xi32>
    %and3A_291 = arith.andi %get3A_288, %and3A_290 : vector<16xi32>
    %swap3A_292 = arith.constant 112 : index
    %swap3A_293 = tpu.vector_load %arg9[%swap3A_292] {strides = array<i32>} : memref<2048xi32, #tpu.memory_space<vmem>>, vector<16xi32>,
    %swap3A_294 = vector.shape_cast %swap3A_293 : vector<16xi32> to vector<16xi32>
    %swap3A_295 = vector.shape_cast %and3A_291 : vector<16xi32> to vector<16xi32>
    tpu.vector_store %arg9[%swap3A_292], %swap3A_295 {strides = array<i32>} : memref<2048xi32, #tpu.memory_space<vmem>>, vector<16xi32>,
    %shift_right_logical3A_296 = arith.constant 16 : i32
    %shift_right_logical3A_297 = vector.broadcast %shift_right_logical3A_296 : i32 to vector<16xi32>
    %shift_right_logical3A_298 = arith.shrui %get3A_288, %shift_right_logical3A_297 : vector<16xi32>
    %swap3A_299 = arith.constant 112 : index
    %swap3A_300 = tpu.vector_load %arg10[%swap3A_299] {strides = array<i32>} : memref<2048xi32, #tpu.memory_space<vmem>>, vector<16xi32>,
    %swap3A_301 = vector.shape_cast %swap3A_300 : vector<16xi32> to vector<16xi32>
    %swap3A_302 = vector.shape_cast %shift_right_logical3A_298 : vector<16xi32> to vector<16xi32>
    tpu.vector_store %arg10[%swap3A_299], %swap3A_302 {strides = array<i32>} : memref<2048xi32, #tpu.memory_space<vmem>>, vector<16xi32>,
    %dma_start3A_303 = arith.constant 0 : i32
    %dma_start3A_304 = arith.constant 0 : i32
    %dma_start3A_305 = tpu.memref_slice %arg11[%dma_start3A_303, %dma_start3A_304] : memref<2048x16xf32, #tpu.memory_space<vmem>> -> memref<128x16xf32, #tpu.memory_space<vmem>>
    %dma_start3A_306 = arith.constant 0 : i32
    %dma_start3A_307 = tpu.memref_slice %arg9[%dma_start3A_306] : memref<2048xi32, #tpu.memory_space<vmem>> -> memref<128xi32, #tpu.memory_space<vmem>>
    %dma_start3A_308 = arith.constant 0 : i32
    %dma_start3A_309 = arith.constant 0 : i32
    %dma_start3A_310 = tpu.memref_slice %arg4[%dma_start3A_308, %dma_start3A_309] : memref<16384x16xf32, #tpu.memory_space<hbm>> -> memref<16384x16xf32, #tpu.memory_space<hbm>>
    tpu.enqueue_indirect_dma source(%dma_start3A_310 : memref<16384x16xf32, #tpu.memory_space<hbm>>) target(%dma_start3A_305 : memref<128x16xf32, #tpu.memory_space<vmem>>) offsets(%dma_start3A_307 : memref<128xi32, #tpu.memory_space<vmem>>) semaphore(%arg12 : memref<!tpu.dma_semaphore, #tpu.memory_space<semaphore_mem>>)
    %dma_wait3A_311 = arith.constant 0 : i32
    %dma_wait3A_312 = arith.constant 128 : i32
    %dma_wait3A_313 = tpu.memref_slice %arg8[%dma_wait3A_312] : memref<2048xi32, #tpu.memory_space<vmem>> -> memref<128xi32, #tpu.memory_space<vmem>>
    %dma_wait3A_314 = arith.constant 128 : i32
    %dma_wait3A_315 = tpu.memref_slice %arg7[%dma_wait3A_314] : memref<512xi32, #tpu.memory_space<vmem>> -> memref<128xi32, #tpu.memory_space<vmem>>
    %dma_wait3A_316 = arith.constant 0 : i32
    %dma_wait3A_317 = tpu.memref_slice %arg3[%dma_wait3A_311, %dma_wait3A_316] : memref<4x1000000xi32, #tpu.memory_space<hbm>> -> memref<1x1000000xi32, #tpu.memory_space<hbm>>
    %dma_wait3A_318 = tpu.memref_squeeze %dma_wait3A_317 : memref<1x1000000xi32, #tpu.memory_space<hbm>> -> memref<1000000xi32, #tpu.memory_space<hbm>>
    %dma_wait3A_319 = arith.constant 0 : i32
    %dma_wait3A_320 = tpu.memref_slice %dma_wait3A_318[%dma_wait3A_319] : memref<1000000xi32, #tpu.memory_space<hbm>> -> memref<1000000xi32, #tpu.memory_space<hbm>>
    tpu.wait_indirect_dma semaphore(%arg12 : memref<!tpu.dma_semaphore, #tpu.memory_space<semaphore_mem>>) src(%dma_wait3A_320 : memref<1000000xi32, #tpu.memory_space<hbm>>) dst(%dma_wait3A_313 : memref<128xi32, #tpu.memory_space<vmem>>)
    %get3A_321 = arith.constant 128 : index
    %get3A_322 = tpu.vector_load %arg8[%get3A_321] {strides = array<i32>} : memref<2048xi32, #tpu.memory_space<vmem>>, vector<16xi32>,
    %get3A_323 = vector.shape_cast %get3A_322 : vector<16xi32> to vector<16xi32>
    %and3A_324 = arith.constant 65535 : i32
    %and3A_325 = vector.broadcast %and3A_324 : i32 to vector<16xi32>
    %and3A_326 = arith.andi %get3A_323, %and3A_325 : vector<16xi32>
    %swap3A_327 = arith.constant 128 : index
    %swap3A_328 = tpu.vector_load %arg9[%swap3A_327] {strides = array<i32>} : memref<2048xi32, #tpu.memory_space<vmem>>, vector<16xi32>,
    %swap3A_329 = vector.shape_cast %swap3A_328 : vector<16xi32> to vector<16xi32>
    %swap3A_330 = vector.shape_cast %and3A_326 : vector<16xi32> to vector<16xi32>
    tpu.vector_store %arg9[%swap3A_327], %swap3A_330 {strides = array<i32>} : memref<2048xi32, #tpu.memory_space<vmem>>, vector<16xi32>,
    %shift_right_logical3A_331 = arith.constant 16 : i32
    %shift_right_logical3A_332 = vector.broadcast %shift_right_logical3A_331 : i32 to vector<16xi32>
    %shift_right_logical3A_333 = arith.shrui %get3A_323, %shift_right_logical3A_332 : vector<16xi32>
    %swap3A_334 = arith.constant 128 : index
    %swap3A_335 = tpu.vector_load %arg10[%swap3A_334] {strides = array<i32>} : memref<2048xi32, #tpu.memory_space<vmem>>, vector<16xi32>,
    %swap3A_336 = vector.shape_cast %swap3A_335 : vector<16xi32> to vector<16xi32>
    %swap3A_337 = vector.shape_cast %shift_right_logical3A_333 : vector<16xi32> to vector<16xi32>
    tpu.vector_store %arg10[%swap3A_334], %swap3A_337 {strides = array<i32>} : memref<2048xi32, #tpu.memory_space<vmem>>, vector<16xi32>,
    %get3A_338 = arith.constant 144 : index
    %get3A_339 = tpu.vector_load %arg8[%get3A_338] {strides = array<i32>} : memref<2048xi32, #tpu.memory_space<vmem>>, vector<16xi32>,
    %get3A_340 = vector.shape_cast %get3A_339 : vector<16xi32> to vector<16xi32>
    %and3A_341 = arith.constant 65535 : i32
    %and3A_342 = vector.broadcast %and3A_341 : i32 to vector<16xi32>
    %and3A_343 = arith.andi %get3A_340, %and3A_342 : vector<16xi32>
    %swap3A_344 = arith.constant 144 : index
    %swap3A_345 = tpu.vector_load %arg9[%swap3A_344] {strides = array<i32>} : memref<2048xi32, #tpu.memory_space<vmem>>, vector<16xi32>,
    %swap3A_346 = vector.shape_cast %swap3A_345 : vector<16xi32> to vector<16xi32>
    %swap3A_347 = vector.shape_cast %and3A_343 : vector<16xi32> to vector<16xi32>
    tpu.vector_store %arg9[%swap3A_344], %swap3A_347 {strides = array<i32>} : memref<2048xi32, #tpu.memory_space<vmem>>, vector<16xi32>,
    %shift_right_logical3A_348 = arith.constant 16 : i32
    %shift_right_logical3A_349 = vector.broadcast %shift_right_logical3A_348 : i32 to vector<16xi32>
    %shift_right_logical3A_350 = arith.shrui %get3A_340, %shift_right_logical3A_349 : vector<16xi32>
    %swap3A_351 = arith.constant 144 : index
    %swap3A_352 = tpu.vector_load %arg10[%swap3A_351] {strides = array<i32>} : memref<2048xi32, #tpu.memory_space<vmem>>, vector<16xi32>,
    %swap3A_353 = vector.shape_cast %swap3A_352 : vector<16xi32> to vector<16xi32>
    %swap3A_354 = vector.shape_cast %shift_right_logical3A_350 : vector<16xi32> to vector<16xi32>
    tpu.vector_store %arg10[%swap3A_351], %swap3A_354 {strides = array<i32>} : memref<2048xi32, #tpu.memory_space<vmem>>, vector<16xi32>,
    %get3A_355 = arith.constant 160 : index
    %get3A_356 = tpu.vector_load %arg8[%get3A_355] {strides = array<i32>} : memref<2048xi32, #tpu.memory_space<vmem>>, vector<16xi32>,
    %get3A_357 = vector.shape_cast %get3A_356 : vector<16xi32> to vector<16xi32>
    %and3A_358 = arith.constant 65535 : i32
    %and3A_359 = vector.broadcast %and3A_358 : i32 to vector<16xi32>
    %and3A_360 = arith.andi %get3A_357, %and3A_359 : vector<16xi32>
    %swap3A_361 = arith.constant 160 : index
    %swap3A_362 = tpu.vector_load %arg9[%swap3A_361] {strides = array<i32>} : memref<2048xi32, #tpu.memory_space<vmem>>, vector<16xi32>,
    %swap3A_363 = vector.shape_cast %swap3A_362 : vector<16xi32> to vector<16xi32>
    %swap3A_364 = vector.shape_cast %and3A_360 : vector<16xi32> to vector<16xi32>
    tpu.vector_store %arg9[%swap3A_361], %swap3A_364 {strides = array<i32>} : memref<2048xi32, #tpu.memory_space<vmem>>, vector<16xi32>,
    %shift_right_logical3A_365 = arith.constant 16 : i32
    %shift_right_logical3A_366 = vector.broadcast %shift_right_logical3A_365 : i32 to vector<16xi32>
    %shift_right_logical3A_367 = arith.shrui %get3A_357, %shift_right_logical3A_366 : vector<16xi32>
    %swap3A_368 = arith.constant 160 : index
    %swap3A_369 = tpu.vector_load %arg10[%swap3A_368] {strides = array<i32>} : memref<2048xi32, #tpu.memory_space<vmem>>, vector<16xi32>,
    %swap3A_370 = vector.shape_cast %swap3A_369 : vector<16xi32> to vector<16xi32>
    %swap3A_371 = vector.shape_cast %shift_right_logical3A_367 : vector<16xi32> to vector<16xi32>
    tpu.vector_store %arg10[%swap3A_368], %swap3A_371 {strides = array<i32>} : memref<2048xi32, #tpu.memory_space<vmem>>, vector<16xi32>,
    %get3A_372 = arith.constant 176 : index
    %get3A_373 = tpu.vector_load %arg8[%get3A_372] {strides = array<i32>} : memref<2048xi32, #tpu.memory_space<vmem>>, vector<16xi32>,
    %get3A_374 = vector.shape_cast %get3A_373 : vector<16xi32> to vector<16xi32>
    %and3A_375 = arith.constant 65535 : i32
    %and3A_376 = vector.broadcast %and3A_375 : i32 to vector<16xi32>
    %and3A_377 = arith.andi %get3A_374, %and3A_376 : vector<16xi32>
    %swap3A_378 = arith.constant 176 : index
    %swap3A_379 = tpu.vector_load %arg9[%swap3A_378] {strides = array<i32>} : memref<2048xi32, #tpu.memory_space<vmem>>, vector<16xi32>,
    %swap3A_380 = vector.shape_cast %swap3A_379 : vector<16xi32> to vector<16xi32>
    %swap3A_381 = vector.shape_cast %and3A_377 : vector<16xi32> to vector<16xi32>
    tpu.vector_store %arg9[%swap3A_378], %swap3A_381 {strides = array<i32>} : memref<2048xi32, #tpu.memory_space<vmem>>, vector<16xi32>,
    %shift_right_logical3A_382 = arith.constant 16 : i32
    %shift_right_logical3A_383 = vector.broadcast %shift_right_logical3A_382 : i32 to vector<16xi32>
    %shift_right_logical3A_384 = arith.shrui %get3A_374, %shift_right_logical3A_383 : vector<16xi32>
    %swap3A_385 = arith.constant 176 : index
    %swap3A_386 = tpu.vector_load %arg10[%swap3A_385] {strides = array<i32>} : memref<2048xi32, #tpu.memory_space<vmem>>, vector<16xi32>,
    %swap3A_387 = vector.shape_cast %swap3A_386 : vector<16xi32> to vector<16xi32>
    %swap3A_388 = vector.shape_cast %shift_right_logical3A_384 : vector<16xi32> to vector<16xi32>
    tpu.vector_store %arg10[%swap3A_385], %swap3A_388 {strides = array<i32>} : memref<2048xi32, #tpu.memory_space<vmem>>, vector<16xi32>,
    %get3A_389 = arith.constant 192 : index
    %get3A_390 = tpu.vector_load %arg8[%get3A_389] {strides = array<i32>} : memref<2048xi32, #tpu.memory_space<vmem>>, vector<16xi32>,
    %get3A_391 = vector.shape_cast %get3A_390 : vector<16xi32> to vector<16xi32>
    %and3A_392 = arith.constant 65535 : i32
    %and3A_393 = vector.broadcast %and3A_392 : i32 to vector<16xi32>
    %and3A_394 = arith.andi %get3A_391, %and3A_393 : vector<16xi32>
    %swap3A_395 = arith.constant 192 : index
    %swap3A_396 = tpu.vector_load %arg9[%swap3A_395] {strides = array<i32>} : memref<2048xi32, #tpu.memory_space<vmem>>, vector<16xi32>,
    %swap3A_397 = vector.shape_cast %swap3A_396 : vector<16xi32> to vector<16xi32>
    %swap3A_398 = vector.shape_cast %and3A_394 : vector<16xi32> to vector<16xi32>
    tpu.vector_store %arg9[%swap3A_395], %swap3A_398 {strides = array<i32>} : memref<2048xi32, #tpu.memory_space<vmem>>, vector<16xi32>,
    %shift_right_logical3A_399 = arith.constant 16 : i32
    %shift_right_logical3A_400 = vector.broadcast %shift_right_logical3A_399 : i32 to vector<16xi32>
    %shift_right_logical3A_401 = arith.shrui %get3A_391, %shift_right_logical3A_400 : vector<16xi32>
    %swap3A_402 = arith.constant 192 : index
    %swap3A_403 = tpu.vector_load %arg10[%swap3A_402] {strides = array<i32>} : memref<2048xi32, #tpu.memory_space<vmem>>, vector<16xi32>,
    %swap3A_404 = vector.shape_cast %swap3A_403 : vector<16xi32> to vector<16xi32>
    %swap3A_405 = vector.shape_cast %shift_right_logical3A_401 : vector<16xi32> to vector<16xi32>
    tpu.vector_store %arg10[%swap3A_402], %swap3A_405 {strides = array<i32>} : memref<2048xi32, #tpu.memory_space<vmem>>, vector<16xi32>,
    %get3A_406 = arith.constant 208 : index
    %get3A_407 = tpu.vector_load %arg8[%get3A_406] {strides = array<i32>} : memref<2048xi32, #tpu.memory_space<vmem>>, vector<16xi32>,
    %get3A_408 = vector.shape_cast %get3A_407 : vector<16xi32> to vector<16xi32>
    %and3A_409 = arith.constant 65535 : i32
    %and3A_410 = vector.broadcast %and3A_409 : i32 to vector<16xi32>
    %and3A_411 = arith.andi %get3A_408, %and3A_410 : vector<16xi32>
    %swap3A_412 = arith.constant 208 : index
    %swap3A_413 = tpu.vector_load %arg9[%swap3A_412] {strides = array<i32>} : memref<2048xi32, #tpu.memory_space<vmem>>, vector<16xi32>,
    %swap3A_414 = vector.shape_cast %swap3A_413 : vector<16xi32> to vector<16xi32>
    %swap3A_415 = vector.shape_cast %and3A_411 : vector<16xi32> to vector<16xi32>
    tpu.vector_store %arg9[%swap3A_412], %swap3A_415 {strides = array<i32>} : memref<2048xi32, #tpu.memory_space<vmem>>, vector<16xi32>,
    %shift_right_logical3A_416 = arith.constant 16 : i32
    %shift_right_logical3A_417 = vector.broadcast %shift_right_logical3A_416 : i32 to vector<16xi32>
    %shift_right_logical3A_418 = arith.shrui %get3A_408, %shift_right_logical3A_417 : vector<16xi32>
    %swap3A_419 = arith.constant 208 : index
    %swap3A_420 = tpu.vector_load %arg10[%swap3A_419] {strides = array<i32>} : memref<2048xi32, #tpu.memory_space<vmem>>, vector<16xi32>,
    %swap3A_421 = vector.shape_cast %swap3A_420 : vector<16xi32> to vector<16xi32>
    %swap3A_422 = vector.shape_cast %shift_right_logical3A_418 : vector<16xi32> to vector<16xi32>
    tpu.vector_store %arg10[%swap3A_419], %swap3A_422 {strides = array<i32>} : memref<2048xi32, #tpu.memory_space<vmem>>, vector<16xi32>,
    %get3A_423 = arith.constant 224 : index
    %get3A_424 = tpu.vector_load %arg8[%get3A_423] {strides = array<i32>} : memref<2048xi32, #tpu.memory_space<vmem>>, vector<16xi32>,
    %get3A_425 = vector.shape_cast %get3A_424 : vector<16xi32> to vector<16xi32>
    %and3A_426 = arith.constant 65535 : i32
    %and3A_427 = vector.broadcast %and3A_426 : i32 to vector<16xi32>
    %and3A_428 = arith.andi %get3A_425, %and3A_427 : vector<16xi32>
    %swap3A_429 = arith.constant 224 : index
    %swap3A_430 = tpu.vector_load %arg9[%swap3A_429] {strides = array<i32>} : memref<2048xi32, #tpu.memory_space<vmem>>, vector<16xi32>,
    %swap3A_431 = vector.shape_cast %swap3A_430 : vector<16xi32> to vector<16xi32>
    %swap3A_432 = vector.shape_cast %and3A_428 : vector<16xi32> to vector<16xi32>
    tpu.vector_store %arg9[%swap3A_429], %swap3A_432 {strides = array<i32>} : memref<2048xi32, #tpu.memory_space<vmem>>, vector<16xi32>,
    %shift_right_logical3A_433 = arith.constant 16 : i32
    %shift_right_logical3A_434 = vector.broadcast %shift_right_logical3A_433 : i32 to vector<16xi32>
    %shift_right_logical3A_435 = arith.shrui %get3A_425, %shift_right_logical3A_434 : vector<16xi32>
    %swap3A_436 = arith.constant 224 : index
    %swap3A_437 = tpu.vector_load %arg10[%swap3A_436] {strides = array<i32>} : memref<2048xi32, #tpu.memory_space<vmem>>, vector<16xi32>,
    %swap3A_438 = vector.shape_cast %swap3A_437 : vector<16xi32> to vector<16xi32>
    %swap3A_439 = vector.shape_cast %shift_right_logical3A_435 : vector<16xi32> to vector<16xi32>
    tpu.vector_store %arg10[%swap3A_436], %swap3A_439 {strides = array<i32>} : memref<2048xi32, #tpu.memory_space<vmem>>, vector<16xi32>,
    %get3A_440 = arith.constant 240 : index
    %get3A_441 = tpu.vector_load %arg8[%get3A_440] {strides = array<i32>} : memref<2048xi32, #tpu.memory_space<vmem>>, vector<16xi32>,
    %get3A_442 = vector.shape_cast %get3A_441 : vector<16xi32> to vector<16xi32>
    %and3A_443 = arith.constant 65535 : i32
    %and3A_444 = vector.broadcast %and3A_443 : i32 to vector<16xi32>
    %and3A_445 = arith.andi %get3A_442, %and3A_444 : vector<16xi32>
    %swap3A_446 = arith.constant 240 : index
    %swap3A_447 = tpu.vector_load %arg9[%swap3A_446] {strides = array<i32>} : memref<2048xi32, #tpu.memory_space<vmem>>, vector<16xi32>,
    %swap3A_448 = vector.shape_cast %swap3A_447 : vector<16xi32> to vector<16xi32>
    %swap3A_449 = vector.shape_cast %and3A_445 : vector<16xi32> to vector<16xi32>
    tpu.vector_store %arg9[%swap3A_446], %swap3A_449 {strides = array<i32>} : memref<2048xi32, #tpu.memory_space<vmem>>, vector<16xi32>,
    %shift_right_logical3A_450 = arith.constant 16 : i32
    %shift_right_logical3A_451 = vector.broadcast %shift_right_logical3A_450 : i32 to vector<16xi32>
    %shift_right_logical3A_452 = arith.shrui %get3A_442, %shift_right_logical3A_451 : vector<16xi32>
    %swap3A_453 = arith.constant 240 : index
    %swap3A_454 = tpu.vector_load %arg10[%swap3A_453] {strides = array<i32>} : memref<2048xi32, #tpu.memory_space<vmem>>, vector<16xi32>,
    %swap3A_455 = vector.shape_cast %swap3A_454 : vector<16xi32> to vector<16xi32>
    %swap3A_456 = vector.shape_cast %shift_right_logical3A_452 : vector<16xi32> to vector<16xi32>
    tpu.vector_store %arg10[%swap3A_453], %swap3A_456 {strides = array<i32>} : memref<2048xi32, #tpu.memory_space<vmem>>, vector<16xi32>,
    %dma_start3A_457 = arith.constant 128 : i32
    %dma_start3A_458 = arith.constant 0 : i32
    %dma_start3A_459 = tpu.memref_slice %arg11[%dma_start3A_457, %dma_start3A_458] : memref<2048x16xf32, #tpu.memory_space<vmem>> -> memref<128x16xf32, #tpu.memory_space<vmem>>
    %dma_start3A_460 = arith.constant 128 : i32
    %dma_start3A_461 = tpu.memref_slice %arg9[%dma_start3A_460] : memref<2048xi32, #tpu.memory_space<vmem>> -> memref<128xi32, #tpu.memory_space<vmem>>
    %dma_start3A_462 = arith.constant 0 : i32
    %dma_start3A_463 = arith.constant 0 : i32
    %dma_start3A_464 = tpu.memref_slice %arg4[%dma_start3A_462, %dma_start3A_463] : memref<16384x16xf32, #tpu.memory_space<hbm>> -> memref<16384x16xf32, #tpu.memory_space<hbm>>
    tpu.enqueue_indirect_dma source(%dma_start3A_464 : memref<16384x16xf32, #tpu.memory_space<hbm>>) target(%dma_start3A_459 : memref<128x16xf32, #tpu.memory_space<vmem>>) offsets(%dma_start3A_461 : memref<128xi32, #tpu.memory_space<vmem>>) semaphore(%arg12 : memref<!tpu.dma_semaphore, #tpu.memory_space<semaphore_mem>>)
    %dma_wait3A_465 = arith.constant 0 : i32
    %dma_wait3A_466 = arith.constant 256 : i32
    %dma_wait3A_467 = tpu.memref_slice %arg8[%dma_wait3A_466] : memref<2048xi32, #tpu.memory_space<vmem>> -> memref<128xi32, #tpu.memory_space<vmem>>
    %dma_wait3A_468 = arith.constant 256 : i32
    %dma_wait3A_469 = tpu.memref_slice %arg7[%dma_wait3A_468] : memref<512xi32, #tpu.memory_space<vmem>> -> memref<128xi32, #tpu.memory_space<vmem>>
    %dma_wait3A_470 = arith.constant 0 : i32
    %dma_wait3A_471 = tpu.memref_slice %arg3[%dma_wait3A_465, %dma_wait3A_470] : memref<4x1000000xi32, #tpu.memory_space<hbm>> -> memref<1x1000000xi32, #tpu.memory_space<hbm>>
    %dma_wait3A_472 = tpu.memref_squeeze %dma_wait3A_471 : memref<1x1000000xi32, #tpu.memory_space<hbm>> -> memref<1000000xi32, #tpu.memory_space<hbm>>
    %dma_wait3A_473 = arith.constant 0 : i32
    %dma_wait3A_474 = tpu.memref_slice %dma_wait3A_472[%dma_wait3A_473] : memref<1000000xi32, #tpu.memory_space<hbm>> -> memref<1000000xi32, #tpu.memory_space<hbm>>
    tpu.wait_indirect_dma semaphore(%arg12 : memref<!tpu.dma_semaphore, #tpu.memory_space<semaphore_mem>>) src(%dma_wait3A_474 : memref<1000000xi32, #tpu.memory_space<hbm>>) dst(%dma_wait3A_467 : memref<128xi32, #tpu.memory_space<vmem>>)
    %get3A_475 = arith.constant 256 : index
    %get3A_476 = tpu.vector_load %arg8[%get3A_475] {strides = array<i32>} : memref<2048xi32, #tpu.memory_space<vmem>>, vector<16xi32>,
    %get3A_477 = vector.shape_cast %get3A_476 : vector<16xi32> to vector<16xi32>
    %and3A_478 = arith.constant 65535 : i32
    %and3A_479 = vector.broadcast %and3A_478 : i32 to vector<16xi32>
    %and3A_480 = arith.andi %get3A_477, %and3A_479 : vector<16xi32>
    %swap3A_481 = arith.constant 256 : index
    %swap3A_482 = tpu.vector_load %arg9[%swap3A_481] {strides = array<i32>} : memref<2048xi32, #tpu.memory_space<vmem>>, vector<16xi32>,
    %swap3A_483 = vector.shape_cast %swap3A_482 : vector<16xi32> to vector<16xi32>
    %swap3A_484 = vector.shape_cast %and3A_480 : vector<16xi32> to vector<16xi32>
    tpu.vector_store %arg9[%swap3A_481], %swap3A_484 {strides = array<i32>} : memref<2048xi32, #tpu.memory_space<vmem>>, vector<16xi32>,
    %shift_right_logical3A_485 = arith.constant 16 : i32
    %shift_right_logical3A_486 = vector.broadcast %shift_right_logical3A_485 : i32 to vector<16xi32>
    %shift_right_logical3A_487 = arith.shrui %get3A_477, %shift_right_logical3A_486 : vector<16xi32>
    %swap3A_488 = arith.constant 256 : index
    %swap3A_489 = tpu.vector_load %arg10[%swap3A_488] {strides = array<i32>} : memref<2048xi32, #tpu.memory_space<vmem>>, vector<16xi32>,
    %swap3A_490 = vector.shape_cast %swap3A_489 : vector<16xi32> to vector<16xi32>
    %swap3A_491 = vector.shape_cast %shift_right_logical3A_487 : vector<16xi32> to vector<16xi32>
    tpu.vector_store %arg10[%swap3A_488], %swap3A_491 {strides = array<i32>} : memref<2048xi32, #tpu.memory_space<vmem>>, vector<16xi32>,
    %get3A_492 = arith.constant 272 : index
    %get3A_493 = tpu.vector_load %arg8[%get3A_492] {strides = array<i32>} : memref<2048xi32, #tpu.memory_space<vmem>>, vector<16xi32>,
    %get3A_494 = vector.shape_cast %get3A_493 : vector<16xi32> to vector<16xi32>
    %and3A_495 = arith.constant 65535 : i32
    %and3A_496 = vector.broadcast %and3A_495 : i32 to vector<16xi32>
    %and3A_497 = arith.andi %get3A_494, %and3A_496 : vector<16xi32>
    %swap3A_498 = arith.constant 272 : index
    %swap3A_499 = tpu.vector_load %arg9[%swap3A_498] {strides = array<i32>} : memref<2048xi32, #tpu.memory_space<vmem>>, vector<16xi32>,
    %swap3A_500 = vector.shape_cast %swap3A_499 : vector<16xi32> to vector<16xi32>
    %swap3A_501 = vector.shape_cast %and3A_497 : vector<16xi32> to vector<16xi32>
    tpu.vector_store %arg9[%swap3A_498], %swap3A_501 {strides = array<i32>} : memref<2048xi32, #tpu.memory_space<vmem>>, vector<16xi32>,
    %shift_right_logical3A_502 = arith.constant 16 : i32
    %shift_right_logical3A_503 = vector.broadcast %shift_right_logical3A_502 : i32 to vector<16xi32>
    %shift_right_logical3A_504 = arith.shrui %get3A_494, %shift_right_logical3A_503 : vector<16xi32>
    %swap3A_505 = arith.constant 272 : index
    %swap3A_506 = tpu.vector_load %arg10[%swap3A_505] {strides = array<i32>} : memref<2048xi32, #tpu.memory_space<vmem>>, vector<16xi32>,
    %swap3A_507 = vector.shape_cast %swap3A_506 : vector<16xi32> to vector<16xi32>
    %swap3A_508 = vector.shape_cast %shift_right_logical3A_504 : vector<16xi32> to vector<16xi32>
    tpu.vector_store %arg10[%swap3A_505], %swap3A_508 {strides = array<i32>} : memref<2048xi32, #tpu.memory_space<vmem>>, vector<16xi32>,
    %get3A_509 = arith.constant 288 : index
    %get3A_510 = tpu.vector_load %arg8[%get3A_509] {strides = array<i32>} : memref<2048xi32, #tpu.memory_space<vmem>>, vector<16xi32>,
    %get3A_511 = vector.shape_cast %get3A_510 : vector<16xi32> to vector<16xi32>
    %and3A_512 = arith.constant 65535 : i32
    %and3A_513 = vector.broadcast %and3A_512 : i32 to vector<16xi32>
    %and3A_514 = arith.andi %get3A_511, %and3A_513 : vector<16xi32>
    %swap3A_515 = arith.constant 288 : index
    %swap3A_516 = tpu.vector_load %arg9[%swap3A_515] {strides = array<i32>} : memref<2048xi32, #tpu.memory_space<vmem>>, vector<16xi32>,
    %swap3A_517 = vector.shape_cast %swap3A_516 : vector<16xi32> to vector<16xi32>
    %swap3A_518 = vector.shape_cast %and3A_514 : vector<16xi32> to vector<16xi32>
    tpu.vector_store %arg9[%swap3A_515], %swap3A_518 {strides = array<i32>} : memref<2048xi32, #tpu.memory_space<vmem>>, vector<16xi32>,
    %shift_right_logical3A_519 = arith.constant 16 : i32
    %shift_right_logical3A_520 = vector.broadcast %shift_right_logical3A_519 : i32 to vector<16xi32>
    %shift_right_logical3A_521 = arith.shrui %get3A_511, %shift_right_logical3A_520 : vector<16xi32>
    %swap3A_522 = arith.constant 288 : index
    %swap3A_523 = tpu.vector_load %arg10[%swap3A_522] {strides = array<i32>} : memref<2048xi32, #tpu.memory_space<vmem>>, vector<16xi32>,
    %swap3A_524 = vector.shape_cast %swap3A_523 : vector<16xi32> to vector<16xi32>
    %swap3A_525 = vector.shape_cast %shift_right_logical3A_521 : vector<16xi32> to vector<16xi32>
    tpu.vector_store %arg10[%swap3A_522], %swap3A_525 {strides = array<i32>} : memref<2048xi32, #tpu.memory_space<vmem>>, vector<16xi32>,
    %get3A_526 = arith.constant 304 : index
    %get3A_527 = tpu.vector_load %arg8[%get3A_526] {strides = array<i32>} : memref<2048xi32, #tpu.memory_space<vmem>>, vector<16xi32>,
    %get3A_528 = vector.shape_cast %get3A_527 : vector<16xi32> to vector<16xi32>
    %and3A_529 = arith.constant 65535 : i32
    %and3A_530 = vector.broadcast %and3A_529 : i32 to vector<16xi32>
    %and3A_531 = arith.andi %get3A_528, %and3A_530 : vector<16xi32>
    %swap3A_532 = arith.constant 304 : index
    %swap3A_533 = tpu.vector_load %arg9[%swap3A_532] {strides = array<i32>} : memref<2048xi32, #tpu.memory_space<vmem>>, vector<16xi32>,
    %swap3A_534 = vector.shape_cast %swap3A_533 : vector<16xi32> to vector<16xi32>
    %swap3A_535 = vector.shape_cast %and3A_531 : vector<16xi32> to vector<16xi32>
    tpu.vector_store %arg9[%swap3A_532], %swap3A_535 {strides = array<i32>} : memref<2048xi32, #tpu.memory_space<vmem>>, vector<16xi32>,
    %shift_right_logical3A_536 = arith.constant 16 : i32
    %shift_right_logical3A_537 = vector.broadcast %shift_right_logical3A_536 : i32 to vector<16xi32>
    %shift_right_logical3A_538 = arith.shrui %get3A_528, %shift_right_logical3A_537 : vector<16xi32>
    %swap3A_539 = arith.constant 304 : index
    %swap3A_540 = tpu.vector_load %arg10[%swap3A_539] {strides = array<i32>} : memref<2048xi32, #tpu.memory_space<vmem>>, vector<16xi32>,
    %swap3A_541 = vector.shape_cast %swap3A_540 : vector<16xi32> to vector<16xi32>
    %swap3A_542 = vector.shape_cast %shift_right_logical3A_538 : vector<16xi32> to vector<16xi32>
    tpu.vector_store %arg10[%swap3A_539], %swap3A_542 {strides = array<i32>} : memref<2048xi32, #tpu.memory_space<vmem>>, vector<16xi32>,
    %get3A_543 = arith.constant 320 : index
    %get3A_544 = tpu.vector_load %arg8[%get3A_543] {strides = array<i32>} : memref<2048xi32, #tpu.memory_space<vmem>>, vector<16xi32>,
    %get3A_545 = vector.shape_cast %get3A_544 : vector<16xi32> to vector<16xi32>
    %and3A_546 = arith.constant 65535 : i32
    %and3A_547 = vector.broadcast %and3A_546 : i32 to vector<16xi32>
    %and3A_548 = arith.andi %get3A_545, %and3A_547 : vector<16xi32>
    %swap3A_549 = arith.constant 320 : index
    %swap3A_550 = tpu.vector_load %arg9[%swap3A_549] {strides = array<i32>} : memref<2048xi32, #tpu.memory_space<vmem>>, vector<16xi32>,
    %swap3A_551 = vector.shape_cast %swap3A_550 : vector<16xi32> to vector<16xi32>
    %swap3A_552 = vector.shape_cast %and3A_548 : vector<16xi32> to vector<16xi32>
    tpu.vector_store %arg9[%swap3A_549], %swap3A_552 {strides = array<i32>} : memref<2048xi32, #tpu.memory_space<vmem>>, vector<16xi32>,
    %shift_right_logical3A_553 = arith.constant 16 : i32
    %shift_right_logical3A_554 = vector.broadcast %shift_right_logical3A_553 : i32 to vector<16xi32>
    %shift_right_logical3A_555 = arith.shrui %get3A_545, %shift_right_logical3A_554 : vector<16xi32>
    %swap3A_556 = arith.constant 320 : index
    %swap3A_557 = tpu.vector_load %arg10[%swap3A_556] {strides = array<i32>} : memref<2048xi32, #tpu.memory_space<vmem>>, vector<16xi32>,
    %swap3A_558 = vector.shape_cast %swap3A_557 : vector<16xi32> to vector<16xi32>
    %swap3A_559 = vector.shape_cast %shift_right_logical3A_555 : vector<16xi32> to vector<16xi32>
    tpu.vector_store %arg10[%swap3A_556], %swap3A_559 {strides = array<i32>} : memref<2048xi32, #tpu.memory_space<vmem>>, vector<16xi32>,
    %get3A_560 = arith.constant 336 : index
    %get3A_561 = tpu.vector_load %arg8[%get3A_560] {strides = array<i32>} : memref<2048xi32, #tpu.memory_space<vmem>>, vector<16xi32>,
    %get3A_562 = vector.shape_cast %get3A_561 : vector<16xi32> to vector<16xi32>
    %and3A_563 = arith.constant 65535 : i32
    %and3A_564 = vector.broadcast %and3A_563 : i32 to vector<16xi32>
    %and3A_565 = arith.andi %get3A_562, %and3A_564 : vector<16xi32>
    %swap3A_566 = arith.constant 336 : index
    %swap3A_567 = tpu.vector_load %arg9[%swap3A_566] {strides = array<i32>} : memref<2048xi32, #tpu.memory_space<vmem>>, vector<16xi32>,
    %swap3A_568 = vector.shape_cast %swap3A_567 : vector<16xi32> to vector<16xi32>
    %swap3A_569 = vector.shape_cast %and3A_565 : vector<16xi32> to vector<16xi32>
    tpu.vector_store %arg9[%swap3A_566], %swap3A_569 {strides = array<i32>} : memref<2048xi32, #tpu.memory_space<vmem>>, vector<16xi32>,
    %shift_right_logical3A_570 = arith.constant 16 : i32
    %shift_right_logical3A_571 = vector.broadcast %shift_right_logical3A_570 : i32 to vector<16xi32>
    %shift_right_logical3A_572 = arith.shrui %get3A_562, %shift_right_logical3A_571 : vector<16xi32>
    %swap3A_573 = arith.constant 336 : index
    %swap3A_574 = tpu.vector_load %arg10[%swap3A_573] {strides = array<i32>} : memref<2048xi32, #tpu.memory_space<vmem>>, vector<16xi32>,
    %swap3A_575 = vector.shape_cast %swap3A_574 : vector<16xi32> to vector<16xi32>
    %swap3A_576 = vector.shape_cast %shift_right_logical3A_572 : vector<16xi32> to vector<16xi32>
    tpu.vector_store %arg10[%swap3A_573], %swap3A_576 {strides = array<i32>} : memref<2048xi32, #tpu.memory_space<vmem>>, vector<16xi32>,
    %get3A_577 = arith.constant 352 : index
    %get3A_578 = tpu.vector_load %arg8[%get3A_577] {strides = array<i32>} : memref<2048xi32, #tpu.memory_space<vmem>>, vector<16xi32>,
    %get3A_579 = vector.shape_cast %get3A_578 : vector<16xi32> to vector<16xi32>
    %and3A_580 = arith.constant 65535 : i32
    %and3A_581 = vector.broadcast %and3A_580 : i32 to vector<16xi32>
    %and3A_582 = arith.andi %get3A_579, %and3A_581 : vector<16xi32>
    %swap3A_583 = arith.constant 352 : index
    %swap3A_584 = tpu.vector_load %arg9[%swap3A_583] {strides = array<i32>} : memref<2048xi32, #tpu.memory_space<vmem>>, vector<16xi32>,
    %swap3A_585 = vector.shape_cast %swap3A_584 : vector<16xi32> to vector<16xi32>
    %swap3A_586 = vector.shape_cast %and3A_582 : vector<16xi32> to vector<16xi32>
    tpu.vector_store %arg9[%swap3A_583], %swap3A_586 {strides = array<i32>} : memref<2048xi32, #tpu.memory_space<vmem>>, vector<16xi32>,
    %shift_right_logical3A_587 = arith.constant 16 : i32
    %shift_right_logical3A_588 = vector.broadcast %shift_right_logical3A_587 : i32 to vector<16xi32>
    %shift_right_logical3A_589 = arith.shrui %get3A_579, %shift_right_logical3A_588 : vector<16xi32>
    %swap3A_590 = arith.constant 352 : index
    %swap3A_591 = tpu.vector_load %arg10[%swap3A_590] {strides = array<i32>} : memref<2048xi32, #tpu.memory_space<vmem>>, vector<16xi32>,
    %swap3A_592 = vector.shape_cast %swap3A_591 : vector<16xi32> to vector<16xi32>
    %swap3A_593 = vector.shape_cast %shift_right_logical3A_589 : vector<16xi32> to vector<16xi32>
    tpu.vector_store %arg10[%swap3A_590], %swap3A_593 {strides = array<i32>} : memref<2048xi32, #tpu.memory_space<vmem>>, vector<16xi32>,
    %get3A_594 = arith.constant 368 : index
    %get3A_595 = tpu.vector_load %arg8[%get3A_594] {strides = array<i32>} : memref<2048xi32, #tpu.memory_space<vmem>>, vector<16xi32>,
    %get3A_596 = vector.shape_cast %get3A_595 : vector<16xi32> to vector<16xi32>
    %and3A_597 = arith.constant 65535 : i32
    %and3A_598 = vector.broadcast %and3A_597 : i32 to vector<16xi32>
    %and3A_599 = arith.andi %get3A_596, %and3A_598 : vector<16xi32>
    %swap3A_600 = arith.constant 368 : index
    %swap3A_601 = tpu.vector_load %arg9[%swap3A_600] {strides = array<i32>} : memref<2048xi32, #tpu.memory_space<vmem>>, vector<16xi32>,
    %swap3A_602 = vector.shape_cast %swap3A_601 : vector<16xi32> to vector<16xi32>
    %swap3A_603 = vector.shape_cast %and3A_599 : vector<16xi32> to vector<16xi32>
    tpu.vector_store %arg9[%swap3A_600], %swap3A_603 {strides = array<i32>} : memref<2048xi32, #tpu.memory_space<vmem>>, vector<16xi32>,
    %shift_right_logical3A_604 = arith.constant 16 : i32
    %shift_right_logical3A_605 = vector.broadcast %shift_right_logical3A_604 : i32 to vector<16xi32>
    %shift_right_logical3A_606 = arith.shrui %get3A_596, %shift_right_logical3A_605 : vector<16xi32>
    %swap3A_607 = arith.constant 368 : index
    %swap3A_608 = tpu.vector_load %arg10[%swap3A_607] {strides = array<i32>} : memref<2048xi32, #tpu.memory_space<vmem>>, vector<16xi32>,
    %swap3A_609 = vector.shape_cast %swap3A_608 : vector<16xi32> to vector<16xi32>
    %swap3A_610 = vector.shape_cast %shift_right_logical3A_606 : vector<16xi32> to vector<16xi32>
    tpu.vector_store %arg10[%swap3A_607], %swap3A_610 {strides = array<i32>} : memref<2048xi32, #tpu.memory_space<vmem>>, vector<16xi32>,
    %dma_start3A_611 = arith.constant 256 : i32
    %dma_start3A_612 = arith.constant 0 : i32
    %dma_start3A_613 = tpu.memref_slice %arg11[%dma_start3A_611, %dma_start3A_612] : memref<2048x16xf32, #tpu.memory_space<vmem>> -> memref<128x16xf32, #tpu.memory_space<vmem>>
    %dma_start3A_614 = arith.constant 256 : i32
    %dma_start3A_615 = tpu.memref_slice %arg9[%dma_start3A_614] : memref<2048xi32, #tpu.memory_space<vmem>> -> memref<128xi32, #tpu.memory_space<vmem>>
    %dma_start3A_616 = arith.constant 0 : i32
    %dma_start3A_617 = arith.constant 0 : i32
    %dma_start3A_618 = tpu.memref_slice %arg4[%dma_start3A_616, %dma_start3A_617] : memref<16384x16xf32, #tpu.memory_space<hbm>> -> memref<16384x16xf32, #tpu.memory_space<hbm>>
    tpu.enqueue_indirect_dma source(%dma_start3A_618 : memref<16384x16xf32, #tpu.memory_space<hbm>>) target(%dma_start3A_613 : memref<128x16xf32, #tpu.memory_space<vmem>>) offsets(%dma_start3A_615 : memref<128xi32, #tpu.memory_space<vmem>>) semaphore(%arg12 : memref<!tpu.dma_semaphore, #tpu.memory_space<semaphore_mem>>)
    %dma_wait3A_619 = arith.constant 0 : i32
    %dma_wait3A_620 = arith.constant 384 : i32
    %dma_wait3A_621 = tpu.memref_slice %arg8[%dma_wait3A_620] : memref<2048xi32, #tpu.memory_space<vmem>> -> memref<128xi32, #tpu.memory_space<vmem>>
    %dma_wait3A_622 = arith.constant 384 : i32
    %dma_wait3A_623 = tpu.memref_slice %arg7[%dma_wait3A_622] : memref<512xi32, #tpu.memory_space<vmem>> -> memref<128xi32, #tpu.memory_space<vmem>>
    %dma_wait3A_624 = arith.constant 0 : i32
    %dma_wait3A_625 = tpu.memref_slice %arg3[%dma_wait3A_619, %dma_wait3A_624] : memref<4x1000000xi32, #tpu.memory_space<hbm>> -> memref<1x1000000xi32, #tpu.memory_space<hbm>>
    %dma_wait3A_626 = tpu.memref_squeeze %dma_wait3A_625 : memref<1x1000000xi32, #tpu.memory_space<hbm>> -> memref<1000000xi32, #tpu.memory_space<hbm>>
    %dma_wait3A_627 = arith.constant 0 : i32
    %dma_wait3A_628 = tpu.memref_slice %dma_wait3A_626[%dma_wait3A_627] : memref<1000000xi32, #tpu.memory_space<hbm>> -> memref<1000000xi32, #tpu.memory_space<hbm>>
    tpu.wait_indirect_dma semaphore(%arg12 : memref<!tpu.dma_semaphore, #tpu.memory_space<semaphore_mem>>) src(%dma_wait3A_628 : memref<1000000xi32, #tpu.memory_space<hbm>>) dst(%dma_wait3A_621 : memref<128xi32, #tpu.memory_space<vmem>>)
    %get3A_629 = arith.constant 384 : index
    %get3A_630 = tpu.vector_load %arg8[%get3A_629] {strides = array<i32>} : memref<2048xi32, #tpu.memory_space<vmem>>, vector<16xi32>,
    %get3A_631 = vector.shape_cast %get3A_630 : vector<16xi32> to vector<16xi32>
    %and3A_632 = arith.constant 65535 : i32
    %and3A_633 = vector.broadcast %and3A_632 : i32 to vector<16xi32>
    %and3A_634 = arith.andi %get3A_631, %and3A_633 : vector<16xi32>
    %swap3A_635 = arith.constant 384 : index
    %swap3A_636 = tpu.vector_load %arg9[%swap3A_635] {strides = array<i32>} : memref<2048xi32, #tpu.memory_space<vmem>>, vector<16xi32>,
    %swap3A_637 = vector.shape_cast %swap3A_636 : vector<16xi32> to vector<16xi32>
    %swap3A_638 = vector.shape_cast %and3A_634 : vector<16xi32> to vector<16xi32>
    tpu.vector_store %arg9[%swap3A_635], %swap3A_638 {strides = array<i32>} : memref<2048xi32, #tpu.memory_space<vmem>>, vector<16xi32>,
    %shift_right_logical3A_639 = arith.constant 16 : i32
    %shift_right_logical3A_640 = vector.broadcast %shift_right_logical3A_639 : i32 to vector<16xi32>
    %shift_right_logical3A_641 = arith.shrui %get3A_631, %shift_right_logical3A_640 : vector<16xi32>
    %swap3A_642 = arith.constant 384 : index
    %swap3A_643 = tpu.vector_load %arg10[%swap3A_642] {strides = array<i32>} : memref<2048xi32, #tpu.memory_space<vmem>>, vector<16xi32>,
    %swap3A_644 = vector.shape_cast %swap3A_643 : vector<16xi32> to vector<16xi32>
    %swap3A_645 = vector.shape_cast %shift_right_logical3A_641 : vector<16xi32> to vector<16xi32>
    tpu.vector_store %arg10[%swap3A_642], %swap3A_645 {strides = array<i32>} : memref<2048xi32, #tpu.memory_space<vmem>>, vector<16xi32>,
    %get3A_646 = arith.constant 400 : index
    %get3A_647 = tpu.vector_load %arg8[%get3A_646] {strides = array<i32>} : memref<2048xi32, #tpu.memory_space<vmem>>, vector<16xi32>,
    %get3A_648 = vector.shape_cast %get3A_647 : vector<16xi32> to vector<16xi32>
    %and3A_649 = arith.constant 65535 : i32
    %and3A_650 = vector.broadcast %and3A_649 : i32 to vector<16xi32>
    %and3A_651 = arith.andi %get3A_648, %and3A_650 : vector<16xi32>
    %swap3A_652 = arith.constant 400 : index
    %swap3A_653 = tpu.vector_load %arg9[%swap3A_652] {strides = array<i32>} : memref<2048xi32, #tpu.memory_space<vmem>>, vector<16xi32>,
    %swap3A_654 = vector.shape_cast %swap3A_653 : vector<16xi32> to vector<16xi32>
    %swap3A_655 = vector.shape_cast %and3A_651 : vector<16xi32> to vector<16xi32>
    tpu.vector_store %arg9[%swap3A_652], %swap3A_655 {strides = array<i32>} : memref<2048xi32, #tpu.memory_space<vmem>>, vector<16xi32>,
    %shift_right_logical3A_656 = arith.constant 16 : i32
    %shift_right_logical3A_657 = vector.broadcast %shift_right_logical3A_656 : i32 to vector<16xi32>
    %shift_right_logical3A_658 = arith.shrui %get3A_648, %shift_right_logical3A_657 : vector<16xi32>
    %swap3A_659 = arith.constant 400 : index
    %swap3A_660 = tpu.vector_load %arg10[%swap3A_659] {strides = array<i32>} : memref<2048xi32, #tpu.memory_space<vmem>>, vector<16xi32>,
    %swap3A_661 = vector.shape_cast %swap3A_660 : vector<16xi32> to vector<16xi32>
    %swap3A_662 = vector.shape_cast %shift_right_logical3A_658 : vector<16xi32> to vector<16xi32>
    tpu.vector_store %arg10[%swap3A_659], %swap3A_662 {strides = array<i32>} : memref<2048xi32, #tpu.memory_space<vmem>>, vector<16xi32>,
    %get3A_663 = arith.constant 416 : index
    %get3A_664 = tpu.vector_load %arg8[%get3A_663] {strides = array<i32>} : memref<2048xi32, #tpu.memory_space<vmem>>, vector<16xi32>,
    %get3A_665 = vector.shape_cast %get3A_664 : vector<16xi32> to vector<16xi32>
    %and3A_666 = arith.constant 65535 : i32
    %and3A_667 = vector.broadcast %and3A_666 : i32 to vector<16xi32>
    %and3A_668 = arith.andi %get3A_665, %and3A_667 : vector<16xi32>
    %swap3A_669 = arith.constant 416 : index
    %swap3A_670 = tpu.vector_load %arg9[%swap3A_669] {strides = array<i32>} : memref<2048xi32, #tpu.memory_space<vmem>>, vector<16xi32>,
    %swap3A_671 = vector.shape_cast %swap3A_670 : vector<16xi32> to vector<16xi32>
    %swap3A_672 = vector.shape_cast %and3A_668 : vector<16xi32> to vector<16xi32>
    tpu.vector_store %arg9[%swap3A_669], %swap3A_672 {strides = array<i32>} : memref<2048xi32, #tpu.memory_space<vmem>>, vector<16xi32>,
    %shift_right_logical3A_673 = arith.constant 16 : i32
    %shift_right_logical3A_674 = vector.broadcast %shift_right_logical3A_673 : i32 to vector<16xi32>
    %shift_right_logical3A_675 = arith.shrui %get3A_665, %shift_right_logical3A_674 : vector<16xi32>
    %swap3A_676 = arith.constant 416 : index
    %swap3A_677 = tpu.vector_load %arg10[%swap3A_676] {strides = array<i32>} : memref<2048xi32, #tpu.memory_space<vmem>>, vector<16xi32>,
    %swap3A_678 = vector.shape_cast %swap3A_677 : vector<16xi32> to vector<16xi32>
    %swap3A_679 = vector.shape_cast %shift_right_logical3A_675 : vector<16xi32> to vector<16xi32>
    tpu.vector_store %arg10[%swap3A_676], %swap3A_679 {strides = array<i32>} : memref<2048xi32, #tpu.memory_space<vmem>>, vector<16xi32>,
    %get3A_680 = arith.constant 432 : index
    %get3A_681 = tpu.vector_load %arg8[%get3A_680] {strides = array<i32>} : memref<2048xi32, #tpu.memory_space<vmem>>, vector<16xi32>,
    %get3A_682 = vector.shape_cast %get3A_681 : vector<16xi32> to vector<16xi32>
    %and3A_683 = arith.constant 65535 : i32
    %and3A_684 = vector.broadcast %and3A_683 : i32 to vector<16xi32>
    %and3A_685 = arith.andi %get3A_682, %and3A_684 : vector<16xi32>
    %swap3A_686 = arith.constant 432 : index
    %swap3A_687 = tpu.vector_load %arg9[%swap3A_686] {strides = array<i32>} : memref<2048xi32, #tpu.memory_space<vmem>>, vector<16xi32>,
    %swap3A_688 = vector.shape_cast %swap3A_687 : vector<16xi32> to vector<16xi32>
    %swap3A_689 = vector.shape_cast %and3A_685 : vector<16xi32> to vector<16xi32>
    tpu.vector_store %arg9[%swap3A_686], %swap3A_689 {strides = array<i32>} : memref<2048xi32, #tpu.memory_space<vmem>>, vector<16xi32>,
    %shift_right_logical3A_690 = arith.constant 16 : i32
    %shift_right_logical3A_691 = vector.broadcast %shift_right_logical3A_690 : i32 to vector<16xi32>
    %shift_right_logical3A_692 = arith.shrui %get3A_682, %shift_right_logical3A_691 : vector<16xi32>
    %swap3A_693 = arith.constant 432 : index
    %swap3A_694 = tpu.vector_load %arg10[%swap3A_693] {strides = array<i32>} : memref<2048xi32, #tpu.memory_space<vmem>>, vector<16xi32>,
    %swap3A_695 = vector.shape_cast %swap3A_694 : vector<16xi32> to vector<16xi32>
    %swap3A_696 = vector.shape_cast %shift_right_logical3A_692 : vector<16xi32> to vector<16xi32>
    tpu.vector_store %arg10[%swap3A_693], %swap3A_696 {strides = array<i32>} : memref<2048xi32, #tpu.memory_space<vmem>>, vector<16xi32>,
    %get3A_697 = arith.constant 448 : index
    %get3A_698 = tpu.vector_load %arg8[%get3A_697] {strides = array<i32>} : memref<2048xi32, #tpu.memory_space<vmem>>, vector<16xi32>,
    %get3A_699 = vector.shape_cast %get3A_698 : vector<16xi32> to vector<16xi32>
    %and3A_700 = arith.constant 65535 : i32
    %and3A_701 = vector.broadcast %and3A_700 : i32 to vector<16xi32>
    %and3A_702 = arith.andi %get3A_699, %and3A_701 : vector<16xi32>
    %swap3A_703 = arith.constant 448 : index
    %swap3A_704 = tpu.vector_load %arg9[%swap3A_703] {strides = array<i32>} : memref<2048xi32, #tpu.memory_space<vmem>>, vector<16xi32>,
    %swap3A_705 = vector.shape_cast %swap3A_704 : vector<16xi32> to vector<16xi32>
    %swap3A_706 = vector.shape_cast %and3A_702 : vector<16xi32> to vector<16xi32>
    tpu.vector_store %arg9[%swap3A_703], %swap3A_706 {strides = array<i32>} : memref<2048xi32, #tpu.memory_space<vmem>>, vector<16xi32>,
    %shift_right_logical3A_707 = arith.constant 16 : i32
    %shift_right_logical3A_708 = vector.broadcast %shift_right_logical3A_707 : i32 to vector<16xi32>
    %shift_right_logical3A_709 = arith.shrui %get3A_699, %shift_right_logical3A_708 : vector<16xi32>
    %swap3A_710 = arith.constant 448 : index
    %swap3A_711 = tpu.vector_load %arg10[%swap3A_710] {strides = array<i32>} : memref<2048xi32, #tpu.memory_space<vmem>>, vector<16xi32>,
    %swap3A_712 = vector.shape_cast %swap3A_711 : vector<16xi32> to vector<16xi32>
    %swap3A_713 = vector.shape_cast %shift_right_logical3A_709 : vector<16xi32> to vector<16xi32>
    tpu.vector_store %arg10[%swap3A_710], %swap3A_713 {strides = array<i32>} : memref<2048xi32, #tpu.memory_space<vmem>>, vector<16xi32>,
    %get3A_714 = arith.constant 464 : index
    %get3A_715 = tpu.vector_load %arg8[%get3A_714] {strides = array<i32>} : memref<2048xi32, #tpu.memory_space<vmem>>, vector<16xi32>,
    %get3A_716 = vector.shape_cast %get3A_715 : vector<16xi32> to vector<16xi32>
    %and3A_717 = arith.constant 65535 : i32
    %and3A_718 = vector.broadcast %and3A_717 : i32 to vector<16xi32>
    %and3A_719 = arith.andi %get3A_716, %and3A_718 : vector<16xi32>
    %swap3A_720 = arith.constant 464 : index
    %swap3A_721 = tpu.vector_load %arg9[%swap3A_720] {strides = array<i32>} : memref<2048xi32, #tpu.memory_space<vmem>>, vector<16xi32>,
    %swap3A_722 = vector.shape_cast %swap3A_721 : vector<16xi32> to vector<16xi32>
    %swap3A_723 = vector.shape_cast %and3A_719 : vector<16xi32> to vector<16xi32>
    tpu.vector_store %arg9[%swap3A_720], %swap3A_723 {strides = array<i32>} : memref<2048xi32, #tpu.memory_space<vmem>>, vector<16xi32>,
    %shift_right_logical3A_724 = arith.constant 16 : i32
    %shift_right_logical3A_725 = vector.broadcast %shift_right_logical3A_724 : i32 to vector<16xi32>
    %shift_right_logical3A_726 = arith.shrui %get3A_716, %shift_right_logical3A_725 : vector<16xi32>
    %swap3A_727 = arith.constant 464 : index
    %swap3A_728 = tpu.vector_load %arg10[%swap3A_727] {strides = array<i32>} : memref<2048xi32, #tpu.memory_space<vmem>>, vector<16xi32>,
    %swap3A_729 = vector.shape_cast %swap3A_728 : vector<16xi32> to vector<16xi32>
    %swap3A_730 = vector.shape_cast %shift_right_logical3A_726 : vector<16xi32> to vector<16xi32>
    tpu.vector_store %arg10[%swap3A_727], %swap3A_730 {strides = array<i32>} : memref<2048xi32, #tpu.memory_space<vmem>>, vector<16xi32>,
    %get3A_731 = arith.constant 480 : index
    %get3A_732 = tpu.vector_load %arg8[%get3A_731] {strides = array<i32>} : memref<2048xi32, #tpu.memory_space<vmem>>, vector<16xi32>,
    %get3A_733 = vector.shape_cast %get3A_732 : vector<16xi32> to vector<16xi32>
    %and3A_734 = arith.constant 65535 : i32
    %and3A_735 = vector.broadcast %and3A_734 : i32 to vector<16xi32>
    %and3A_736 = arith.andi %get3A_733, %and3A_735 : vector<16xi32>
    %swap3A_737 = arith.constant 480 : index
    %swap3A_738 = tpu.vector_load %arg9[%swap3A_737] {strides = array<i32>} : memref<2048xi32, #tpu.memory_space<vmem>>, vector<16xi32>,
    %swap3A_739 = vector.shape_cast %swap3A_738 : vector<16xi32> to vector<16xi32>
    %swap3A_740 = vector.shape_cast %and3A_736 : vector<16xi32> to vector<16xi32>
    tpu.vector_store %arg9[%swap3A_737], %swap3A_740 {strides = array<i32>} : memref<2048xi32, #tpu.memory_space<vmem>>, vector<16xi32>,
    %shift_right_logical3A_741 = arith.constant 16 : i32
    %shift_right_logical3A_742 = vector.broadcast %shift_right_logical3A_741 : i32 to vector<16xi32>
    %shift_right_logical3A_743 = arith.shrui %get3A_733, %shift_right_logical3A_742 : vector<16xi32>
    %swap3A_744 = arith.constant 480 : index
    %swap3A_745 = tpu.vector_load %arg10[%swap3A_744] {strides = array<i32>} : memref<2048xi32, #tpu.memory_space<vmem>>, vector<16xi32>,
    %swap3A_746 = vector.shape_cast %swap3A_745 : vector<16xi32> to vector<16xi32>
    %swap3A_747 = vector.shape_cast %shift_right_logical3A_743 : vector<16xi32> to vector<16xi32>
    tpu.vector_store %arg10[%swap3A_744], %swap3A_747 {strides = array<i32>} : memref<2048xi32, #tpu.memory_space<vmem>>, vector<16xi32>,
    %get3A_748 = arith.constant 496 : index
    %get3A_749 = tpu.vector_load %arg8[%get3A_748] {strides = array<i32>} : memref<2048xi32, #tpu.memory_space<vmem>>, vector<16xi32>,
    %get3A_750 = vector.shape_cast %get3A_749 : vector<16xi32> to vector<16xi32>
    %and3A_751 = arith.constant 65535 : i32
    %and3A_752 = vector.broadcast %and3A_751 : i32 to vector<16xi32>
    %and3A_753 = arith.andi %get3A_750, %and3A_752 : vector<16xi32>
    %swap3A_754 = arith.constant 496 : index
    %swap3A_755 = tpu.vector_load %arg9[%swap3A_754] {strides = array<i32>} : memref<2048xi32, #tpu.memory_space<vmem>>, vector<16xi32>,
    %swap3A_756 = vector.shape_cast %swap3A_755 : vector<16xi32> to vector<16xi32>
    %swap3A_757 = vector.shape_cast %and3A_753 : vector<16xi32> to vector<16xi32>
    tpu.vector_store %arg9[%swap3A_754], %swap3A_757 {strides = array<i32>} : memref<2048xi32, #tpu.memory_space<vmem>>, vector<16xi32>,
    %shift_right_logical3A_758 = arith.constant 16 : i32
    %shift_right_logical3A_759 = vector.broadcast %shift_right_logical3A_758 : i32 to vector<16xi32>
    %shift_right_logical3A_760 = arith.shrui %get3A_750, %shift_right_logical3A_759 : vector<16xi32>
    %swap3A_761 = arith.constant 496 : index
    %swap3A_762 = tpu.vector_load %arg10[%swap3A_761] {strides = array<i32>} : memref<2048xi32, #tpu.memory_space<vmem>>, vector<16xi32>,
    %swap3A_763 = vector.shape_cast %swap3A_762 : vector<16xi32> to vector<16xi32>
    %swap3A_764 = vector.shape_cast %shift_right_logical3A_760 : vector<16xi32> to vector<16xi32>
    tpu.vector_store %arg10[%swap3A_761], %swap3A_764 {strides = array<i32>} : memref<2048xi32, #tpu.memory_space<vmem>>, vector<16xi32>,
    %dma_start3A_765 = arith.constant 384 : i32
    %dma_start3A_766 = arith.constant 0 : i32
    %dma_start3A_767 = tpu.memref_slice %arg11[%dma_start3A_765, %dma_start3A_766] : memref<2048x16xf32, #tpu.memory_space<vmem>> -> memref<128x16xf32, #tpu.memory_space<vmem>>
    %dma_start3A_768 = arith.constant 384 : i32
    %dma_start3A_769 = tpu.memref_slice %arg9[%dma_start3A_768] : memref<2048xi32, #tpu.memory_space<vmem>> -> memref<128xi32, #tpu.memory_space<vmem>>
    %dma_start3A_770 = arith.constant 0 : i32
    %dma_start3A_771 = arith.constant 0 : i32
    %dma_start3A_772 = tpu.memref_slice %arg4[%dma_start3A_770, %dma_start3A_771] : memref<16384x16xf32, #tpu.memory_space<hbm>> -> memref<16384x16xf32, #tpu.memory_space<hbm>>
    tpu.enqueue_indirect_dma source(%dma_start3A_772 : memref<16384x16xf32, #tpu.memory_space<hbm>>) target(%dma_start3A_767 : memref<128x16xf32, #tpu.memory_space<vmem>>) offsets(%dma_start3A_769 : memref<128xi32, #tpu.memory_space<vmem>>) semaphore(%arg12 : memref<!tpu.dma_semaphore, #tpu.memory_space<semaphore_mem>>)
    %dma_wait3A_773 = arith.constant 1 : i32
    %dma_wait3A_774 = arith.constant 512 : i32
    %dma_wait3A_775 = tpu.memref_slice %arg8[%dma_wait3A_774] : memref<2048xi32, #tpu.memory_space<vmem>> -> memref<128xi32, #tpu.memory_space<vmem>>
    %dma_wait3A_776 = arith.constant 0 : i32
    %dma_wait3A_777 = tpu.memref_slice %arg7[%dma_wait3A_776] : memref<512xi32, #tpu.memory_space<vmem>> -> memref<128xi32, #tpu.memory_space<vmem>>
    %dma_wait3A_778 = arith.constant 0 : i32
    %dma_wait3A_779 = tpu.memref_slice %arg3[%dma_wait3A_773, %dma_wait3A_778] : memref<4x1000000xi32, #tpu.memory_space<hbm>> -> memref<1x1000000xi32, #tpu.memory_space<hbm>>
    %dma_wait3A_780 = tpu.memref_squeeze %dma_wait3A_779 : memref<1x1000000xi32, #tpu.memory_space<hbm>> -> memref<1000000xi32, #tpu.memory_space<hbm>>
    %dma_wait3A_781 = arith.constant 0 : i32
    %dma_wait3A_782 = tpu.memref_slice %dma_wait3A_780[%dma_wait3A_781] : memref<1000000xi32, #tpu.memory_space<hbm>> -> memref<1000000xi32, #tpu.memory_space<hbm>>
    tpu.wait_indirect_dma semaphore(%arg12 : memref<!tpu.dma_semaphore, #tpu.memory_space<semaphore_mem>>) src(%dma_wait3A_782 : memref<1000000xi32, #tpu.memory_space<hbm>>) dst(%dma_wait3A_775 : memref<128xi32, #tpu.memory_space<vmem>>)
    %get3A_783 = arith.constant 512 : index
    %get3A_784 = tpu.vector_load %arg8[%get3A_783] {strides = array<i32>} : memref<2048xi32, #tpu.memory_space<vmem>>, vector<16xi32>,
    %get3A_785 = vector.shape_cast %get3A_784 : vector<16xi32> to vector<16xi32>
    %and3A_786 = arith.constant 65535 : i32
    %and3A_787 = vector.broadcast %and3A_786 : i32 to vector<16xi32>
    %and3A_788 = arith.andi %get3A_785, %and3A_787 : vector<16xi32>
    %swap3A_789 = arith.constant 512 : index
    %swap3A_790 = tpu.vector_load %arg9[%swap3A_789] {strides = array<i32>} : memref<2048xi32, #tpu.memory_space<vmem>>, vector<16xi32>,
    %swap3A_791 = vector.shape_cast %swap3A_790 : vector<16xi32> to vector<16xi32>
    %swap3A_792 = vector.shape_cast %and3A_788 : vector<16xi32> to vector<16xi32>
    tpu.vector_store %arg9[%swap3A_789], %swap3A_792 {strides = array<i32>} : memref<2048xi32, #tpu.memory_space<vmem>>, vector<16xi32>,
    %shift_right_logical3A_793 = arith.constant 16 : i32
    %shift_right_logical3A_794 = vector.broadcast %shift_right_logical3A_793 : i32 to vector<16xi32>
    %shift_right_logical3A_795 = arith.shrui %get3A_785, %shift_right_logical3A_794 : vector<16xi32>
    %swap3A_796 = arith.constant 512 : index
    %swap3A_797 = tpu.vector_load %arg10[%swap3A_796] {strides = array<i32>} : memref<2048xi32, #tpu.memory_space<vmem>>, vector<16xi32>,
    %swap3A_798 = vector.shape_cast %swap3A_797 : vector<16xi32> to vector<16xi32>
    %swap3A_799 = vector.shape_cast %shift_right_logical3A_795 : vector<16xi32> to vector<16xi32>
    tpu.vector_store %arg10[%swap3A_796], %swap3A_799 {strides = array<i32>} : memref<2048xi32, #tpu.memory_space<vmem>>, vector<16xi32>,
    %get3A_800 = arith.constant 528 : index
    %get3A_801 = tpu.vector_load %arg8[%get3A_800] {strides = array<i32>} : memref<2048xi32, #tpu.memory_space<vmem>>, vector<16xi32>,
    %get3A_802 = vector.shape_cast %get3A_801 : vector<16xi32> to vector<16xi32>
    %and3A_803 = arith.constant 65535 : i32
    %and3A_804 = vector.broadcast %and3A_803 : i32 to vector<16xi32>
    %and3A_805 = arith.andi %get3A_802, %and3A_804 : vector<16xi32>
    %swap3A_806 = arith.constant 528 : index
    %swap3A_807 = tpu.vector_load %arg9[%swap3A_806] {strides = array<i32>} : memref<2048xi32, #tpu.memory_space<vmem>>, vector<16xi32>,
    %swap3A_808 = vector.shape_cast %swap3A_807 : vector<16xi32> to vector<16xi32>
    %swap3A_809 = vector.shape_cast %and3A_805 : vector<16xi32> to vector<16xi32>
    tpu.vector_store %arg9[%swap3A_806], %swap3A_809 {strides = array<i32>} : memref<2048xi32, #tpu.memory_space<vmem>>, vector<16xi32>,
    %shift_right_logical3A_810 = arith.constant 16 : i32
    %shift_right_logical3A_811 = vector.broadcast %shift_right_logical3A_810 : i32 to vector<16xi32>
    %shift_right_logical3A_812 = arith.shrui %get3A_802, %shift_right_logical3A_811 : vector<16xi32>
    %swap3A_813 = arith.constant 528 : index
    %swap3A_814 = tpu.vector_load %arg10[%swap3A_813] {strides = array<i32>} : memref<2048xi32, #tpu.memory_space<vmem>>, vector<16xi32>,
    %swap3A_815 = vector.shape_cast %swap3A_814 : vector<16xi32> to vector<16xi32>
    %swap3A_816 = vector.shape_cast %shift_right_logical3A_812 : vector<16xi32> to vector<16xi32>
    tpu.vector_store %arg10[%swap3A_813], %swap3A_816 {strides = array<i32>} : memref<2048xi32, #tpu.memory_space<vmem>>, vector<16xi32>,
    %get3A_817 = arith.constant 544 : index
    %get3A_818 = tpu.vector_load %arg8[%get3A_817] {strides = array<i32>} : memref<2048xi32, #tpu.memory_space<vmem>>, vector<16xi32>,
    %get3A_819 = vector.shape_cast %get3A_818 : vector<16xi32> to vector<16xi32>
    %and3A_820 = arith.constant 65535 : i32
    %and3A_821 = vector.broadcast %and3A_820 : i32 to vector<16xi32>
    %and3A_822 = arith.andi %get3A_819, %and3A_821 : vector<16xi32>
    %swap3A_823 = arith.constant 544 : index
    %swap3A_824 = tpu.vector_load %arg9[%swap3A_823] {strides = array<i32>} : memref<2048xi32, #tpu.memory_space<vmem>>, vector<16xi32>,
    %swap3A_825 = vector.shape_cast %swap3A_824 : vector<16xi32> to vector<16xi32>
    %swap3A_826 = vector.shape_cast %and3A_822 : vector<16xi32> to vector<16xi32>
    tpu.vector_store %arg9[%swap3A_823], %swap3A_826 {strides = array<i32>} : memref<2048xi32, #tpu.memory_space<vmem>>, vector<16xi32>,
    %shift_right_logical3A_827 = arith.constant 16 : i32
    %shift_right_logical3A_828 = vector.broadcast %shift_right_logical3A_827 : i32 to vector<16xi32>
    %shift_right_logical3A_829 = arith.shrui %get3A_819, %shift_right_logical3A_828 : vector<16xi32>
    %swap3A_830 = arith.constant 544 : index
    %swap3A_831 = tpu.vector_load %arg10[%swap3A_830] {strides = array<i32>} : memref<2048xi32, #tpu.memory_space<vmem>>, vector<16xi32>,
    %swap3A_832 = vector.shape_cast %swap3A_831 : vector<16xi32> to vector<16xi32>
    %swap3A_833 = vector.shape_cast %shift_right_logical3A_829 : vector<16xi32> to vector<16xi32>
    tpu.vector_store %arg10[%swap3A_830], %swap3A_833 {strides = array<i32>} : memref<2048xi32, #tpu.memory_space<vmem>>, vector<16xi32>,
    %get3A_834 = arith.constant 560 : index
    %get3A_835 = tpu.vector_load %arg8[%get3A_834] {strides = array<i32>} : memref<2048xi32, #tpu.memory_space<vmem>>, vector<16xi32>,
    %get3A_836 = vector.shape_cast %get3A_835 : vector<16xi32> to vector<16xi32>
    %and3A_837 = arith.constant 65535 : i32
    %and3A_838 = vector.broadcast %and3A_837 : i32 to vector<16xi32>
    %and3A_839 = arith.andi %get3A_836, %and3A_838 : vector<16xi32>
    %swap3A_840 = arith.constant 560 : index
    %swap3A_841 = tpu.vector_load %arg9[%swap3A_840] {strides = array<i32>} : memref<2048xi32, #tpu.memory_space<vmem>>, vector<16xi32>,
    %swap3A_842 = vector.shape_cast %swap3A_841 : vector<16xi32> to vector<16xi32>
    %swap3A_843 = vector.shape_cast %and3A_839 : vector<16xi32> to vector<16xi32>
    tpu.vector_store %arg9[%swap3A_840], %swap3A_843 {strides = array<i32>} : memref<2048xi32, #tpu.memory_space<vmem>>, vector<16xi32>,
    %shift_right_logical3A_844 = arith.constant 16 : i32
    %shift_right_logical3A_845 = vector.broadcast %shift_right_logical3A_844 : i32 to vector<16xi32>
    %shift_right_logical3A_846 = arith.shrui %get3A_836, %shift_right_logical3A_845 : vector<16xi32>
    %swap3A_847 = arith.constant 560 : index
    %swap3A_848 = tpu.vector_load %arg10[%swap3A_847] {strides = array<i32>} : memref<2048xi32, #tpu.memory_space<vmem>>, vector<16xi32>,
    %swap3A_849 = vector.shape_cast %swap3A_848 : vector<16xi32> to vector<16xi32>
    %swap3A_850 = vector.shape_cast %shift_right_logical3A_846 : vector<16xi32> to vector<16xi32>
    tpu.vector_store %arg10[%swap3A_847], %swap3A_850 {strides = array<i32>} : memref<2048xi32, #tpu.memory_space<vmem>>, vector<16xi32>,
    %get3A_851 = arith.constant 576 : index
    %get3A_852 = tpu.vector_load %arg8[%get3A_851] {strides = array<i32>} : memref<2048xi32, #tpu.memory_space<vmem>>, vector<16xi32>,
    %get3A_853 = vector.shape_cast %get3A_852 : vector<16xi32> to vector<16xi32>
    %and3A_854 = arith.constant 65535 : i32
    %and3A_855 = vector.broadcast %and3A_854 : i32 to vector<16xi32>
    %and3A_856 = arith.andi %get3A_853, %and3A_855 : vector<16xi32>
    %swap3A_857 = arith.constant 576 : index
    %swap3A_858 = tpu.vector_load %arg9[%swap3A_857] {strides = array<i32>} : memref<2048xi32, #tpu.memory_space<vmem>>, vector<16xi32>,
    %swap3A_859 = vector.shape_cast %swap3A_858 : vector<16xi32> to vector<16xi32>
    %swap3A_860 = vector.shape_cast %and3A_856 : vector<16xi32> to vector<16xi32>
    tpu.vector_store %arg9[%swap3A_857], %swap3A_860 {strides = array<i32>} : memref<2048xi32, #tpu.memory_space<vmem>>, vector<16xi32>,
    %shift_right_logical3A_861 = arith.constant 16 : i32
    %shift_right_logical3A_862 = vector.broadcast %shift_right_logical3A_861 : i32 to vector<16xi32>
    %shift_right_logical3A_863 = arith.shrui %get3A_853, %shift_right_logical3A_862 : vector<16xi32>
    %swap3A_864 = arith.constant 576 : index
    %swap3A_865 = tpu.vector_load %arg10[%swap3A_864] {strides = array<i32>} : memref<2048xi32, #tpu.memory_space<vmem>>, vector<16xi32>,
    %swap3A_866 = vector.shape_cast %swap3A_865 : vector<16xi32> to vector<16xi32>
    %swap3A_867 = vector.shape_cast %shift_right_logical3A_863 : vector<16xi32> to vector<16xi32>
    tpu.vector_store %arg10[%swap3A_864], %swap3A_867 {strides = array<i32>} : memref<2048xi32, #tpu.memory_space<vmem>>, vector<16xi32>,
    %get3A_868 = arith.constant 592 : index
    %get3A_869 = tpu.vector_load %arg8[%get3A_868] {strides = array<i32>} : memref<2048xi32, #tpu.memory_space<vmem>>, vector<16xi32>,
    %get3A_870 = vector.shape_cast %get3A_869 : vector<16xi32> to vector<16xi32>
    %and3A_871 = arith.constant 65535 : i32
    %and3A_872 = vector.broadcast %and3A_871 : i32 to vector<16xi32>
    %and3A_873 = arith.andi %get3A_870, %and3A_872 : vector<16xi32>
    %swap3A_874 = arith.constant 592 : index
    %swap3A_875 = tpu.vector_load %arg9[%swap3A_874] {strides = array<i32>} : memref<2048xi32, #tpu.memory_space<vmem>>, vector<16xi32>,
    %swap3A_876 = vector.shape_cast %swap3A_875 : vector<16xi32> to vector<16xi32>
    %swap3A_877 = vector.shape_cast %and3A_873 : vector<16xi32> to vector<16xi32>
    tpu.vector_store %arg9[%swap3A_874], %swap3A_877 {strides = array<i32>} : memref<2048xi32, #tpu.memory_space<vmem>>, vector<16xi32>,
    %shift_right_logical3A_878 = arith.constant 16 : i32
    %shift_right_logical3A_879 = vector.broadcast %shift_right_logical3A_878 : i32 to vector<16xi32>
    %shift_right_logical3A_880 = arith.shrui %get3A_870, %shift_right_logical3A_879 : vector<16xi32>
    %swap3A_881 = arith.constant 592 : index
    %swap3A_882 = tpu.vector_load %arg10[%swap3A_881] {strides = array<i32>} : memref<2048xi32, #tpu.memory_space<vmem>>, vector<16xi32>,
    %swap3A_883 = vector.shape_cast %swap3A_882 : vector<16xi32> to vector<16xi32>
    %swap3A_884 = vector.shape_cast %shift_right_logical3A_880 : vector<16xi32> to vector<16xi32>
    tpu.vector_store %arg10[%swap3A_881], %swap3A_884 {strides = array<i32>} : memref<2048xi32, #tpu.memory_space<vmem>>, vector<16xi32>,
    %get3A_885 = arith.constant 608 : index
    %get3A_886 = tpu.vector_load %arg8[%get3A_885] {strides = array<i32>} : memref<2048xi32, #tpu.memory_space<vmem>>, vector<16xi32>,
    %get3A_887 = vector.shape_cast %get3A_886 : vector<16xi32> to vector<16xi32>
    %and3A_888 = arith.constant 65535 : i32
    %and3A_889 = vector.broadcast %and3A_888 : i32 to vector<16xi32>
    %and3A_890 = arith.andi %get3A_887, %and3A_889 : vector<16xi32>
    %swap3A_891 = arith.constant 608 : index
    %swap3A_892 = tpu.vector_load %arg9[%swap3A_891] {strides = array<i32>} : memref<2048xi32, #tpu.memory_space<vmem>>, vector<16xi32>,
    %swap3A_893 = vector.shape_cast %swap3A_892 : vector<16xi32> to vector<16xi32>
    %swap3A_894 = vector.shape_cast %and3A_890 : vector<16xi32> to vector<16xi32>
    tpu.vector_store %arg9[%swap3A_891], %swap3A_894 {strides = array<i32>} : memref<2048xi32, #tpu.memory_space<vmem>>, vector<16xi32>,
    %shift_right_logical3A_895 = arith.constant 16 : i32
    %shift_right_logical3A_896 = vector.broadcast %shift_right_logical3A_895 : i32 to vector<16xi32>
    %shift_right_logical3A_897 = arith.shrui %get3A_887, %shift_right_logical3A_896 : vector<16xi32>
    %swap3A_898 = arith.constant 608 : index
    %swap3A_899 = tpu.vector_load %arg10[%swap3A_898] {strides = array<i32>} : memref<2048xi32, #tpu.memory_space<vmem>>, vector<16xi32>,
    %swap3A_900 = vector.shape_cast %swap3A_899 : vector<16xi32> to vector<16xi32>
    %swap3A_901 = vector.shape_cast %shift_right_logical3A_897 : vector<16xi32> to vector<16xi32>
    tpu.vector_store %arg10[%swap3A_898], %swap3A_901 {strides = array<i32>} : memref<2048xi32, #tpu.memory_space<vmem>>, vector<16xi32>,
    %get3A_902 = arith.constant 624 : index
    %get3A_903 = tpu.vector_load %arg8[%get3A_902] {strides = array<i32>} : memref<2048xi32, #tpu.memory_space<vmem>>, vector<16xi32>,
    %get3A_904 = vector.shape_cast %get3A_903 : vector<16xi32> to vector<16xi32>
    %and3A_905 = arith.constant 65535 : i32
    %and3A_906 = vector.broadcast %and3A_905 : i32 to vector<16xi32>
    %and3A_907 = arith.andi %get3A_904, %and3A_906 : vector<16xi32>
    %swap3A_908 = arith.constant 624 : index
    %swap3A_909 = tpu.vector_load %arg9[%swap3A_908] {strides = array<i32>} : memref<2048xi32, #tpu.memory_space<vmem>>, vector<16xi32>,
    %swap3A_910 = vector.shape_cast %swap3A_909 : vector<16xi32> to vector<16xi32>
    %swap3A_911 = vector.shape_cast %and3A_907 : vector<16xi32> to vector<16xi32>
    tpu.vector_store %arg9[%swap3A_908], %swap3A_911 {strides = array<i32>} : memref<2048xi32, #tpu.memory_space<vmem>>, vector<16xi32>,
    %shift_right_logical3A_912 = arith.constant 16 : i32
    %shift_right_logical3A_913 = vector.broadcast %shift_right_logical3A_912 : i32 to vector<16xi32>
    %shift_right_logical3A_914 = arith.shrui %get3A_904, %shift_right_logical3A_913 : vector<16xi32>
    %swap3A_915 = arith.constant 624 : index
    %swap3A_916 = tpu.vector_load %arg10[%swap3A_915] {strides = array<i32>} : memref<2048xi32, #tpu.memory_space<vmem>>, vector<16xi32>,
    %swap3A_917 = vector.shape_cast %swap3A_916 : vector<16xi32> to vector<16xi32>
    %swap3A_918 = vector.shape_cast %shift_right_logical3A_914 : vector<16xi32> to vector<16xi32>
    tpu.vector_store %arg10[%swap3A_915], %swap3A_918 {strides = array<i32>} : memref<2048xi32, #tpu.memory_space<vmem>>, vector<16xi32>,
    %dma_start3A_919 = arith.constant 512 : i32
    %dma_start3A_920 = arith.constant 0 : i32
    %dma_start3A_921 = tpu.memref_slice %arg11[%dma_start3A_919, %dma_start3A_920] : memref<2048x16xf32, #tpu.memory_space<vmem>> -> memref<128x16xf32, #tpu.memory_space<vmem>>
    %dma_start3A_922 = arith.constant 512 : i32
    %dma_start3A_923 = tpu.memref_slice %arg9[%dma_start3A_922] : memref<2048xi32, #tpu.memory_space<vmem>> -> memref<128xi32, #tpu.memory_space<vmem>>
    %dma_start3A_924 = arith.constant 0 : i32
    %dma_start3A_925 = arith.constant 0 : i32
    %dma_start3A_926 = tpu.memref_slice %arg4[%dma_start3A_924, %dma_start3A_925] : memref<16384x16xf32, #tpu.memory_space<hbm>> -> memref<16384x16xf32, #tpu.memory_space<hbm>>
    tpu.enqueue_indirect_dma source(%dma_start3A_926 : memref<16384x16xf32, #tpu.memory_space<hbm>>) target(%dma_start3A_921 : memref<128x16xf32, #tpu.memory_space<vmem>>) offsets(%dma_start3A_923 : memref<128xi32, #tpu.memory_space<vmem>>) semaphore(%arg12 : memref<!tpu.dma_semaphore, #tpu.memory_space<semaphore_mem>>)
    %dma_wait3A_927 = arith.constant 1 : i32
    %dma_wait3A_928 = arith.constant 640 : i32
    %dma_wait3A_929 = tpu.memref_slice %arg8[%dma_wait3A_928] : memref<2048xi32, #tpu.memory_space<vmem>> -> memref<128xi32, #tpu.memory_space<vmem>>
    %dma_wait3A_930 = arith.constant 128 : i32
    %dma_wait3A_931 = tpu.memref_slice %arg7[%dma_wait3A_930] : memref<512xi32, #tpu.memory_space<vmem>> -> memref<128xi32, #tpu.memory_space<vmem>>
    %dma_wait3A_932 = arith.constant 0 : i32
    %dma_wait3A_933 = tpu.memref_slice %arg3[%dma_wait3A_927, %dma_wait3A_932] : memref<4x1000000xi32, #tpu.memory_space<hbm>> -> memref<1x1000000xi32, #tpu.memory_space<hbm>>
    %dma_wait3A_934 = tpu.memref_squeeze %dma_wait3A_933 : memref<1x1000000xi32, #tpu.memory_space<hbm>> -> memref<1000000xi32, #tpu.memory_space<hbm>>
    %dma_wait3A_935 = arith.constant 0 : i32
    %dma_wait3A_936 = tpu.memref_slice %dma_wait3A_934[%dma_wait3A_935] : memref<1000000xi32, #tpu.memory_space<hbm>> -> memref<1000000xi32, #tpu.memory_space<hbm>>
    tpu.wait_indirect_dma semaphore(%arg12 : memref<!tpu.dma_semaphore, #tpu.memory_space<semaphore_mem>>) src(%dma_wait3A_936 : memref<1000000xi32, #tpu.memory_space<hbm>>) dst(%dma_wait3A_929 : memref<128xi32, #tpu.memory_space<vmem>>)
    %get3A_937 = arith.constant 640 : index
    %get3A_938 = tpu.vector_load %arg8[%get3A_937] {strides = array<i32>} : memref<2048xi32, #tpu.memory_space<vmem>>, vector<16xi32>,
    %get3A_939 = vector.shape_cast %get3A_938 : vector<16xi32> to vector<16xi32>
    %and3A_940 = arith.constant 65535 : i32
    %and3A_941 = vector.broadcast %and3A_940 : i32 to vector<16xi32>
    %and3A_942 = arith.andi %get3A_939, %and3A_941 : vector<16xi32>
    %swap3A_943 = arith.constant 640 : index
    %swap3A_944 = tpu.vector_load %arg9[%swap3A_943] {strides = array<i32>} : memref<2048xi32, #tpu.memory_space<vmem>>, vector<16xi32>,
    %swap3A_945 = vector.shape_cast %swap3A_944 : vector<16xi32> to vector<16xi32>
    %swap3A_946 = vector.shape_cast %and3A_942 : vector<16xi32> to vector<16xi32>
    tpu.vector_store %arg9[%swap3A_943], %swap3A_946 {strides = array<i32>} : memref<2048xi32, #tpu.memory_space<vmem>>, vector<16xi32>,
    %shift_right_logical3A_947 = arith.constant 16 : i32
    %shift_right_logical3A_948 = vector.broadcast %shift_right_logical3A_947 : i32 to vector<16xi32>
    %shift_right_logical3A_949 = arith.shrui %get3A_939, %shift_right_logical3A_948 : vector<16xi32>
    %swap3A_950 = arith.constant 640 : index
    %swap3A_951 = tpu.vector_load %arg10[%swap3A_950] {strides = array<i32>} : memref<2048xi32, #tpu.memory_space<vmem>>, vector<16xi32>,
    %swap3A_952 = vector.shape_cast %swap3A_951 : vector<16xi32> to vector<16xi32>
    %swap3A_953 = vector.shape_cast %shift_right_logical3A_949 : vector<16xi32> to vector<16xi32>
    tpu.vector_store %arg10[%swap3A_950], %swap3A_953 {strides = array<i32>} : memref<2048xi32, #tpu.memory_space<vmem>>, vector<16xi32>,
    %get3A_954 = arith.constant 656 : index
    %get3A_955 = tpu.vector_load %arg8[%get3A_954] {strides = array<i32>} : memref<2048xi32, #tpu.memory_space<vmem>>, vector<16xi32>,
    %get3A_956 = vector.shape_cast %get3A_955 : vector<16xi32> to vector<16xi32>
    %and3A_957 = arith.constant 65535 : i32
    %and3A_958 = vector.broadcast %and3A_957 : i32 to vector<16xi32>
    %and3A_959 = arith.andi %get3A_956, %and3A_958 : vector<16xi32>
    %swap3A_960 = arith.constant 656 : index
    %swap3A_961 = tpu.vector_load %arg9[%swap3A_960] {strides = array<i32>} : memref<2048xi32, #tpu.memory_space<vmem>>, vector<16xi32>,
    %swap3A_962 = vector.shape_cast %swap3A_961 : vector<16xi32> to vector<16xi32>
    %swap3A_963 = vector.shape_cast %and3A_959 : vector<16xi32> to vector<16xi32>
    tpu.vector_store %arg9[%swap3A_960], %swap3A_963 {strides = array<i32>} : memref<2048xi32, #tpu.memory_space<vmem>>, vector<16xi32>,
    %shift_right_logical3A_964 = arith.constant 16 : i32
    %shift_right_logical3A_965 = vector.broadcast %shift_right_logical3A_964 : i32 to vector<16xi32>
    %shift_right_logical3A_966 = arith.shrui %get3A_956, %shift_right_logical3A_965 : vector<16xi32>
    %swap3A_967 = arith.constant 656 : index
    %swap3A_968 = tpu.vector_load %arg10[%swap3A_967] {strides = array<i32>} : memref<2048xi32, #tpu.memory_space<vmem>>, vector<16xi32>,
    %swap3A_969 = vector.shape_cast %swap3A_968 : vector<16xi32> to vector<16xi32>
    %swap3A_970 = vector.shape_cast %shift_right_logical3A_966 : vector<16xi32> to vector<16xi32>
    tpu.vector_store %arg10[%swap3A_967], %swap3A_970 {strides = array<i32>} : memref<2048xi32, #tpu.memory_space<vmem>>, vector<16xi32>,
    %get3A_971 = arith.constant 672 : index
    %get3A_972 = tpu.vector_load %arg8[%get3A_971] {strides = array<i32>} : memref<2048xi32, #tpu.memory_space<vmem>>, vector<16xi32>,
    %get3A_973 = vector.shape_cast %get3A_972 : vector<16xi32> to vector<16xi32>
    %and3A_974 = arith.constant 65535 : i32
    %and3A_975 = vector.broadcast %and3A_974 : i32 to vector<16xi32>
    %and3A_976 = arith.andi %get3A_973, %and3A_975 : vector<16xi32>
    %swap3A_977 = arith.constant 672 : index
    %swap3A_978 = tpu.vector_load %arg9[%swap3A_977] {strides = array<i32>} : memref<2048xi32, #tpu.memory_space<vmem>>, vector<16xi32>,
    %swap3A_979 = vector.shape_cast %swap3A_978 : vector<16xi32> to vector<16xi32>
    %swap3A_980 = vector.shape_cast %and3A_976 : vector<16xi32> to vector<16xi32>
    tpu.vector_store %arg9[%swap3A_977], %swap3A_980 {strides = array<i32>} : memref<2048xi32, #tpu.memory_space<vmem>>, vector<16xi32>,
    %shift_right_logical3A_981 = arith.constant 16 : i32
    %shift_right_logical3A_982 = vector.broadcast %shift_right_logical3A_981 : i32 to vector<16xi32>
    %shift_right_logical3A_983 = arith.shrui %get3A_973, %shift_right_logical3A_982 : vector<16xi32>
    %swap3A_984 = arith.constant 672 : index
    %swap3A_985 = tpu.vector_load %arg10[%swap3A_984] {strides = array<i32>} : memref<2048xi32, #tpu.memory_space<vmem>>, vector<16xi32>,
    %swap3A_986 = vector.shape_cast %swap3A_985 : vector<16xi32> to vector<16xi32>
    %swap3A_987 = vector.shape_cast %shift_right_logical3A_983 : vector<16xi32> to vector<16xi32>
    tpu.vector_store %arg10[%swap3A_984], %swap3A_987 {strides = array<i32>} : memref<2048xi32, #tpu.memory_space<vmem>>, vector<16xi32>,
    %get3A_988 = arith.constant 688 : index
    %get3A_989 = tpu.vector_load %arg8[%get3A_988] {strides = array<i32>} : memref<2048xi32, #tpu.memory_space<vmem>>, vector<16xi32>,
    %get3A_990 = vector.shape_cast %get3A_989 : vector<16xi32> to vector<16xi32>
    %and3A_991 = arith.constant 65535 : i32
    %and3A_992 = vector.broadcast %and3A_991 : i32 to vector<16xi32>
    %and3A_993 = arith.andi %get3A_990, %and3A_992 : vector<16xi32>
    %swap3A_994 = arith.constant 688 : index
    %swap3A_995 = tpu.vector_load %arg9[%swap3A_994] {strides = array<i32>} : memref<2048xi32, #tpu.memory_space<vmem>>, vector<16xi32>,
    %swap3A_996 = vector.shape_cast %swap3A_995 : vector<16xi32> to vector<16xi32>
    %swap3A_997 = vector.shape_cast %and3A_993 : vector<16xi32> to vector<16xi32>
    tpu.vector_store %arg9[%swap3A_994], %swap3A_997 {strides = array<i32>} : memref<2048xi32, #tpu.memory_space<vmem>>, vector<16xi32>,
    %shift_right_logical3A_998 = arith.constant 16 : i32
    %shift_right_logical3A_999 = vector.broadcast %shift_right_logical3A_998 : i32 to vector<16xi32>
    %shift_right_logical3A_1000 = arith.shrui %get3A_990, %shift_right_logical3A_999 : vector<16xi32>
    %swap3A_1001 = arith.constant 688 : index
    %swap3A_1002 = tpu.vector_load %arg10[%swap3A_1001] {strides = array<i32>} : memref<2048xi32, #tpu.memory_space<vmem>>, vector<16xi32>,
    %swap3A_1003 = vector.shape_cast %swap3A_1002 : vector<16xi32> to vector<16xi32>
    %swap3A_1004 = vector.shape_cast %shift_right_logical3A_1000 : vector<16xi32> to vector<16xi32>
    tpu.vector_store %arg10[%swap3A_1001], %swap3A_1004 {strides = array<i32>} : memref<2048xi32, #tpu.memory_space<vmem>>, vector<16xi32>,
    %get3A_1005 = arith.constant 704 : index
    %get3A_1006 = tpu.vector_load %arg8[%get3A_1005] {strides = array<i32>} : memref<2048xi32, #tpu.memory_space<vmem>>, vector<16xi32>,
    %get3A_1007 = vector.shape_cast %get3A_1006 : vector<16xi32> to vector<16xi32>
    %and3A_1008 = arith.constant 65535 : i32
    %and3A_1009 = vector.broadcast %and3A_1008 : i32 to vector<16xi32>
    %and3A_1010 = arith.andi %get3A_1007, %and3A_1009 : vector<16xi32>
    %swap3A_1011 = arith.constant 704 : index
    %swap3A_1012 = tpu.vector_load %arg9[%swap3A_1011] {strides = array<i32>} : memref<2048xi32, #tpu.memory_space<vmem>>, vector<16xi32>,
    %swap3A_1013 = vector.shape_cast %swap3A_1012 : vector<16xi32> to vector<16xi32>
    %swap3A_1014 = vector.shape_cast %and3A_1010 : vector<16xi32> to vector<16xi32>
    tpu.vector_store %arg9[%swap3A_1011], %swap3A_1014 {strides = array<i32>} : memref<2048xi32, #tpu.memory_space<vmem>>, vector<16xi32>,
    %shift_right_logical3A_1015 = arith.constant 16 : i32
    %shift_right_logical3A_1016 = vector.broadcast %shift_right_logical3A_1015 : i32 to vector<16xi32>
    %shift_right_logical3A_1017 = arith.shrui %get3A_1007, %shift_right_logical3A_1016 : vector<16xi32>
    %swap3A_1018 = arith.constant 704 : index
    %swap3A_1019 = tpu.vector_load %arg10[%swap3A_1018] {strides = array<i32>} : memref<2048xi32, #tpu.memory_space<vmem>>, vector<16xi32>,
    %swap3A_1020 = vector.shape_cast %swap3A_1019 : vector<16xi32> to vector<16xi32>
    %swap3A_1021 = vector.shape_cast %shift_right_logical3A_1017 : vector<16xi32> to vector<16xi32>
    tpu.vector_store %arg10[%swap3A_1018], %swap3A_1021 {strides = array<i32>} : memref<2048xi32, #tpu.memory_space<vmem>>, vector<16xi32>,
    %get3A_1022 = arith.constant 720 : index
    %get3A_1023 = tpu.vector_load %arg8[%get3A_1022] {strides = array<i32>} : memref<2048xi32, #tpu.memory_space<vmem>>, vector<16xi32>,
    %get3A_1024 = vector.shape_cast %get3A_1023 : vector<16xi32> to vector<16xi32>
    %and3A_1025 = arith.constant 65535 : i32
    %and3A_1026 = vector.broadcast %and3A_1025 : i32 to vector<16xi32>
    %and3A_1027 = arith.andi %get3A_1024, %and3A_1026 : vector<16xi32>
    %swap3A_1028 = arith.constant 720 : index
    %swap3A_1029 = tpu.vector_load %arg9[%swap3A_1028] {strides = array<i32>} : memref<2048xi32, #tpu.memory_space<vmem>>, vector<16xi32>,
    %swap3A_1030 = vector.shape_cast %swap3A_1029 : vector<16xi32> to vector<16xi32>
    %swap3A_1031 = vector.shape_cast %and3A_1027 : vector<16xi32> to vector<16xi32>
    tpu.vector_store %arg9[%swap3A_1028], %swap3A_1031 {strides = array<i32>} : memref<2048xi32, #tpu.memory_space<vmem>>, vector<16xi32>,
    %shift_right_logical3A_1032 = arith.constant 16 : i32
    %shift_right_logical3A_1033 = vector.broadcast %shift_right_logical3A_1032 : i32 to vector<16xi32>
    %shift_right_logical3A_1034 = arith.shrui %get3A_1024, %shift_right_logical3A_1033 : vector<16xi32>
    %swap3A_1035 = arith.constant 720 : index
    %swap3A_1036 = tpu.vector_load %arg10[%swap3A_1035] {strides = array<i32>} : memref<2048xi32, #tpu.memory_space<vmem>>, vector<16xi32>,
    %swap3A_1037 = vector.shape_cast %swap3A_1036 : vector<16xi32> to vector<16xi32>
    %swap3A_1038 = vector.shape_cast %shift_right_logical3A_1034 : vector<16xi32> to vector<16xi32>
    tpu.vector_store %arg10[%swap3A_1035], %swap3A_1038 {strides = array<i32>} : memref<2048xi32, #tpu.memory_space<vmem>>, vector<16xi32>,
    %get3A_1039 = arith.constant 736 : index
    %get3A_1040 = tpu.vector_load %arg8[%get3A_1039] {strides = array<i32>} : memref<2048xi32, #tpu.memory_space<vmem>>, vector<16xi32>,
    %get3A_1041 = vector.shape_cast %get3A_1040 : vector<16xi32> to vector<16xi32>
    %and3A_1042 = arith.constant 65535 : i32
    %and3A_1043 = vector.broadcast %and3A_1042 : i32 to vector<16xi32>
    %and3A_1044 = arith.andi %get3A_1041, %and3A_1043 : vector<16xi32>
    %swap3A_1045 = arith.constant 736 : index
    %swap3A_1046 = tpu.vector_load %arg9[%swap3A_1045] {strides = array<i32>} : memref<2048xi32, #tpu.memory_space<vmem>>, vector<16xi32>,
    %swap3A_1047 = vector.shape_cast %swap3A_1046 : vector<16xi32> to vector<16xi32>
    %swap3A_1048 = vector.shape_cast %and3A_1044 : vector<16xi32> to vector<16xi32>
    tpu.vector_store %arg9[%swap3A_1045], %swap3A_1048 {strides = array<i32>} : memref<2048xi32, #tpu.memory_space<vmem>>, vector<16xi32>,
    %shift_right_logical3A_1049 = arith.constant 16 : i32
    %shift_right_logical3A_1050 = vector.broadcast %shift_right_logical3A_1049 : i32 to vector<16xi32>
    %shift_right_logical3A_1051 = arith.shrui %get3A_1041, %shift_right_logical3A_1050 : vector<16xi32>
    %swap3A_1052 = arith.constant 736 : index
    %swap3A_1053 = tpu.vector_load %arg10[%swap3A_1052] {strides = array<i32>} : memref<2048xi32, #tpu.memory_space<vmem>>, vector<16xi32>,
    %swap3A_1054 = vector.shape_cast %swap3A_1053 : vector<16xi32> to vector<16xi32>
    %swap3A_1055 = vector.shape_cast %shift_right_logical3A_1051 : vector<16xi32> to vector<16xi32>
    tpu.vector_store %arg10[%swap3A_1052], %swap3A_1055 {strides = array<i32>} : memref<2048xi32, #tpu.memory_space<vmem>>, vector<16xi32>,
    %get3A_1056 = arith.constant 752 : index
    %get3A_1057 = tpu.vector_load %arg8[%get3A_1056] {strides = array<i32>} : memref<2048xi32, #tpu.memory_space<vmem>>, vector<16xi32>,
    %get3A_1058 = vector.shape_cast %get3A_1057 : vector<16xi32> to vector<16xi32>
    %and3A_1059 = arith.constant 65535 : i32
    %and3A_1060 = vector.broadcast %and3A_1059 : i32 to vector<16xi32>
    %and3A_1061 = arith.andi %get3A_1058, %and3A_1060 : vector<16xi32>
    %swap3A_1062 = arith.constant 752 : index
    %swap3A_1063 = tpu.vector_load %arg9[%swap3A_1062] {strides = array<i32>} : memref<2048xi32, #tpu.memory_space<vmem>>, vector<16xi32>,
    %swap3A_1064 = vector.shape_cast %swap3A_1063 : vector<16xi32> to vector<16xi32>
    %swap3A_1065 = vector.shape_cast %and3A_1061 : vector<16xi32> to vector<16xi32>
    tpu.vector_store %arg9[%swap3A_1062], %swap3A_1065 {strides = array<i32>} : memref<2048xi32, #tpu.memory_space<vmem>>, vector<16xi32>,
    %shift_right_logical3A_1066 = arith.constant 16 : i32
    %shift_right_logical3A_1067 = vector.broadcast %shift_right_logical3A_1066 : i32 to vector<16xi32>
    %shift_right_logical3A_1068 = arith.shrui %get3A_1058, %shift_right_logical3A_1067 : vector<16xi32>
    %swap3A_1069 = arith.constant 752 : index
    %swap3A_1070 = tpu.vector_load %arg10[%swap3A_1069] {strides = array<i32>} : memref<2048xi32, #tpu.memory_space<vmem>>, vector<16xi32>,
    %swap3A_1071 = vector.shape_cast %swap3A_1070 : vector<16xi32> to vector<16xi32>
    %swap3A_1072 = vector.shape_cast %shift_right_logical3A_1068 : vector<16xi32> to vector<16xi32>
    tpu.vector_store %arg10[%swap3A_1069], %swap3A_1072 {strides = array<i32>} : memref<2048xi32, #tpu.memory_space<vmem>>, vector<16xi32>,
    %dma_start3A_1073 = arith.constant 640 : i32
    %dma_start3A_1074 = arith.constant 0 : i32
    %dma_start3A_1075 = tpu.memref_slice %arg11[%dma_start3A_1073, %dma_start3A_1074] : memref<2048x16xf32, #tpu.memory_space<vmem>> -> memref<128x16xf32, #tpu.memory_space<vmem>>
    %dma_start3A_1076 = arith.constant 640 : i32
    %dma_start3A_1077 = tpu.memref_slice %arg9[%dma_start3A_1076] : memref<2048xi32, #tpu.memory_space<vmem>> -> memref<128xi32, #tpu.memory_space<vmem>>
    %dma_start3A_1078 = arith.constant 0 : i32
    %dma_start3A_1079 = arith.constant 0 : i32
    %dma_start3A_1080 = tpu.memref_slice %arg4[%dma_start3A_1078, %dma_start3A_1079] : memref<16384x16xf32, #tpu.memory_space<hbm>> -> memref<16384x16xf32, #tpu.memory_space<hbm>>
    tpu.enqueue_indirect_dma source(%dma_start3A_1080 : memref<16384x16xf32, #tpu.memory_space<hbm>>) target(%dma_start3A_1075 : memref<128x16xf32, #tpu.memory_space<vmem>>) offsets(%dma_start3A_1077 : memref<128xi32, #tpu.memory_space<vmem>>) semaphore(%arg12 : memref<!tpu.dma_semaphore, #tpu.memory_space<semaphore_mem>>)
    %dma_wait3A_1081 = arith.constant 1 : i32
    %dma_wait3A_1082 = arith.constant 768 : i32
    %dma_wait3A_1083 = tpu.memref_slice %arg8[%dma_wait3A_1082] : memref<2048xi32, #tpu.memory_space<vmem>> -> memref<128xi32, #tpu.memory_space<vmem>>
    %dma_wait3A_1084 = arith.constant 256 : i32
    %dma_wait3A_1085 = tpu.memref_slice %arg7[%dma_wait3A_1084] : memref<512xi32, #tpu.memory_space<vmem>> -> memref<128xi32, #tpu.memory_space<vmem>>
    %dma_wait3A_1086 = arith.constant 0 : i32
    %dma_wait3A_1087 = tpu.memref_slice %arg3[%dma_wait3A_1081, %dma_wait3A_1086] : memref<4x1000000xi32, #tpu.memory_space<hbm>> -> memref<1x1000000xi32, #tpu.memory_space<hbm>>
    %dma_wait3A_1088 = tpu.memref_squeeze %dma_wait3A_1087 : memref<1x1000000xi32, #tpu.memory_space<hbm>> -> memref<1000000xi32, #tpu.memory_space<hbm>>
    %dma_wait3A_1089 = arith.constant 0 : i32
    %dma_wait3A_1090 = tpu.memref_slice %dma_wait3A_1088[%dma_wait3A_1089] : memref<1000000xi32, #tpu.memory_space<hbm>> -> memref<1000000xi32, #tpu.memory_space<hbm>>
    tpu.wait_indirect_dma semaphore(%arg12 : memref<!tpu.dma_semaphore, #tpu.memory_space<semaphore_mem>>) src(%dma_wait3A_1090 : memref<1000000xi32, #tpu.memory_space<hbm>>) dst(%dma_wait3A_1083 : memref<128xi32, #tpu.memory_space<vmem>>)
    %get3A_1091 = arith.constant 768 : index
    %get3A_1092 = tpu.vector_load %arg8[%get3A_1091] {strides = array<i32>} : memref<2048xi32, #tpu.memory_space<vmem>>, vector<16xi32>,
    %get3A_1093 = vector.shape_cast %get3A_1092 : vector<16xi32> to vector<16xi32>
    %and3A_1094 = arith.constant 65535 : i32
    %and3A_1095 = vector.broadcast %and3A_1094 : i32 to vector<16xi32>
    %and3A_1096 = arith.andi %get3A_1093, %and3A_1095 : vector<16xi32>
    %swap3A_1097 = arith.constant 768 : index
    %swap3A_1098 = tpu.vector_load %arg9[%swap3A_1097] {strides = array<i32>} : memref<2048xi32, #tpu.memory_space<vmem>>, vector<16xi32>,
    %swap3A_1099 = vector.shape_cast %swap3A_1098 : vector<16xi32> to vector<16xi32>
    %swap3A_1100 = vector.shape_cast %and3A_1096 : vector<16xi32> to vector<16xi32>
    tpu.vector_store %arg9[%swap3A_1097], %swap3A_1100 {strides = array<i32>} : memref<2048xi32, #tpu.memory_space<vmem>>, vector<16xi32>,
    %shift_right_logical3A_1101 = arith.constant 16 : i32
    %shift_right_logical3A_1102 = vector.broadcast %shift_right_logical3A_1101 : i32 to vector<16xi32>
    %shift_right_logical3A_1103 = arith.shrui %get3A_1093, %shift_right_logical3A_1102 : vector<16xi32>
    %swap3A_1104 = arith.constant 768 : index
    %swap3A_1105 = tpu.vector_load %arg10[%swap3A_1104] {strides = array<i32>} : memref<2048xi32, #tpu.memory_space<vmem>>, vector<16xi32>,
    %swap3A_1106 = vector.shape_cast %swap3A_1105 : vector<16xi32> to vector<16xi32>
    %swap3A_1107 = vector.shape_cast %shift_right_logical3A_1103 : vector<16xi32> to vector<16xi32>
    tpu.vector_store %arg10[%swap3A_1104], %swap3A_1107 {strides = array<i32>} : memref<2048xi32, #tpu.memory_space<vmem>>, vector<16xi32>,
    %get3A_1108 = arith.constant 784 : index
    %get3A_1109 = tpu.vector_load %arg8[%get3A_1108] {strides = array<i32>} : memref<2048xi32, #tpu.memory_space<vmem>>, vector<16xi32>,
    %get3A_1110 = vector.shape_cast %get3A_1109 : vector<16xi32> to vector<16xi32>
    %and3A_1111 = arith.constant 65535 : i32
    %and3A_1112 = vector.broadcast %and3A_1111 : i32 to vector<16xi32>
    %and3A_1113 = arith.andi %get3A_1110, %and3A_1112 : vector<16xi32>
    %swap3A_1114 = arith.constant 784 : index
    %swap3A_1115 = tpu.vector_load %arg9[%swap3A_1114] {strides = array<i32>} : memref<2048xi32, #tpu.memory_space<vmem>>, vector<16xi32>,
    %swap3A_1116 = vector.shape_cast %swap3A_1115 : vector<16xi32> to vector<16xi32>
    %swap3A_1117 = vector.shape_cast %and3A_1113 : vector<16xi32> to vector<16xi32>
    tpu.vector_store %arg9[%swap3A_1114], %swap3A_1117 {strides = array<i32>} : memref<2048xi32, #tpu.memory_space<vmem>>, vector<16xi32>,
    %shift_right_logical3A_1118 = arith.constant 16 : i32
    %shift_right_logical3A_1119 = vector.broadcast %shift_right_logical3A_1118 : i32 to vector<16xi32>
    %shift_right_logical3A_1120 = arith.shrui %get3A_1110, %shift_right_logical3A_1119 : vector<16xi32>
    %swap3A_1121 = arith.constant 784 : index
    %swap3A_1122 = tpu.vector_load %arg10[%swap3A_1121] {strides = array<i32>} : memref<2048xi32, #tpu.memory_space<vmem>>, vector<16xi32>,
    %swap3A_1123 = vector.shape_cast %swap3A_1122 : vector<16xi32> to vector<16xi32>
    %swap3A_1124 = vector.shape_cast %shift_right_logical3A_1120 : vector<16xi32> to vector<16xi32>
    tpu.vector_store %arg10[%swap3A_1121], %swap3A_1124 {strides = array<i32>} : memref<2048xi32, #tpu.memory_space<vmem>>, vector<16xi32>,
    %get3A_1125 = arith.constant 800 : index
    %get3A_1126 = tpu.vector_load %arg8[%get3A_1125] {strides = array<i32>} : memref<2048xi32, #tpu.memory_space<vmem>>, vector<16xi32>,
    %get3A_1127 = vector.shape_cast %get3A_1126 : vector<16xi32> to vector<16xi32>
    %and3A_1128 = arith.constant 65535 : i32
    %and3A_1129 = vector.broadcast %and3A_1128 : i32 to vector<16xi32>
    %and3A_1130 = arith.andi %get3A_1127, %and3A_1129 : vector<16xi32>
    %swap3A_1131 = arith.constant 800 : index
    %swap3A_1132 = tpu.vector_load %arg9[%swap3A_1131] {strides = array<i32>} : memref<2048xi32, #tpu.memory_space<vmem>>, vector<16xi32>,
    %swap3A_1133 = vector.shape_cast %swap3A_1132 : vector<16xi32> to vector<16xi32>
    %swap3A_1134 = vector.shape_cast %and3A_1130 : vector<16xi32> to vector<16xi32>
    tpu.vector_store %arg9[%swap3A_1131], %swap3A_1134 {strides = array<i32>} : memref<2048xi32, #tpu.memory_space<vmem>>, vector<16xi32>,
    %shift_right_logical3A_1135 = arith.constant 16 : i32
    %shift_right_logical3A_1136 = vector.broadcast %shift_right_logical3A_1135 : i32 to vector<16xi32>
    %shift_right_logical3A_1137 = arith.shrui %get3A_1127, %shift_right_logical3A_1136 : vector<16xi32>
    %swap3A_1138 = arith.constant 800 : index
    %swap3A_1139 = tpu.vector_load %arg10[%swap3A_1138] {strides = array<i32>} : memref<2048xi32, #tpu.memory_space<vmem>>, vector<16xi32>,
    %swap3A_1140 = vector.shape_cast %swap3A_1139 : vector<16xi32> to vector<16xi32>
    %swap3A_1141 = vector.shape_cast %shift_right_logical3A_1137 : vector<16xi32> to vector<16xi32>
    tpu.vector_store %arg10[%swap3A_1138], %swap3A_1141 {strides = array<i32>} : memref<2048xi32, #tpu.memory_space<vmem>>, vector<16xi32>,
    %get3A_1142 = arith.constant 816 : index
    %get3A_1143 = tpu.vector_load %arg8[%get3A_1142] {strides = array<i32>} : memref<2048xi32, #tpu.memory_space<vmem>>, vector<16xi32>,
    %get3A_1144 = vector.shape_cast %get3A_1143 : vector<16xi32> to vector<16xi32>
    %and3A_1145 = arith.constant 65535 : i32
    %and3A_1146 = vector.broadcast %and3A_1145 : i32 to vector<16xi32>
    %and3A_1147 = arith.andi %get3A_1144, %and3A_1146 : vector<16xi32>
    %swap3A_1148 = arith.constant 816 : index
    %swap3A_1149 = tpu.vector_load %arg9[%swap3A_1148] {strides = array<i32>} : memref<2048xi32, #tpu.memory_space<vmem>>, vector<16xi32>,
    %swap3A_1150 = vector.shape_cast %swap3A_1149 : vector<16xi32> to vector<16xi32>
    %swap3A_1151 = vector.shape_cast %and3A_1147 : vector<16xi32> to vector<16xi32>
    tpu.vector_store %arg9[%swap3A_1148], %swap3A_1151 {strides = array<i32>} : memref<2048xi32, #tpu.memory_space<vmem>>, vector<16xi32>,
    %shift_right_logical3A_1152 = arith.constant 16 : i32
    %shift_right_logical3A_1153 = vector.broadcast %shift_right_logical3A_1152 : i32 to vector<16xi32>
    %shift_right_logical3A_1154 = arith.shrui %get3A_1144, %shift_right_logical3A_1153 : vector<16xi32>
    %swap3A_1155 = arith.constant 816 : index
    %swap3A_1156 = tpu.vector_load %arg10[%swap3A_1155] {strides = array<i32>} : memref<2048xi32, #tpu.memory_space<vmem>>, vector<16xi32>,
    %swap3A_1157 = vector.shape_cast %swap3A_1156 : vector<16xi32> to vector<16xi32>
    %swap3A_1158 = vector.shape_cast %shift_right_logical3A_1154 : vector<16xi32> to vector<16xi32>
    tpu.vector_store %arg10[%swap3A_1155], %swap3A_1158 {strides = array<i32>} : memref<2048xi32, #tpu.memory_space<vmem>>, vector<16xi32>,
    %get3A_1159 = arith.constant 832 : index
    %get3A_1160 = tpu.vector_load %arg8[%get3A_1159] {strides = array<i32>} : memref<2048xi32, #tpu.memory_space<vmem>>, vector<16xi32>,
    %get3A_1161 = vector.shape_cast %get3A_1160 : vector<16xi32> to vector<16xi32>
    %and3A_1162 = arith.constant 65535 : i32
    %and3A_1163 = vector.broadcast %and3A_1162 : i32 to vector<16xi32>
    %and3A_1164 = arith.andi %get3A_1161, %and3A_1163 : vector<16xi32>
    %swap3A_1165 = arith.constant 832 : index
    %swap3A_1166 = tpu.vector_load %arg9[%swap3A_1165] {strides = array<i32>} : memref<2048xi32, #tpu.memory_space<vmem>>, vector<16xi32>,
    %swap3A_1167 = vector.shape_cast %swap3A_1166 : vector<16xi32> to vector<16xi32>
    %swap3A_1168 = vector.shape_cast %and3A_1164 : vector<16xi32> to vector<16xi32>
    tpu.vector_store %arg9[%swap3A_1165], %swap3A_1168 {strides = array<i32>} : memref<2048xi32, #tpu.memory_space<vmem>>, vector<16xi32>,
    %shift_right_logical3A_1169 = arith.constant 16 : i32
    %shift_right_logical3A_1170 = vector.broadcast %shift_right_logical3A_1169 : i32 to vector<16xi32>
    %shift_right_logical3A_1171 = arith.shrui %get3A_1161, %shift_right_logical3A_1170 : vector<16xi32>
    %swap3A_1172 = arith.constant 832 : index
    %swap3A_1173 = tpu.vector_load %arg10[%swap3A_1172] {strides = array<i32>} : memref<2048xi32, #tpu.memory_space<vmem>>, vector<16xi32>,
    %swap3A_1174 = vector.shape_cast %swap3A_1173 : vector<16xi32> to vector<16xi32>
    %swap3A_1175 = vector.shape_cast %shift_right_logical3A_1171 : vector<16xi32> to vector<16xi32>
    tpu.vector_store %arg10[%swap3A_1172], %swap3A_1175 {strides = array<i32>} : memref<2048xi32, #tpu.memory_space<vmem>>, vector<16xi32>,
    %get3A_1176 = arith.constant 848 : index
    %get3A_1177 = tpu.vector_load %arg8[%get3A_1176] {strides = array<i32>} : memref<2048xi32, #tpu.memory_space<vmem>>, vector<16xi32>,
    %get3A_1178 = vector.shape_cast %get3A_1177 : vector<16xi32> to vector<16xi32>
    %and3A_1179 = arith.constant 65535 : i32
    %and3A_1180 = vector.broadcast %and3A_1179 : i32 to vector<16xi32>
    %and3A_1181 = arith.andi %get3A_1178, %and3A_1180 : vector<16xi32>
    %swap3A_1182 = arith.constant 848 : index
    %swap3A_1183 = tpu.vector_load %arg9[%swap3A_1182] {strides = array<i32>} : memref<2048xi32, #tpu.memory_space<vmem>>, vector<16xi32>,
    %swap3A_1184 = vector.shape_cast %swap3A_1183 : vector<16xi32> to vector<16xi32>
    %swap3A_1185 = vector.shape_cast %and3A_1181 : vector<16xi32> to vector<16xi32>
    tpu.vector_store %arg9[%swap3A_1182], %swap3A_1185 {strides = array<i32>} : memref<2048xi32, #tpu.memory_space<vmem>>, vector<16xi32>,
    %shift_right_logical3A_1186 = arith.constant 16 : i32
    %shift_right_logical3A_1187 = vector.broadcast %shift_right_logical3A_1186 : i32 to vector<16xi32>
    %shift_right_logical3A_1188 = arith.shrui %get3A_1178, %shift_right_logical3A_1187 : vector<16xi32>
    %swap3A_1189 = arith.constant 848 : index
    %swap3A_1190 = tpu.vector_load %arg10[%swap3A_1189] {strides = array<i32>} : memref<2048xi32, #tpu.memory_space<vmem>>, vector<16xi32>,
    %swap3A_1191 = vector.shape_cast %swap3A_1190 : vector<16xi32> to vector<16xi32>
    %swap3A_1192 = vector.shape_cast %shift_right_logical3A_1188 : vector<16xi32> to vector<16xi32>
    tpu.vector_store %arg10[%swap3A_1189], %swap3A_1192 {strides = array<i32>} : memref<2048xi32, #tpu.memory_space<vmem>>, vector<16xi32>,
    %get3A_1193 = arith.constant 864 : index
    %get3A_1194 = tpu.vector_load %arg8[%get3A_1193] {strides = array<i32>} : memref<2048xi32, #tpu.memory_space<vmem>>, vector<16xi32>,
    %get3A_1195 = vector.shape_cast %get3A_1194 : vector<16xi32> to vector<16xi32>
    %and3A_1196 = arith.constant 65535 : i32
    %and3A_1197 = vector.broadcast %and3A_1196 : i32 to vector<16xi32>
    %and3A_1198 = arith.andi %get3A_1195, %and3A_1197 : vector<16xi32>
    %swap3A_1199 = arith.constant 864 : index
    %swap3A_1200 = tpu.vector_load %arg9[%swap3A_1199] {strides = array<i32>} : memref<2048xi32, #tpu.memory_space<vmem>>, vector<16xi32>,
    %swap3A_1201 = vector.shape_cast %swap3A_1200 : vector<16xi32> to vector<16xi32>
    %swap3A_1202 = vector.shape_cast %and3A_1198 : vector<16xi32> to vector<16xi32>
    tpu.vector_store %arg9[%swap3A_1199], %swap3A_1202 {strides = array<i32>} : memref<2048xi32, #tpu.memory_space<vmem>>, vector<16xi32>,
    %shift_right_logical3A_1203 = arith.constant 16 : i32
    %shift_right_logical3A_1204 = vector.broadcast %shift_right_logical3A_1203 : i32 to vector<16xi32>
    %shift_right_logical3A_1205 = arith.shrui %get3A_1195, %shift_right_logical3A_1204 : vector<16xi32>
    %swap3A_1206 = arith.constant 864 : index
    %swap3A_1207 = tpu.vector_load %arg10[%swap3A_1206] {strides = array<i32>} : memref<2048xi32, #tpu.memory_space<vmem>>, vector<16xi32>,
    %swap3A_1208 = vector.shape_cast %swap3A_1207 : vector<16xi32> to vector<16xi32>
    %swap3A_1209 = vector.shape_cast %shift_right_logical3A_1205 : vector<16xi32> to vector<16xi32>
    tpu.vector_store %arg10[%swap3A_1206], %swap3A_1209 {strides = array<i32>} : memref<2048xi32, #tpu.memory_space<vmem>>, vector<16xi32>,
    %get3A_1210 = arith.constant 880 : index
    %get3A_1211 = tpu.vector_load %arg8[%get3A_1210] {strides = array<i32>} : memref<2048xi32, #tpu.memory_space<vmem>>, vector<16xi32>,
    %get3A_1212 = vector.shape_cast %get3A_1211 : vector<16xi32> to vector<16xi32>
    %and3A_1213 = arith.constant 65535 : i32
    %and3A_1214 = vector.broadcast %and3A_1213 : i32 to vector<16xi32>
    %and3A_1215 = arith.andi %get3A_1212, %and3A_1214 : vector<16xi32>
    %swap3A_1216 = arith.constant 880 : index
    %swap3A_1217 = tpu.vector_load %arg9[%swap3A_1216] {strides = array<i32>} : memref<2048xi32, #tpu.memory_space<vmem>>, vector<16xi32>,
    %swap3A_1218 = vector.shape_cast %swap3A_1217 : vector<16xi32> to vector<16xi32>
    %swap3A_1219 = vector.shape_cast %and3A_1215 : vector<16xi32> to vector<16xi32>
    tpu.vector_store %arg9[%swap3A_1216], %swap3A_1219 {strides = array<i32>} : memref<2048xi32, #tpu.memory_space<vmem>>, vector<16xi32>,
    %shift_right_logical3A_1220 = arith.constant 16 : i32
    %shift_right_logical3A_1221 = vector.broadcast %shift_right_logical3A_1220 : i32 to vector<16xi32>
    %shift_right_logical3A_1222 = arith.shrui %get3A_1212, %shift_right_logical3A_1221 : vector<16xi32>
    %swap3A_1223 = arith.constant 880 : index
    %swap3A_1224 = tpu.vector_load %arg10[%swap3A_1223] {strides = array<i32>} : memref<2048xi32, #tpu.memory_space<vmem>>, vector<16xi32>,
    %swap3A_1225 = vector.shape_cast %swap3A_1224 : vector<16xi32> to vector<16xi32>
    %swap3A_1226 = vector.shape_cast %shift_right_logical3A_1222 : vector<16xi32> to vector<16xi32>
    tpu.vector_store %arg10[%swap3A_1223], %swap3A_1226 {strides = array<i32>} : memref<2048xi32, #tpu.memory_space<vmem>>, vector<16xi32>,
    %dma_start3A_1227 = arith.constant 768 : i32
    %dma_start3A_1228 = arith.constant 0 : i32
    %dma_start3A_1229 = tpu.memref_slice %arg11[%dma_start3A_1227, %dma_start3A_1228] : memref<2048x16xf32, #tpu.memory_space<vmem>> -> memref<128x16xf32, #tpu.memory_space<vmem>>
    %dma_start3A_1230 = arith.constant 768 : i32
    %dma_start3A_1231 = tpu.memref_slice %arg9[%dma_start3A_1230] : memref<2048xi32, #tpu.memory_space<vmem>> -> memref<128xi32, #tpu.memory_space<vmem>>
    %dma_start3A_1232 = arith.constant 0 : i32
    %dma_start3A_1233 = arith.constant 0 : i32
    %dma_start3A_1234 = tpu.memref_slice %arg4[%dma_start3A_1232, %dma_start3A_1233] : memref<16384x16xf32, #tpu.memory_space<hbm>> -> memref<16384x16xf32, #tpu.memory_space<hbm>>
    tpu.enqueue_indirect_dma source(%dma_start3A_1234 : memref<16384x16xf32, #tpu.memory_space<hbm>>) target(%dma_start3A_1229 : memref<128x16xf32, #tpu.memory_space<vmem>>) offsets(%dma_start3A_1231 : memref<128xi32, #tpu.memory_space<vmem>>) semaphore(%arg12 : memref<!tpu.dma_semaphore, #tpu.memory_space<semaphore_mem>>)
    %dma_wait3A_1235 = arith.constant 1 : i32
    %dma_wait3A_1236 = arith.constant 896 : i32
    %dma_wait3A_1237 = tpu.memref_slice %arg8[%dma_wait3A_1236] : memref<2048xi32, #tpu.memory_space<vmem>> -> memref<128xi32, #tpu.memory_space<vmem>>
    %dma_wait3A_1238 = arith.constant 384 : i32
    %dma_wait3A_1239 = tpu.memref_slice %arg7[%dma_wait3A_1238] : memref<512xi32, #tpu.memory_space<vmem>> -> memref<128xi32, #tpu.memory_space<vmem>>
    %dma_wait3A_1240 = arith.constant 0 : i32
    %dma_wait3A_1241 = tpu.memref_slice %arg3[%dma_wait3A_1235, %dma_wait3A_1240] : memref<4x1000000xi32, #tpu.memory_space<hbm>> -> memref<1x1000000xi32, #tpu.memory_space<hbm>>
    %dma_wait3A_1242 = tpu.memref_squeeze %dma_wait3A_1241 : memref<1x1000000xi32, #tpu.memory_space<hbm>> -> memref<1000000xi32, #tpu.memory_space<hbm>>
    %dma_wait3A_1243 = arith.constant 0 : i32
    %dma_wait3A_1244 = tpu.memref_slice %dma_wait3A_1242[%dma_wait3A_1243] : memref<1000000xi32, #tpu.memory_space<hbm>> -> memref<1000000xi32, #tpu.memory_space<hbm>>
    tpu.wait_indirect_dma semaphore(%arg12 : memref<!tpu.dma_semaphore, #tpu.memory_space<semaphore_mem>>) src(%dma_wait3A_1244 : memref<1000000xi32, #tpu.memory_space<hbm>>) dst(%dma_wait3A_1237 : memref<128xi32, #tpu.memory_space<vmem>>)
    %get3A_1245 = arith.constant 896 : index
    %get3A_1246 = tpu.vector_load %arg8[%get3A_1245] {strides = array<i32>} : memref<2048xi32, #tpu.memory_space<vmem>>, vector<16xi32>,
    %get3A_1247 = vector.shape_cast %get3A_1246 : vector<16xi32> to vector<16xi32>
    %and3A_1248 = arith.constant 65535 : i32
    %and3A_1249 = vector.broadcast %and3A_1248 : i32 to vector<16xi32>
    %and3A_1250 = arith.andi %get3A_1247, %and3A_1249 : vector<16xi32>
    %swap3A_1251 = arith.constant 896 : index
    %swap3A_1252 = tpu.vector_load %arg9[%swap3A_1251] {strides = array<i32>} : memref<2048xi32, #tpu.memory_space<vmem>>, vector<16xi32>,
    %swap3A_1253 = vector.shape_cast %swap3A_1252 : vector<16xi32> to vector<16xi32>
    %swap3A_1254 = vector.shape_cast %and3A_1250 : vector<16xi32> to vector<16xi32>
    tpu.vector_store %arg9[%swap3A_1251], %swap3A_1254 {strides = array<i32>} : memref<2048xi32, #tpu.memory_space<vmem>>, vector<16xi32>,
    %shift_right_logical3A_1255 = arith.constant 16 : i32
    %shift_right_logical3A_1256 = vector.broadcast %shift_right_logical3A_1255 : i32 to vector<16xi32>
    %shift_right_logical3A_1257 = arith.shrui %get3A_1247, %shift_right_logical3A_1256 : vector<16xi32>
    %swap3A_1258 = arith.constant 896 : index
    %swap3A_1259 = tpu.vector_load %arg10[%swap3A_1258] {strides = array<i32>} : memref<2048xi32, #tpu.memory_space<vmem>>, vector<16xi32>,
    %swap3A_1260 = vector.shape_cast %swap3A_1259 : vector<16xi32> to vector<16xi32>
    %swap3A_1261 = vector.shape_cast %shift_right_logical3A_1257 : vector<16xi32> to vector<16xi32>
    tpu.vector_store %arg10[%swap3A_1258], %swap3A_1261 {strides = array<i32>} : memref<2048xi32, #tpu.memory_space<vmem>>, vector<16xi32>,
    %get3A_1262 = arith.constant 912 : index
    %get3A_1263 = tpu.vector_load %arg8[%get3A_1262] {strides = array<i32>} : memref<2048xi32, #tpu.memory_space<vmem>>, vector<16xi32>,
    %get3A_1264 = vector.shape_cast %get3A_1263 : vector<16xi32> to vector<16xi32>
    %and3A_1265 = arith.constant 65535 : i32
    %and3A_1266 = vector.broadcast %and3A_1265 : i32 to vector<16xi32>
    %and3A_1267 = arith.andi %get3A_1264, %and3A_1266 : vector<16xi32>
    %swap3A_1268 = arith.constant 912 : index
    %swap3A_1269 = tpu.vector_load %arg9[%swap3A_1268] {strides = array<i32>} : memref<2048xi32, #tpu.memory_space<vmem>>, vector<16xi32>,
    %swap3A_1270 = vector.shape_cast %swap3A_1269 : vector<16xi32> to vector<16xi32>
    %swap3A_1271 = vector.shape_cast %and3A_1267 : vector<16xi32> to vector<16xi32>
    tpu.vector_store %arg9[%swap3A_1268], %swap3A_1271 {strides = array<i32>} : memref<2048xi32, #tpu.memory_space<vmem>>, vector<16xi32>,
    %shift_right_logical3A_1272 = arith.constant 16 : i32
    %shift_right_logical3A_1273 = vector.broadcast %shift_right_logical3A_1272 : i32 to vector<16xi32>
    %shift_right_logical3A_1274 = arith.shrui %get3A_1264, %shift_right_logical3A_1273 : vector<16xi32>
    %swap3A_1275 = arith.constant 912 : index
    %swap3A_1276 = tpu.vector_load %arg10[%swap3A_1275] {strides = array<i32>} : memref<2048xi32, #tpu.memory_space<vmem>>, vector<16xi32>,
    %swap3A_1277 = vector.shape_cast %swap3A_1276 : vector<16xi32> to vector<16xi32>
    %swap3A_1278 = vector.shape_cast %shift_right_logical3A_1274 : vector<16xi32> to vector<16xi32>
    tpu.vector_store %arg10[%swap3A_1275], %swap3A_1278 {strides = array<i32>} : memref<2048xi32, #tpu.memory_space<vmem>>, vector<16xi32>,
    %get3A_1279 = arith.constant 928 : index
    %get3A_1280 = tpu.vector_load %arg8[%get3A_1279] {strides = array<i32>} : memref<2048xi32, #tpu.memory_space<vmem>>, vector<16xi32>,
    %get3A_1281 = vector.shape_cast %get3A_1280 : vector<16xi32> to vector<16xi32>
    %and3A_1282 = arith.constant 65535 : i32
    %and3A_1283 = vector.broadcast %and3A_1282 : i32 to vector<16xi32>
    %and3A_1284 = arith.andi %get3A_1281, %and3A_1283 : vector<16xi32>
    %swap3A_1285 = arith.constant 928 : index
    %swap3A_1286 = tpu.vector_load %arg9[%swap3A_1285] {strides = array<i32>} : memref<2048xi32, #tpu.memory_space<vmem>>, vector<16xi32>,
    %swap3A_1287 = vector.shape_cast %swap3A_1286 : vector<16xi32> to vector<16xi32>
    %swap3A_1288 = vector.shape_cast %and3A_1284 : vector<16xi32> to vector<16xi32>
    tpu.vector_store %arg9[%swap3A_1285], %swap3A_1288 {strides = array<i32>} : memref<2048xi32, #tpu.memory_space<vmem>>, vector<16xi32>,
    %shift_right_logical3A_1289 = arith.constant 16 : i32
    %shift_right_logical3A_1290 = vector.broadcast %shift_right_logical3A_1289 : i32 to vector<16xi32>
    %shift_right_logical3A_1291 = arith.shrui %get3A_1281, %shift_right_logical3A_1290 : vector<16xi32>
    %swap3A_1292 = arith.constant 928 : index
    %swap3A_1293 = tpu.vector_load %arg10[%swap3A_1292] {strides = array<i32>} : memref<2048xi32, #tpu.memory_space<vmem>>, vector<16xi32>,
    %swap3A_1294 = vector.shape_cast %swap3A_1293 : vector<16xi32> to vector<16xi32>
    %swap3A_1295 = vector.shape_cast %shift_right_logical3A_1291 : vector<16xi32> to vector<16xi32>
    tpu.vector_store %arg10[%swap3A_1292], %swap3A_1295 {strides = array<i32>} : memref<2048xi32, #tpu.memory_space<vmem>>, vector<16xi32>,
    %get3A_1296 = arith.constant 944 : index
    %get3A_1297 = tpu.vector_load %arg8[%get3A_1296] {strides = array<i32>} : memref<2048xi32, #tpu.memory_space<vmem>>, vector<16xi32>,
    %get3A_1298 = vector.shape_cast %get3A_1297 : vector<16xi32> to vector<16xi32>
    %and3A_1299 = arith.constant 65535 : i32
    %and3A_1300 = vector.broadcast %and3A_1299 : i32 to vector<16xi32>
    %and3A_1301 = arith.andi %get3A_1298, %and3A_1300 : vector<16xi32>
    %swap3A_1302 = arith.constant 944 : index
    %swap3A_1303 = tpu.vector_load %arg9[%swap3A_1302] {strides = array<i32>} : memref<2048xi32, #tpu.memory_space<vmem>>, vector<16xi32>,
    %swap3A_1304 = vector.shape_cast %swap3A_1303 : vector<16xi32> to vector<16xi32>
    %swap3A_1305 = vector.shape_cast %and3A_1301 : vector<16xi32> to vector<16xi32>
    tpu.vector_store %arg9[%swap3A_1302], %swap3A_1305 {strides = array<i32>} : memref<2048xi32, #tpu.memory_space<vmem>>, vector<16xi32>,
    %shift_right_logical3A_1306 = arith.constant 16 : i32
    %shift_right_logical3A_1307 = vector.broadcast %shift_right_logical3A_1306 : i32 to vector<16xi32>
    %shift_right_logical3A_1308 = arith.shrui %get3A_1298, %shift_right_logical3A_1307 : vector<16xi32>
    %swap3A_1309 = arith.constant 944 : index
    %swap3A_1310 = tpu.vector_load %arg10[%swap3A_1309] {strides = array<i32>} : memref<2048xi32, #tpu.memory_space<vmem>>, vector<16xi32>,
    %swap3A_1311 = vector.shape_cast %swap3A_1310 : vector<16xi32> to vector<16xi32>
    %swap3A_1312 = vector.shape_cast %shift_right_logical3A_1308 : vector<16xi32> to vector<16xi32>
    tpu.vector_store %arg10[%swap3A_1309], %swap3A_1312 {strides = array<i32>} : memref<2048xi32, #tpu.memory_space<vmem>>, vector<16xi32>,
    %get3A_1313 = arith.constant 960 : index
    %get3A_1314 = tpu.vector_load %arg8[%get3A_1313] {strides = array<i32>} : memref<2048xi32, #tpu.memory_space<vmem>>, vector<16xi32>,
    %get3A_1315 = vector.shape_cast %get3A_1314 : vector<16xi32> to vector<16xi32>
    %and3A_1316 = arith.constant 65535 : i32
    %and3A_1317 = vector.broadcast %and3A_1316 : i32 to vector<16xi32>
    %and3A_1318 = arith.andi %get3A_1315, %and3A_1317 : vector<16xi32>
    %swap3A_1319 = arith.constant 960 : index
    %swap3A_1320 = tpu.vector_load %arg9[%swap3A_1319] {strides = array<i32>} : memref<2048xi32, #tpu.memory_space<vmem>>, vector<16xi32>,
    %swap3A_1321 = vector.shape_cast %swap3A_1320 : vector<16xi32> to vector<16xi32>
    %swap3A_1322 = vector.shape_cast %and3A_1318 : vector<16xi32> to vector<16xi32>
    tpu.vector_store %arg9[%swap3A_1319], %swap3A_1322 {strides = array<i32>} : memref<2048xi32, #tpu.memory_space<vmem>>, vector<16xi32>,
    %shift_right_logical3A_1323 = arith.constant 16 : i32
    %shift_right_logical3A_1324 = vector.broadcast %shift_right_logical3A_1323 : i32 to vector<16xi32>
    %shift_right_logical3A_1325 = arith.shrui %get3A_1315, %shift_right_logical3A_1324 : vector<16xi32>
    %swap3A_1326 = arith.constant 960 : index
    %swap3A_1327 = tpu.vector_load %arg10[%swap3A_1326] {strides = array<i32>} : memref<2048xi32, #tpu.memory_space<vmem>>, vector<16xi32>,
    %swap3A_1328 = vector.shape_cast %swap3A_1327 : vector<16xi32> to vector<16xi32>
    %swap3A_1329 = vector.shape_cast %shift_right_logical3A_1325 : vector<16xi32> to vector<16xi32>
    tpu.vector_store %arg10[%swap3A_1326], %swap3A_1329 {strides = array<i32>} : memref<2048xi32, #tpu.memory_space<vmem>>, vector<16xi32>,
    %get3A_1330 = arith.constant 976 : index
    %get3A_1331 = tpu.vector_load %arg8[%get3A_1330] {strides = array<i32>} : memref<2048xi32, #tpu.memory_space<vmem>>, vector<16xi32>,
    %get3A_1332 = vector.shape_cast %get3A_1331 : vector<16xi32> to vector<16xi32>
    %and3A_1333 = arith.constant 65535 : i32
    %and3A_1334 = vector.broadcast %and3A_1333 : i32 to vector<16xi32>
    %and3A_1335 = arith.andi %get3A_1332, %and3A_1334 : vector<16xi32>
    %swap3A_1336 = arith.constant 976 : index
    %swap3A_1337 = tpu.vector_load %arg9[%swap3A_1336] {strides = array<i32>} : memref<2048xi32, #tpu.memory_space<vmem>>, vector<16xi32>,
    %swap3A_1338 = vector.shape_cast %swap3A_1337 : vector<16xi32> to vector<16xi32>
    %swap3A_1339 = vector.shape_cast %and3A_1335 : vector<16xi32> to vector<16xi32>
    tpu.vector_store %arg9[%swap3A_1336], %swap3A_1339 {strides = array<i32>} : memref<2048xi32, #tpu.memory_space<vmem>>, vector<16xi32>,
    %shift_right_logical3A_1340 = arith.constant 16 : i32
    %shift_right_logical3A_1341 = vector.broadcast %shift_right_logical3A_1340 : i32 to vector<16xi32>
    %shift_right_logical3A_1342 = arith.shrui %get3A_1332, %shift_right_logical3A_1341 : vector<16xi32>
    %swap3A_1343 = arith.constant 976 : index
    %swap3A_1344 = tpu.vector_load %arg10[%swap3A_1343] {strides = array<i32>} : memref<2048xi32, #tpu.memory_space<vmem>>, vector<16xi32>,
    %swap3A_1345 = vector.shape_cast %swap3A_1344 : vector<16xi32> to vector<16xi32>
    %swap3A_1346 = vector.shape_cast %shift_right_logical3A_1342 : vector<16xi32> to vector<16xi32>
    tpu.vector_store %arg10[%swap3A_1343], %swap3A_1346 {strides = array<i32>} : memref<2048xi32, #tpu.memory_space<vmem>>, vector<16xi32>,
    %get3A_1347 = arith.constant 992 : index
    %get3A_1348 = tpu.vector_load %arg8[%get3A_1347] {strides = array<i32>} : memref<2048xi32, #tpu.memory_space<vmem>>, vector<16xi32>,
    %get3A_1349 = vector.shape_cast %get3A_1348 : vector<16xi32> to vector<16xi32>
    %and3A_1350 = arith.constant 65535 : i32
    %and3A_1351 = vector.broadcast %and3A_1350 : i32 to vector<16xi32>
    %and3A_1352 = arith.andi %get3A_1349, %and3A_1351 : vector<16xi32>
    %swap3A_1353 = arith.constant 992 : index
    %swap3A_1354 = tpu.vector_load %arg9[%swap3A_1353] {strides = array<i32>} : memref<2048xi32, #tpu.memory_space<vmem>>, vector<16xi32>,
    %swap3A_1355 = vector.shape_cast %swap3A_1354 : vector<16xi32> to vector<16xi32>
    %swap3A_1356 = vector.shape_cast %and3A_1352 : vector<16xi32> to vector<16xi32>
    tpu.vector_store %arg9[%swap3A_1353], %swap3A_1356 {strides = array<i32>} : memref<2048xi32, #tpu.memory_space<vmem>>, vector<16xi32>,
    %shift_right_logical3A_1357 = arith.constant 16 : i32
    %shift_right_logical3A_1358 = vector.broadcast %shift_right_logical3A_1357 : i32 to vector<16xi32>
    %shift_right_logical3A_1359 = arith.shrui %get3A_1349, %shift_right_logical3A_1358 : vector<16xi32>
    %swap3A_1360 = arith.constant 992 : index
    %swap3A_1361 = tpu.vector_load %arg10[%swap3A_1360] {strides = array<i32>} : memref<2048xi32, #tpu.memory_space<vmem>>, vector<16xi32>,
    %swap3A_1362 = vector.shape_cast %swap3A_1361 : vector<16xi32> to vector<16xi32>
    %swap3A_1363 = vector.shape_cast %shift_right_logical3A_1359 : vector<16xi32> to vector<16xi32>
    tpu.vector_store %arg10[%swap3A_1360], %swap3A_1363 {strides = array<i32>} : memref<2048xi32, #tpu.memory_space<vmem>>, vector<16xi32>,
    %get3A_1364 = arith.constant 1008 : index
    %get3A_1365 = tpu.vector_load %arg8[%get3A_1364] {strides = array<i32>} : memref<2048xi32, #tpu.memory_space<vmem>>, vector<16xi32>,
    %get3A_1366 = vector.shape_cast %get3A_1365 : vector<16xi32> to vector<16xi32>
    %and3A_1367 = arith.constant 65535 : i32
    %and3A_1368 = vector.broadcast %and3A_1367 : i32 to vector<16xi32>
    %and3A_1369 = arith.andi %get3A_1366, %and3A_1368 : vector<16xi32>
    %swap3A_1370 = arith.constant 1008 : index
    %swap3A_1371 = tpu.vector_load %arg9[%swap3A_1370] {strides = array<i32>} : memref<2048xi32, #tpu.memory_space<vmem>>, vector<16xi32>,
    %swap3A_1372 = vector.shape_cast %swap3A_1371 : vector<16xi32> to vector<16xi32>
    %swap3A_1373 = vector.shape_cast %and3A_1369 : vector<16xi32> to vector<16xi32>
    tpu.vector_store %arg9[%swap3A_1370], %swap3A_1373 {strides = array<i32>} : memref<2048xi32, #tpu.memory_space<vmem>>, vector<16xi32>,
    %shift_right_logical3A_1374 = arith.constant 16 : i32
    %shift_right_logical3A_1375 = vector.broadcast %shift_right_logical3A_1374 : i32 to vector<16xi32>
    %shift_right_logical3A_1376 = arith.shrui %get3A_1366, %shift_right_logical3A_1375 : vector<16xi32>
    %swap3A_1377 = arith.constant 1008 : index
    %swap3A_1378 = tpu.vector_load %arg10[%swap3A_1377] {strides = array<i32>} : memref<2048xi32, #tpu.memory_space<vmem>>, vector<16xi32>,
    %swap3A_1379 = vector.shape_cast %swap3A_1378 : vector<16xi32> to vector<16xi32>
    %swap3A_1380 = vector.shape_cast %shift_right_logical3A_1376 : vector<16xi32> to vector<16xi32>
    tpu.vector_store %arg10[%swap3A_1377], %swap3A_1380 {strides = array<i32>} : memref<2048xi32, #tpu.memory_space<vmem>>, vector<16xi32>,
    %dma_start3A_1381 = arith.constant 896 : i32
    %dma_start3A_1382 = arith.constant 0 : i32
    %dma_start3A_1383 = tpu.memref_slice %arg11[%dma_start3A_1381, %dma_start3A_1382] : memref<2048x16xf32, #tpu.memory_space<vmem>> -> memref<128x16xf32, #tpu.memory_space<vmem>>
    %dma_start3A_1384 = arith.constant 896 : i32
    %dma_start3A_1385 = tpu.memref_slice %arg9[%dma_start3A_1384] : memref<2048xi32, #tpu.memory_space<vmem>> -> memref<128xi32, #tpu.memory_space<vmem>>
    %dma_start3A_1386 = arith.constant 0 : i32
    %dma_start3A_1387 = arith.constant 0 : i32
    %dma_start3A_1388 = tpu.memref_slice %arg4[%dma_start3A_1386, %dma_start3A_1387] : memref<16384x16xf32, #tpu.memory_space<hbm>> -> memref<16384x16xf32, #tpu.memory_space<hbm>>
    tpu.enqueue_indirect_dma source(%dma_start3A_1388 : memref<16384x16xf32, #tpu.memory_space<hbm>>) target(%dma_start3A_1383 : memref<128x16xf32, #tpu.memory_space<vmem>>) offsets(%dma_start3A_1385 : memref<128xi32, #tpu.memory_space<vmem>>) semaphore(%arg12 : memref<!tpu.dma_semaphore, #tpu.memory_space<semaphore_mem>>)
    %dma_wait3A_1389 = arith.constant 2 : i32
    %dma_wait3A_1390 = arith.constant 1024 : i32
    %dma_wait3A_1391 = tpu.memref_slice %arg8[%dma_wait3A_1390] : memref<2048xi32, #tpu.memory_space<vmem>> -> memref<128xi32, #tpu.memory_space<vmem>>
    %dma_wait3A_1392 = arith.constant 0 : i32
    %dma_wait3A_1393 = tpu.memref_slice %arg7[%dma_wait3A_1392] : memref<512xi32, #tpu.memory_space<vmem>> -> memref<128xi32, #tpu.memory_space<vmem>>
    %dma_wait3A_1394 = arith.constant 0 : i32
    %dma_wait3A_1395 = tpu.memref_slice %arg3[%dma_wait3A_1389, %dma_wait3A_1394] : memref<4x1000000xi32, #tpu.memory_space<hbm>> -> memref<1x1000000xi32, #tpu.memory_space<hbm>>
    %dma_wait3A_1396 = tpu.memref_squeeze %dma_wait3A_1395 : memref<1x1000000xi32, #tpu.memory_space<hbm>> -> memref<1000000xi32, #tpu.memory_space<hbm>>
    %dma_wait3A_1397 = arith.constant 0 : i32
    %dma_wait3A_1398 = tpu.memref_slice %dma_wait3A_1396[%dma_wait3A_1397] : memref<1000000xi32, #tpu.memory_space<hbm>> -> memref<1000000xi32, #tpu.memory_space<hbm>>
    tpu.wait_indirect_dma semaphore(%arg12 : memref<!tpu.dma_semaphore, #tpu.memory_space<semaphore_mem>>) src(%dma_wait3A_1398 : memref<1000000xi32, #tpu.memory_space<hbm>>) dst(%dma_wait3A_1391 : memref<128xi32, #tpu.memory_space<vmem>>)
    %get3A_1399 = arith.constant 1024 : index
    %get3A_1400 = tpu.vector_load %arg8[%get3A_1399] {strides = array<i32>} : memref<2048xi32, #tpu.memory_space<vmem>>, vector<16xi32>,
    %get3A_1401 = vector.shape_cast %get3A_1400 : vector<16xi32> to vector<16xi32>
    %and3A_1402 = arith.constant 65535 : i32
    %and3A_1403 = vector.broadcast %and3A_1402 : i32 to vector<16xi32>
    %and3A_1404 = arith.andi %get3A_1401, %and3A_1403 : vector<16xi32>
    %swap3A_1405 = arith.constant 1024 : index
    %swap3A_1406 = tpu.vector_load %arg9[%swap3A_1405] {strides = array<i32>} : memref<2048xi32, #tpu.memory_space<vmem>>, vector<16xi32>,
    %swap3A_1407 = vector.shape_cast %swap3A_1406 : vector<16xi32> to vector<16xi32>
    %swap3A_1408 = vector.shape_cast %and3A_1404 : vector<16xi32> to vector<16xi32>
    tpu.vector_store %arg9[%swap3A_1405], %swap3A_1408 {strides = array<i32>} : memref<2048xi32, #tpu.memory_space<vmem>>, vector<16xi32>,
    %shift_right_logical3A_1409 = arith.constant 16 : i32
    %shift_right_logical3A_1410 = vector.broadcast %shift_right_logical3A_1409 : i32 to vector<16xi32>
    %shift_right_logical3A_1411 = arith.shrui %get3A_1401, %shift_right_logical3A_1410 : vector<16xi32>
    %swap3A_1412 = arith.constant 1024 : index
    %swap3A_1413 = tpu.vector_load %arg10[%swap3A_1412] {strides = array<i32>} : memref<2048xi32, #tpu.memory_space<vmem>>, vector<16xi32>,
    %swap3A_1414 = vector.shape_cast %swap3A_1413 : vector<16xi32> to vector<16xi32>
    %swap3A_1415 = vector.shape_cast %shift_right_logical3A_1411 : vector<16xi32> to vector<16xi32>
    tpu.vector_store %arg10[%swap3A_1412], %swap3A_1415 {strides = array<i32>} : memref<2048xi32, #tpu.memory_space<vmem>>, vector<16xi32>,
    %get3A_1416 = arith.constant 1040 : index
    %get3A_1417 = tpu.vector_load %arg8[%get3A_1416] {strides = array<i32>} : memref<2048xi32, #tpu.memory_space<vmem>>, vector<16xi32>,
    %get3A_1418 = vector.shape_cast %get3A_1417 : vector<16xi32> to vector<16xi32>
    %and3A_1419 = arith.constant 65535 : i32
    %and3A_1420 = vector.broadcast %and3A_1419 : i32 to vector<16xi32>
    %and3A_1421 = arith.andi %get3A_1418, %and3A_1420 : vector<16xi32>
    %swap3A_1422 = arith.constant 1040 : index
    %swap3A_1423 = tpu.vector_load %arg9[%swap3A_1422] {strides = array<i32>} : memref<2048xi32, #tpu.memory_space<vmem>>, vector<16xi32>,
    %swap3A_1424 = vector.shape_cast %swap3A_1423 : vector<16xi32> to vector<16xi32>
    %swap3A_1425 = vector.shape_cast %and3A_1421 : vector<16xi32> to vector<16xi32>
    tpu.vector_store %arg9[%swap3A_1422], %swap3A_1425 {strides = array<i32>} : memref<2048xi32, #tpu.memory_space<vmem>>, vector<16xi32>,
    %shift_right_logical3A_1426 = arith.constant 16 : i32
    %shift_right_logical3A_1427 = vector.broadcast %shift_right_logical3A_1426 : i32 to vector<16xi32>
    %shift_right_logical3A_1428 = arith.shrui %get3A_1418, %shift_right_logical3A_1427 : vector<16xi32>
    %swap3A_1429 = arith.constant 1040 : index
    %swap3A_1430 = tpu.vector_load %arg10[%swap3A_1429] {strides = array<i32>} : memref<2048xi32, #tpu.memory_space<vmem>>, vector<16xi32>,
    %swap3A_1431 = vector.shape_cast %swap3A_1430 : vector<16xi32> to vector<16xi32>
    %swap3A_1432 = vector.shape_cast %shift_right_logical3A_1428 : vector<16xi32> to vector<16xi32>
    tpu.vector_store %arg10[%swap3A_1429], %swap3A_1432 {strides = array<i32>} : memref<2048xi32, #tpu.memory_space<vmem>>, vector<16xi32>,
    %get3A_1433 = arith.constant 1056 : index
    %get3A_1434 = tpu.vector_load %arg8[%get3A_1433] {strides = array<i32>} : memref<2048xi32, #tpu.memory_space<vmem>>, vector<16xi32>,
    %get3A_1435 = vector.shape_cast %get3A_1434 : vector<16xi32> to vector<16xi32>
    %and3A_1436 = arith.constant 65535 : i32
    %and3A_1437 = vector.broadcast %and3A_1436 : i32 to vector<16xi32>
    %and3A_1438 = arith.andi %get3A_1435, %and3A_1437 : vector<16xi32>
    %swap3A_1439 = arith.constant 1056 : index
    %swap3A_1440 = tpu.vector_load %arg9[%swap3A_1439] {strides = array<i32>} : memref<2048xi32, #tpu.memory_space<vmem>>, vector<16xi32>,
    %swap3A_1441 = vector.shape_cast %swap3A_1440 : vector<16xi32> to vector<16xi32>
    %swap3A_1442 = vector.shape_cast %and3A_1438 : vector<16xi32> to vector<16xi32>
    tpu.vector_store %arg9[%swap3A_1439], %swap3A_1442 {strides = array<i32>} : memref<2048xi32, #tpu.memory_space<vmem>>, vector<16xi32>,
    %shift_right_logical3A_1443 = arith.constant 16 : i32
    %shift_right_logical3A_1444 = vector.broadcast %shift_right_logical3A_1443 : i32 to vector<16xi32>
    %shift_right_logical3A_1445 = arith.shrui %get3A_1435, %shift_right_logical3A_1444 : vector<16xi32>
    %swap3A_1446 = arith.constant 1056 : index
    %swap3A_1447 = tpu.vector_load %arg10[%swap3A_1446] {strides = array<i32>} : memref<2048xi32, #tpu.memory_space<vmem>>, vector<16xi32>,
    %swap3A_1448 = vector.shape_cast %swap3A_1447 : vector<16xi32> to vector<16xi32>
    %swap3A_1449 = vector.shape_cast %shift_right_logical3A_1445 : vector<16xi32> to vector<16xi32>
    tpu.vector_store %arg10[%swap3A_1446], %swap3A_1449 {strides = array<i32>} : memref<2048xi32, #tpu.memory_space<vmem>>, vector<16xi32>,
    %get3A_1450 = arith.constant 1072 : index
    %get3A_1451 = tpu.vector_load %arg8[%get3A_1450] {strides = array<i32>} : memref<2048xi32, #tpu.memory_space<vmem>>, vector<16xi32>,
    %get3A_1452 = vector.shape_cast %get3A_1451 : vector<16xi32> to vector<16xi32>
    %and3A_1453 = arith.constant 65535 : i32
    %and3A_1454 = vector.broadcast %and3A_1453 : i32 to vector<16xi32>
    %and3A_1455 = arith.andi %get3A_1452, %and3A_1454 : vector<16xi32>
    %swap3A_1456 = arith.constant 1072 : index
    %swap3A_1457 = tpu.vector_load %arg9[%swap3A_1456] {strides = array<i32>} : memref<2048xi32, #tpu.memory_space<vmem>>, vector<16xi32>,
    %swap3A_1458 = vector.shape_cast %swap3A_1457 : vector<16xi32> to vector<16xi32>
    %swap3A_1459 = vector.shape_cast %and3A_1455 : vector<16xi32> to vector<16xi32>
    tpu.vector_store %arg9[%swap3A_1456], %swap3A_1459 {strides = array<i32>} : memref<2048xi32, #tpu.memory_space<vmem>>, vector<16xi32>,
    %shift_right_logical3A_1460 = arith.constant 16 : i32
    %shift_right_logical3A_1461 = vector.broadcast %shift_right_logical3A_1460 : i32 to vector<16xi32>
    %shift_right_logical3A_1462 = arith.shrui %get3A_1452, %shift_right_logical3A_1461 : vector<16xi32>
    %swap3A_1463 = arith.constant 1072 : index
    %swap3A_1464 = tpu.vector_load %arg10[%swap3A_1463] {strides = array<i32>} : memref<2048xi32, #tpu.memory_space<vmem>>, vector<16xi32>,
    %swap3A_1465 = vector.shape_cast %swap3A_1464 : vector<16xi32> to vector<16xi32>
    %swap3A_1466 = vector.shape_cast %shift_right_logical3A_1462 : vector<16xi32> to vector<16xi32>
    tpu.vector_store %arg10[%swap3A_1463], %swap3A_1466 {strides = array<i32>} : memref<2048xi32, #tpu.memory_space<vmem>>, vector<16xi32>,
    %get3A_1467 = arith.constant 1088 : index
    %get3A_1468 = tpu.vector_load %arg8[%get3A_1467] {strides = array<i32>} : memref<2048xi32, #tpu.memory_space<vmem>>, vector<16xi32>,
    %get3A_1469 = vector.shape_cast %get3A_1468 : vector<16xi32> to vector<16xi32>
    %and3A_1470 = arith.constant 65535 : i32
    %and3A_1471 = vector.broadcast %and3A_1470 : i32 to vector<16xi32>
    %and3A_1472 = arith.andi %get3A_1469, %and3A_1471 : vector<16xi32>
    %swap3A_1473 = arith.constant 1088 : index
    %swap3A_1474 = tpu.vector_load %arg9[%swap3A_1473] {strides = array<i32>} : memref<2048xi32, #tpu.memory_space<vmem>>, vector<16xi32>,
    %swap3A_1475 = vector.shape_cast %swap3A_1474 : vector<16xi32> to vector<16xi32>
    %swap3A_1476 = vector.shape_cast %and3A_1472 : vector<16xi32> to vector<16xi32>
    tpu.vector_store %arg9[%swap3A_1473], %swap3A_1476 {strides = array<i32>} : memref<2048xi32, #tpu.memory_space<vmem>>, vector<16xi32>,
    %shift_right_logical3A_1477 = arith.constant 16 : i32
    %shift_right_logical3A_1478 = vector.broadcast %shift_right_logical3A_1477 : i32 to vector<16xi32>
    %shift_right_logical3A_1479 = arith.shrui %get3A_1469, %shift_right_logical3A_1478 : vector<16xi32>
    %swap3A_1480 = arith.constant 1088 : index
    %swap3A_1481 = tpu.vector_load %arg10[%swap3A_1480] {strides = array<i32>} : memref<2048xi32, #tpu.memory_space<vmem>>, vector<16xi32>,
    %swap3A_1482 = vector.shape_cast %swap3A_1481 : vector<16xi32> to vector<16xi32>
    %swap3A_1483 = vector.shape_cast %shift_right_logical3A_1479 : vector<16xi32> to vector<16xi32>
    tpu.vector_store %arg10[%swap3A_1480], %swap3A_1483 {strides = array<i32>} : memref<2048xi32, #tpu.memory_space<vmem>>, vector<16xi32>,
    %get3A_1484 = arith.constant 1104 : index
    %get3A_1485 = tpu.vector_load %arg8[%get3A_1484] {strides = array<i32>} : memref<2048xi32, #tpu.memory_space<vmem>>, vector<16xi32>,
    %get3A_1486 = vector.shape_cast %get3A_1485 : vector<16xi32> to vector<16xi32>
    %and3A_1487 = arith.constant 65535 : i32
    %and3A_1488 = vector.broadcast %and3A_1487 : i32 to vector<16xi32>
    %and3A_1489 = arith.andi %get3A_1486, %and3A_1488 : vector<16xi32>
    %swap3A_1490 = arith.constant 1104 : index
    %swap3A_1491 = tpu.vector_load %arg9[%swap3A_1490] {strides = array<i32>} : memref<2048xi32, #tpu.memory_space<vmem>>, vector<16xi32>,
    %swap3A_1492 = vector.shape_cast %swap3A_1491 : vector<16xi32> to vector<16xi32>
    %swap3A_1493 = vector.shape_cast %and3A_1489 : vector<16xi32> to vector<16xi32>
    tpu.vector_store %arg9[%swap3A_1490], %swap3A_1493 {strides = array<i32>} : memref<2048xi32, #tpu.memory_space<vmem>>, vector<16xi32>,
    %shift_right_logical3A_1494 = arith.constant 16 : i32
    %shift_right_logical3A_1495 = vector.broadcast %shift_right_logical3A_1494 : i32 to vector<16xi32>
    %shift_right_logical3A_1496 = arith.shrui %get3A_1486, %shift_right_logical3A_1495 : vector<16xi32>
    %swap3A_1497 = arith.constant 1104 : index
    %swap3A_1498 = tpu.vector_load %arg10[%swap3A_1497] {strides = array<i32>} : memref<2048xi32, #tpu.memory_space<vmem>>, vector<16xi32>,
    %swap3A_1499 = vector.shape_cast %swap3A_1498 : vector<16xi32> to vector<16xi32>
    %swap3A_1500 = vector.shape_cast %shift_right_logical3A_1496 : vector<16xi32> to vector<16xi32>
    tpu.vector_store %arg10[%swap3A_1497], %swap3A_1500 {strides = array<i32>} : memref<2048xi32, #tpu.memory_space<vmem>>, vector<16xi32>,
    %get3A_1501 = arith.constant 1120 : index
    %get3A_1502 = tpu.vector_load %arg8[%get3A_1501] {strides = array<i32>} : memref<2048xi32, #tpu.memory_space<vmem>>, vector<16xi32>,
    %get3A_1503 = vector.shape_cast %get3A_1502 : vector<16xi32> to vector<16xi32>
    %and3A_1504 = arith.constant 65535 : i32
    %and3A_1505 = vector.broadcast %and3A_1504 : i32 to vector<16xi32>
    %and3A_1506 = arith.andi %get3A_1503, %and3A_1505 : vector<16xi32>
    %swap3A_1507 = arith.constant 1120 : index
    %swap3A_1508 = tpu.vector_load %arg9[%swap3A_1507] {strides = array<i32>} : memref<2048xi32, #tpu.memory_space<vmem>>, vector<16xi32>,
    %swap3A_1509 = vector.shape_cast %swap3A_1508 : vector<16xi32> to vector<16xi32>
    %swap3A_1510 = vector.shape_cast %and3A_1506 : vector<16xi32> to vector<16xi32>
    tpu.vector_store %arg9[%swap3A_1507], %swap3A_1510 {strides = array<i32>} : memref<2048xi32, #tpu.memory_space<vmem>>, vector<16xi32>,
    %shift_right_logical3A_1511 = arith.constant 16 : i32
    %shift_right_logical3A_1512 = vector.broadcast %shift_right_logical3A_1511 : i32 to vector<16xi32>
    %shift_right_logical3A_1513 = arith.shrui %get3A_1503, %shift_right_logical3A_1512 : vector<16xi32>
    %swap3A_1514 = arith.constant 1120 : index
    %swap3A_1515 = tpu.vector_load %arg10[%swap3A_1514] {strides = array<i32>} : memref<2048xi32, #tpu.memory_space<vmem>>, vector<16xi32>,
    %swap3A_1516 = vector.shape_cast %swap3A_1515 : vector<16xi32> to vector<16xi32>
    %swap3A_1517 = vector.shape_cast %shift_right_logical3A_1513 : vector<16xi32> to vector<16xi32>
    tpu.vector_store %arg10[%swap3A_1514], %swap3A_1517 {strides = array<i32>} : memref<2048xi32, #tpu.memory_space<vmem>>, vector<16xi32>,
    %get3A_1518 = arith.constant 1136 : index
    %get3A_1519 = tpu.vector_load %arg8[%get3A_1518] {strides = array<i32>} : memref<2048xi32, #tpu.memory_space<vmem>>, vector<16xi32>,
    %get3A_1520 = vector.shape_cast %get3A_1519 : vector<16xi32> to vector<16xi32>
    %and3A_1521 = arith.constant 65535 : i32
    %and3A_1522 = vector.broadcast %and3A_1521 : i32 to vector<16xi32>
    %and3A_1523 = arith.andi %get3A_1520, %and3A_1522 : vector<16xi32>
    %swap3A_1524 = arith.constant 1136 : index
    %swap3A_1525 = tpu.vector_load %arg9[%swap3A_1524] {strides = array<i32>} : memref<2048xi32, #tpu.memory_space<vmem>>, vector<16xi32>,
    %swap3A_1526 = vector.shape_cast %swap3A_1525 : vector<16xi32> to vector<16xi32>
    %swap3A_1527 = vector.shape_cast %and3A_1523 : vector<16xi32> to vector<16xi32>
    tpu.vector_store %arg9[%swap3A_1524], %swap3A_1527 {strides = array<i32>} : memref<2048xi32, #tpu.memory_space<vmem>>, vector<16xi32>,
    %shift_right_logical3A_1528 = arith.constant 16 : i32
    %shift_right_logical3A_1529 = vector.broadcast %shift_right_logical3A_1528 : i32 to vector<16xi32>
    %shift_right_logical3A_1530 = arith.shrui %get3A_1520, %shift_right_logical3A_1529 : vector<16xi32>
    %swap3A_1531 = arith.constant 1136 : index
    %swap3A_1532 = tpu.vector_load %arg10[%swap3A_1531] {strides = array<i32>} : memref<2048xi32, #tpu.memory_space<vmem>>, vector<16xi32>,
    %swap3A_1533 = vector.shape_cast %swap3A_1532 : vector<16xi32> to vector<16xi32>
    %swap3A_1534 = vector.shape_cast %shift_right_logical3A_1530 : vector<16xi32> to vector<16xi32>
    tpu.vector_store %arg10[%swap3A_1531], %swap3A_1534 {strides = array<i32>} : memref<2048xi32, #tpu.memory_space<vmem>>, vector<16xi32>,
    %dma_start3A_1535 = arith.constant 1024 : i32
    %dma_start3A_1536 = arith.constant 0 : i32
    %dma_start3A_1537 = tpu.memref_slice %arg11[%dma_start3A_1535, %dma_start3A_1536] : memref<2048x16xf32, #tpu.memory_space<vmem>> -> memref<128x16xf32, #tpu.memory_space<vmem>>
    %dma_start3A_1538 = arith.constant 1024 : i32
    %dma_start3A_1539 = tpu.memref_slice %arg9[%dma_start3A_1538] : memref<2048xi32, #tpu.memory_space<vmem>> -> memref<128xi32, #tpu.memory_space<vmem>>
    %dma_start3A_1540 = arith.constant 0 : i32
    %dma_start3A_1541 = arith.constant 0 : i32
    %dma_start3A_1542 = tpu.memref_slice %arg4[%dma_start3A_1540, %dma_start3A_1541] : memref<16384x16xf32, #tpu.memory_space<hbm>> -> memref<16384x16xf32, #tpu.memory_space<hbm>>
    tpu.enqueue_indirect_dma source(%dma_start3A_1542 : memref<16384x16xf32, #tpu.memory_space<hbm>>) target(%dma_start3A_1537 : memref<128x16xf32, #tpu.memory_space<vmem>>) offsets(%dma_start3A_1539 : memref<128xi32, #tpu.memory_space<vmem>>) semaphore(%arg12 : memref<!tpu.dma_semaphore, #tpu.memory_space<semaphore_mem>>)
    %dma_wait3A_1543 = arith.constant 2 : i32
    %dma_wait3A_1544 = arith.constant 1152 : i32
    %dma_wait3A_1545 = tpu.memref_slice %arg8[%dma_wait3A_1544] : memref<2048xi32, #tpu.memory_space<vmem>> -> memref<128xi32, #tpu.memory_space<vmem>>
    %dma_wait3A_1546 = arith.constant 128 : i32
    %dma_wait3A_1547 = tpu.memref_slice %arg7[%dma_wait3A_1546] : memref<512xi32, #tpu.memory_space<vmem>> -> memref<128xi32, #tpu.memory_space<vmem>>
    %dma_wait3A_1548 = arith.constant 0 : i32
    %dma_wait3A_1549 = tpu.memref_slice %arg3[%dma_wait3A_1543, %dma_wait3A_1548] : memref<4x1000000xi32, #tpu.memory_space<hbm>> -> memref<1x1000000xi32, #tpu.memory_space<hbm>>
    %dma_wait3A_1550 = tpu.memref_squeeze %dma_wait3A_1549 : memref<1x1000000xi32, #tpu.memory_space<hbm>> -> memref<1000000xi32, #tpu.memory_space<hbm>>
    %dma_wait3A_1551 = arith.constant 0 : i32
    %dma_wait3A_1552 = tpu.memref_slice %dma_wait3A_1550[%dma_wait3A_1551] : memref<1000000xi32, #tpu.memory_space<hbm>> -> memref<1000000xi32, #tpu.memory_space<hbm>>
    tpu.wait_indirect_dma semaphore(%arg12 : memref<!tpu.dma_semaphore, #tpu.memory_space<semaphore_mem>>) src(%dma_wait3A_1552 : memref<1000000xi32, #tpu.memory_space<hbm>>) dst(%dma_wait3A_1545 : memref<128xi32, #tpu.memory_space<vmem>>)
    %get3A_1553 = arith.constant 1152 : index
    %get3A_1554 = tpu.vector_load %arg8[%get3A_1553] {strides = array<i32>} : memref<2048xi32, #tpu.memory_space<vmem>>, vector<16xi32>,
    %get3A_1555 = vector.shape_cast %get3A_1554 : vector<16xi32> to vector<16xi32>
    %and3A_1556 = arith.constant 65535 : i32
    %and3A_1557 = vector.broadcast %and3A_1556 : i32 to vector<16xi32>
    %and3A_1558 = arith.andi %get3A_1555, %and3A_1557 : vector<16xi32>
    %swap3A_1559 = arith.constant 1152 : index
    %swap3A_1560 = tpu.vector_load %arg9[%swap3A_1559] {strides = array<i32>} : memref<2048xi32, #tpu.memory_space<vmem>>, vector<16xi32>,
    %swap3A_1561 = vector.shape_cast %swap3A_1560 : vector<16xi32> to vector<16xi32>
    %swap3A_1562 = vector.shape_cast %and3A_1558 : vector<16xi32> to vector<16xi32>
    tpu.vector_store %arg9[%swap3A_1559], %swap3A_1562 {strides = array<i32>} : memref<2048xi32, #tpu.memory_space<vmem>>, vector<16xi32>,
    %shift_right_logical3A_1563 = arith.constant 16 : i32
    %shift_right_logical3A_1564 = vector.broadcast %shift_right_logical3A_1563 : i32 to vector<16xi32>
    %shift_right_logical3A_1565 = arith.shrui %get3A_1555, %shift_right_logical3A_1564 : vector<16xi32>
    %swap3A_1566 = arith.constant 1152 : index
    %swap3A_1567 = tpu.vector_load %arg10[%swap3A_1566] {strides = array<i32>} : memref<2048xi32, #tpu.memory_space<vmem>>, vector<16xi32>,
    %swap3A_1568 = vector.shape_cast %swap3A_1567 : vector<16xi32> to vector<16xi32>
    %swap3A_1569 = vector.shape_cast %shift_right_logical3A_1565 : vector<16xi32> to vector<16xi32>
    tpu.vector_store %arg10[%swap3A_1566], %swap3A_1569 {strides = array<i32>} : memref<2048xi32, #tpu.memory_space<vmem>>, vector<16xi32>,
    %get3A_1570 = arith.constant 1168 : index
    %get3A_1571 = tpu.vector_load %arg8[%get3A_1570] {strides = array<i32>} : memref<2048xi32, #tpu.memory_space<vmem>>, vector<16xi32>,
    %get3A_1572 = vector.shape_cast %get3A_1571 : vector<16xi32> to vector<16xi32>
    %and3A_1573 = arith.constant 65535 : i32
    %and3A_1574 = vector.broadcast %and3A_1573 : i32 to vector<16xi32>
    %and3A_1575 = arith.andi %get3A_1572, %and3A_1574 : vector<16xi32>
    %swap3A_1576 = arith.constant 1168 : index
    %swap3A_1577 = tpu.vector_load %arg9[%swap3A_1576] {strides = array<i32>} : memref<2048xi32, #tpu.memory_space<vmem>>, vector<16xi32>,
    %swap3A_1578 = vector.shape_cast %swap3A_1577 : vector<16xi32> to vector<16xi32>
    %swap3A_1579 = vector.shape_cast %and3A_1575 : vector<16xi32> to vector<16xi32>
    tpu.vector_store %arg9[%swap3A_1576], %swap3A_1579 {strides = array<i32>} : memref<2048xi32, #tpu.memory_space<vmem>>, vector<16xi32>,
    %shift_right_logical3A_1580 = arith.constant 16 : i32
    %shift_right_logical3A_1581 = vector.broadcast %shift_right_logical3A_1580 : i32 to vector<16xi32>
    %shift_right_logical3A_1582 = arith.shrui %get3A_1572, %shift_right_logical3A_1581 : vector<16xi32>
    %swap3A_1583 = arith.constant 1168 : index
    %swap3A_1584 = tpu.vector_load %arg10[%swap3A_1583] {strides = array<i32>} : memref<2048xi32, #tpu.memory_space<vmem>>, vector<16xi32>,
    %swap3A_1585 = vector.shape_cast %swap3A_1584 : vector<16xi32> to vector<16xi32>
    %swap3A_1586 = vector.shape_cast %shift_right_logical3A_1582 : vector<16xi32> to vector<16xi32>
    tpu.vector_store %arg10[%swap3A_1583], %swap3A_1586 {strides = array<i32>} : memref<2048xi32, #tpu.memory_space<vmem>>, vector<16xi32>,
    %get3A_1587 = arith.constant 1184 : index
    %get3A_1588 = tpu.vector_load %arg8[%get3A_1587] {strides = array<i32>} : memref<2048xi32, #tpu.memory_space<vmem>>, vector<16xi32>,
    %get3A_1589 = vector.shape_cast %get3A_1588 : vector<16xi32> to vector<16xi32>
    %and3A_1590 = arith.constant 65535 : i32
    %and3A_1591 = vector.broadcast %and3A_1590 : i32 to vector<16xi32>
    %and3A_1592 = arith.andi %get3A_1589, %and3A_1591 : vector<16xi32>
    %swap3A_1593 = arith.constant 1184 : index
    %swap3A_1594 = tpu.vector_load %arg9[%swap3A_1593] {strides = array<i32>} : memref<2048xi32, #tpu.memory_space<vmem>>, vector<16xi32>,
    %swap3A_1595 = vector.shape_cast %swap3A_1594 : vector<16xi32> to vector<16xi32>
    %swap3A_1596 = vector.shape_cast %and3A_1592 : vector<16xi32> to vector<16xi32>
    tpu.vector_store %arg9[%swap3A_1593], %swap3A_1596 {strides = array<i32>} : memref<2048xi32, #tpu.memory_space<vmem>>, vector<16xi32>,
    %shift_right_logical3A_1597 = arith.constant 16 : i32
    %shift_right_logical3A_1598 = vector.broadcast %shift_right_logical3A_1597 : i32 to vector<16xi32>
    %shift_right_logical3A_1599 = arith.shrui %get3A_1589, %shift_right_logical3A_1598 : vector<16xi32>
    %swap3A_1600 = arith.constant 1184 : index
    %swap3A_1601 = tpu.vector_load %arg10[%swap3A_1600] {strides = array<i32>} : memref<2048xi32, #tpu.memory_space<vmem>>, vector<16xi32>,
    %swap3A_1602 = vector.shape_cast %swap3A_1601 : vector<16xi32> to vector<16xi32>
    %swap3A_1603 = vector.shape_cast %shift_right_logical3A_1599 : vector<16xi32> to vector<16xi32>
    tpu.vector_store %arg10[%swap3A_1600], %swap3A_1603 {strides = array<i32>} : memref<2048xi32, #tpu.memory_space<vmem>>, vector<16xi32>,
    %get3A_1604 = arith.constant 1200 : index
    %get3A_1605 = tpu.vector_load %arg8[%get3A_1604] {strides = array<i32>} : memref<2048xi32, #tpu.memory_space<vmem>>, vector<16xi32>,
    %get3A_1606 = vector.shape_cast %get3A_1605 : vector<16xi32> to vector<16xi32>
    %and3A_1607 = arith.constant 65535 : i32
    %and3A_1608 = vector.broadcast %and3A_1607 : i32 to vector<16xi32>
    %and3A_1609 = arith.andi %get3A_1606, %and3A_1608 : vector<16xi32>
    %swap3A_1610 = arith.constant 1200 : index
    %swap3A_1611 = tpu.vector_load %arg9[%swap3A_1610] {strides = array<i32>} : memref<2048xi32, #tpu.memory_space<vmem>>, vector<16xi32>,
    %swap3A_1612 = vector.shape_cast %swap3A_1611 : vector<16xi32> to vector<16xi32>
    %swap3A_1613 = vector.shape_cast %and3A_1609 : vector<16xi32> to vector<16xi32>
    tpu.vector_store %arg9[%swap3A_1610], %swap3A_1613 {strides = array<i32>} : memref<2048xi32, #tpu.memory_space<vmem>>, vector<16xi32>,
    %shift_right_logical3A_1614 = arith.constant 16 : i32
    %shift_right_logical3A_1615 = vector.broadcast %shift_right_logical3A_1614 : i32 to vector<16xi32>
    %shift_right_logical3A_1616 = arith.shrui %get3A_1606, %shift_right_logical3A_1615 : vector<16xi32>
    %swap3A_1617 = arith.constant 1200 : index
    %swap3A_1618 = tpu.vector_load %arg10[%swap3A_1617] {strides = array<i32>} : memref<2048xi32, #tpu.memory_space<vmem>>, vector<16xi32>,
    %swap3A_1619 = vector.shape_cast %swap3A_1618 : vector<16xi32> to vector<16xi32>
    %swap3A_1620 = vector.shape_cast %shift_right_logical3A_1616 : vector<16xi32> to vector<16xi32>
    tpu.vector_store %arg10[%swap3A_1617], %swap3A_1620 {strides = array<i32>} : memref<2048xi32, #tpu.memory_space<vmem>>, vector<16xi32>,
    %get3A_1621 = arith.constant 1216 : index
    %get3A_1622 = tpu.vector_load %arg8[%get3A_1621] {strides = array<i32>} : memref<2048xi32, #tpu.memory_space<vmem>>, vector<16xi32>,
    %get3A_1623 = vector.shape_cast %get3A_1622 : vector<16xi32> to vector<16xi32>
    %and3A_1624 = arith.constant 65535 : i32
    %and3A_1625 = vector.broadcast %and3A_1624 : i32 to vector<16xi32>
    %and3A_1626 = arith.andi %get3A_1623, %and3A_1625 : vector<16xi32>
    %swap3A_1627 = arith.constant 1216 : index
    %swap3A_1628 = tpu.vector_load %arg9[%swap3A_1627] {strides = array<i32>} : memref<2048xi32, #tpu.memory_space<vmem>>, vector<16xi32>,
    %swap3A_1629 = vector.shape_cast %swap3A_1628 : vector<16xi32> to vector<16xi32>
    %swap3A_1630 = vector.shape_cast %and3A_1626 : vector<16xi32> to vector<16xi32>
    tpu.vector_store %arg9[%swap3A_1627], %swap3A_1630 {strides = array<i32>} : memref<2048xi32, #tpu.memory_space<vmem>>, vector<16xi32>,
    %shift_right_logical3A_1631 = arith.constant 16 : i32
    %shift_right_logical3A_1632 = vector.broadcast %shift_right_logical3A_1631 : i32 to vector<16xi32>
    %shift_right_logical3A_1633 = arith.shrui %get3A_1623, %shift_right_logical3A_1632 : vector<16xi32>
    %swap3A_1634 = arith.constant 1216 : index
    %swap3A_1635 = tpu.vector_load %arg10[%swap3A_1634] {strides = array<i32>} : memref<2048xi32, #tpu.memory_space<vmem>>, vector<16xi32>,
    %swap3A_1636 = vector.shape_cast %swap3A_1635 : vector<16xi32> to vector<16xi32>
    %swap3A_1637 = vector.shape_cast %shift_right_logical3A_1633 : vector<16xi32> to vector<16xi32>
    tpu.vector_store %arg10[%swap3A_1634], %swap3A_1637 {strides = array<i32>} : memref<2048xi32, #tpu.memory_space<vmem>>, vector<16xi32>,
    %get3A_1638 = arith.constant 1232 : index
    %get3A_1639 = tpu.vector_load %arg8[%get3A_1638] {strides = array<i32>} : memref<2048xi32, #tpu.memory_space<vmem>>, vector<16xi32>,
    %get3A_1640 = vector.shape_cast %get3A_1639 : vector<16xi32> to vector<16xi32>
    %and3A_1641 = arith.constant 65535 : i32
    %and3A_1642 = vector.broadcast %and3A_1641 : i32 to vector<16xi32>
    %and3A_1643 = arith.andi %get3A_1640, %and3A_1642 : vector<16xi32>
    %swap3A_1644 = arith.constant 1232 : index
    %swap3A_1645 = tpu.vector_load %arg9[%swap3A_1644] {strides = array<i32>} : memref<2048xi32, #tpu.memory_space<vmem>>, vector<16xi32>,
    %swap3A_1646 = vector.shape_cast %swap3A_1645 : vector<16xi32> to vector<16xi32>
    %swap3A_1647 = vector.shape_cast %and3A_1643 : vector<16xi32> to vector<16xi32>
    tpu.vector_store %arg9[%swap3A_1644], %swap3A_1647 {strides = array<i32>} : memref<2048xi32, #tpu.memory_space<vmem>>, vector<16xi32>,
    %shift_right_logical3A_1648 = arith.constant 16 : i32
    %shift_right_logical3A_1649 = vector.broadcast %shift_right_logical3A_1648 : i32 to vector<16xi32>
    %shift_right_logical3A_1650 = arith.shrui %get3A_1640, %shift_right_logical3A_1649 : vector<16xi32>
    %swap3A_1651 = arith.constant 1232 : index
    %swap3A_1652 = tpu.vector_load %arg10[%swap3A_1651] {strides = array<i32>} : memref<2048xi32, #tpu.memory_space<vmem>>, vector<16xi32>,
    %swap3A_1653 = vector.shape_cast %swap3A_1652 : vector<16xi32> to vector<16xi32>
    %swap3A_1654 = vector.shape_cast %shift_right_logical3A_1650 : vector<16xi32> to vector<16xi32>
    tpu.vector_store %arg10[%swap3A_1651], %swap3A_1654 {strides = array<i32>} : memref<2048xi32, #tpu.memory_space<vmem>>, vector<16xi32>,
    %get3A_1655 = arith.constant 1248 : index
    %get3A_1656 = tpu.vector_load %arg8[%get3A_1655] {strides = array<i32>} : memref<2048xi32, #tpu.memory_space<vmem>>, vector<16xi32>,
    %get3A_1657 = vector.shape_cast %get3A_1656 : vector<16xi32> to vector<16xi32>
    %and3A_1658 = arith.constant 65535 : i32
    %and3A_1659 = vector.broadcast %and3A_1658 : i32 to vector<16xi32>
    %and3A_1660 = arith.andi %get3A_1657, %and3A_1659 : vector<16xi32>
    %swap3A_1661 = arith.constant 1248 : index
    %swap3A_1662 = tpu.vector_load %arg9[%swap3A_1661] {strides = array<i32>} : memref<2048xi32, #tpu.memory_space<vmem>>, vector<16xi32>,
    %swap3A_1663 = vector.shape_cast %swap3A_1662 : vector<16xi32> to vector<16xi32>
    %swap3A_1664 = vector.shape_cast %and3A_1660 : vector<16xi32> to vector<16xi32>
    tpu.vector_store %arg9[%swap3A_1661], %swap3A_1664 {strides = array<i32>} : memref<2048xi32, #tpu.memory_space<vmem>>, vector<16xi32>,
    %shift_right_logical3A_1665 = arith.constant 16 : i32
    %shift_right_logical3A_1666 = vector.broadcast %shift_right_logical3A_1665 : i32 to vector<16xi32>
    %shift_right_logical3A_1667 = arith.shrui %get3A_1657, %shift_right_logical3A_1666 : vector<16xi32>
    %swap3A_1668 = arith.constant 1248 : index
    %swap3A_1669 = tpu.vector_load %arg10[%swap3A_1668] {strides = array<i32>} : memref<2048xi32, #tpu.memory_space<vmem>>, vector<16xi32>,
    %swap3A_1670 = vector.shape_cast %swap3A_1669 : vector<16xi32> to vector<16xi32>
    %swap3A_1671 = vector.shape_cast %shift_right_logical3A_1667 : vector<16xi32> to vector<16xi32>
    tpu.vector_store %arg10[%swap3A_1668], %swap3A_1671 {strides = array<i32>} : memref<2048xi32, #tpu.memory_space<vmem>>, vector<16xi32>,
    %get3A_1672 = arith.constant 1264 : index
    %get3A_1673 = tpu.vector_load %arg8[%get3A_1672] {strides = array<i32>} : memref<2048xi32, #tpu.memory_space<vmem>>, vector<16xi32>,
    %get3A_1674 = vector.shape_cast %get3A_1673 : vector<16xi32> to vector<16xi32>
    %and3A_1675 = arith.constant 65535 : i32
    %and3A_1676 = vector.broadcast %and3A_1675 : i32 to vector<16xi32>
    %and3A_1677 = arith.andi %get3A_1674, %and3A_1676 : vector<16xi32>
    %swap3A_1678 = arith.constant 1264 : index
    %swap3A_1679 = tpu.vector_load %arg9[%swap3A_1678] {strides = array<i32>} : memref<2048xi32, #tpu.memory_space<vmem>>, vector<16xi32>,
    %swap3A_1680 = vector.shape_cast %swap3A_1679 : vector<16xi32> to vector<16xi32>
    %swap3A_1681 = vector.shape_cast %and3A_1677 : vector<16xi32> to vector<16xi32>
    tpu.vector_store %arg9[%swap3A_1678], %swap3A_1681 {strides = array<i32>} : memref<2048xi32, #tpu.memory_space<vmem>>, vector<16xi32>,
    %shift_right_logical3A_1682 = arith.constant 16 : i32
    %shift_right_logical3A_1683 = vector.broadcast %shift_right_logical3A_1682 : i32 to vector<16xi32>
    %shift_right_logical3A_1684 = arith.shrui %get3A_1674, %shift_right_logical3A_1683 : vector<16xi32>
    %swap3A_1685 = arith.constant 1264 : index
    %swap3A_1686 = tpu.vector_load %arg10[%swap3A_1685] {strides = array<i32>} : memref<2048xi32, #tpu.memory_space<vmem>>, vector<16xi32>,
    %swap3A_1687 = vector.shape_cast %swap3A_1686 : vector<16xi32> to vector<16xi32>
    %swap3A_1688 = vector.shape_cast %shift_right_logical3A_1684 : vector<16xi32> to vector<16xi32>
    tpu.vector_store %arg10[%swap3A_1685], %swap3A_1688 {strides = array<i32>} : memref<2048xi32, #tpu.memory_space<vmem>>, vector<16xi32>,
    %dma_start3A_1689 = arith.constant 1152 : i32
    %dma_start3A_1690 = arith.constant 0 : i32
    %dma_start3A_1691 = tpu.memref_slice %arg11[%dma_start3A_1689, %dma_start3A_1690] : memref<2048x16xf32, #tpu.memory_space<vmem>> -> memref<128x16xf32, #tpu.memory_space<vmem>>
    %dma_start3A_1692 = arith.constant 1152 : i32
    %dma_start3A_1693 = tpu.memref_slice %arg9[%dma_start3A_1692] : memref<2048xi32, #tpu.memory_space<vmem>> -> memref<128xi32, #tpu.memory_space<vmem>>
    %dma_start3A_1694 = arith.constant 0 : i32
    %dma_start3A_1695 = arith.constant 0 : i32
    %dma_start3A_1696 = tpu.memref_slice %arg4[%dma_start3A_1694, %dma_start3A_1695] : memref<16384x16xf32, #tpu.memory_space<hbm>> -> memref<16384x16xf32, #tpu.memory_space<hbm>>
    tpu.enqueue_indirect_dma source(%dma_start3A_1696 : memref<16384x16xf32, #tpu.memory_space<hbm>>) target(%dma_start3A_1691 : memref<128x16xf32, #tpu.memory_space<vmem>>) offsets(%dma_start3A_1693 : memref<128xi32, #tpu.memory_space<vmem>>) semaphore(%arg12 : memref<!tpu.dma_semaphore, #tpu.memory_space<semaphore_mem>>)
    %dma_wait3A_1697 = arith.constant 2 : i32
    %dma_wait3A_1698 = arith.constant 1280 : i32
    %dma_wait3A_1699 = tpu.memref_slice %arg8[%dma_wait3A_1698] : memref<2048xi32, #tpu.memory_space<vmem>> -> memref<128xi32, #tpu.memory_space<vmem>>
    %dma_wait3A_1700 = arith.constant 256 : i32
    %dma_wait3A_1701 = tpu.memref_slice %arg7[%dma_wait3A_1700] : memref<512xi32, #tpu.memory_space<vmem>> -> memref<128xi32, #tpu.memory_space<vmem>>
    %dma_wait3A_1702 = arith.constant 0 : i32
    %dma_wait3A_1703 = tpu.memref_slice %arg3[%dma_wait3A_1697, %dma_wait3A_1702] : memref<4x1000000xi32, #tpu.memory_space<hbm>> -> memref<1x1000000xi32, #tpu.memory_space<hbm>>
    %dma_wait3A_1704 = tpu.memref_squeeze %dma_wait3A_1703 : memref<1x1000000xi32, #tpu.memory_space<hbm>> -> memref<1000000xi32, #tpu.memory_space<hbm>>
    %dma_wait3A_1705 = arith.constant 0 : i32
    %dma_wait3A_1706 = tpu.memref_slice %dma_wait3A_1704[%dma_wait3A_1705] : memref<1000000xi32, #tpu.memory_space<hbm>> -> memref<1000000xi32, #tpu.memory_space<hbm>>
    tpu.wait_indirect_dma semaphore(%arg12 : memref<!tpu.dma_semaphore, #tpu.memory_space<semaphore_mem>>) src(%dma_wait3A_1706 : memref<1000000xi32, #tpu.memory_space<hbm>>) dst(%dma_wait3A_1699 : memref<128xi32, #tpu.memory_space<vmem>>)
    %get3A_1707 = arith.constant 1280 : index
    %get3A_1708 = tpu.vector_load %arg8[%get3A_1707] {strides = array<i32>} : memref<2048xi32, #tpu.memory_space<vmem>>, vector<16xi32>,
    %get3A_1709 = vector.shape_cast %get3A_1708 : vector<16xi32> to vector<16xi32>
    %and3A_1710 = arith.constant 65535 : i32
    %and3A_1711 = vector.broadcast %and3A_1710 : i32 to vector<16xi32>
    %and3A_1712 = arith.andi %get3A_1709, %and3A_1711 : vector<16xi32>
    %swap3A_1713 = arith.constant 1280 : index
    %swap3A_1714 = tpu.vector_load %arg9[%swap3A_1713] {strides = array<i32>} : memref<2048xi32, #tpu.memory_space<vmem>>, vector<16xi32>,
    %swap3A_1715 = vector.shape_cast %swap3A_1714 : vector<16xi32> to vector<16xi32>
    %swap3A_1716 = vector.shape_cast %and3A_1712 : vector<16xi32> to vector<16xi32>
    tpu.vector_store %arg9[%swap3A_1713], %swap3A_1716 {strides = array<i32>} : memref<2048xi32, #tpu.memory_space<vmem>>, vector<16xi32>,
    %shift_right_logical3A_1717 = arith.constant 16 : i32
    %shift_right_logical3A_1718 = vector.broadcast %shift_right_logical3A_1717 : i32 to vector<16xi32>
    %shift_right_logical3A_1719 = arith.shrui %get3A_1709, %shift_right_logical3A_1718 : vector<16xi32>
    %swap3A_1720 = arith.constant 1280 : index
    %swap3A_1721 = tpu.vector_load %arg10[%swap3A_1720] {strides = array<i32>} : memref<2048xi32, #tpu.memory_space<vmem>>, vector<16xi32>,
    %swap3A_1722 = vector.shape_cast %swap3A_1721 : vector<16xi32> to vector<16xi32>
    %swap3A_1723 = vector.shape_cast %shift_right_logical3A_1719 : vector<16xi32> to vector<16xi32>
    tpu.vector_store %arg10[%swap3A_1720], %swap3A_1723 {strides = array<i32>} : memref<2048xi32, #tpu.memory_space<vmem>>, vector<16xi32>,
    %get3A_1724 = arith.constant 1296 : index
    %get3A_1725 = tpu.vector_load %arg8[%get3A_1724] {strides = array<i32>} : memref<2048xi32, #tpu.memory_space<vmem>>, vector<16xi32>,
    %get3A_1726 = vector.shape_cast %get3A_1725 : vector<16xi32> to vector<16xi32>
    %and3A_1727 = arith.constant 65535 : i32
    %and3A_1728 = vector.broadcast %and3A_1727 : i32 to vector<16xi32>
    %and3A_1729 = arith.andi %get3A_1726, %and3A_1728 : vector<16xi32>
    %swap3A_1730 = arith.constant 1296 : index
    %swap3A_1731 = tpu.vector_load %arg9[%swap3A_1730] {strides = array<i32>} : memref<2048xi32, #tpu.memory_space<vmem>>, vector<16xi32>,
    %swap3A_1732 = vector.shape_cast %swap3A_1731 : vector<16xi32> to vector<16xi32>
    %swap3A_1733 = vector.shape_cast %and3A_1729 : vector<16xi32> to vector<16xi32>
    tpu.vector_store %arg9[%swap3A_1730], %swap3A_1733 {strides = array<i32>} : memref<2048xi32, #tpu.memory_space<vmem>>, vector<16xi32>,
    %shift_right_logical3A_1734 = arith.constant 16 : i32
    %shift_right_logical3A_1735 = vector.broadcast %shift_right_logical3A_1734 : i32 to vector<16xi32>
    %shift_right_logical3A_1736 = arith.shrui %get3A_1726, %shift_right_logical3A_1735 : vector<16xi32>
    %swap3A_1737 = arith.constant 1296 : index
    %swap3A_1738 = tpu.vector_load %arg10[%swap3A_1737] {strides = array<i32>} : memref<2048xi32, #tpu.memory_space<vmem>>, vector<16xi32>,
    %swap3A_1739 = vector.shape_cast %swap3A_1738 : vector<16xi32> to vector<16xi32>
    %swap3A_1740 = vector.shape_cast %shift_right_logical3A_1736 : vector<16xi32> to vector<16xi32>
    tpu.vector_store %arg10[%swap3A_1737], %swap3A_1740 {strides = array<i32>} : memref<2048xi32, #tpu.memory_space<vmem>>, vector<16xi32>,
    %get3A_1741 = arith.constant 1312 : index
    %get3A_1742 = tpu.vector_load %arg8[%get3A_1741] {strides = array<i32>} : memref<2048xi32, #tpu.memory_space<vmem>>, vector<16xi32>,
    %get3A_1743 = vector.shape_cast %get3A_1742 : vector<16xi32> to vector<16xi32>
    %and3A_1744 = arith.constant 65535 : i32
    %and3A_1745 = vector.broadcast %and3A_1744 : i32 to vector<16xi32>
    %and3A_1746 = arith.andi %get3A_1743, %and3A_1745 : vector<16xi32>
    %swap3A_1747 = arith.constant 1312 : index
    %swap3A_1748 = tpu.vector_load %arg9[%swap3A_1747] {strides = array<i32>} : memref<2048xi32, #tpu.memory_space<vmem>>, vector<16xi32>,
    %swap3A_1749 = vector.shape_cast %swap3A_1748 : vector<16xi32> to vector<16xi32>
    %swap3A_1750 = vector.shape_cast %and3A_1746 : vector<16xi32> to vector<16xi32>
    tpu.vector_store %arg9[%swap3A_1747], %swap3A_1750 {strides = array<i32>} : memref<2048xi32, #tpu.memory_space<vmem>>, vector<16xi32>,
    %shift_right_logical3A_1751 = arith.constant 16 : i32
    %shift_right_logical3A_1752 = vector.broadcast %shift_right_logical3A_1751 : i32 to vector<16xi32>
    %shift_right_logical3A_1753 = arith.shrui %get3A_1743, %shift_right_logical3A_1752 : vector<16xi32>
    %swap3A_1754 = arith.constant 1312 : index
    %swap3A_1755 = tpu.vector_load %arg10[%swap3A_1754] {strides = array<i32>} : memref<2048xi32, #tpu.memory_space<vmem>>, vector<16xi32>,
    %swap3A_1756 = vector.shape_cast %swap3A_1755 : vector<16xi32> to vector<16xi32>
    %swap3A_1757 = vector.shape_cast %shift_right_logical3A_1753 : vector<16xi32> to vector<16xi32>
    tpu.vector_store %arg10[%swap3A_1754], %swap3A_1757 {strides = array<i32>} : memref<2048xi32, #tpu.memory_space<vmem>>, vector<16xi32>,
    %get3A_1758 = arith.constant 1328 : index
    %get3A_1759 = tpu.vector_load %arg8[%get3A_1758] {strides = array<i32>} : memref<2048xi32, #tpu.memory_space<vmem>>, vector<16xi32>,
    %get3A_1760 = vector.shape_cast %get3A_1759 : vector<16xi32> to vector<16xi32>
    %and3A_1761 = arith.constant 65535 : i32
    %and3A_1762 = vector.broadcast %and3A_1761 : i32 to vector<16xi32>
    %and3A_1763 = arith.andi %get3A_1760, %and3A_1762 : vector<16xi32>
    %swap3A_1764 = arith.constant 1328 : index
    %swap3A_1765 = tpu.vector_load %arg9[%swap3A_1764] {strides = array<i32>} : memref<2048xi32, #tpu.memory_space<vmem>>, vector<16xi32>,
    %swap3A_1766 = vector.shape_cast %swap3A_1765 : vector<16xi32> to vector<16xi32>
    %swap3A_1767 = vector.shape_cast %and3A_1763 : vector<16xi32> to vector<16xi32>
    tpu.vector_store %arg9[%swap3A_1764], %swap3A_1767 {strides = array<i32>} : memref<2048xi32, #tpu.memory_space<vmem>>, vector<16xi32>,
    %shift_right_logical3A_1768 = arith.constant 16 : i32
    %shift_right_logical3A_1769 = vector.broadcast %shift_right_logical3A_1768 : i32 to vector<16xi32>
    %shift_right_logical3A_1770 = arith.shrui %get3A_1760, %shift_right_logical3A_1769 : vector<16xi32>
    %swap3A_1771 = arith.constant 1328 : index
    %swap3A_1772 = tpu.vector_load %arg10[%swap3A_1771] {strides = array<i32>} : memref<2048xi32, #tpu.memory_space<vmem>>, vector<16xi32>,
    %swap3A_1773 = vector.shape_cast %swap3A_1772 : vector<16xi32> to vector<16xi32>
    %swap3A_1774 = vector.shape_cast %shift_right_logical3A_1770 : vector<16xi32> to vector<16xi32>
    tpu.vector_store %arg10[%swap3A_1771], %swap3A_1774 {strides = array<i32>} : memref<2048xi32, #tpu.memory_space<vmem>>, vector<16xi32>,
    %get3A_1775 = arith.constant 1344 : index
    %get3A_1776 = tpu.vector_load %arg8[%get3A_1775] {strides = array<i32>} : memref<2048xi32, #tpu.memory_space<vmem>>, vector<16xi32>,
    %get3A_1777 = vector.shape_cast %get3A_1776 : vector<16xi32> to vector<16xi32>
    %and3A_1778 = arith.constant 65535 : i32
    %and3A_1779 = vector.broadcast %and3A_1778 : i32 to vector<16xi32>
    %and3A_1780 = arith.andi %get3A_1777, %and3A_1779 : vector<16xi32>
    %swap3A_1781 = arith.constant 1344 : index
    %swap3A_1782 = tpu.vector_load %arg9[%swap3A_1781] {strides = array<i32>} : memref<2048xi32, #tpu.memory_space<vmem>>, vector<16xi32>,
    %swap3A_1783 = vector.shape_cast %swap3A_1782 : vector<16xi32> to vector<16xi32>
    %swap3A_1784 = vector.shape_cast %and3A_1780 : vector<16xi32> to vector<16xi32>
    tpu.vector_store %arg9[%swap3A_1781], %swap3A_1784 {strides = array<i32>} : memref<2048xi32, #tpu.memory_space<vmem>>, vector<16xi32>,
    %shift_right_logical3A_1785 = arith.constant 16 : i32
    %shift_right_logical3A_1786 = vector.broadcast %shift_right_logical3A_1785 : i32 to vector<16xi32>
    %shift_right_logical3A_1787 = arith.shrui %get3A_1777, %shift_right_logical3A_1786 : vector<16xi32>
    %swap3A_1788 = arith.constant 1344 : index
    %swap3A_1789 = tpu.vector_load %arg10[%swap3A_1788] {strides = array<i32>} : memref<2048xi32, #tpu.memory_space<vmem>>, vector<16xi32>,
    %swap3A_1790 = vector.shape_cast %swap3A_1789 : vector<16xi32> to vector<16xi32>
    %swap3A_1791 = vector.shape_cast %shift_right_logical3A_1787 : vector<16xi32> to vector<16xi32>
    tpu.vector_store %arg10[%swap3A_1788], %swap3A_1791 {strides = array<i32>} : memref<2048xi32, #tpu.memory_space<vmem>>, vector<16xi32>,
    %get3A_1792 = arith.constant 1360 : index
    %get3A_1793 = tpu.vector_load %arg8[%get3A_1792] {strides = array<i32>} : memref<2048xi32, #tpu.memory_space<vmem>>, vector<16xi32>,
    %get3A_1794 = vector.shape_cast %get3A_1793 : vector<16xi32> to vector<16xi32>
    %and3A_1795 = arith.constant 65535 : i32
    %and3A_1796 = vector.broadcast %and3A_1795 : i32 to vector<16xi32>
    %and3A_1797 = arith.andi %get3A_1794, %and3A_1796 : vector<16xi32>
    %swap3A_1798 = arith.constant 1360 : index
    %swap3A_1799 = tpu.vector_load %arg9[%swap3A_1798] {strides = array<i32>} : memref<2048xi32, #tpu.memory_space<vmem>>, vector<16xi32>,
    %swap3A_1800 = vector.shape_cast %swap3A_1799 : vector<16xi32> to vector<16xi32>
    %swap3A_1801 = vector.shape_cast %and3A_1797 : vector<16xi32> to vector<16xi32>
    tpu.vector_store %arg9[%swap3A_1798], %swap3A_1801 {strides = array<i32>} : memref<2048xi32, #tpu.memory_space<vmem>>, vector<16xi32>,
    %shift_right_logical3A_1802 = arith.constant 16 : i32
    %shift_right_logical3A_1803 = vector.broadcast %shift_right_logical3A_1802 : i32 to vector<16xi32>
    %shift_right_logical3A_1804 = arith.shrui %get3A_1794, %shift_right_logical3A_1803 : vector<16xi32>
    %swap3A_1805 = arith.constant 1360 : index
    %swap3A_1806 = tpu.vector_load %arg10[%swap3A_1805] {strides = array<i32>} : memref<2048xi32, #tpu.memory_space<vmem>>, vector<16xi32>,
    %swap3A_1807 = vector.shape_cast %swap3A_1806 : vector<16xi32> to vector<16xi32>
    %swap3A_1808 = vector.shape_cast %shift_right_logical3A_1804 : vector<16xi32> to vector<16xi32>
    tpu.vector_store %arg10[%swap3A_1805], %swap3A_1808 {strides = array<i32>} : memref<2048xi32, #tpu.memory_space<vmem>>, vector<16xi32>,
    %get3A_1809 = arith.constant 1376 : index
    %get3A_1810 = tpu.vector_load %arg8[%get3A_1809] {strides = array<i32>} : memref<2048xi32, #tpu.memory_space<vmem>>, vector<16xi32>,
    %get3A_1811 = vector.shape_cast %get3A_1810 : vector<16xi32> to vector<16xi32>
    %and3A_1812 = arith.constant 65535 : i32
    %and3A_1813 = vector.broadcast %and3A_1812 : i32 to vector<16xi32>
    %and3A_1814 = arith.andi %get3A_1811, %and3A_1813 : vector<16xi32>
    %swap3A_1815 = arith.constant 1376 : index
    %swap3A_1816 = tpu.vector_load %arg9[%swap3A_1815] {strides = array<i32>} : memref<2048xi32, #tpu.memory_space<vmem>>, vector<16xi32>,
    %swap3A_1817 = vector.shape_cast %swap3A_1816 : vector<16xi32> to vector<16xi32>
    %swap3A_1818 = vector.shape_cast %and3A_1814 : vector<16xi32> to vector<16xi32>
    tpu.vector_store %arg9[%swap3A_1815], %swap3A_1818 {strides = array<i32>} : memref<2048xi32, #tpu.memory_space<vmem>>, vector<16xi32>,
    %shift_right_logical3A_1819 = arith.constant 16 : i32
    %shift_right_logical3A_1820 = vector.broadcast %shift_right_logical3A_1819 : i32 to vector<16xi32>
    %shift_right_logical3A_1821 = arith.shrui %get3A_1811, %shift_right_logical3A_1820 : vector<16xi32>
    %swap3A_1822 = arith.constant 1376 : index
    %swap3A_1823 = tpu.vector_load %arg10[%swap3A_1822] {strides = array<i32>} : memref<2048xi32, #tpu.memory_space<vmem>>, vector<16xi32>,
    %swap3A_1824 = vector.shape_cast %swap3A_1823 : vector<16xi32> to vector<16xi32>
    %swap3A_1825 = vector.shape_cast %shift_right_logical3A_1821 : vector<16xi32> to vector<16xi32>
    tpu.vector_store %arg10[%swap3A_1822], %swap3A_1825 {strides = array<i32>} : memref<2048xi32, #tpu.memory_space<vmem>>, vector<16xi32>,
    %get3A_1826 = arith.constant 1392 : index
    %get3A_1827 = tpu.vector_load %arg8[%get3A_1826] {strides = array<i32>} : memref<2048xi32, #tpu.memory_space<vmem>>, vector<16xi32>,
    %get3A_1828 = vector.shape_cast %get3A_1827 : vector<16xi32> to vector<16xi32>
    %and3A_1829 = arith.constant 65535 : i32
    %and3A_1830 = vector.broadcast %and3A_1829 : i32 to vector<16xi32>
    %and3A_1831 = arith.andi %get3A_1828, %and3A_1830 : vector<16xi32>
    %swap3A_1832 = arith.constant 1392 : index
    %swap3A_1833 = tpu.vector_load %arg9[%swap3A_1832] {strides = array<i32>} : memref<2048xi32, #tpu.memory_space<vmem>>, vector<16xi32>,
    %swap3A_1834 = vector.shape_cast %swap3A_1833 : vector<16xi32> to vector<16xi32>
    %swap3A_1835 = vector.shape_cast %and3A_1831 : vector<16xi32> to vector<16xi32>
    tpu.vector_store %arg9[%swap3A_1832], %swap3A_1835 {strides = array<i32>} : memref<2048xi32, #tpu.memory_space<vmem>>, vector<16xi32>,
    %shift_right_logical3A_1836 = arith.constant 16 : i32
    %shift_right_logical3A_1837 = vector.broadcast %shift_right_logical3A_1836 : i32 to vector<16xi32>
    %shift_right_logical3A_1838 = arith.shrui %get3A_1828, %shift_right_logical3A_1837 : vector<16xi32>
    %swap3A_1839 = arith.constant 1392 : index
    %swap3A_1840 = tpu.vector_load %arg10[%swap3A_1839] {strides = array<i32>} : memref<2048xi32, #tpu.memory_space<vmem>>, vector<16xi32>,
    %swap3A_1841 = vector.shape_cast %swap3A_1840 : vector<16xi32> to vector<16xi32>
    %swap3A_1842 = vector.shape_cast %shift_right_logical3A_1838 : vector<16xi32> to vector<16xi32>
    tpu.vector_store %arg10[%swap3A_1839], %swap3A_1842 {strides = array<i32>} : memref<2048xi32, #tpu.memory_space<vmem>>, vector<16xi32>,
    %dma_start3A_1843 = arith.constant 1280 : i32
    %dma_start3A_1844 = arith.constant 0 : i32
    %dma_start3A_1845 = tpu.memref_slice %arg11[%dma_start3A_1843, %dma_start3A_1844] : memref<2048x16xf32, #tpu.memory_space<vmem>> -> memref<128x16xf32, #tpu.memory_space<vmem>>
    %dma_start3A_1846 = arith.constant 1280 : i32
    %dma_start3A_1847 = tpu.memref_slice %arg9[%dma_start3A_1846] : memref<2048xi32, #tpu.memory_space<vmem>> -> memref<128xi32, #tpu.memory_space<vmem>>
    %dma_start3A_1848 = arith.constant 0 : i32
    %dma_start3A_1849 = arith.constant 0 : i32
    %dma_start3A_1850 = tpu.memref_slice %arg4[%dma_start3A_1848, %dma_start3A_1849] : memref<16384x16xf32, #tpu.memory_space<hbm>> -> memref<16384x16xf32, #tpu.memory_space<hbm>>
    tpu.enqueue_indirect_dma source(%dma_start3A_1850 : memref<16384x16xf32, #tpu.memory_space<hbm>>) target(%dma_start3A_1845 : memref<128x16xf32, #tpu.memory_space<vmem>>) offsets(%dma_start3A_1847 : memref<128xi32, #tpu.memory_space<vmem>>) semaphore(%arg12 : memref<!tpu.dma_semaphore, #tpu.memory_space<semaphore_mem>>)
    %dma_wait3A_1851 = arith.constant 2 : i32
    %dma_wait3A_1852 = arith.constant 1408 : i32
    %dma_wait3A_1853 = tpu.memref_slice %arg8[%dma_wait3A_1852] : memref<2048xi32, #tpu.memory_space<vmem>> -> memref<128xi32, #tpu.memory_space<vmem>>
    %dma_wait3A_1854 = arith.constant 384 : i32
    %dma_wait3A_1855 = tpu.memref_slice %arg7[%dma_wait3A_1854] : memref<512xi32, #tpu.memory_space<vmem>> -> memref<128xi32, #tpu.memory_space<vmem>>
    %dma_wait3A_1856 = arith.constant 0 : i32
    %dma_wait3A_1857 = tpu.memref_slice %arg3[%dma_wait3A_1851, %dma_wait3A_1856] : memref<4x1000000xi32, #tpu.memory_space<hbm>> -> memref<1x1000000xi32, #tpu.memory_space<hbm>>
    %dma_wait3A_1858 = tpu.memref_squeeze %dma_wait3A_1857 : memref<1x1000000xi32, #tpu.memory_space<hbm>> -> memref<1000000xi32, #tpu.memory_space<hbm>>
    %dma_wait3A_1859 = arith.constant 0 : i32
    %dma_wait3A_1860 = tpu.memref_slice %dma_wait3A_1858[%dma_wait3A_1859] : memref<1000000xi32, #tpu.memory_space<hbm>> -> memref<1000000xi32, #tpu.memory_space<hbm>>
    tpu.wait_indirect_dma semaphore(%arg12 : memref<!tpu.dma_semaphore, #tpu.memory_space<semaphore_mem>>) src(%dma_wait3A_1860 : memref<1000000xi32, #tpu.memory_space<hbm>>) dst(%dma_wait3A_1853 : memref<128xi32, #tpu.memory_space<vmem>>)
    %get3A_1861 = arith.constant 1408 : index
    %get3A_1862 = tpu.vector_load %arg8[%get3A_1861] {strides = array<i32>} : memref<2048xi32, #tpu.memory_space<vmem>>, vector<16xi32>,
    %get3A_1863 = vector.shape_cast %get3A_1862 : vector<16xi32> to vector<16xi32>
    %and3A_1864 = arith.constant 65535 : i32
    %and3A_1865 = vector.broadcast %and3A_1864 : i32 to vector<16xi32>
    %and3A_1866 = arith.andi %get3A_1863, %and3A_1865 : vector<16xi32>
    %swap3A_1867 = arith.constant 1408 : index
    %swap3A_1868 = tpu.vector_load %arg9[%swap3A_1867] {strides = array<i32>} : memref<2048xi32, #tpu.memory_space<vmem>>, vector<16xi32>,
    %swap3A_1869 = vector.shape_cast %swap3A_1868 : vector<16xi32> to vector<16xi32>
    %swap3A_1870 = vector.shape_cast %and3A_1866 : vector<16xi32> to vector<16xi32>
    tpu.vector_store %arg9[%swap3A_1867], %swap3A_1870 {strides = array<i32>} : memref<2048xi32, #tpu.memory_space<vmem>>, vector<16xi32>,
    %shift_right_logical3A_1871 = arith.constant 16 : i32
    %shift_right_logical3A_1872 = vector.broadcast %shift_right_logical3A_1871 : i32 to vector<16xi32>
    %shift_right_logical3A_1873 = arith.shrui %get3A_1863, %shift_right_logical3A_1872 : vector<16xi32>
    %swap3A_1874 = arith.constant 1408 : index
    %swap3A_1875 = tpu.vector_load %arg10[%swap3A_1874] {strides = array<i32>} : memref<2048xi32, #tpu.memory_space<vmem>>, vector<16xi32>,
    %swap3A_1876 = vector.shape_cast %swap3A_1875 : vector<16xi32> to vector<16xi32>
    %swap3A_1877 = vector.shape_cast %shift_right_logical3A_1873 : vector<16xi32> to vector<16xi32>
    tpu.vector_store %arg10[%swap3A_1874], %swap3A_1877 {strides = array<i32>} : memref<2048xi32, #tpu.memory_space<vmem>>, vector<16xi32>,
    %get3A_1878 = arith.constant 1424 : index
    %get3A_1879 = tpu.vector_load %arg8[%get3A_1878] {strides = array<i32>} : memref<2048xi32, #tpu.memory_space<vmem>>, vector<16xi32>,
    %get3A_1880 = vector.shape_cast %get3A_1879 : vector<16xi32> to vector<16xi32>
    %and3A_1881 = arith.constant 65535 : i32
    %and3A_1882 = vector.broadcast %and3A_1881 : i32 to vector<16xi32>
    %and3A_1883 = arith.andi %get3A_1880, %and3A_1882 : vector<16xi32>
    %swap3A_1884 = arith.constant 1424 : index
    %swap3A_1885 = tpu.vector_load %arg9[%swap3A_1884] {strides = array<i32>} : memref<2048xi32, #tpu.memory_space<vmem>>, vector<16xi32>,
    %swap3A_1886 = vector.shape_cast %swap3A_1885 : vector<16xi32> to vector<16xi32>
    %swap3A_1887 = vector.shape_cast %and3A_1883 : vector<16xi32> to vector<16xi32>
    tpu.vector_store %arg9[%swap3A_1884], %swap3A_1887 {strides = array<i32>} : memref<2048xi32, #tpu.memory_space<vmem>>, vector<16xi32>,
    %shift_right_logical3A_1888 = arith.constant 16 : i32
    %shift_right_logical3A_1889 = vector.broadcast %shift_right_logical3A_1888 : i32 to vector<16xi32>
    %shift_right_logical3A_1890 = arith.shrui %get3A_1880, %shift_right_logical3A_1889 : vector<16xi32>
    %swap3A_1891 = arith.constant 1424 : index
    %swap3A_1892 = tpu.vector_load %arg10[%swap3A_1891] {strides = array<i32>} : memref<2048xi32, #tpu.memory_space<vmem>>, vector<16xi32>,
    %swap3A_1893 = vector.shape_cast %swap3A_1892 : vector<16xi32> to vector<16xi32>
    %swap3A_1894 = vector.shape_cast %shift_right_logical3A_1890 : vector<16xi32> to vector<16xi32>
    tpu.vector_store %arg10[%swap3A_1891], %swap3A_1894 {strides = array<i32>} : memref<2048xi32, #tpu.memory_space<vmem>>, vector<16xi32>,
    %get3A_1895 = arith.constant 1440 : index
    %get3A_1896 = tpu.vector_load %arg8[%get3A_1895] {strides = array<i32>} : memref<2048xi32, #tpu.memory_space<vmem>>, vector<16xi32>,
    %get3A_1897 = vector.shape_cast %get3A_1896 : vector<16xi32> to vector<16xi32>
    %and3A_1898 = arith.constant 65535 : i32
    %and3A_1899 = vector.broadcast %and3A_1898 : i32 to vector<16xi32>
    %and3A_1900 = arith.andi %get3A_1897, %and3A_1899 : vector<16xi32>
    %swap3A_1901 = arith.constant 1440 : index
    %swap3A_1902 = tpu.vector_load %arg9[%swap3A_1901] {strides = array<i32>} : memref<2048xi32, #tpu.memory_space<vmem>>, vector<16xi32>,
    %swap3A_1903 = vector.shape_cast %swap3A_1902 : vector<16xi32> to vector<16xi32>
    %swap3A_1904 = vector.shape_cast %and3A_1900 : vector<16xi32> to vector<16xi32>
    tpu.vector_store %arg9[%swap3A_1901], %swap3A_1904 {strides = array<i32>} : memref<2048xi32, #tpu.memory_space<vmem>>, vector<16xi32>,
    %shift_right_logical3A_1905 = arith.constant 16 : i32
    %shift_right_logical3A_1906 = vector.broadcast %shift_right_logical3A_1905 : i32 to vector<16xi32>
    %shift_right_logical3A_1907 = arith.shrui %get3A_1897, %shift_right_logical3A_1906 : vector<16xi32>
    %swap3A_1908 = arith.constant 1440 : index
    %swap3A_1909 = tpu.vector_load %arg10[%swap3A_1908] {strides = array<i32>} : memref<2048xi32, #tpu.memory_space<vmem>>, vector<16xi32>,
    %swap3A_1910 = vector.shape_cast %swap3A_1909 : vector<16xi32> to vector<16xi32>
    %swap3A_1911 = vector.shape_cast %shift_right_logical3A_1907 : vector<16xi32> to vector<16xi32>
    tpu.vector_store %arg10[%swap3A_1908], %swap3A_1911 {strides = array<i32>} : memref<2048xi32, #tpu.memory_space<vmem>>, vector<16xi32>,
    %get3A_1912 = arith.constant 1456 : index
    %get3A_1913 = tpu.vector_load %arg8[%get3A_1912] {strides = array<i32>} : memref<2048xi32, #tpu.memory_space<vmem>>, vector<16xi32>,
    %get3A_1914 = vector.shape_cast %get3A_1913 : vector<16xi32> to vector<16xi32>
    %and3A_1915 = arith.constant 65535 : i32
    %and3A_1916 = vector.broadcast %and3A_1915 : i32 to vector<16xi32>
    %and3A_1917 = arith.andi %get3A_1914, %and3A_1916 : vector<16xi32>
    %swap3A_1918 = arith.constant 1456 : index
    %swap3A_1919 = tpu.vector_load %arg9[%swap3A_1918] {strides = array<i32>} : memref<2048xi32, #tpu.memory_space<vmem>>, vector<16xi32>,
    %swap3A_1920 = vector.shape_cast %swap3A_1919 : vector<16xi32> to vector<16xi32>
    %swap3A_1921 = vector.shape_cast %and3A_1917 : vector<16xi32> to vector<16xi32>
    tpu.vector_store %arg9[%swap3A_1918], %swap3A_1921 {strides = array<i32>} : memref<2048xi32, #tpu.memory_space<vmem>>, vector<16xi32>,
    %shift_right_logical3A_1922 = arith.constant 16 : i32
    %shift_right_logical3A_1923 = vector.broadcast %shift_right_logical3A_1922 : i32 to vector<16xi32>
    %shift_right_logical3A_1924 = arith.shrui %get3A_1914, %shift_right_logical3A_1923 : vector<16xi32>
    %swap3A_1925 = arith.constant 1456 : index
    %swap3A_1926 = tpu.vector_load %arg10[%swap3A_1925] {strides = array<i32>} : memref<2048xi32, #tpu.memory_space<vmem>>, vector<16xi32>,
    %swap3A_1927 = vector.shape_cast %swap3A_1926 : vector<16xi32> to vector<16xi32>
    %swap3A_1928 = vector.shape_cast %shift_right_logical3A_1924 : vector<16xi32> to vector<16xi32>
    tpu.vector_store %arg10[%swap3A_1925], %swap3A_1928 {strides = array<i32>} : memref<2048xi32, #tpu.memory_space<vmem>>, vector<16xi32>,
    %get3A_1929 = arith.constant 1472 : index
    %get3A_1930 = tpu.vector_load %arg8[%get3A_1929] {strides = array<i32>} : memref<2048xi32, #tpu.memory_space<vmem>>, vector<16xi32>,
    %get3A_1931 = vector.shape_cast %get3A_1930 : vector<16xi32> to vector<16xi32>
    %and3A_1932 = arith.constant 65535 : i32
    %and3A_1933 = vector.broadcast %and3A_1932 : i32 to vector<16xi32>
    %and3A_1934 = arith.andi %get3A_1931, %and3A_1933 : vector<16xi32>
    %swap3A_1935 = arith.constant 1472 : index
    %swap3A_1936 = tpu.vector_load %arg9[%swap3A_1935] {strides = array<i32>} : memref<2048xi32, #tpu.memory_space<vmem>>, vector<16xi32>,
    %swap3A_1937 = vector.shape_cast %swap3A_1936 : vector<16xi32> to vector<16xi32>
    %swap3A_1938 = vector.shape_cast %and3A_1934 : vector<16xi32> to vector<16xi32>
    tpu.vector_store %arg9[%swap3A_1935], %swap3A_1938 {strides = array<i32>} : memref<2048xi32, #tpu.memory_space<vmem>>, vector<16xi32>,
    %shift_right_logical3A_1939 = arith.constant 16 : i32
    %shift_right_logical3A_1940 = vector.broadcast %shift_right_logical3A_1939 : i32 to vector<16xi32>
    %shift_right_logical3A_1941 = arith.shrui %get3A_1931, %shift_right_logical3A_1940 : vector<16xi32>
    %swap3A_1942 = arith.constant 1472 : index
    %swap3A_1943 = tpu.vector_load %arg10[%swap3A_1942] {strides = array<i32>} : memref<2048xi32, #tpu.memory_space<vmem>>, vector<16xi32>,
    %swap3A_1944 = vector.shape_cast %swap3A_1943 : vector<16xi32> to vector<16xi32>
    %swap3A_1945 = vector.shape_cast %shift_right_logical3A_1941 : vector<16xi32> to vector<16xi32>
    tpu.vector_store %arg10[%swap3A_1942], %swap3A_1945 {strides = array<i32>} : memref<2048xi32, #tpu.memory_space<vmem>>, vector<16xi32>,
    %get3A_1946 = arith.constant 1488 : index
    %get3A_1947 = tpu.vector_load %arg8[%get3A_1946] {strides = array<i32>} : memref<2048xi32, #tpu.memory_space<vmem>>, vector<16xi32>,
    %get3A_1948 = vector.shape_cast %get3A_1947 : vector<16xi32> to vector<16xi32>
    %and3A_1949 = arith.constant 65535 : i32
    %and3A_1950 = vector.broadcast %and3A_1949 : i32 to vector<16xi32>
    %and3A_1951 = arith.andi %get3A_1948, %and3A_1950 : vector<16xi32>
    %swap3A_1952 = arith.constant 1488 : index
    %swap3A_1953 = tpu.vector_load %arg9[%swap3A_1952] {strides = array<i32>} : memref<2048xi32, #tpu.memory_space<vmem>>, vector<16xi32>,
    %swap3A_1954 = vector.shape_cast %swap3A_1953 : vector<16xi32> to vector<16xi32>
    %swap3A_1955 = vector.shape_cast %and3A_1951 : vector<16xi32> to vector<16xi32>
    tpu.vector_store %arg9[%swap3A_1952], %swap3A_1955 {strides = array<i32>} : memref<2048xi32, #tpu.memory_space<vmem>>, vector<16xi32>,
    %shift_right_logical3A_1956 = arith.constant 16 : i32
    %shift_right_logical3A_1957 = vector.broadcast %shift_right_logical3A_1956 : i32 to vector<16xi32>
    %shift_right_logical3A_1958 = arith.shrui %get3A_1948, %shift_right_logical3A_1957 : vector<16xi32>
    %swap3A_1959 = arith.constant 1488 : index
    %swap3A_1960 = tpu.vector_load %arg10[%swap3A_1959] {strides = array<i32>} : memref<2048xi32, #tpu.memory_space<vmem>>, vector<16xi32>,
    %swap3A_1961 = vector.shape_cast %swap3A_1960 : vector<16xi32> to vector<16xi32>
    %swap3A_1962 = vector.shape_cast %shift_right_logical3A_1958 : vector<16xi32> to vector<16xi32>
    tpu.vector_store %arg10[%swap3A_1959], %swap3A_1962 {strides = array<i32>} : memref<2048xi32, #tpu.memory_space<vmem>>, vector<16xi32>,
    %get3A_1963 = arith.constant 1504 : index
    %get3A_1964 = tpu.vector_load %arg8[%get3A_1963] {strides = array<i32>} : memref<2048xi32, #tpu.memory_space<vmem>>, vector<16xi32>,
    %get3A_1965 = vector.shape_cast %get3A_1964 : vector<16xi32> to vector<16xi32>
    %and3A_1966 = arith.constant 65535 : i32
    %and3A_1967 = vector.broadcast %and3A_1966 : i32 to vector<16xi32>
    %and3A_1968 = arith.andi %get3A_1965, %and3A_1967 : vector<16xi32>
    %swap3A_1969 = arith.constant 1504 : index
    %swap3A_1970 = tpu.vector_load %arg9[%swap3A_1969] {strides = array<i32>} : memref<2048xi32, #tpu.memory_space<vmem>>, vector<16xi32>,
    %swap3A_1971 = vector.shape_cast %swap3A_1970 : vector<16xi32> to vector<16xi32>
    %swap3A_1972 = vector.shape_cast %and3A_1968 : vector<16xi32> to vector<16xi32>
    tpu.vector_store %arg9[%swap3A_1969], %swap3A_1972 {strides = array<i32>} : memref<2048xi32, #tpu.memory_space<vmem>>, vector<16xi32>,
    %shift_right_logical3A_1973 = arith.constant 16 : i32
    %shift_right_logical3A_1974 = vector.broadcast %shift_right_logical3A_1973 : i32 to vector<16xi32>
    %shift_right_logical3A_1975 = arith.shrui %get3A_1965, %shift_right_logical3A_1974 : vector<16xi32>
    %swap3A_1976 = arith.constant 1504 : index
    %swap3A_1977 = tpu.vector_load %arg10[%swap3A_1976] {strides = array<i32>} : memref<2048xi32, #tpu.memory_space<vmem>>, vector<16xi32>,
    %swap3A_1978 = vector.shape_cast %swap3A_1977 : vector<16xi32> to vector<16xi32>
    %swap3A_1979 = vector.shape_cast %shift_right_logical3A_1975 : vector<16xi32> to vector<16xi32>
    tpu.vector_store %arg10[%swap3A_1976], %swap3A_1979 {strides = array<i32>} : memref<2048xi32, #tpu.memory_space<vmem>>, vector<16xi32>,
    %get3A_1980 = arith.constant 1520 : index
    %get3A_1981 = tpu.vector_load %arg8[%get3A_1980] {strides = array<i32>} : memref<2048xi32, #tpu.memory_space<vmem>>, vector<16xi32>,
    %get3A_1982 = vector.shape_cast %get3A_1981 : vector<16xi32> to vector<16xi32>
    %and3A_1983 = arith.constant 65535 : i32
    %and3A_1984 = vector.broadcast %and3A_1983 : i32 to vector<16xi32>
    %and3A_1985 = arith.andi %get3A_1982, %and3A_1984 : vector<16xi32>
    %swap3A_1986 = arith.constant 1520 : index
    %swap3A_1987 = tpu.vector_load %arg9[%swap3A_1986] {strides = array<i32>} : memref<2048xi32, #tpu.memory_space<vmem>>, vector<16xi32>,
    %swap3A_1988 = vector.shape_cast %swap3A_1987 : vector<16xi32> to vector<16xi32>
    %swap3A_1989 = vector.shape_cast %and3A_1985 : vector<16xi32> to vector<16xi32>
    tpu.vector_store %arg9[%swap3A_1986], %swap3A_1989 {strides = array<i32>} : memref<2048xi32, #tpu.memory_space<vmem>>, vector<16xi32>,
    %shift_right_logical3A_1990 = arith.constant 16 : i32
    %shift_right_logical3A_1991 = vector.broadcast %shift_right_logical3A_1990 : i32 to vector<16xi32>
    %shift_right_logical3A_1992 = arith.shrui %get3A_1982, %shift_right_logical3A_1991 : vector<16xi32>
    %swap3A_1993 = arith.constant 1520 : index
    %swap3A_1994 = tpu.vector_load %arg10[%swap3A_1993] {strides = array<i32>} : memref<2048xi32, #tpu.memory_space<vmem>>, vector<16xi32>,
    %swap3A_1995 = vector.shape_cast %swap3A_1994 : vector<16xi32> to vector<16xi32>
    %swap3A_1996 = vector.shape_cast %shift_right_logical3A_1992 : vector<16xi32> to vector<16xi32>
    tpu.vector_store %arg10[%swap3A_1993], %swap3A_1996 {strides = array<i32>} : memref<2048xi32, #tpu.memory_space<vmem>>, vector<16xi32>,
    %dma_start3A_1997 = arith.constant 1408 : i32
    %dma_start3A_1998 = arith.constant 0 : i32
    %dma_start3A_1999 = tpu.memref_slice %arg11[%dma_start3A_1997, %dma_start3A_1998] : memref<2048x16xf32, #tpu.memory_space<vmem>> -> memref<128x16xf32, #tpu.memory_space<vmem>>
    %dma_start3A_2000 = arith.constant 1408 : i32
    %dma_start3A_2001 = tpu.memref_slice %arg9[%dma_start3A_2000] : memref<2048xi32, #tpu.memory_space<vmem>> -> memref<128xi32, #tpu.memory_space<vmem>>
    %dma_start3A_2002 = arith.constant 0 : i32
    %dma_start3A_2003 = arith.constant 0 : i32
    %dma_start3A_2004 = tpu.memref_slice %arg4[%dma_start3A_2002, %dma_start3A_2003] : memref<16384x16xf32, #tpu.memory_space<hbm>> -> memref<16384x16xf32, #tpu.memory_space<hbm>>
    tpu.enqueue_indirect_dma source(%dma_start3A_2004 : memref<16384x16xf32, #tpu.memory_space<hbm>>) target(%dma_start3A_1999 : memref<128x16xf32, #tpu.memory_space<vmem>>) offsets(%dma_start3A_2001 : memref<128xi32, #tpu.memory_space<vmem>>) semaphore(%arg12 : memref<!tpu.dma_semaphore, #tpu.memory_space<semaphore_mem>>)
    %dma_wait3A_2005 = arith.constant 3 : i32
    %dma_wait3A_2006 = arith.constant 1536 : i32
    %dma_wait3A_2007 = tpu.memref_slice %arg8[%dma_wait3A_2006] : memref<2048xi32, #tpu.memory_space<vmem>> -> memref<128xi32, #tpu.memory_space<vmem>>
    %dma_wait3A_2008 = arith.constant 0 : i32
    %dma_wait3A_2009 = tpu.memref_slice %arg7[%dma_wait3A_2008] : memref<512xi32, #tpu.memory_space<vmem>> -> memref<128xi32, #tpu.memory_space<vmem>>
    %dma_wait3A_2010 = arith.constant 0 : i32
    %dma_wait3A_2011 = tpu.memref_slice %arg3[%dma_wait3A_2005, %dma_wait3A_2010] : memref<4x1000000xi32, #tpu.memory_space<hbm>> -> memref<1x1000000xi32, #tpu.memory_space<hbm>>
    %dma_wait3A_2012 = tpu.memref_squeeze %dma_wait3A_2011 : memref<1x1000000xi32, #tpu.memory_space<hbm>> -> memref<1000000xi32, #tpu.memory_space<hbm>>
    %dma_wait3A_2013 = arith.constant 0 : i32
    %dma_wait3A_2014 = tpu.memref_slice %dma_wait3A_2012[%dma_wait3A_2013] : memref<1000000xi32, #tpu.memory_space<hbm>> -> memref<1000000xi32, #tpu.memory_space<hbm>>
    tpu.wait_indirect_dma semaphore(%arg12 : memref<!tpu.dma_semaphore, #tpu.memory_space<semaphore_mem>>) src(%dma_wait3A_2014 : memref<1000000xi32, #tpu.memory_space<hbm>>) dst(%dma_wait3A_2007 : memref<128xi32, #tpu.memory_space<vmem>>)
    %get3A_2015 = arith.constant 1536 : index
    %get3A_2016 = tpu.vector_load %arg8[%get3A_2015] {strides = array<i32>} : memref<2048xi32, #tpu.memory_space<vmem>>, vector<16xi32>,
    %get3A_2017 = vector.shape_cast %get3A_2016 : vector<16xi32> to vector<16xi32>
    %and3A_2018 = arith.constant 65535 : i32
    %and3A_2019 = vector.broadcast %and3A_2018 : i32 to vector<16xi32>
    %and3A_2020 = arith.andi %get3A_2017, %and3A_2019 : vector<16xi32>
    %swap3A_2021 = arith.constant 1536 : index
    %swap3A_2022 = tpu.vector_load %arg9[%swap3A_2021] {strides = array<i32>} : memref<2048xi32, #tpu.memory_space<vmem>>, vector<16xi32>,
    %swap3A_2023 = vector.shape_cast %swap3A_2022 : vector<16xi32> to vector<16xi32>
    %swap3A_2024 = vector.shape_cast %and3A_2020 : vector<16xi32> to vector<16xi32>
    tpu.vector_store %arg9[%swap3A_2021], %swap3A_2024 {strides = array<i32>} : memref<2048xi32, #tpu.memory_space<vmem>>, vector<16xi32>,
    %shift_right_logical3A_2025 = arith.constant 16 : i32
    %shift_right_logical3A_2026 = vector.broadcast %shift_right_logical3A_2025 : i32 to vector<16xi32>
    %shift_right_logical3A_2027 = arith.shrui %get3A_2017, %shift_right_logical3A_2026 : vector<16xi32>
    %swap3A_2028 = arith.constant 1536 : index
    %swap3A_2029 = tpu.vector_load %arg10[%swap3A_2028] {strides = array<i32>} : memref<2048xi32, #tpu.memory_space<vmem>>, vector<16xi32>,
    %swap3A_2030 = vector.shape_cast %swap3A_2029 : vector<16xi32> to vector<16xi32>
    %swap3A_2031 = vector.shape_cast %shift_right_logical3A_2027 : vector<16xi32> to vector<16xi32>
    tpu.vector_store %arg10[%swap3A_2028], %swap3A_2031 {strides = array<i32>} : memref<2048xi32, #tpu.memory_space<vmem>>, vector<16xi32>,
    %get3A_2032 = arith.constant 1552 : index
    %get3A_2033 = tpu.vector_load %arg8[%get3A_2032] {strides = array<i32>} : memref<2048xi32, #tpu.memory_space<vmem>>, vector<16xi32>,
    %get3A_2034 = vector.shape_cast %get3A_2033 : vector<16xi32> to vector<16xi32>
    %and3A_2035 = arith.constant 65535 : i32
    %and3A_2036 = vector.broadcast %and3A_2035 : i32 to vector<16xi32>
    %and3A_2037 = arith.andi %get3A_2034, %and3A_2036 : vector<16xi32>
    %swap3A_2038 = arith.constant 1552 : index
    %swap3A_2039 = tpu.vector_load %arg9[%swap3A_2038] {strides = array<i32>} : memref<2048xi32, #tpu.memory_space<vmem>>, vector<16xi32>,
    %swap3A_2040 = vector.shape_cast %swap3A_2039 : vector<16xi32> to vector<16xi32>
    %swap3A_2041 = vector.shape_cast %and3A_2037 : vector<16xi32> to vector<16xi32>
    tpu.vector_store %arg9[%swap3A_2038], %swap3A_2041 {strides = array<i32>} : memref<2048xi32, #tpu.memory_space<vmem>>, vector<16xi32>,
    %shift_right_logical3A_2042 = arith.constant 16 : i32
    %shift_right_logical3A_2043 = vector.broadcast %shift_right_logical3A_2042 : i32 to vector<16xi32>
    %shift_right_logical3A_2044 = arith.shrui %get3A_2034, %shift_right_logical3A_2043 : vector<16xi32>
    %swap3A_2045 = arith.constant 1552 : index
    %swap3A_2046 = tpu.vector_load %arg10[%swap3A_2045] {strides = array<i32>} : memref<2048xi32, #tpu.memory_space<vmem>>, vector<16xi32>,
    %swap3A_2047 = vector.shape_cast %swap3A_2046 : vector<16xi32> to vector<16xi32>
    %swap3A_2048 = vector.shape_cast %shift_right_logical3A_2044 : vector<16xi32> to vector<16xi32>
    tpu.vector_store %arg10[%swap3A_2045], %swap3A_2048 {strides = array<i32>} : memref<2048xi32, #tpu.memory_space<vmem>>, vector<16xi32>,
    %get3A_2049 = arith.constant 1568 : index
    %get3A_2050 = tpu.vector_load %arg8[%get3A_2049] {strides = array<i32>} : memref<2048xi32, #tpu.memory_space<vmem>>, vector<16xi32>,
    %get3A_2051 = vector.shape_cast %get3A_2050 : vector<16xi32> to vector<16xi32>
    %and3A_2052 = arith.constant 65535 : i32
    %and3A_2053 = vector.broadcast %and3A_2052 : i32 to vector<16xi32>
    %and3A_2054 = arith.andi %get3A_2051, %and3A_2053 : vector<16xi32>
    %swap3A_2055 = arith.constant 1568 : index
    %swap3A_2056 = tpu.vector_load %arg9[%swap3A_2055] {strides = array<i32>} : memref<2048xi32, #tpu.memory_space<vmem>>, vector<16xi32>,
    %swap3A_2057 = vector.shape_cast %swap3A_2056 : vector<16xi32> to vector<16xi32>
    %swap3A_2058 = vector.shape_cast %and3A_2054 : vector<16xi32> to vector<16xi32>
    tpu.vector_store %arg9[%swap3A_2055], %swap3A_2058 {strides = array<i32>} : memref<2048xi32, #tpu.memory_space<vmem>>, vector<16xi32>,
    %shift_right_logical3A_2059 = arith.constant 16 : i32
    %shift_right_logical3A_2060 = vector.broadcast %shift_right_logical3A_2059 : i32 to vector<16xi32>
    %shift_right_logical3A_2061 = arith.shrui %get3A_2051, %shift_right_logical3A_2060 : vector<16xi32>
    %swap3A_2062 = arith.constant 1568 : index
    %swap3A_2063 = tpu.vector_load %arg10[%swap3A_2062] {strides = array<i32>} : memref<2048xi32, #tpu.memory_space<vmem>>, vector<16xi32>,
    %swap3A_2064 = vector.shape_cast %swap3A_2063 : vector<16xi32> to vector<16xi32>
    %swap3A_2065 = vector.shape_cast %shift_right_logical3A_2061 : vector<16xi32> to vector<16xi32>
    tpu.vector_store %arg10[%swap3A_2062], %swap3A_2065 {strides = array<i32>} : memref<2048xi32, #tpu.memory_space<vmem>>, vector<16xi32>,
    %get3A_2066 = arith.constant 1584 : index
    %get3A_2067 = tpu.vector_load %arg8[%get3A_2066] {strides = array<i32>} : memref<2048xi32, #tpu.memory_space<vmem>>, vector<16xi32>,
    %get3A_2068 = vector.shape_cast %get3A_2067 : vector<16xi32> to vector<16xi32>
    %and3A_2069 = arith.constant 65535 : i32
    %and3A_2070 = vector.broadcast %and3A_2069 : i32 to vector<16xi32>
    %and3A_2071 = arith.andi %get3A_2068, %and3A_2070 : vector<16xi32>
    %swap3A_2072 = arith.constant 1584 : index
    %swap3A_2073 = tpu.vector_load %arg9[%swap3A_2072] {strides = array<i32>} : memref<2048xi32, #tpu.memory_space<vmem>>, vector<16xi32>,
    %swap3A_2074 = vector.shape_cast %swap3A_2073 : vector<16xi32> to vector<16xi32>
    %swap3A_2075 = vector.shape_cast %and3A_2071 : vector<16xi32> to vector<16xi32>
    tpu.vector_store %arg9[%swap3A_2072], %swap3A_2075 {strides = array<i32>} : memref<2048xi32, #tpu.memory_space<vmem>>, vector<16xi32>,
    %shift_right_logical3A_2076 = arith.constant 16 : i32
    %shift_right_logical3A_2077 = vector.broadcast %shift_right_logical3A_2076 : i32 to vector<16xi32>
    %shift_right_logical3A_2078 = arith.shrui %get3A_2068, %shift_right_logical3A_2077 : vector<16xi32>
    %swap3A_2079 = arith.constant 1584 : index
    %swap3A_2080 = tpu.vector_load %arg10[%swap3A_2079] {strides = array<i32>} : memref<2048xi32, #tpu.memory_space<vmem>>, vector<16xi32>,
    %swap3A_2081 = vector.shape_cast %swap3A_2080 : vector<16xi32> to vector<16xi32>
    %swap3A_2082 = vector.shape_cast %shift_right_logical3A_2078 : vector<16xi32> to vector<16xi32>
    tpu.vector_store %arg10[%swap3A_2079], %swap3A_2082 {strides = array<i32>} : memref<2048xi32, #tpu.memory_space<vmem>>, vector<16xi32>,
    %get3A_2083 = arith.constant 1600 : index
    %get3A_2084 = tpu.vector_load %arg8[%get3A_2083] {strides = array<i32>} : memref<2048xi32, #tpu.memory_space<vmem>>, vector<16xi32>,
    %get3A_2085 = vector.shape_cast %get3A_2084 : vector<16xi32> to vector<16xi32>
    %and3A_2086 = arith.constant 65535 : i32
    %and3A_2087 = vector.broadcast %and3A_2086 : i32 to vector<16xi32>
    %and3A_2088 = arith.andi %get3A_2085, %and3A_2087 : vector<16xi32>
    %swap3A_2089 = arith.constant 1600 : index
    %swap3A_2090 = tpu.vector_load %arg9[%swap3A_2089] {strides = array<i32>} : memref<2048xi32, #tpu.memory_space<vmem>>, vector<16xi32>,
    %swap3A_2091 = vector.shape_cast %swap3A_2090 : vector<16xi32> to vector<16xi32>
    %swap3A_2092 = vector.shape_cast %and3A_2088 : vector<16xi32> to vector<16xi32>
    tpu.vector_store %arg9[%swap3A_2089], %swap3A_2092 {strides = array<i32>} : memref<2048xi32, #tpu.memory_space<vmem>>, vector<16xi32>,
    %shift_right_logical3A_2093 = arith.constant 16 : i32
    %shift_right_logical3A_2094 = vector.broadcast %shift_right_logical3A_2093 : i32 to vector<16xi32>
    %shift_right_logical3A_2095 = arith.shrui %get3A_2085, %shift_right_logical3A_2094 : vector<16xi32>
    %swap3A_2096 = arith.constant 1600 : index
    %swap3A_2097 = tpu.vector_load %arg10[%swap3A_2096] {strides = array<i32>} : memref<2048xi32, #tpu.memory_space<vmem>>, vector<16xi32>,
    %swap3A_2098 = vector.shape_cast %swap3A_2097 : vector<16xi32> to vector<16xi32>
    %swap3A_2099 = vector.shape_cast %shift_right_logical3A_2095 : vector<16xi32> to vector<16xi32>
    tpu.vector_store %arg10[%swap3A_2096], %swap3A_2099 {strides = array<i32>} : memref<2048xi32, #tpu.memory_space<vmem>>, vector<16xi32>,
    %get3A_2100 = arith.constant 1616 : index
    %get3A_2101 = tpu.vector_load %arg8[%get3A_2100] {strides = array<i32>} : memref<2048xi32, #tpu.memory_space<vmem>>, vector<16xi32>,
    %get3A_2102 = vector.shape_cast %get3A_2101 : vector<16xi32> to vector<16xi32>
    %and3A_2103 = arith.constant 65535 : i32
    %and3A_2104 = vector.broadcast %and3A_2103 : i32 to vector<16xi32>
    %and3A_2105 = arith.andi %get3A_2102, %and3A_2104 : vector<16xi32>
    %swap3A_2106 = arith.constant 1616 : index
    %swap3A_2107 = tpu.vector_load %arg9[%swap3A_2106] {strides = array<i32>} : memref<2048xi32, #tpu.memory_space<vmem>>, vector<16xi32>,
    %swap3A_2108 = vector.shape_cast %swap3A_2107 : vector<16xi32> to vector<16xi32>
    %swap3A_2109 = vector.shape_cast %and3A_2105 : vector<16xi32> to vector<16xi32>
    tpu.vector_store %arg9[%swap3A_2106], %swap3A_2109 {strides = array<i32>} : memref<2048xi32, #tpu.memory_space<vmem>>, vector<16xi32>,
    %shift_right_logical3A_2110 = arith.constant 16 : i32
    %shift_right_logical3A_2111 = vector.broadcast %shift_right_logical3A_2110 : i32 to vector<16xi32>
    %shift_right_logical3A_2112 = arith.shrui %get3A_2102, %shift_right_logical3A_2111 : vector<16xi32>
    %swap3A_2113 = arith.constant 1616 : index
    %swap3A_2114 = tpu.vector_load %arg10[%swap3A_2113] {strides = array<i32>} : memref<2048xi32, #tpu.memory_space<vmem>>, vector<16xi32>,
    %swap3A_2115 = vector.shape_cast %swap3A_2114 : vector<16xi32> to vector<16xi32>
    %swap3A_2116 = vector.shape_cast %shift_right_logical3A_2112 : vector<16xi32> to vector<16xi32>
    tpu.vector_store %arg10[%swap3A_2113], %swap3A_2116 {strides = array<i32>} : memref<2048xi32, #tpu.memory_space<vmem>>, vector<16xi32>,
    %get3A_2117 = arith.constant 1632 : index
    %get3A_2118 = tpu.vector_load %arg8[%get3A_2117] {strides = array<i32>} : memref<2048xi32, #tpu.memory_space<vmem>>, vector<16xi32>,
    %get3A_2119 = vector.shape_cast %get3A_2118 : vector<16xi32> to vector<16xi32>
    %and3A_2120 = arith.constant 65535 : i32
    %and3A_2121 = vector.broadcast %and3A_2120 : i32 to vector<16xi32>
    %and3A_2122 = arith.andi %get3A_2119, %and3A_2121 : vector<16xi32>
    %swap3A_2123 = arith.constant 1632 : index
    %swap3A_2124 = tpu.vector_load %arg9[%swap3A_2123] {strides = array<i32>} : memref<2048xi32, #tpu.memory_space<vmem>>, vector<16xi32>,
    %swap3A_2125 = vector.shape_cast %swap3A_2124 : vector<16xi32> to vector<16xi32>
    %swap3A_2126 = vector.shape_cast %and3A_2122 : vector<16xi32> to vector<16xi32>
    tpu.vector_store %arg9[%swap3A_2123], %swap3A_2126 {strides = array<i32>} : memref<2048xi32, #tpu.memory_space<vmem>>, vector<16xi32>,
    %shift_right_logical3A_2127 = arith.constant 16 : i32
    %shift_right_logical3A_2128 = vector.broadcast %shift_right_logical3A_2127 : i32 to vector<16xi32>
    %shift_right_logical3A_2129 = arith.shrui %get3A_2119, %shift_right_logical3A_2128 : vector<16xi32>
    %swap3A_2130 = arith.constant 1632 : index
    %swap3A_2131 = tpu.vector_load %arg10[%swap3A_2130] {strides = array<i32>} : memref<2048xi32, #tpu.memory_space<vmem>>, vector<16xi32>,
    %swap3A_2132 = vector.shape_cast %swap3A_2131 : vector<16xi32> to vector<16xi32>
    %swap3A_2133 = vector.shape_cast %shift_right_logical3A_2129 : vector<16xi32> to vector<16xi32>
    tpu.vector_store %arg10[%swap3A_2130], %swap3A_2133 {strides = array<i32>} : memref<2048xi32, #tpu.memory_space<vmem>>, vector<16xi32>,
    %get3A_2134 = arith.constant 1648 : index
    %get3A_2135 = tpu.vector_load %arg8[%get3A_2134] {strides = array<i32>} : memref<2048xi32, #tpu.memory_space<vmem>>, vector<16xi32>,
    %get3A_2136 = vector.shape_cast %get3A_2135 : vector<16xi32> to vector<16xi32>
    %and3A_2137 = arith.constant 65535 : i32
    %and3A_2138 = vector.broadcast %and3A_2137 : i32 to vector<16xi32>
    %and3A_2139 = arith.andi %get3A_2136, %and3A_2138 : vector<16xi32>
    %swap3A_2140 = arith.constant 1648 : index
    %swap3A_2141 = tpu.vector_load %arg9[%swap3A_2140] {strides = array<i32>} : memref<2048xi32, #tpu.memory_space<vmem>>, vector<16xi32>,
    %swap3A_2142 = vector.shape_cast %swap3A_2141 : vector<16xi32> to vector<16xi32>
    %swap3A_2143 = vector.shape_cast %and3A_2139 : vector<16xi32> to vector<16xi32>
    tpu.vector_store %arg9[%swap3A_2140], %swap3A_2143 {strides = array<i32>} : memref<2048xi32, #tpu.memory_space<vmem>>, vector<16xi32>,
    %shift_right_logical3A_2144 = arith.constant 16 : i32
    %shift_right_logical3A_2145 = vector.broadcast %shift_right_logical3A_2144 : i32 to vector<16xi32>
    %shift_right_logical3A_2146 = arith.shrui %get3A_2136, %shift_right_logical3A_2145 : vector<16xi32>
    %swap3A_2147 = arith.constant 1648 : index
    %swap3A_2148 = tpu.vector_load %arg10[%swap3A_2147] {strides = array<i32>} : memref<2048xi32, #tpu.memory_space<vmem>>, vector<16xi32>,
    %swap3A_2149 = vector.shape_cast %swap3A_2148 : vector<16xi32> to vector<16xi32>
    %swap3A_2150 = vector.shape_cast %shift_right_logical3A_2146 : vector<16xi32> to vector<16xi32>
    tpu.vector_store %arg10[%swap3A_2147], %swap3A_2150 {strides = array<i32>} : memref<2048xi32, #tpu.memory_space<vmem>>, vector<16xi32>,
    %dma_start3A_2151 = arith.constant 1536 : i32
    %dma_start3A_2152 = arith.constant 0 : i32
    %dma_start3A_2153 = tpu.memref_slice %arg11[%dma_start3A_2151, %dma_start3A_2152] : memref<2048x16xf32, #tpu.memory_space<vmem>> -> memref<128x16xf32, #tpu.memory_space<vmem>>
    %dma_start3A_2154 = arith.constant 1536 : i32
    %dma_start3A_2155 = tpu.memref_slice %arg9[%dma_start3A_2154] : memref<2048xi32, #tpu.memory_space<vmem>> -> memref<128xi32, #tpu.memory_space<vmem>>
    %dma_start3A_2156 = arith.constant 0 : i32
    %dma_start3A_2157 = arith.constant 0 : i32
    %dma_start3A_2158 = tpu.memref_slice %arg4[%dma_start3A_2156, %dma_start3A_2157] : memref<16384x16xf32, #tpu.memory_space<hbm>> -> memref<16384x16xf32, #tpu.memory_space<hbm>>
    tpu.enqueue_indirect_dma source(%dma_start3A_2158 : memref<16384x16xf32, #tpu.memory_space<hbm>>) target(%dma_start3A_2153 : memref<128x16xf32, #tpu.memory_space<vmem>>) offsets(%dma_start3A_2155 : memref<128xi32, #tpu.memory_space<vmem>>) semaphore(%arg12 : memref<!tpu.dma_semaphore, #tpu.memory_space<semaphore_mem>>)
    %dma_wait3A_2159 = arith.constant 3 : i32
    %dma_wait3A_2160 = arith.constant 1664 : i32
    %dma_wait3A_2161 = tpu.memref_slice %arg8[%dma_wait3A_2160] : memref<2048xi32, #tpu.memory_space<vmem>> -> memref<128xi32, #tpu.memory_space<vmem>>
    %dma_wait3A_2162 = arith.constant 128 : i32
    %dma_wait3A_2163 = tpu.memref_slice %arg7[%dma_wait3A_2162] : memref<512xi32, #tpu.memory_space<vmem>> -> memref<128xi32, #tpu.memory_space<vmem>>
    %dma_wait3A_2164 = arith.constant 0 : i32
    %dma_wait3A_2165 = tpu.memref_slice %arg3[%dma_wait3A_2159, %dma_wait3A_2164] : memref<4x1000000xi32, #tpu.memory_space<hbm>> -> memref<1x1000000xi32, #tpu.memory_space<hbm>>
    %dma_wait3A_2166 = tpu.memref_squeeze %dma_wait3A_2165 : memref<1x1000000xi32, #tpu.memory_space<hbm>> -> memref<1000000xi32, #tpu.memory_space<hbm>>
    %dma_wait3A_2167 = arith.constant 0 : i32
    %dma_wait3A_2168 = tpu.memref_slice %dma_wait3A_2166[%dma_wait3A_2167] : memref<1000000xi32, #tpu.memory_space<hbm>> -> memref<1000000xi32, #tpu.memory_space<hbm>>
    tpu.wait_indirect_dma semaphore(%arg12 : memref<!tpu.dma_semaphore, #tpu.memory_space<semaphore_mem>>) src(%dma_wait3A_2168 : memref<1000000xi32, #tpu.memory_space<hbm>>) dst(%dma_wait3A_2161 : memref<128xi32, #tpu.memory_space<vmem>>)
    %get3A_2169 = arith.constant 1664 : index
    %get3A_2170 = tpu.vector_load %arg8[%get3A_2169] {strides = array<i32>} : memref<2048xi32, #tpu.memory_space<vmem>>, vector<16xi32>,
    %get3A_2171 = vector.shape_cast %get3A_2170 : vector<16xi32> to vector<16xi32>
    %and3A_2172 = arith.constant 65535 : i32
    %and3A_2173 = vector.broadcast %and3A_2172 : i32 to vector<16xi32>
    %and3A_2174 = arith.andi %get3A_2171, %and3A_2173 : vector<16xi32>
    %swap3A_2175 = arith.constant 1664 : index
    %swap3A_2176 = tpu.vector_load %arg9[%swap3A_2175] {strides = array<i32>} : memref<2048xi32, #tpu.memory_space<vmem>>, vector<16xi32>,
    %swap3A_2177 = vector.shape_cast %swap3A_2176 : vector<16xi32> to vector<16xi32>
    %swap3A_2178 = vector.shape_cast %and3A_2174 : vector<16xi32> to vector<16xi32>
    tpu.vector_store %arg9[%swap3A_2175], %swap3A_2178 {strides = array<i32>} : memref<2048xi32, #tpu.memory_space<vmem>>, vector<16xi32>,
    %shift_right_logical3A_2179 = arith.constant 16 : i32
    %shift_right_logical3A_2180 = vector.broadcast %shift_right_logical3A_2179 : i32 to vector<16xi32>
    %shift_right_logical3A_2181 = arith.shrui %get3A_2171, %shift_right_logical3A_2180 : vector<16xi32>
    %swap3A_2182 = arith.constant 1664 : index
    %swap3A_2183 = tpu.vector_load %arg10[%swap3A_2182] {strides = array<i32>} : memref<2048xi32, #tpu.memory_space<vmem>>, vector<16xi32>,
    %swap3A_2184 = vector.shape_cast %swap3A_2183 : vector<16xi32> to vector<16xi32>
    %swap3A_2185 = vector.shape_cast %shift_right_logical3A_2181 : vector<16xi32> to vector<16xi32>
    tpu.vector_store %arg10[%swap3A_2182], %swap3A_2185 {strides = array<i32>} : memref<2048xi32, #tpu.memory_space<vmem>>, vector<16xi32>,
    %get3A_2186 = arith.constant 1680 : index
    %get3A_2187 = tpu.vector_load %arg8[%get3A_2186] {strides = array<i32>} : memref<2048xi32, #tpu.memory_space<vmem>>, vector<16xi32>,
    %get3A_2188 = vector.shape_cast %get3A_2187 : vector<16xi32> to vector<16xi32>
    %and3A_2189 = arith.constant 65535 : i32
    %and3A_2190 = vector.broadcast %and3A_2189 : i32 to vector<16xi32>
    %and3A_2191 = arith.andi %get3A_2188, %and3A_2190 : vector<16xi32>
    %swap3A_2192 = arith.constant 1680 : index
    %swap3A_2193 = tpu.vector_load %arg9[%swap3A_2192] {strides = array<i32>} : memref<2048xi32, #tpu.memory_space<vmem>>, vector<16xi32>,
    %swap3A_2194 = vector.shape_cast %swap3A_2193 : vector<16xi32> to vector<16xi32>
    %swap3A_2195 = vector.shape_cast %and3A_2191 : vector<16xi32> to vector<16xi32>
    tpu.vector_store %arg9[%swap3A_2192], %swap3A_2195 {strides = array<i32>} : memref<2048xi32, #tpu.memory_space<vmem>>, vector<16xi32>,
    %shift_right_logical3A_2196 = arith.constant 16 : i32
    %shift_right_logical3A_2197 = vector.broadcast %shift_right_logical3A_2196 : i32 to vector<16xi32>
    %shift_right_logical3A_2198 = arith.shrui %get3A_2188, %shift_right_logical3A_2197 : vector<16xi32>
    %swap3A_2199 = arith.constant 1680 : index
    %swap3A_2200 = tpu.vector_load %arg10[%swap3A_2199] {strides = array<i32>} : memref<2048xi32, #tpu.memory_space<vmem>>, vector<16xi32>,
    %swap3A_2201 = vector.shape_cast %swap3A_2200 : vector<16xi32> to vector<16xi32>
    %swap3A_2202 = vector.shape_cast %shift_right_logical3A_2198 : vector<16xi32> to vector<16xi32>
    tpu.vector_store %arg10[%swap3A_2199], %swap3A_2202 {strides = array<i32>} : memref<2048xi32, #tpu.memory_space<vmem>>, vector<16xi32>,
    %get3A_2203 = arith.constant 1696 : index
    %get3A_2204 = tpu.vector_load %arg8[%get3A_2203] {strides = array<i32>} : memref<2048xi32, #tpu.memory_space<vmem>>, vector<16xi32>,
    %get3A_2205 = vector.shape_cast %get3A_2204 : vector<16xi32> to vector<16xi32>
    %and3A_2206 = arith.constant 65535 : i32
    %and3A_2207 = vector.broadcast %and3A_2206 : i32 to vector<16xi32>
    %and3A_2208 = arith.andi %get3A_2205, %and3A_2207 : vector<16xi32>
    %swap3A_2209 = arith.constant 1696 : index
    %swap3A_2210 = tpu.vector_load %arg9[%swap3A_2209] {strides = array<i32>} : memref<2048xi32, #tpu.memory_space<vmem>>, vector<16xi32>,
    %swap3A_2211 = vector.shape_cast %swap3A_2210 : vector<16xi32> to vector<16xi32>
    %swap3A_2212 = vector.shape_cast %and3A_2208 : vector<16xi32> to vector<16xi32>
    tpu.vector_store %arg9[%swap3A_2209], %swap3A_2212 {strides = array<i32>} : memref<2048xi32, #tpu.memory_space<vmem>>, vector<16xi32>,
    %shift_right_logical3A_2213 = arith.constant 16 : i32
    %shift_right_logical3A_2214 = vector.broadcast %shift_right_logical3A_2213 : i32 to vector<16xi32>
    %shift_right_logical3A_2215 = arith.shrui %get3A_2205, %shift_right_logical3A_2214 : vector<16xi32>
    %swap3A_2216 = arith.constant 1696 : index
    %swap3A_2217 = tpu.vector_load %arg10[%swap3A_2216] {strides = array<i32>} : memref<2048xi32, #tpu.memory_space<vmem>>, vector<16xi32>,
    %swap3A_2218 = vector.shape_cast %swap3A_2217 : vector<16xi32> to vector<16xi32>
    %swap3A_2219 = vector.shape_cast %shift_right_logical3A_2215 : vector<16xi32> to vector<16xi32>
    tpu.vector_store %arg10[%swap3A_2216], %swap3A_2219 {strides = array<i32>} : memref<2048xi32, #tpu.memory_space<vmem>>, vector<16xi32>,
    %get3A_2220 = arith.constant 1712 : index
    %get3A_2221 = tpu.vector_load %arg8[%get3A_2220] {strides = array<i32>} : memref<2048xi32, #tpu.memory_space<vmem>>, vector<16xi32>,
    %get3A_2222 = vector.shape_cast %get3A_2221 : vector<16xi32> to vector<16xi32>
    %and3A_2223 = arith.constant 65535 : i32
    %and3A_2224 = vector.broadcast %and3A_2223 : i32 to vector<16xi32>
    %and3A_2225 = arith.andi %get3A_2222, %and3A_2224 : vector<16xi32>
    %swap3A_2226 = arith.constant 1712 : index
    %swap3A_2227 = tpu.vector_load %arg9[%swap3A_2226] {strides = array<i32>} : memref<2048xi32, #tpu.memory_space<vmem>>, vector<16xi32>,
    %swap3A_2228 = vector.shape_cast %swap3A_2227 : vector<16xi32> to vector<16xi32>
    %swap3A_2229 = vector.shape_cast %and3A_2225 : vector<16xi32> to vector<16xi32>
    tpu.vector_store %arg9[%swap3A_2226], %swap3A_2229 {strides = array<i32>} : memref<2048xi32, #tpu.memory_space<vmem>>, vector<16xi32>,
    %shift_right_logical3A_2230 = arith.constant 16 : i32
    %shift_right_logical3A_2231 = vector.broadcast %shift_right_logical3A_2230 : i32 to vector<16xi32>
    %shift_right_logical3A_2232 = arith.shrui %get3A_2222, %shift_right_logical3A_2231 : vector<16xi32>
    %swap3A_2233 = arith.constant 1712 : index
    %swap3A_2234 = tpu.vector_load %arg10[%swap3A_2233] {strides = array<i32>} : memref<2048xi32, #tpu.memory_space<vmem>>, vector<16xi32>,
    %swap3A_2235 = vector.shape_cast %swap3A_2234 : vector<16xi32> to vector<16xi32>
    %swap3A_2236 = vector.shape_cast %shift_right_logical3A_2232 : vector<16xi32> to vector<16xi32>
    tpu.vector_store %arg10[%swap3A_2233], %swap3A_2236 {strides = array<i32>} : memref<2048xi32, #tpu.memory_space<vmem>>, vector<16xi32>,
    %get3A_2237 = arith.constant 1728 : index
    %get3A_2238 = tpu.vector_load %arg8[%get3A_2237] {strides = array<i32>} : memref<2048xi32, #tpu.memory_space<vmem>>, vector<16xi32>,
    %get3A_2239 = vector.shape_cast %get3A_2238 : vector<16xi32> to vector<16xi32>
    %and3A_2240 = arith.constant 65535 : i32
    %and3A_2241 = vector.broadcast %and3A_2240 : i32 to vector<16xi32>
    %and3A_2242 = arith.andi %get3A_2239, %and3A_2241 : vector<16xi32>
    %swap3A_2243 = arith.constant 1728 : index
    %swap3A_2244 = tpu.vector_load %arg9[%swap3A_2243] {strides = array<i32>} : memref<2048xi32, #tpu.memory_space<vmem>>, vector<16xi32>,
    %swap3A_2245 = vector.shape_cast %swap3A_2244 : vector<16xi32> to vector<16xi32>
    %swap3A_2246 = vector.shape_cast %and3A_2242 : vector<16xi32> to vector<16xi32>
    tpu.vector_store %arg9[%swap3A_2243], %swap3A_2246 {strides = array<i32>} : memref<2048xi32, #tpu.memory_space<vmem>>, vector<16xi32>,
    %shift_right_logical3A_2247 = arith.constant 16 : i32
    %shift_right_logical3A_2248 = vector.broadcast %shift_right_logical3A_2247 : i32 to vector<16xi32>
    %shift_right_logical3A_2249 = arith.shrui %get3A_2239, %shift_right_logical3A_2248 : vector<16xi32>
    %swap3A_2250 = arith.constant 1728 : index
    %swap3A_2251 = tpu.vector_load %arg10[%swap3A_2250] {strides = array<i32>} : memref<2048xi32, #tpu.memory_space<vmem>>, vector<16xi32>,
    %swap3A_2252 = vector.shape_cast %swap3A_2251 : vector<16xi32> to vector<16xi32>
    %swap3A_2253 = vector.shape_cast %shift_right_logical3A_2249 : vector<16xi32> to vector<16xi32>
    tpu.vector_store %arg10[%swap3A_2250], %swap3A_2253 {strides = array<i32>} : memref<2048xi32, #tpu.memory_space<vmem>>, vector<16xi32>,
    %get3A_2254 = arith.constant 1744 : index
    %get3A_2255 = tpu.vector_load %arg8[%get3A_2254] {strides = array<i32>} : memref<2048xi32, #tpu.memory_space<vmem>>, vector<16xi32>,
    %get3A_2256 = vector.shape_cast %get3A_2255 : vector<16xi32> to vector<16xi32>
    %and3A_2257 = arith.constant 65535 : i32
    %and3A_2258 = vector.broadcast %and3A_2257 : i32 to vector<16xi32>
    %and3A_2259 = arith.andi %get3A_2256, %and3A_2258 : vector<16xi32>
    %swap3A_2260 = arith.constant 1744 : index
    %swap3A_2261 = tpu.vector_load %arg9[%swap3A_2260] {strides = array<i32>} : memref<2048xi32, #tpu.memory_space<vmem>>, vector<16xi32>,
    %swap3A_2262 = vector.shape_cast %swap3A_2261 : vector<16xi32> to vector<16xi32>
    %swap3A_2263 = vector.shape_cast %and3A_2259 : vector<16xi32> to vector<16xi32>
    tpu.vector_store %arg9[%swap3A_2260], %swap3A_2263 {strides = array<i32>} : memref<2048xi32, #tpu.memory_space<vmem>>, vector<16xi32>,
    %shift_right_logical3A_2264 = arith.constant 16 : i32
    %shift_right_logical3A_2265 = vector.broadcast %shift_right_logical3A_2264 : i32 to vector<16xi32>
    %shift_right_logical3A_2266 = arith.shrui %get3A_2256, %shift_right_logical3A_2265 : vector<16xi32>
    %swap3A_2267 = arith.constant 1744 : index
    %swap3A_2268 = tpu.vector_load %arg10[%swap3A_2267] {strides = array<i32>} : memref<2048xi32, #tpu.memory_space<vmem>>, vector<16xi32>,
    %swap3A_2269 = vector.shape_cast %swap3A_2268 : vector<16xi32> to vector<16xi32>
    %swap3A_2270 = vector.shape_cast %shift_right_logical3A_2266 : vector<16xi32> to vector<16xi32>
    tpu.vector_store %arg10[%swap3A_2267], %swap3A_2270 {strides = array<i32>} : memref<2048xi32, #tpu.memory_space<vmem>>, vector<16xi32>,
    %get3A_2271 = arith.constant 1760 : index
    %get3A_2272 = tpu.vector_load %arg8[%get3A_2271] {strides = array<i32>} : memref<2048xi32, #tpu.memory_space<vmem>>, vector<16xi32>,
    %get3A_2273 = vector.shape_cast %get3A_2272 : vector<16xi32> to vector<16xi32>
    %and3A_2274 = arith.constant 65535 : i32
    %and3A_2275 = vector.broadcast %and3A_2274 : i32 to vector<16xi32>
    %and3A_2276 = arith.andi %get3A_2273, %and3A_2275 : vector<16xi32>
    %swap3A_2277 = arith.constant 1760 : index
    %swap3A_2278 = tpu.vector_load %arg9[%swap3A_2277] {strides = array<i32>} : memref<2048xi32, #tpu.memory_space<vmem>>, vector<16xi32>,
    %swap3A_2279 = vector.shape_cast %swap3A_2278 : vector<16xi32> to vector<16xi32>
    %swap3A_2280 = vector.shape_cast %and3A_2276 : vector<16xi32> to vector<16xi32>
    tpu.vector_store %arg9[%swap3A_2277], %swap3A_2280 {strides = array<i32>} : memref<2048xi32, #tpu.memory_space<vmem>>, vector<16xi32>,
    %shift_right_logical3A_2281 = arith.constant 16 : i32
    %shift_right_logical3A_2282 = vector.broadcast %shift_right_logical3A_2281 : i32 to vector<16xi32>
    %shift_right_logical3A_2283 = arith.shrui %get3A_2273, %shift_right_logical3A_2282 : vector<16xi32>
    %swap3A_2284 = arith.constant 1760 : index
    %swap3A_2285 = tpu.vector_load %arg10[%swap3A_2284] {strides = array<i32>} : memref<2048xi32, #tpu.memory_space<vmem>>, vector<16xi32>,
    %swap3A_2286 = vector.shape_cast %swap3A_2285 : vector<16xi32> to vector<16xi32>
    %swap3A_2287 = vector.shape_cast %shift_right_logical3A_2283 : vector<16xi32> to vector<16xi32>
    tpu.vector_store %arg10[%swap3A_2284], %swap3A_2287 {strides = array<i32>} : memref<2048xi32, #tpu.memory_space<vmem>>, vector<16xi32>,
    %get3A_2288 = arith.constant 1776 : index
    %get3A_2289 = tpu.vector_load %arg8[%get3A_2288] {strides = array<i32>} : memref<2048xi32, #tpu.memory_space<vmem>>, vector<16xi32>,
    %get3A_2290 = vector.shape_cast %get3A_2289 : vector<16xi32> to vector<16xi32>
    %and3A_2291 = arith.constant 65535 : i32
    %and3A_2292 = vector.broadcast %and3A_2291 : i32 to vector<16xi32>
    %and3A_2293 = arith.andi %get3A_2290, %and3A_2292 : vector<16xi32>
    %swap3A_2294 = arith.constant 1776 : index
    %swap3A_2295 = tpu.vector_load %arg9[%swap3A_2294] {strides = array<i32>} : memref<2048xi32, #tpu.memory_space<vmem>>, vector<16xi32>,
    %swap3A_2296 = vector.shape_cast %swap3A_2295 : vector<16xi32> to vector<16xi32>
    %swap3A_2297 = vector.shape_cast %and3A_2293 : vector<16xi32> to vector<16xi32>
    tpu.vector_store %arg9[%swap3A_2294], %swap3A_2297 {strides = array<i32>} : memref<2048xi32, #tpu.memory_space<vmem>>, vector<16xi32>,
    %shift_right_logical3A_2298 = arith.constant 16 : i32
    %shift_right_logical3A_2299 = vector.broadcast %shift_right_logical3A_2298 : i32 to vector<16xi32>
    %shift_right_logical3A_2300 = arith.shrui %get3A_2290, %shift_right_logical3A_2299 : vector<16xi32>
    %swap3A_2301 = arith.constant 1776 : index
    %swap3A_2302 = tpu.vector_load %arg10[%swap3A_2301] {strides = array<i32>} : memref<2048xi32, #tpu.memory_space<vmem>>, vector<16xi32>,
    %swap3A_2303 = vector.shape_cast %swap3A_2302 : vector<16xi32> to vector<16xi32>
    %swap3A_2304 = vector.shape_cast %shift_right_logical3A_2300 : vector<16xi32> to vector<16xi32>
    tpu.vector_store %arg10[%swap3A_2301], %swap3A_2304 {strides = array<i32>} : memref<2048xi32, #tpu.memory_space<vmem>>, vector<16xi32>,
    %dma_start3A_2305 = arith.constant 1664 : i32
    %dma_start3A_2306 = arith.constant 0 : i32
    %dma_start3A_2307 = tpu.memref_slice %arg11[%dma_start3A_2305, %dma_start3A_2306] : memref<2048x16xf32, #tpu.memory_space<vmem>> -> memref<128x16xf32, #tpu.memory_space<vmem>>
    %dma_start3A_2308 = arith.constant 1664 : i32
    %dma_start3A_2309 = tpu.memref_slice %arg9[%dma_start3A_2308] : memref<2048xi32, #tpu.memory_space<vmem>> -> memref<128xi32, #tpu.memory_space<vmem>>
    %dma_start3A_2310 = arith.constant 0 : i32
    %dma_start3A_2311 = arith.constant 0 : i32
    %dma_start3A_2312 = tpu.memref_slice %arg4[%dma_start3A_2310, %dma_start3A_2311] : memref<16384x16xf32, #tpu.memory_space<hbm>> -> memref<16384x16xf32, #tpu.memory_space<hbm>>
    tpu.enqueue_indirect_dma source(%dma_start3A_2312 : memref<16384x16xf32, #tpu.memory_space<hbm>>) target(%dma_start3A_2307 : memref<128x16xf32, #tpu.memory_space<vmem>>) offsets(%dma_start3A_2309 : memref<128xi32, #tpu.memory_space<vmem>>) semaphore(%arg12 : memref<!tpu.dma_semaphore, #tpu.memory_space<semaphore_mem>>)
    %dma_wait3A_2313 = arith.constant 3 : i32
    %dma_wait3A_2314 = arith.constant 1792 : i32
    %dma_wait3A_2315 = tpu.memref_slice %arg8[%dma_wait3A_2314] : memref<2048xi32, #tpu.memory_space<vmem>> -> memref<128xi32, #tpu.memory_space<vmem>>
    %dma_wait3A_2316 = arith.constant 256 : i32
    %dma_wait3A_2317 = tpu.memref_slice %arg7[%dma_wait3A_2316] : memref<512xi32, #tpu.memory_space<vmem>> -> memref<128xi32, #tpu.memory_space<vmem>>
    %dma_wait3A_2318 = arith.constant 0 : i32
    %dma_wait3A_2319 = tpu.memref_slice %arg3[%dma_wait3A_2313, %dma_wait3A_2318] : memref<4x1000000xi32, #tpu.memory_space<hbm>> -> memref<1x1000000xi32, #tpu.memory_space<hbm>>
    %dma_wait3A_2320 = tpu.memref_squeeze %dma_wait3A_2319 : memref<1x1000000xi32, #tpu.memory_space<hbm>> -> memref<1000000xi32, #tpu.memory_space<hbm>>
    %dma_wait3A_2321 = arith.constant 0 : i32
    %dma_wait3A_2322 = tpu.memref_slice %dma_wait3A_2320[%dma_wait3A_2321] : memref<1000000xi32, #tpu.memory_space<hbm>> -> memref<1000000xi32, #tpu.memory_space<hbm>>
    tpu.wait_indirect_dma semaphore(%arg12 : memref<!tpu.dma_semaphore, #tpu.memory_space<semaphore_mem>>) src(%dma_wait3A_2322 : memref<1000000xi32, #tpu.memory_space<hbm>>) dst(%dma_wait3A_2315 : memref<128xi32, #tpu.memory_space<vmem>>)
    %get3A_2323 = arith.constant 1792 : index
    %get3A_2324 = tpu.vector_load %arg8[%get3A_2323] {strides = array<i32>} : memref<2048xi32, #tpu.memory_space<vmem>>, vector<16xi32>,
    %get3A_2325 = vector.shape_cast %get3A_2324 : vector<16xi32> to vector<16xi32>
    %and3A_2326 = arith.constant 65535 : i32
    %and3A_2327 = vector.broadcast %and3A_2326 : i32 to vector<16xi32>
    %and3A_2328 = arith.andi %get3A_2325, %and3A_2327 : vector<16xi32>
    %swap3A_2329 = arith.constant 1792 : index
    %swap3A_2330 = tpu.vector_load %arg9[%swap3A_2329] {strides = array<i32>} : memref<2048xi32, #tpu.memory_space<vmem>>, vector<16xi32>,
    %swap3A_2331 = vector.shape_cast %swap3A_2330 : vector<16xi32> to vector<16xi32>
    %swap3A_2332 = vector.shape_cast %and3A_2328 : vector<16xi32> to vector<16xi32>
    tpu.vector_store %arg9[%swap3A_2329], %swap3A_2332 {strides = array<i32>} : memref<2048xi32, #tpu.memory_space<vmem>>, vector<16xi32>,
    %shift_right_logical3A_2333 = arith.constant 16 : i32
    %shift_right_logical3A_2334 = vector.broadcast %shift_right_logical3A_2333 : i32 to vector<16xi32>
    %shift_right_logical3A_2335 = arith.shrui %get3A_2325, %shift_right_logical3A_2334 : vector<16xi32>
    %swap3A_2336 = arith.constant 1792 : index
    %swap3A_2337 = tpu.vector_load %arg10[%swap3A_2336] {strides = array<i32>} : memref<2048xi32, #tpu.memory_space<vmem>>, vector<16xi32>,
    %swap3A_2338 = vector.shape_cast %swap3A_2337 : vector<16xi32> to vector<16xi32>
    %swap3A_2339 = vector.shape_cast %shift_right_logical3A_2335 : vector<16xi32> to vector<16xi32>
    tpu.vector_store %arg10[%swap3A_2336], %swap3A_2339 {strides = array<i32>} : memref<2048xi32, #tpu.memory_space<vmem>>, vector<16xi32>,
    %get3A_2340 = arith.constant 1808 : index
    %get3A_2341 = tpu.vector_load %arg8[%get3A_2340] {strides = array<i32>} : memref<2048xi32, #tpu.memory_space<vmem>>, vector<16xi32>,
    %get3A_2342 = vector.shape_cast %get3A_2341 : vector<16xi32> to vector<16xi32>
    %and3A_2343 = arith.constant 65535 : i32
    %and3A_2344 = vector.broadcast %and3A_2343 : i32 to vector<16xi32>
    %and3A_2345 = arith.andi %get3A_2342, %and3A_2344 : vector<16xi32>
    %swap3A_2346 = arith.constant 1808 : index
    %swap3A_2347 = tpu.vector_load %arg9[%swap3A_2346] {strides = array<i32>} : memref<2048xi32, #tpu.memory_space<vmem>>, vector<16xi32>,
    %swap3A_2348 = vector.shape_cast %swap3A_2347 : vector<16xi32> to vector<16xi32>
    %swap3A_2349 = vector.shape_cast %and3A_2345 : vector<16xi32> to vector<16xi32>
    tpu.vector_store %arg9[%swap3A_2346], %swap3A_2349 {strides = array<i32>} : memref<2048xi32, #tpu.memory_space<vmem>>, vector<16xi32>,
    %shift_right_logical3A_2350 = arith.constant 16 : i32
    %shift_right_logical3A_2351 = vector.broadcast %shift_right_logical3A_2350 : i32 to vector<16xi32>
    %shift_right_logical3A_2352 = arith.shrui %get3A_2342, %shift_right_logical3A_2351 : vector<16xi32>
    %swap3A_2353 = arith.constant 1808 : index
    %swap3A_2354 = tpu.vector_load %arg10[%swap3A_2353] {strides = array<i32>} : memref<2048xi32, #tpu.memory_space<vmem>>, vector<16xi32>,
    %swap3A_2355 = vector.shape_cast %swap3A_2354 : vector<16xi32> to vector<16xi32>
    %swap3A_2356 = vector.shape_cast %shift_right_logical3A_2352 : vector<16xi32> to vector<16xi32>
    tpu.vector_store %arg10[%swap3A_2353], %swap3A_2356 {strides = array<i32>} : memref<2048xi32, #tpu.memory_space<vmem>>, vector<16xi32>,
    %get3A_2357 = arith.constant 1824 : index
    %get3A_2358 = tpu.vector_load %arg8[%get3A_2357] {strides = array<i32>} : memref<2048xi32, #tpu.memory_space<vmem>>, vector<16xi32>,
    %get3A_2359 = vector.shape_cast %get3A_2358 : vector<16xi32> to vector<16xi32>
    %and3A_2360 = arith.constant 65535 : i32
    %and3A_2361 = vector.broadcast %and3A_2360 : i32 to vector<16xi32>
    %and3A_2362 = arith.andi %get3A_2359, %and3A_2361 : vector<16xi32>
    %swap3A_2363 = arith.constant 1824 : index
    %swap3A_2364 = tpu.vector_load %arg9[%swap3A_2363] {strides = array<i32>} : memref<2048xi32, #tpu.memory_space<vmem>>, vector<16xi32>,
    %swap3A_2365 = vector.shape_cast %swap3A_2364 : vector<16xi32> to vector<16xi32>
    %swap3A_2366 = vector.shape_cast %and3A_2362 : vector<16xi32> to vector<16xi32>
    tpu.vector_store %arg9[%swap3A_2363], %swap3A_2366 {strides = array<i32>} : memref<2048xi32, #tpu.memory_space<vmem>>, vector<16xi32>,
    %shift_right_logical3A_2367 = arith.constant 16 : i32
    %shift_right_logical3A_2368 = vector.broadcast %shift_right_logical3A_2367 : i32 to vector<16xi32>
    %shift_right_logical3A_2369 = arith.shrui %get3A_2359, %shift_right_logical3A_2368 : vector<16xi32>
    %swap3A_2370 = arith.constant 1824 : index
    %swap3A_2371 = tpu.vector_load %arg10[%swap3A_2370] {strides = array<i32>} : memref<2048xi32, #tpu.memory_space<vmem>>, vector<16xi32>,
    %swap3A_2372 = vector.shape_cast %swap3A_2371 : vector<16xi32> to vector<16xi32>
    %swap3A_2373 = vector.shape_cast %shift_right_logical3A_2369 : vector<16xi32> to vector<16xi32>
    tpu.vector_store %arg10[%swap3A_2370], %swap3A_2373 {strides = array<i32>} : memref<2048xi32, #tpu.memory_space<vmem>>, vector<16xi32>,
    %get3A_2374 = arith.constant 1840 : index
    %get3A_2375 = tpu.vector_load %arg8[%get3A_2374] {strides = array<i32>} : memref<2048xi32, #tpu.memory_space<vmem>>, vector<16xi32>,
    %get3A_2376 = vector.shape_cast %get3A_2375 : vector<16xi32> to vector<16xi32>
    %and3A_2377 = arith.constant 65535 : i32
    %and3A_2378 = vector.broadcast %and3A_2377 : i32 to vector<16xi32>
    %and3A_2379 = arith.andi %get3A_2376, %and3A_2378 : vector<16xi32>
    %swap3A_2380 = arith.constant 1840 : index
    %swap3A_2381 = tpu.vector_load %arg9[%swap3A_2380] {strides = array<i32>} : memref<2048xi32, #tpu.memory_space<vmem>>, vector<16xi32>,
    %swap3A_2382 = vector.shape_cast %swap3A_2381 : vector<16xi32> to vector<16xi32>
    %swap3A_2383 = vector.shape_cast %and3A_2379 : vector<16xi32> to vector<16xi32>
    tpu.vector_store %arg9[%swap3A_2380], %swap3A_2383 {strides = array<i32>} : memref<2048xi32, #tpu.memory_space<vmem>>, vector<16xi32>,
    %shift_right_logical3A_2384 = arith.constant 16 : i32
    %shift_right_logical3A_2385 = vector.broadcast %shift_right_logical3A_2384 : i32 to vector<16xi32>
    %shift_right_logical3A_2386 = arith.shrui %get3A_2376, %shift_right_logical3A_2385 : vector<16xi32>
    %swap3A_2387 = arith.constant 1840 : index
    %swap3A_2388 = tpu.vector_load %arg10[%swap3A_2387] {strides = array<i32>} : memref<2048xi32, #tpu.memory_space<vmem>>, vector<16xi32>,
    %swap3A_2389 = vector.shape_cast %swap3A_2388 : vector<16xi32> to vector<16xi32>
    %swap3A_2390 = vector.shape_cast %shift_right_logical3A_2386 : vector<16xi32> to vector<16xi32>
    tpu.vector_store %arg10[%swap3A_2387], %swap3A_2390 {strides = array<i32>} : memref<2048xi32, #tpu.memory_space<vmem>>, vector<16xi32>,
    %get3A_2391 = arith.constant 1856 : index
    %get3A_2392 = tpu.vector_load %arg8[%get3A_2391] {strides = array<i32>} : memref<2048xi32, #tpu.memory_space<vmem>>, vector<16xi32>,
    %get3A_2393 = vector.shape_cast %get3A_2392 : vector<16xi32> to vector<16xi32>
    %and3A_2394 = arith.constant 65535 : i32
    %and3A_2395 = vector.broadcast %and3A_2394 : i32 to vector<16xi32>
    %and3A_2396 = arith.andi %get3A_2393, %and3A_2395 : vector<16xi32>
    %swap3A_2397 = arith.constant 1856 : index
    %swap3A_2398 = tpu.vector_load %arg9[%swap3A_2397] {strides = array<i32>} : memref<2048xi32, #tpu.memory_space<vmem>>, vector<16xi32>,
    %swap3A_2399 = vector.shape_cast %swap3A_2398 : vector<16xi32> to vector<16xi32>
    %swap3A_2400 = vector.shape_cast %and3A_2396 : vector<16xi32> to vector<16xi32>
    tpu.vector_store %arg9[%swap3A_2397], %swap3A_2400 {strides = array<i32>} : memref<2048xi32, #tpu.memory_space<vmem>>, vector<16xi32>,
    %shift_right_logical3A_2401 = arith.constant 16 : i32
    %shift_right_logical3A_2402 = vector.broadcast %shift_right_logical3A_2401 : i32 to vector<16xi32>
    %shift_right_logical3A_2403 = arith.shrui %get3A_2393, %shift_right_logical3A_2402 : vector<16xi32>
    %swap3A_2404 = arith.constant 1856 : index
    %swap3A_2405 = tpu.vector_load %arg10[%swap3A_2404] {strides = array<i32>} : memref<2048xi32, #tpu.memory_space<vmem>>, vector<16xi32>,
    %swap3A_2406 = vector.shape_cast %swap3A_2405 : vector<16xi32> to vector<16xi32>
    %swap3A_2407 = vector.shape_cast %shift_right_logical3A_2403 : vector<16xi32> to vector<16xi32>
    tpu.vector_store %arg10[%swap3A_2404], %swap3A_2407 {strides = array<i32>} : memref<2048xi32, #tpu.memory_space<vmem>>, vector<16xi32>,
    %get3A_2408 = arith.constant 1872 : index
    %get3A_2409 = tpu.vector_load %arg8[%get3A_2408] {strides = array<i32>} : memref<2048xi32, #tpu.memory_space<vmem>>, vector<16xi32>,
    %get3A_2410 = vector.shape_cast %get3A_2409 : vector<16xi32> to vector<16xi32>
    %and3A_2411 = arith.constant 65535 : i32
    %and3A_2412 = vector.broadcast %and3A_2411 : i32 to vector<16xi32>
    %and3A_2413 = arith.andi %get3A_2410, %and3A_2412 : vector<16xi32>
    %swap3A_2414 = arith.constant 1872 : index
    %swap3A_2415 = tpu.vector_load %arg9[%swap3A_2414] {strides = array<i32>} : memref<2048xi32, #tpu.memory_space<vmem>>, vector<16xi32>,
    %swap3A_2416 = vector.shape_cast %swap3A_2415 : vector<16xi32> to vector<16xi32>
    %swap3A_2417 = vector.shape_cast %and3A_2413 : vector<16xi32> to vector<16xi32>
    tpu.vector_store %arg9[%swap3A_2414], %swap3A_2417 {strides = array<i32>} : memref<2048xi32, #tpu.memory_space<vmem>>, vector<16xi32>,
    %shift_right_logical3A_2418 = arith.constant 16 : i32
    %shift_right_logical3A_2419 = vector.broadcast %shift_right_logical3A_2418 : i32 to vector<16xi32>
    %shift_right_logical3A_2420 = arith.shrui %get3A_2410, %shift_right_logical3A_2419 : vector<16xi32>
    %swap3A_2421 = arith.constant 1872 : index
    %swap3A_2422 = tpu.vector_load %arg10[%swap3A_2421] {strides = array<i32>} : memref<2048xi32, #tpu.memory_space<vmem>>, vector<16xi32>,
    %swap3A_2423 = vector.shape_cast %swap3A_2422 : vector<16xi32> to vector<16xi32>
    %swap3A_2424 = vector.shape_cast %shift_right_logical3A_2420 : vector<16xi32> to vector<16xi32>
    tpu.vector_store %arg10[%swap3A_2421], %swap3A_2424 {strides = array<i32>} : memref<2048xi32, #tpu.memory_space<vmem>>, vector<16xi32>,
    %get3A_2425 = arith.constant 1888 : index
    %get3A_2426 = tpu.vector_load %arg8[%get3A_2425] {strides = array<i32>} : memref<2048xi32, #tpu.memory_space<vmem>>, vector<16xi32>,
    %get3A_2427 = vector.shape_cast %get3A_2426 : vector<16xi32> to vector<16xi32>
    %and3A_2428 = arith.constant 65535 : i32
    %and3A_2429 = vector.broadcast %and3A_2428 : i32 to vector<16xi32>
    %and3A_2430 = arith.andi %get3A_2427, %and3A_2429 : vector<16xi32>
    %swap3A_2431 = arith.constant 1888 : index
    %swap3A_2432 = tpu.vector_load %arg9[%swap3A_2431] {strides = array<i32>} : memref<2048xi32, #tpu.memory_space<vmem>>, vector<16xi32>,
    %swap3A_2433 = vector.shape_cast %swap3A_2432 : vector<16xi32> to vector<16xi32>
    %swap3A_2434 = vector.shape_cast %and3A_2430 : vector<16xi32> to vector<16xi32>
    tpu.vector_store %arg9[%swap3A_2431], %swap3A_2434 {strides = array<i32>} : memref<2048xi32, #tpu.memory_space<vmem>>, vector<16xi32>,
    %shift_right_logical3A_2435 = arith.constant 16 : i32
    %shift_right_logical3A_2436 = vector.broadcast %shift_right_logical3A_2435 : i32 to vector<16xi32>
    %shift_right_logical3A_2437 = arith.shrui %get3A_2427, %shift_right_logical3A_2436 : vector<16xi32>
    %swap3A_2438 = arith.constant 1888 : index
    %swap3A_2439 = tpu.vector_load %arg10[%swap3A_2438] {strides = array<i32>} : memref<2048xi32, #tpu.memory_space<vmem>>, vector<16xi32>,
    %swap3A_2440 = vector.shape_cast %swap3A_2439 : vector<16xi32> to vector<16xi32>
    %swap3A_2441 = vector.shape_cast %shift_right_logical3A_2437 : vector<16xi32> to vector<16xi32>
    tpu.vector_store %arg10[%swap3A_2438], %swap3A_2441 {strides = array<i32>} : memref<2048xi32, #tpu.memory_space<vmem>>, vector<16xi32>,
    %get3A_2442 = arith.constant 1904 : index
    %get3A_2443 = tpu.vector_load %arg8[%get3A_2442] {strides = array<i32>} : memref<2048xi32, #tpu.memory_space<vmem>>, vector<16xi32>,
    %get3A_2444 = vector.shape_cast %get3A_2443 : vector<16xi32> to vector<16xi32>
    %and3A_2445 = arith.constant 65535 : i32
    %and3A_2446 = vector.broadcast %and3A_2445 : i32 to vector<16xi32>
    %and3A_2447 = arith.andi %get3A_2444, %and3A_2446 : vector<16xi32>
    %swap3A_2448 = arith.constant 1904 : index
    %swap3A_2449 = tpu.vector_load %arg9[%swap3A_2448] {strides = array<i32>} : memref<2048xi32, #tpu.memory_space<vmem>>, vector<16xi32>,
    %swap3A_2450 = vector.shape_cast %swap3A_2449 : vector<16xi32> to vector<16xi32>
    %swap3A_2451 = vector.shape_cast %and3A_2447 : vector<16xi32> to vector<16xi32>
    tpu.vector_store %arg9[%swap3A_2448], %swap3A_2451 {strides = array<i32>} : memref<2048xi32, #tpu.memory_space<vmem>>, vector<16xi32>,
    %shift_right_logical3A_2452 = arith.constant 16 : i32
    %shift_right_logical3A_2453 = vector.broadcast %shift_right_logical3A_2452 : i32 to vector<16xi32>
    %shift_right_logical3A_2454 = arith.shrui %get3A_2444, %shift_right_logical3A_2453 : vector<16xi32>
    %swap3A_2455 = arith.constant 1904 : index
    %swap3A_2456 = tpu.vector_load %arg10[%swap3A_2455] {strides = array<i32>} : memref<2048xi32, #tpu.memory_space<vmem>>, vector<16xi32>,
    %swap3A_2457 = vector.shape_cast %swap3A_2456 : vector<16xi32> to vector<16xi32>
    %swap3A_2458 = vector.shape_cast %shift_right_logical3A_2454 : vector<16xi32> to vector<16xi32>
    tpu.vector_store %arg10[%swap3A_2455], %swap3A_2458 {strides = array<i32>} : memref<2048xi32, #tpu.memory_space<vmem>>, vector<16xi32>,
    %dma_start3A_2459 = arith.constant 1792 : i32
    %dma_start3A_2460 = arith.constant 0 : i32
    %dma_start3A_2461 = tpu.memref_slice %arg11[%dma_start3A_2459, %dma_start3A_2460] : memref<2048x16xf32, #tpu.memory_space<vmem>> -> memref<128x16xf32, #tpu.memory_space<vmem>>
    %dma_start3A_2462 = arith.constant 1792 : i32
    %dma_start3A_2463 = tpu.memref_slice %arg9[%dma_start3A_2462] : memref<2048xi32, #tpu.memory_space<vmem>> -> memref<128xi32, #tpu.memory_space<vmem>>
    %dma_start3A_2464 = arith.constant 0 : i32
    %dma_start3A_2465 = arith.constant 0 : i32
    %dma_start3A_2466 = tpu.memref_slice %arg4[%dma_start3A_2464, %dma_start3A_2465] : memref<16384x16xf32, #tpu.memory_space<hbm>> -> memref<16384x16xf32, #tpu.memory_space<hbm>>
    tpu.enqueue_indirect_dma source(%dma_start3A_2466 : memref<16384x16xf32, #tpu.memory_space<hbm>>) target(%dma_start3A_2461 : memref<128x16xf32, #tpu.memory_space<vmem>>) offsets(%dma_start3A_2463 : memref<128xi32, #tpu.memory_space<vmem>>) semaphore(%arg12 : memref<!tpu.dma_semaphore, #tpu.memory_space<semaphore_mem>>)
    %dma_wait3A_2467 = arith.constant 3 : i32
    %dma_wait3A_2468 = arith.constant 1920 : i32
    %dma_wait3A_2469 = tpu.memref_slice %arg8[%dma_wait3A_2468] : memref<2048xi32, #tpu.memory_space<vmem>> -> memref<128xi32, #tpu.memory_space<vmem>>
    %dma_wait3A_2470 = arith.constant 384 : i32
    %dma_wait3A_2471 = tpu.memref_slice %arg7[%dma_wait3A_2470] : memref<512xi32, #tpu.memory_space<vmem>> -> memref<128xi32, #tpu.memory_space<vmem>>
    %dma_wait3A_2472 = arith.constant 0 : i32
    %dma_wait3A_2473 = tpu.memref_slice %arg3[%dma_wait3A_2467, %dma_wait3A_2472] : memref<4x1000000xi32, #tpu.memory_space<hbm>> -> memref<1x1000000xi32, #tpu.memory_space<hbm>>
    %dma_wait3A_2474 = tpu.memref_squeeze %dma_wait3A_2473 : memref<1x1000000xi32, #tpu.memory_space<hbm>> -> memref<1000000xi32, #tpu.memory_space<hbm>>
    %dma_wait3A_2475 = arith.constant 0 : i32
    %dma_wait3A_2476 = tpu.memref_slice %dma_wait3A_2474[%dma_wait3A_2475] : memref<1000000xi32, #tpu.memory_space<hbm>> -> memref<1000000xi32, #tpu.memory_space<hbm>>
    tpu.wait_indirect_dma semaphore(%arg12 : memref<!tpu.dma_semaphore, #tpu.memory_space<semaphore_mem>>) src(%dma_wait3A_2476 : memref<1000000xi32, #tpu.memory_space<hbm>>) dst(%dma_wait3A_2469 : memref<128xi32, #tpu.memory_space<vmem>>)
    %get3A_2477 = arith.constant 1920 : index
    %get3A_2478 = tpu.vector_load %arg8[%get3A_2477] {strides = array<i32>} : memref<2048xi32, #tpu.memory_space<vmem>>, vector<16xi32>,
    %get3A_2479 = vector.shape_cast %get3A_2478 : vector<16xi32> to vector<16xi32>
    %and3A_2480 = arith.constant 65535 : i32
    %and3A_2481 = vector.broadcast %and3A_2480 : i32 to vector<16xi32>
    %and3A_2482 = arith.andi %get3A_2479, %and3A_2481 : vector<16xi32>
    %swap3A_2483 = arith.constant 1920 : index
    %swap3A_2484 = tpu.vector_load %arg9[%swap3A_2483] {strides = array<i32>} : memref<2048xi32, #tpu.memory_space<vmem>>, vector<16xi32>,
    %swap3A_2485 = vector.shape_cast %swap3A_2484 : vector<16xi32> to vector<16xi32>
    %swap3A_2486 = vector.shape_cast %and3A_2482 : vector<16xi32> to vector<16xi32>
    tpu.vector_store %arg9[%swap3A_2483], %swap3A_2486 {strides = array<i32>} : memref<2048xi32, #tpu.memory_space<vmem>>, vector<16xi32>,
    %shift_right_logical3A_2487 = arith.constant 16 : i32
    %shift_right_logical3A_2488 = vector.broadcast %shift_right_logical3A_2487 : i32 to vector<16xi32>
    %shift_right_logical3A_2489 = arith.shrui %get3A_2479, %shift_right_logical3A_2488 : vector<16xi32>
    %swap3A_2490 = arith.constant 1920 : index
    %swap3A_2491 = tpu.vector_load %arg10[%swap3A_2490] {strides = array<i32>} : memref<2048xi32, #tpu.memory_space<vmem>>, vector<16xi32>,
    %swap3A_2492 = vector.shape_cast %swap3A_2491 : vector<16xi32> to vector<16xi32>
    %swap3A_2493 = vector.shape_cast %shift_right_logical3A_2489 : vector<16xi32> to vector<16xi32>
    tpu.vector_store %arg10[%swap3A_2490], %swap3A_2493 {strides = array<i32>} : memref<2048xi32, #tpu.memory_space<vmem>>, vector<16xi32>,
    %get3A_2494 = arith.constant 1936 : index
    %get3A_2495 = tpu.vector_load %arg8[%get3A_2494] {strides = array<i32>} : memref<2048xi32, #tpu.memory_space<vmem>>, vector<16xi32>,
    %get3A_2496 = vector.shape_cast %get3A_2495 : vector<16xi32> to vector<16xi32>
    %and3A_2497 = arith.constant 65535 : i32
    %and3A_2498 = vector.broadcast %and3A_2497 : i32 to vector<16xi32>
    %and3A_2499 = arith.andi %get3A_2496, %and3A_2498 : vector<16xi32>
    %swap3A_2500 = arith.constant 1936 : index
    %swap3A_2501 = tpu.vector_load %arg9[%swap3A_2500] {strides = array<i32>} : memref<2048xi32, #tpu.memory_space<vmem>>, vector<16xi32>,
    %swap3A_2502 = vector.shape_cast %swap3A_2501 : vector<16xi32> to vector<16xi32>
    %swap3A_2503 = vector.shape_cast %and3A_2499 : vector<16xi32> to vector<16xi32>
    tpu.vector_store %arg9[%swap3A_2500], %swap3A_2503 {strides = array<i32>} : memref<2048xi32, #tpu.memory_space<vmem>>, vector<16xi32>,
    %shift_right_logical3A_2504 = arith.constant 16 : i32
    %shift_right_logical3A_2505 = vector.broadcast %shift_right_logical3A_2504 : i32 to vector<16xi32>
    %shift_right_logical3A_2506 = arith.shrui %get3A_2496, %shift_right_logical3A_2505 : vector<16xi32>
    %swap3A_2507 = arith.constant 1936 : index
    %swap3A_2508 = tpu.vector_load %arg10[%swap3A_2507] {strides = array<i32>} : memref<2048xi32, #tpu.memory_space<vmem>>, vector<16xi32>,
    %swap3A_2509 = vector.shape_cast %swap3A_2508 : vector<16xi32> to vector<16xi32>
    %swap3A_2510 = vector.shape_cast %shift_right_logical3A_2506 : vector<16xi32> to vector<16xi32>
    tpu.vector_store %arg10[%swap3A_2507], %swap3A_2510 {strides = array<i32>} : memref<2048xi32, #tpu.memory_space<vmem>>, vector<16xi32>,
    %get3A_2511 = arith.constant 1952 : index
    %get3A_2512 = tpu.vector_load %arg8[%get3A_2511] {strides = array<i32>} : memref<2048xi32, #tpu.memory_space<vmem>>, vector<16xi32>,
    %get3A_2513 = vector.shape_cast %get3A_2512 : vector<16xi32> to vector<16xi32>
    %and3A_2514 = arith.constant 65535 : i32
    %and3A_2515 = vector.broadcast %and3A_2514 : i32 to vector<16xi32>
    %and3A_2516 = arith.andi %get3A_2513, %and3A_2515 : vector<16xi32>
    %swap3A_2517 = arith.constant 1952 : index
    %swap3A_2518 = tpu.vector_load %arg9[%swap3A_2517] {strides = array<i32>} : memref<2048xi32, #tpu.memory_space<vmem>>, vector<16xi32>,
    %swap3A_2519 = vector.shape_cast %swap3A_2518 : vector<16xi32> to vector<16xi32>
    %swap3A_2520 = vector.shape_cast %and3A_2516 : vector<16xi32> to vector<16xi32>
    tpu.vector_store %arg9[%swap3A_2517], %swap3A_2520 {strides = array<i32>} : memref<2048xi32, #tpu.memory_space<vmem>>, vector<16xi32>,
    %shift_right_logical3A_2521 = arith.constant 16 : i32
    %shift_right_logical3A_2522 = vector.broadcast %shift_right_logical3A_2521 : i32 to vector<16xi32>
    %shift_right_logical3A_2523 = arith.shrui %get3A_2513, %shift_right_logical3A_2522 : vector<16xi32>
    %swap3A_2524 = arith.constant 1952 : index
    %swap3A_2525 = tpu.vector_load %arg10[%swap3A_2524] {strides = array<i32>} : memref<2048xi32, #tpu.memory_space<vmem>>, vector<16xi32>,
    %swap3A_2526 = vector.shape_cast %swap3A_2525 : vector<16xi32> to vector<16xi32>
    %swap3A_2527 = vector.shape_cast %shift_right_logical3A_2523 : vector<16xi32> to vector<16xi32>
    tpu.vector_store %arg10[%swap3A_2524], %swap3A_2527 {strides = array<i32>} : memref<2048xi32, #tpu.memory_space<vmem>>, vector<16xi32>,
    %get3A_2528 = arith.constant 1968 : index
    %get3A_2529 = tpu.vector_load %arg8[%get3A_2528] {strides = array<i32>} : memref<2048xi32, #tpu.memory_space<vmem>>, vector<16xi32>,
    %get3A_2530 = vector.shape_cast %get3A_2529 : vector<16xi32> to vector<16xi32>
    %and3A_2531 = arith.constant 65535 : i32
    %and3A_2532 = vector.broadcast %and3A_2531 : i32 to vector<16xi32>
    %and3A_2533 = arith.andi %get3A_2530, %and3A_2532 : vector<16xi32>
    %swap3A_2534 = arith.constant 1968 : index
    %swap3A_2535 = tpu.vector_load %arg9[%swap3A_2534] {strides = array<i32>} : memref<2048xi32, #tpu.memory_space<vmem>>, vector<16xi32>,
    %swap3A_2536 = vector.shape_cast %swap3A_2535 : vector<16xi32> to vector<16xi32>
    %swap3A_2537 = vector.shape_cast %and3A_2533 : vector<16xi32> to vector<16xi32>
    tpu.vector_store %arg9[%swap3A_2534], %swap3A_2537 {strides = array<i32>} : memref<2048xi32, #tpu.memory_space<vmem>>, vector<16xi32>,
    %shift_right_logical3A_2538 = arith.constant 16 : i32
    %shift_right_logical3A_2539 = vector.broadcast %shift_right_logical3A_2538 : i32 to vector<16xi32>
    %shift_right_logical3A_2540 = arith.shrui %get3A_2530, %shift_right_logical3A_2539 : vector<16xi32>
    %swap3A_2541 = arith.constant 1968 : index
    %swap3A_2542 = tpu.vector_load %arg10[%swap3A_2541] {strides = array<i32>} : memref<2048xi32, #tpu.memory_space<vmem>>, vector<16xi32>,
    %swap3A_2543 = vector.shape_cast %swap3A_2542 : vector<16xi32> to vector<16xi32>
    %swap3A_2544 = vector.shape_cast %shift_right_logical3A_2540 : vector<16xi32> to vector<16xi32>
    tpu.vector_store %arg10[%swap3A_2541], %swap3A_2544 {strides = array<i32>} : memref<2048xi32, #tpu.memory_space<vmem>>, vector<16xi32>,
    %get3A_2545 = arith.constant 1984 : index
    %get3A_2546 = tpu.vector_load %arg8[%get3A_2545] {strides = array<i32>} : memref<2048xi32, #tpu.memory_space<vmem>>, vector<16xi32>,
    %get3A_2547 = vector.shape_cast %get3A_2546 : vector<16xi32> to vector<16xi32>
    %and3A_2548 = arith.constant 65535 : i32
    %and3A_2549 = vector.broadcast %and3A_2548 : i32 to vector<16xi32>
    %and3A_2550 = arith.andi %get3A_2547, %and3A_2549 : vector<16xi32>
    %swap3A_2551 = arith.constant 1984 : index
    %swap3A_2552 = tpu.vector_load %arg9[%swap3A_2551] {strides = array<i32>} : memref<2048xi32, #tpu.memory_space<vmem>>, vector<16xi32>,
    %swap3A_2553 = vector.shape_cast %swap3A_2552 : vector<16xi32> to vector<16xi32>
    %swap3A_2554 = vector.shape_cast %and3A_2550 : vector<16xi32> to vector<16xi32>
    tpu.vector_store %arg9[%swap3A_2551], %swap3A_2554 {strides = array<i32>} : memref<2048xi32, #tpu.memory_space<vmem>>, vector<16xi32>,
    %shift_right_logical3A_2555 = arith.constant 16 : i32
    %shift_right_logical3A_2556 = vector.broadcast %shift_right_logical3A_2555 : i32 to vector<16xi32>
    %shift_right_logical3A_2557 = arith.shrui %get3A_2547, %shift_right_logical3A_2556 : vector<16xi32>
    %swap3A_2558 = arith.constant 1984 : index
    %swap3A_2559 = tpu.vector_load %arg10[%swap3A_2558] {strides = array<i32>} : memref<2048xi32, #tpu.memory_space<vmem>>, vector<16xi32>,
    %swap3A_2560 = vector.shape_cast %swap3A_2559 : vector<16xi32> to vector<16xi32>
    %swap3A_2561 = vector.shape_cast %shift_right_logical3A_2557 : vector<16xi32> to vector<16xi32>
    tpu.vector_store %arg10[%swap3A_2558], %swap3A_2561 {strides = array<i32>} : memref<2048xi32, #tpu.memory_space<vmem>>, vector<16xi32>,
    %get3A_2562 = arith.constant 2000 : index
    %get3A_2563 = tpu.vector_load %arg8[%get3A_2562] {strides = array<i32>} : memref<2048xi32, #tpu.memory_space<vmem>>, vector<16xi32>,
    %get3A_2564 = vector.shape_cast %get3A_2563 : vector<16xi32> to vector<16xi32>
    %and3A_2565 = arith.constant 65535 : i32
    %and3A_2566 = vector.broadcast %and3A_2565 : i32 to vector<16xi32>
    %and3A_2567 = arith.andi %get3A_2564, %and3A_2566 : vector<16xi32>
    %swap3A_2568 = arith.constant 2000 : index
    %swap3A_2569 = tpu.vector_load %arg9[%swap3A_2568] {strides = array<i32>} : memref<2048xi32, #tpu.memory_space<vmem>>, vector<16xi32>,
    %swap3A_2570 = vector.shape_cast %swap3A_2569 : vector<16xi32> to vector<16xi32>
    %swap3A_2571 = vector.shape_cast %and3A_2567 : vector<16xi32> to vector<16xi32>
    tpu.vector_store %arg9[%swap3A_2568], %swap3A_2571 {strides = array<i32>} : memref<2048xi32, #tpu.memory_space<vmem>>, vector<16xi32>,
    %shift_right_logical3A_2572 = arith.constant 16 : i32
    %shift_right_logical3A_2573 = vector.broadcast %shift_right_logical3A_2572 : i32 to vector<16xi32>
    %shift_right_logical3A_2574 = arith.shrui %get3A_2564, %shift_right_logical3A_2573 : vector<16xi32>
    %swap3A_2575 = arith.constant 2000 : index
    %swap3A_2576 = tpu.vector_load %arg10[%swap3A_2575] {strides = array<i32>} : memref<2048xi32, #tpu.memory_space<vmem>>, vector<16xi32>,
    %swap3A_2577 = vector.shape_cast %swap3A_2576 : vector<16xi32> to vector<16xi32>
    %swap3A_2578 = vector.shape_cast %shift_right_logical3A_2574 : vector<16xi32> to vector<16xi32>
    tpu.vector_store %arg10[%swap3A_2575], %swap3A_2578 {strides = array<i32>} : memref<2048xi32, #tpu.memory_space<vmem>>, vector<16xi32>,
    %get3A_2579 = arith.constant 2016 : index
    %get3A_2580 = tpu.vector_load %arg8[%get3A_2579] {strides = array<i32>} : memref<2048xi32, #tpu.memory_space<vmem>>, vector<16xi32>,
    %get3A_2581 = vector.shape_cast %get3A_2580 : vector<16xi32> to vector<16xi32>
    %and3A_2582 = arith.constant 65535 : i32
    %and3A_2583 = vector.broadcast %and3A_2582 : i32 to vector<16xi32>
    %and3A_2584 = arith.andi %get3A_2581, %and3A_2583 : vector<16xi32>
    %swap3A_2585 = arith.constant 2016 : index
    %swap3A_2586 = tpu.vector_load %arg9[%swap3A_2585] {strides = array<i32>} : memref<2048xi32, #tpu.memory_space<vmem>>, vector<16xi32>,
    %swap3A_2587 = vector.shape_cast %swap3A_2586 : vector<16xi32> to vector<16xi32>
    %swap3A_2588 = vector.shape_cast %and3A_2584 : vector<16xi32> to vector<16xi32>
    tpu.vector_store %arg9[%swap3A_2585], %swap3A_2588 {strides = array<i32>} : memref<2048xi32, #tpu.memory_space<vmem>>, vector<16xi32>,
    %shift_right_logical3A_2589 = arith.constant 16 : i32
    %shift_right_logical3A_2590 = vector.broadcast %shift_right_logical3A_2589 : i32 to vector<16xi32>
    %shift_right_logical3A_2591 = arith.shrui %get3A_2581, %shift_right_logical3A_2590 : vector<16xi32>
    %swap3A_2592 = arith.constant 2016 : index
    %swap3A_2593 = tpu.vector_load %arg10[%swap3A_2592] {strides = array<i32>} : memref<2048xi32, #tpu.memory_space<vmem>>, vector<16xi32>,
    %swap3A_2594 = vector.shape_cast %swap3A_2593 : vector<16xi32> to vector<16xi32>
    %swap3A_2595 = vector.shape_cast %shift_right_logical3A_2591 : vector<16xi32> to vector<16xi32>
    tpu.vector_store %arg10[%swap3A_2592], %swap3A_2595 {strides = array<i32>} : memref<2048xi32, #tpu.memory_space<vmem>>, vector<16xi32>,
    %get3A_2596 = arith.constant 2032 : index
    %get3A_2597 = tpu.vector_load %arg8[%get3A_2596] {strides = array<i32>} : memref<2048xi32, #tpu.memory_space<vmem>>, vector<16xi32>,
    %get3A_2598 = vector.shape_cast %get3A_2597 : vector<16xi32> to vector<16xi32>
    %and3A_2599 = arith.constant 65535 : i32
    %and3A_2600 = vector.broadcast %and3A_2599 : i32 to vector<16xi32>
    %and3A_2601 = arith.andi %get3A_2598, %and3A_2600 : vector<16xi32>
    %swap3A_2602 = arith.constant 2032 : index
    %swap3A_2603 = tpu.vector_load %arg9[%swap3A_2602] {strides = array<i32>} : memref<2048xi32, #tpu.memory_space<vmem>>, vector<16xi32>,
    %swap3A_2604 = vector.shape_cast %swap3A_2603 : vector<16xi32> to vector<16xi32>
    %swap3A_2605 = vector.shape_cast %and3A_2601 : vector<16xi32> to vector<16xi32>
    tpu.vector_store %arg9[%swap3A_2602], %swap3A_2605 {strides = array<i32>} : memref<2048xi32, #tpu.memory_space<vmem>>, vector<16xi32>,
    %shift_right_logical3A_2606 = arith.constant 16 : i32
    %shift_right_logical3A_2607 = vector.broadcast %shift_right_logical3A_2606 : i32 to vector<16xi32>
    %shift_right_logical3A_2608 = arith.shrui %get3A_2598, %shift_right_logical3A_2607 : vector<16xi32>
    %swap3A_2609 = arith.constant 2032 : index
    %swap3A_2610 = tpu.vector_load %arg10[%swap3A_2609] {strides = array<i32>} : memref<2048xi32, #tpu.memory_space<vmem>>, vector<16xi32>,
    %swap3A_2611 = vector.shape_cast %swap3A_2610 : vector<16xi32> to vector<16xi32>
    %swap3A_2612 = vector.shape_cast %shift_right_logical3A_2608 : vector<16xi32> to vector<16xi32>
    tpu.vector_store %arg10[%swap3A_2609], %swap3A_2612 {strides = array<i32>} : memref<2048xi32, #tpu.memory_space<vmem>>, vector<16xi32>,
    %dma_start3A_2613 = arith.constant 1920 : i32
    %dma_start3A_2614 = arith.constant 0 : i32
    %dma_start3A_2615 = tpu.memref_slice %arg11[%dma_start3A_2613, %dma_start3A_2614] : memref<2048x16xf32, #tpu.memory_space<vmem>> -> memref<128x16xf32, #tpu.memory_space<vmem>>
    %dma_start3A_2616 = arith.constant 1920 : i32
    %dma_start3A_2617 = tpu.memref_slice %arg9[%dma_start3A_2616] : memref<2048xi32, #tpu.memory_space<vmem>> -> memref<128xi32, #tpu.memory_space<vmem>>
    %dma_start3A_2618 = arith.constant 0 : i32
    %dma_start3A_2619 = arith.constant 0 : i32
    %dma_start3A_2620 = tpu.memref_slice %arg4[%dma_start3A_2618, %dma_start3A_2619] : memref<16384x16xf32, #tpu.memory_space<hbm>> -> memref<16384x16xf32, #tpu.memory_space<hbm>>
    tpu.enqueue_indirect_dma source(%dma_start3A_2620 : memref<16384x16xf32, #tpu.memory_space<hbm>>) target(%dma_start3A_2615 : memref<128x16xf32, #tpu.memory_space<vmem>>) offsets(%dma_start3A_2617 : memref<128xi32, #tpu.memory_space<vmem>>) semaphore(%arg12 : memref<!tpu.dma_semaphore, #tpu.memory_space<semaphore_mem>>)
    %dma_wait3A_2621 = arith.constant 0 : i32
    %dma_wait3A_2622 = arith.constant 0 : i32
    %dma_wait3A_2623 = tpu.memref_slice %arg11[%dma_wait3A_2621, %dma_wait3A_2622] : memref<2048x16xf32, #tpu.memory_space<vmem>> -> memref<128x16xf32, #tpu.memory_space<vmem>>
    %dma_wait3A_2624 = arith.constant 0 : i32
    %dma_wait3A_2625 = tpu.memref_slice %arg9[%dma_wait3A_2624] : memref<2048xi32, #tpu.memory_space<vmem>> -> memref<128xi32, #tpu.memory_space<vmem>>
    %dma_wait3A_2626 = arith.constant 0 : i32
    %dma_wait3A_2627 = arith.constant 0 : i32
    %dma_wait3A_2628 = tpu.memref_slice %arg4[%dma_wait3A_2626, %dma_wait3A_2627] : memref<16384x16xf32, #tpu.memory_space<hbm>> -> memref<16384x16xf32, #tpu.memory_space<hbm>>
    tpu.wait_indirect_dma semaphore(%arg12 : memref<!tpu.dma_semaphore, #tpu.memory_space<semaphore_mem>>) src(%dma_wait3A_2628 : memref<16384x16xf32, #tpu.memory_space<hbm>>) dst(%dma_wait3A_2623 : memref<128x16xf32, #tpu.memory_space<vmem>>)
    %dma_start3A_2629 = arith.constant 0 : i32
    %dma_start3A_2630 = arith.constant 0 : i32
    %dma_start3A_2631 = tpu.memref_slice %arg11[%dma_start3A_2629, %dma_start3A_2630] : memref<2048x16xf32, #tpu.memory_space<vmem>> -> memref<128x16xf32, #tpu.memory_space<vmem>>
    %dma_start3A_2632 = arith.constant 0 : i32
    %dma_start3A_2633 = tpu.memref_slice %arg10[%dma_start3A_2632] : memref<2048xi32, #tpu.memory_space<vmem>> -> memref<128xi32, #tpu.memory_space<vmem>>
    %dma_start3A_2634 = arith.constant 0 : i32
    %dma_start3A_2635 = arith.constant 0 : i32
    %dma_start3A_2636 = tpu.memref_slice %arg5[%dma_start3A_2634, %dma_start3A_2635] : memref<16384x16xf32, #tpu.memory_space<hbm>> -> memref<16384x16xf32, #tpu.memory_space<hbm>>
    tpu.enqueue_indirect_dma source(%dma_start3A_2636 : memref<16384x16xf32, #tpu.memory_space<hbm>>) target(%dma_start3A_2631 : memref<128x16xf32, #tpu.memory_space<vmem>>) offsets(%dma_start3A_2633 : memref<128xi32, #tpu.memory_space<vmem>>) semaphore(%arg12 : memref<!tpu.dma_semaphore, #tpu.memory_space<semaphore_mem>>) {add = true}
    %dma_wait3A_2637 = arith.constant 128 : i32
    %dma_wait3A_2638 = arith.constant 0 : i32
    %dma_wait3A_2639 = tpu.memref_slice %arg11[%dma_wait3A_2637, %dma_wait3A_2638] : memref<2048x16xf32, #tpu.memory_space<vmem>> -> memref<128x16xf32, #tpu.memory_space<vmem>>
    %dma_wait3A_2640 = arith.constant 128 : i32
    %dma_wait3A_2641 = tpu.memref_slice %arg9[%dma_wait3A_2640] : memref<2048xi32, #tpu.memory_space<vmem>> -> memref<128xi32, #tpu.memory_space<vmem>>
    %dma_wait3A_2642 = arith.constant 0 : i32
    %dma_wait3A_2643 = arith.constant 0 : i32
    %dma_wait3A_2644 = tpu.memref_slice %arg4[%dma_wait3A_2642, %dma_wait3A_2643] : memref<16384x16xf32, #tpu.memory_space<hbm>> -> memref<16384x16xf32, #tpu.memory_space<hbm>>
    tpu.wait_indirect_dma semaphore(%arg12 : memref<!tpu.dma_semaphore, #tpu.memory_space<semaphore_mem>>) src(%dma_wait3A_2644 : memref<16384x16xf32, #tpu.memory_space<hbm>>) dst(%dma_wait3A_2639 : memref<128x16xf32, #tpu.memory_space<vmem>>)
    %dma_start3A_2645 = arith.constant 128 : i32
    %dma_start3A_2646 = arith.constant 0 : i32
    %dma_start3A_2647 = tpu.memref_slice %arg11[%dma_start3A_2645, %dma_start3A_2646] : memref<2048x16xf32, #tpu.memory_space<vmem>> -> memref<128x16xf32, #tpu.memory_space<vmem>>
    %dma_start3A_2648 = arith.constant 128 : i32
    %dma_start3A_2649 = tpu.memref_slice %arg10[%dma_start3A_2648] : memref<2048xi32, #tpu.memory_space<vmem>> -> memref<128xi32, #tpu.memory_space<vmem>>
    %dma_start3A_2650 = arith.constant 0 : i32
    %dma_start3A_2651 = arith.constant 0 : i32
    %dma_start3A_2652 = tpu.memref_slice %arg5[%dma_start3A_2650, %dma_start3A_2651] : memref<16384x16xf32, #tpu.memory_space<hbm>> -> memref<16384x16xf32, #tpu.memory_space<hbm>>
    tpu.enqueue_indirect_dma source(%dma_start3A_2652 : memref<16384x16xf32, #tpu.memory_space<hbm>>) target(%dma_start3A_2647 : memref<128x16xf32, #tpu.memory_space<vmem>>) offsets(%dma_start3A_2649 : memref<128xi32, #tpu.memory_space<vmem>>) semaphore(%arg12 : memref<!tpu.dma_semaphore, #tpu.memory_space<semaphore_mem>>) {add = true}
    %dma_wait3A_2653 = arith.constant 256 : i32
    %dma_wait3A_2654 = arith.constant 0 : i32
    %dma_wait3A_2655 = tpu.memref_slice %arg11[%dma_wait3A_2653, %dma_wait3A_2654] : memref<2048x16xf32, #tpu.memory_space<vmem>> -> memref<128x16xf32, #tpu.memory_space<vmem>>
    %dma_wait3A_2656 = arith.constant 256 : i32
    %dma_wait3A_2657 = tpu.memref_slice %arg9[%dma_wait3A_2656] : memref<2048xi32, #tpu.memory_space<vmem>> -> memref<128xi32, #tpu.memory_space<vmem>>
    %dma_wait3A_2658 = arith.constant 0 : i32
    %dma_wait3A_2659 = arith.constant 0 : i32
    %dma_wait3A_2660 = tpu.memref_slice %arg4[%dma_wait3A_2658, %dma_wait3A_2659] : memref<16384x16xf32, #tpu.memory_space<hbm>> -> memref<16384x16xf32, #tpu.memory_space<hbm>>
    tpu.wait_indirect_dma semaphore(%arg12 : memref<!tpu.dma_semaphore, #tpu.memory_space<semaphore_mem>>) src(%dma_wait3A_2660 : memref<16384x16xf32, #tpu.memory_space<hbm>>) dst(%dma_wait3A_2655 : memref<128x16xf32, #tpu.memory_space<vmem>>)
    %dma_start3A_2661 = arith.constant 256 : i32
    %dma_start3A_2662 = arith.constant 0 : i32
    %dma_start3A_2663 = tpu.memref_slice %arg11[%dma_start3A_2661, %dma_start3A_2662] : memref<2048x16xf32, #tpu.memory_space<vmem>> -> memref<128x16xf32, #tpu.memory_space<vmem>>
    %dma_start3A_2664 = arith.constant 256 : i32
    %dma_start3A_2665 = tpu.memref_slice %arg10[%dma_start3A_2664] : memref<2048xi32, #tpu.memory_space<vmem>> -> memref<128xi32, #tpu.memory_space<vmem>>
    %dma_start3A_2666 = arith.constant 0 : i32
    %dma_start3A_2667 = arith.constant 0 : i32
    %dma_start3A_2668 = tpu.memref_slice %arg5[%dma_start3A_2666, %dma_start3A_2667] : memref<16384x16xf32, #tpu.memory_space<hbm>> -> memref<16384x16xf32, #tpu.memory_space<hbm>>
    tpu.enqueue_indirect_dma source(%dma_start3A_2668 : memref<16384x16xf32, #tpu.memory_space<hbm>>) target(%dma_start3A_2663 : memref<128x16xf32, #tpu.memory_space<vmem>>) offsets(%dma_start3A_2665 : memref<128xi32, #tpu.memory_space<vmem>>) semaphore(%arg12 : memref<!tpu.dma_semaphore, #tpu.memory_space<semaphore_mem>>) {add = true}
    %dma_wait3A_2669 = arith.constant 384 : i32
    %dma_wait3A_2670 = arith.constant 0 : i32
    %dma_wait3A_2671 = tpu.memref_slice %arg11[%dma_wait3A_2669, %dma_wait3A_2670] : memref<2048x16xf32, #tpu.memory_space<vmem>> -> memref<128x16xf32, #tpu.memory_space<vmem>>
    %dma_wait3A_2672 = arith.constant 384 : i32
    %dma_wait3A_2673 = tpu.memref_slice %arg9[%dma_wait3A_2672] : memref<2048xi32, #tpu.memory_space<vmem>> -> memref<128xi32, #tpu.memory_space<vmem>>
    %dma_wait3A_2674 = arith.constant 0 : i32
    %dma_wait3A_2675 = arith.constant 0 : i32
    %dma_wait3A_2676 = tpu.memref_slice %arg4[%dma_wait3A_2674, %dma_wait3A_2675] : memref<16384x16xf32, #tpu.memory_space<hbm>> -> memref<16384x16xf32, #tpu.memory_space<hbm>>
    tpu.wait_indirect_dma semaphore(%arg12 : memref<!tpu.dma_semaphore, #tpu.memory_space<semaphore_mem>>) src(%dma_wait3A_2676 : memref<16384x16xf32, #tpu.memory_space<hbm>>) dst(%dma_wait3A_2671 : memref<128x16xf32, #tpu.memory_space<vmem>>)
    %dma_start3A_2677 = arith.constant 384 : i32
    %dma_start3A_2678 = arith.constant 0 : i32
    %dma_start3A_2679 = tpu.memref_slice %arg11[%dma_start3A_2677, %dma_start3A_2678] : memref<2048x16xf32, #tpu.memory_space<vmem>> -> memref<128x16xf32, #tpu.memory_space<vmem>>
    %dma_start3A_2680 = arith.constant 384 : i32
    %dma_start3A_2681 = tpu.memref_slice %arg10[%dma_start3A_2680] : memref<2048xi32, #tpu.memory_space<vmem>> -> memref<128xi32, #tpu.memory_space<vmem>>
    %dma_start3A_2682 = arith.constant 0 : i32
    %dma_start3A_2683 = arith.constant 0 : i32
    %dma_start3A_2684 = tpu.memref_slice %arg5[%dma_start3A_2682, %dma_start3A_2683] : memref<16384x16xf32, #tpu.memory_space<hbm>> -> memref<16384x16xf32, #tpu.memory_space<hbm>>
    tpu.enqueue_indirect_dma source(%dma_start3A_2684 : memref<16384x16xf32, #tpu.memory_space<hbm>>) target(%dma_start3A_2679 : memref<128x16xf32, #tpu.memory_space<vmem>>) offsets(%dma_start3A_2681 : memref<128xi32, #tpu.memory_space<vmem>>) semaphore(%arg12 : memref<!tpu.dma_semaphore, #tpu.memory_space<semaphore_mem>>) {add = true}
    %dma_wait3A_2685 = arith.constant 512 : i32
    %dma_wait3A_2686 = arith.constant 0 : i32
    %dma_wait3A_2687 = tpu.memref_slice %arg11[%dma_wait3A_2685, %dma_wait3A_2686] : memref<2048x16xf32, #tpu.memory_space<vmem>> -> memref<128x16xf32, #tpu.memory_space<vmem>>
    %dma_wait3A_2688 = arith.constant 512 : i32
    %dma_wait3A_2689 = tpu.memref_slice %arg9[%dma_wait3A_2688] : memref<2048xi32, #tpu.memory_space<vmem>> -> memref<128xi32, #tpu.memory_space<vmem>>
    %dma_wait3A_2690 = arith.constant 0 : i32
    %dma_wait3A_2691 = arith.constant 0 : i32
    %dma_wait3A_2692 = tpu.memref_slice %arg4[%dma_wait3A_2690, %dma_wait3A_2691] : memref<16384x16xf32, #tpu.memory_space<hbm>> -> memref<16384x16xf32, #tpu.memory_space<hbm>>
    tpu.wait_indirect_dma semaphore(%arg12 : memref<!tpu.dma_semaphore, #tpu.memory_space<semaphore_mem>>) src(%dma_wait3A_2692 : memref<16384x16xf32, #tpu.memory_space<hbm>>) dst(%dma_wait3A_2687 : memref<128x16xf32, #tpu.memory_space<vmem>>)
    %dma_start3A_2693 = arith.constant 512 : i32
    %dma_start3A_2694 = arith.constant 0 : i32
    %dma_start3A_2695 = tpu.memref_slice %arg11[%dma_start3A_2693, %dma_start3A_2694] : memref<2048x16xf32, #tpu.memory_space<vmem>> -> memref<128x16xf32, #tpu.memory_space<vmem>>
    %dma_start3A_2696 = arith.constant 512 : i32
    %dma_start3A_2697 = tpu.memref_slice %arg10[%dma_start3A_2696] : memref<2048xi32, #tpu.memory_space<vmem>> -> memref<128xi32, #tpu.memory_space<vmem>>
    %dma_start3A_2698 = arith.constant 0 : i32
    %dma_start3A_2699 = arith.constant 0 : i32
    %dma_start3A_2700 = tpu.memref_slice %arg5[%dma_start3A_2698, %dma_start3A_2699] : memref<16384x16xf32, #tpu.memory_space<hbm>> -> memref<16384x16xf32, #tpu.memory_space<hbm>>
    tpu.enqueue_indirect_dma source(%dma_start3A_2700 : memref<16384x16xf32, #tpu.memory_space<hbm>>) target(%dma_start3A_2695 : memref<128x16xf32, #tpu.memory_space<vmem>>) offsets(%dma_start3A_2697 : memref<128xi32, #tpu.memory_space<vmem>>) semaphore(%arg12 : memref<!tpu.dma_semaphore, #tpu.memory_space<semaphore_mem>>) {add = true}
    %dma_wait3A_2701 = arith.constant 640 : i32
    %dma_wait3A_2702 = arith.constant 0 : i32
    %dma_wait3A_2703 = tpu.memref_slice %arg11[%dma_wait3A_2701, %dma_wait3A_2702] : memref<2048x16xf32, #tpu.memory_space<vmem>> -> memref<128x16xf32, #tpu.memory_space<vmem>>
    %dma_wait3A_2704 = arith.constant 640 : i32
    %dma_wait3A_2705 = tpu.memref_slice %arg9[%dma_wait3A_2704] : memref<2048xi32, #tpu.memory_space<vmem>> -> memref<128xi32, #tpu.memory_space<vmem>>
    %dma_wait3A_2706 = arith.constant 0 : i32
    %dma_wait3A_2707 = arith.constant 0 : i32
    %dma_wait3A_2708 = tpu.memref_slice %arg4[%dma_wait3A_2706, %dma_wait3A_2707] : memref<16384x16xf32, #tpu.memory_space<hbm>> -> memref<16384x16xf32, #tpu.memory_space<hbm>>
    tpu.wait_indirect_dma semaphore(%arg12 : memref<!tpu.dma_semaphore, #tpu.memory_space<semaphore_mem>>) src(%dma_wait3A_2708 : memref<16384x16xf32, #tpu.memory_space<hbm>>) dst(%dma_wait3A_2703 : memref<128x16xf32, #tpu.memory_space<vmem>>)
    %dma_start3A_2709 = arith.constant 640 : i32
    %dma_start3A_2710 = arith.constant 0 : i32
    %dma_start3A_2711 = tpu.memref_slice %arg11[%dma_start3A_2709, %dma_start3A_2710] : memref<2048x16xf32, #tpu.memory_space<vmem>> -> memref<128x16xf32, #tpu.memory_space<vmem>>
    %dma_start3A_2712 = arith.constant 640 : i32
    %dma_start3A_2713 = tpu.memref_slice %arg10[%dma_start3A_2712] : memref<2048xi32, #tpu.memory_space<vmem>> -> memref<128xi32, #tpu.memory_space<vmem>>
    %dma_start3A_2714 = arith.constant 0 : i32
    %dma_start3A_2715 = arith.constant 0 : i32
    %dma_start3A_2716 = tpu.memref_slice %arg5[%dma_start3A_2714, %dma_start3A_2715] : memref<16384x16xf32, #tpu.memory_space<hbm>> -> memref<16384x16xf32, #tpu.memory_space<hbm>>
    tpu.enqueue_indirect_dma source(%dma_start3A_2716 : memref<16384x16xf32, #tpu.memory_space<hbm>>) target(%dma_start3A_2711 : memref<128x16xf32, #tpu.memory_space<vmem>>) offsets(%dma_start3A_2713 : memref<128xi32, #tpu.memory_space<vmem>>) semaphore(%arg12 : memref<!tpu.dma_semaphore, #tpu.memory_space<semaphore_mem>>) {add = true}
    %dma_wait3A_2717 = arith.constant 768 : i32
    %dma_wait3A_2718 = arith.constant 0 : i32
    %dma_wait3A_2719 = tpu.memref_slice %arg11[%dma_wait3A_2717, %dma_wait3A_2718] : memref<2048x16xf32, #tpu.memory_space<vmem>> -> memref<128x16xf32, #tpu.memory_space<vmem>>
    %dma_wait3A_2720 = arith.constant 768 : i32
    %dma_wait3A_2721 = tpu.memref_slice %arg9[%dma_wait3A_2720] : memref<2048xi32, #tpu.memory_space<vmem>> -> memref<128xi32, #tpu.memory_space<vmem>>
    %dma_wait3A_2722 = arith.constant 0 : i32
    %dma_wait3A_2723 = arith.constant 0 : i32
    %dma_wait3A_2724 = tpu.memref_slice %arg4[%dma_wait3A_2722, %dma_wait3A_2723] : memref<16384x16xf32, #tpu.memory_space<hbm>> -> memref<16384x16xf32, #tpu.memory_space<hbm>>
    tpu.wait_indirect_dma semaphore(%arg12 : memref<!tpu.dma_semaphore, #tpu.memory_space<semaphore_mem>>) src(%dma_wait3A_2724 : memref<16384x16xf32, #tpu.memory_space<hbm>>) dst(%dma_wait3A_2719 : memref<128x16xf32, #tpu.memory_space<vmem>>)
    %dma_start3A_2725 = arith.constant 768 : i32
    %dma_start3A_2726 = arith.constant 0 : i32
    %dma_start3A_2727 = tpu.memref_slice %arg11[%dma_start3A_2725, %dma_start3A_2726] : memref<2048x16xf32, #tpu.memory_space<vmem>> -> memref<128x16xf32, #tpu.memory_space<vmem>>
    %dma_start3A_2728 = arith.constant 768 : i32
    %dma_start3A_2729 = tpu.memref_slice %arg10[%dma_start3A_2728] : memref<2048xi32, #tpu.memory_space<vmem>> -> memref<128xi32, #tpu.memory_space<vmem>>
    %dma_start3A_2730 = arith.constant 0 : i32
    %dma_start3A_2731 = arith.constant 0 : i32
    %dma_start3A_2732 = tpu.memref_slice %arg5[%dma_start3A_2730, %dma_start3A_2731] : memref<16384x16xf32, #tpu.memory_space<hbm>> -> memref<16384x16xf32, #tpu.memory_space<hbm>>
    tpu.enqueue_indirect_dma source(%dma_start3A_2732 : memref<16384x16xf32, #tpu.memory_space<hbm>>) target(%dma_start3A_2727 : memref<128x16xf32, #tpu.memory_space<vmem>>) offsets(%dma_start3A_2729 : memref<128xi32, #tpu.memory_space<vmem>>) semaphore(%arg12 : memref<!tpu.dma_semaphore, #tpu.memory_space<semaphore_mem>>) {add = true}
    %dma_wait3A_2733 = arith.constant 896 : i32
    %dma_wait3A_2734 = arith.constant 0 : i32
    %dma_wait3A_2735 = tpu.memref_slice %arg11[%dma_wait3A_2733, %dma_wait3A_2734] : memref<2048x16xf32, #tpu.memory_space<vmem>> -> memref<128x16xf32, #tpu.memory_space<vmem>>
    %dma_wait3A_2736 = arith.constant 896 : i32
    %dma_wait3A_2737 = tpu.memref_slice %arg9[%dma_wait3A_2736] : memref<2048xi32, #tpu.memory_space<vmem>> -> memref<128xi32, #tpu.memory_space<vmem>>
    %dma_wait3A_2738 = arith.constant 0 : i32
    %dma_wait3A_2739 = arith.constant 0 : i32
    %dma_wait3A_2740 = tpu.memref_slice %arg4[%dma_wait3A_2738, %dma_wait3A_2739] : memref<16384x16xf32, #tpu.memory_space<hbm>> -> memref<16384x16xf32, #tpu.memory_space<hbm>>
    tpu.wait_indirect_dma semaphore(%arg12 : memref<!tpu.dma_semaphore, #tpu.memory_space<semaphore_mem>>) src(%dma_wait3A_2740 : memref<16384x16xf32, #tpu.memory_space<hbm>>) dst(%dma_wait3A_2735 : memref<128x16xf32, #tpu.memory_space<vmem>>)
    %dma_start3A_2741 = arith.constant 896 : i32
    %dma_start3A_2742 = arith.constant 0 : i32
    %dma_start3A_2743 = tpu.memref_slice %arg11[%dma_start3A_2741, %dma_start3A_2742] : memref<2048x16xf32, #tpu.memory_space<vmem>> -> memref<128x16xf32, #tpu.memory_space<vmem>>
    %dma_start3A_2744 = arith.constant 896 : i32
    %dma_start3A_2745 = tpu.memref_slice %arg10[%dma_start3A_2744] : memref<2048xi32, #tpu.memory_space<vmem>> -> memref<128xi32, #tpu.memory_space<vmem>>
    %dma_start3A_2746 = arith.constant 0 : i32
    %dma_start3A_2747 = arith.constant 0 : i32
    %dma_start3A_2748 = tpu.memref_slice %arg5[%dma_start3A_2746, %dma_start3A_2747] : memref<16384x16xf32, #tpu.memory_space<hbm>> -> memref<16384x16xf32, #tpu.memory_space<hbm>>
    tpu.enqueue_indirect_dma source(%dma_start3A_2748 : memref<16384x16xf32, #tpu.memory_space<hbm>>) target(%dma_start3A_2743 : memref<128x16xf32, #tpu.memory_space<vmem>>) offsets(%dma_start3A_2745 : memref<128xi32, #tpu.memory_space<vmem>>) semaphore(%arg12 : memref<!tpu.dma_semaphore, #tpu.memory_space<semaphore_mem>>) {add = true}
    %dma_wait3A_2749 = arith.constant 1024 : i32
    %dma_wait3A_2750 = arith.constant 0 : i32
    %dma_wait3A_2751 = tpu.memref_slice %arg11[%dma_wait3A_2749, %dma_wait3A_2750] : memref<2048x16xf32, #tpu.memory_space<vmem>> -> memref<128x16xf32, #tpu.memory_space<vmem>>
    %dma_wait3A_2752 = arith.constant 1024 : i32
    %dma_wait3A_2753 = tpu.memref_slice %arg9[%dma_wait3A_2752] : memref<2048xi32, #tpu.memory_space<vmem>> -> memref<128xi32, #tpu.memory_space<vmem>>
    %dma_wait3A_2754 = arith.constant 0 : i32
    %dma_wait3A_2755 = arith.constant 0 : i32
    %dma_wait3A_2756 = tpu.memref_slice %arg4[%dma_wait3A_2754, %dma_wait3A_2755] : memref<16384x16xf32, #tpu.memory_space<hbm>> -> memref<16384x16xf32, #tpu.memory_space<hbm>>
    tpu.wait_indirect_dma semaphore(%arg12 : memref<!tpu.dma_semaphore, #tpu.memory_space<semaphore_mem>>) src(%dma_wait3A_2756 : memref<16384x16xf32, #tpu.memory_space<hbm>>) dst(%dma_wait3A_2751 : memref<128x16xf32, #tpu.memory_space<vmem>>)
    %dma_start3A_2757 = arith.constant 1024 : i32
    %dma_start3A_2758 = arith.constant 0 : i32
    %dma_start3A_2759 = tpu.memref_slice %arg11[%dma_start3A_2757, %dma_start3A_2758] : memref<2048x16xf32, #tpu.memory_space<vmem>> -> memref<128x16xf32, #tpu.memory_space<vmem>>
    %dma_start3A_2760 = arith.constant 1024 : i32
    %dma_start3A_2761 = tpu.memref_slice %arg10[%dma_start3A_2760] : memref<2048xi32, #tpu.memory_space<vmem>> -> memref<128xi32, #tpu.memory_space<vmem>>
    %dma_start3A_2762 = arith.constant 0 : i32
    %dma_start3A_2763 = arith.constant 0 : i32
    %dma_start3A_2764 = tpu.memref_slice %arg5[%dma_start3A_2762, %dma_start3A_2763] : memref<16384x16xf32, #tpu.memory_space<hbm>> -> memref<16384x16xf32, #tpu.memory_space<hbm>>
    tpu.enqueue_indirect_dma source(%dma_start3A_2764 : memref<16384x16xf32, #tpu.memory_space<hbm>>) target(%dma_start3A_2759 : memref<128x16xf32, #tpu.memory_space<vmem>>) offsets(%dma_start3A_2761 : memref<128xi32, #tpu.memory_space<vmem>>) semaphore(%arg12 : memref<!tpu.dma_semaphore, #tpu.memory_space<semaphore_mem>>) {add = true}
    %dma_wait3A_2765 = arith.constant 1152 : i32
    %dma_wait3A_2766 = arith.constant 0 : i32
    %dma_wait3A_2767 = tpu.memref_slice %arg11[%dma_wait3A_2765, %dma_wait3A_2766] : memref<2048x16xf32, #tpu.memory_space<vmem>> -> memref<128x16xf32, #tpu.memory_space<vmem>>
    %dma_wait3A_2768 = arith.constant 1152 : i32
    %dma_wait3A_2769 = tpu.memref_slice %arg9[%dma_wait3A_2768] : memref<2048xi32, #tpu.memory_space<vmem>> -> memref<128xi32, #tpu.memory_space<vmem>>
    %dma_wait3A_2770 = arith.constant 0 : i32
    %dma_wait3A_2771 = arith.constant 0 : i32
    %dma_wait3A_2772 = tpu.memref_slice %arg4[%dma_wait3A_2770, %dma_wait3A_2771] : memref<16384x16xf32, #tpu.memory_space<hbm>> -> memref<16384x16xf32, #tpu.memory_space<hbm>>
    tpu.wait_indirect_dma semaphore(%arg12 : memref<!tpu.dma_semaphore, #tpu.memory_space<semaphore_mem>>) src(%dma_wait3A_2772 : memref<16384x16xf32, #tpu.memory_space<hbm>>) dst(%dma_wait3A_2767 : memref<128x16xf32, #tpu.memory_space<vmem>>)
    %dma_start3A_2773 = arith.constant 1152 : i32
    %dma_start3A_2774 = arith.constant 0 : i32
    %dma_start3A_2775 = tpu.memref_slice %arg11[%dma_start3A_2773, %dma_start3A_2774] : memref<2048x16xf32, #tpu.memory_space<vmem>> -> memref<128x16xf32, #tpu.memory_space<vmem>>
    %dma_start3A_2776 = arith.constant 1152 : i32
    %dma_start3A_2777 = tpu.memref_slice %arg10[%dma_start3A_2776] : memref<2048xi32, #tpu.memory_space<vmem>> -> memref<128xi32, #tpu.memory_space<vmem>>
    %dma_start3A_2778 = arith.constant 0 : i32
    %dma_start3A_2779 = arith.constant 0 : i32
    %dma_start3A_2780 = tpu.memref_slice %arg5[%dma_start3A_2778, %dma_start3A_2779] : memref<16384x16xf32, #tpu.memory_space<hbm>> -> memref<16384x16xf32, #tpu.memory_space<hbm>>
    tpu.enqueue_indirect_dma source(%dma_start3A_2780 : memref<16384x16xf32, #tpu.memory_space<hbm>>) target(%dma_start3A_2775 : memref<128x16xf32, #tpu.memory_space<vmem>>) offsets(%dma_start3A_2777 : memref<128xi32, #tpu.memory_space<vmem>>) semaphore(%arg12 : memref<!tpu.dma_semaphore, #tpu.memory_space<semaphore_mem>>) {add = true}
    %dma_wait3A_2781 = arith.constant 1280 : i32
    %dma_wait3A_2782 = arith.constant 0 : i32
    %dma_wait3A_2783 = tpu.memref_slice %arg11[%dma_wait3A_2781, %dma_wait3A_2782] : memref<2048x16xf32, #tpu.memory_space<vmem>> -> memref<128x16xf32, #tpu.memory_space<vmem>>
    %dma_wait3A_2784 = arith.constant 1280 : i32
    %dma_wait3A_2785 = tpu.memref_slice %arg9[%dma_wait3A_2784] : memref<2048xi32, #tpu.memory_space<vmem>> -> memref<128xi32, #tpu.memory_space<vmem>>
    %dma_wait3A_2786 = arith.constant 0 : i32
    %dma_wait3A_2787 = arith.constant 0 : i32
    %dma_wait3A_2788 = tpu.memref_slice %arg4[%dma_wait3A_2786, %dma_wait3A_2787] : memref<16384x16xf32, #tpu.memory_space<hbm>> -> memref<16384x16xf32, #tpu.memory_space<hbm>>
    tpu.wait_indirect_dma semaphore(%arg12 : memref<!tpu.dma_semaphore, #tpu.memory_space<semaphore_mem>>) src(%dma_wait3A_2788 : memref<16384x16xf32, #tpu.memory_space<hbm>>) dst(%dma_wait3A_2783 : memref<128x16xf32, #tpu.memory_space<vmem>>)
    %dma_start3A_2789 = arith.constant 1280 : i32
    %dma_start3A_2790 = arith.constant 0 : i32
    %dma_start3A_2791 = tpu.memref_slice %arg11[%dma_start3A_2789, %dma_start3A_2790] : memref<2048x16xf32, #tpu.memory_space<vmem>> -> memref<128x16xf32, #tpu.memory_space<vmem>>
    %dma_start3A_2792 = arith.constant 1280 : i32
    %dma_start3A_2793 = tpu.memref_slice %arg10[%dma_start3A_2792] : memref<2048xi32, #tpu.memory_space<vmem>> -> memref<128xi32, #tpu.memory_space<vmem>>
    %dma_start3A_2794 = arith.constant 0 : i32
    %dma_start3A_2795 = arith.constant 0 : i32
    %dma_start3A_2796 = tpu.memref_slice %arg5[%dma_start3A_2794, %dma_start3A_2795] : memref<16384x16xf32, #tpu.memory_space<hbm>> -> memref<16384x16xf32, #tpu.memory_space<hbm>>
    tpu.enqueue_indirect_dma source(%dma_start3A_2796 : memref<16384x16xf32, #tpu.memory_space<hbm>>) target(%dma_start3A_2791 : memref<128x16xf32, #tpu.memory_space<vmem>>) offsets(%dma_start3A_2793 : memref<128xi32, #tpu.memory_space<vmem>>) semaphore(%arg12 : memref<!tpu.dma_semaphore, #tpu.memory_space<semaphore_mem>>) {add = true}
    %dma_wait3A_2797 = arith.constant 1408 : i32
    %dma_wait3A_2798 = arith.constant 0 : i32
    %dma_wait3A_2799 = tpu.memref_slice %arg11[%dma_wait3A_2797, %dma_wait3A_2798] : memref<2048x16xf32, #tpu.memory_space<vmem>> -> memref<128x16xf32, #tpu.memory_space<vmem>>
    %dma_wait3A_2800 = arith.constant 1408 : i32
    %dma_wait3A_2801 = tpu.memref_slice %arg9[%dma_wait3A_2800] : memref<2048xi32, #tpu.memory_space<vmem>> -> memref<128xi32, #tpu.memory_space<vmem>>
    %dma_wait3A_2802 = arith.constant 0 : i32
    %dma_wait3A_2803 = arith.constant 0 : i32
    %dma_wait3A_2804 = tpu.memref_slice %arg4[%dma_wait3A_2802, %dma_wait3A_2803] : memref<16384x16xf32, #tpu.memory_space<hbm>> -> memref<16384x16xf32, #tpu.memory_space<hbm>>
    tpu.wait_indirect_dma semaphore(%arg12 : memref<!tpu.dma_semaphore, #tpu.memory_space<semaphore_mem>>) src(%dma_wait3A_2804 : memref<16384x16xf32, #tpu.memory_space<hbm>>) dst(%dma_wait3A_2799 : memref<128x16xf32, #tpu.memory_space<vmem>>)
    %dma_start3A_2805 = arith.constant 1408 : i32
    %dma_start3A_2806 = arith.constant 0 : i32
    %dma_start3A_2807 = tpu.memref_slice %arg11[%dma_start3A_2805, %dma_start3A_2806] : memref<2048x16xf32, #tpu.memory_space<vmem>> -> memref<128x16xf32, #tpu.memory_space<vmem>>
    %dma_start3A_2808 = arith.constant 1408 : i32
    %dma_start3A_2809 = tpu.memref_slice %arg10[%dma_start3A_2808] : memref<2048xi32, #tpu.memory_space<vmem>> -> memref<128xi32, #tpu.memory_space<vmem>>
    %dma_start3A_2810 = arith.constant 0 : i32
    %dma_start3A_2811 = arith.constant 0 : i32
    %dma_start3A_2812 = tpu.memref_slice %arg5[%dma_start3A_2810, %dma_start3A_2811] : memref<16384x16xf32, #tpu.memory_space<hbm>> -> memref<16384x16xf32, #tpu.memory_space<hbm>>
    tpu.enqueue_indirect_dma source(%dma_start3A_2812 : memref<16384x16xf32, #tpu.memory_space<hbm>>) target(%dma_start3A_2807 : memref<128x16xf32, #tpu.memory_space<vmem>>) offsets(%dma_start3A_2809 : memref<128xi32, #tpu.memory_space<vmem>>) semaphore(%arg12 : memref<!tpu.dma_semaphore, #tpu.memory_space<semaphore_mem>>) {add = true}
    %dma_wait3A_2813 = arith.constant 1536 : i32
    %dma_wait3A_2814 = arith.constant 0 : i32
    %dma_wait3A_2815 = tpu.memref_slice %arg11[%dma_wait3A_2813, %dma_wait3A_2814] : memref<2048x16xf32, #tpu.memory_space<vmem>> -> memref<128x16xf32, #tpu.memory_space<vmem>>
    %dma_wait3A_2816 = arith.constant 1536 : i32
    %dma_wait3A_2817 = tpu.memref_slice %arg9[%dma_wait3A_2816] : memref<2048xi32, #tpu.memory_space<vmem>> -> memref<128xi32, #tpu.memory_space<vmem>>
    %dma_wait3A_2818 = arith.constant 0 : i32
    %dma_wait3A_2819 = arith.constant 0 : i32
    %dma_wait3A_2820 = tpu.memref_slice %arg4[%dma_wait3A_2818, %dma_wait3A_2819] : memref<16384x16xf32, #tpu.memory_space<hbm>> -> memref<16384x16xf32, #tpu.memory_space<hbm>>
    tpu.wait_indirect_dma semaphore(%arg12 : memref<!tpu.dma_semaphore, #tpu.memory_space<semaphore_mem>>) src(%dma_wait3A_2820 : memref<16384x16xf32, #tpu.memory_space<hbm>>) dst(%dma_wait3A_2815 : memref<128x16xf32, #tpu.memory_space<vmem>>)
    %dma_start3A_2821 = arith.constant 1536 : i32
    %dma_start3A_2822 = arith.constant 0 : i32
    %dma_start3A_2823 = tpu.memref_slice %arg11[%dma_start3A_2821, %dma_start3A_2822] : memref<2048x16xf32, #tpu.memory_space<vmem>> -> memref<128x16xf32, #tpu.memory_space<vmem>>
    %dma_start3A_2824 = arith.constant 1536 : i32
    %dma_start3A_2825 = tpu.memref_slice %arg10[%dma_start3A_2824] : memref<2048xi32, #tpu.memory_space<vmem>> -> memref<128xi32, #tpu.memory_space<vmem>>
    %dma_start3A_2826 = arith.constant 0 : i32
    %dma_start3A_2827 = arith.constant 0 : i32
    %dma_start3A_2828 = tpu.memref_slice %arg5[%dma_start3A_2826, %dma_start3A_2827] : memref<16384x16xf32, #tpu.memory_space<hbm>> -> memref<16384x16xf32, #tpu.memory_space<hbm>>
    tpu.enqueue_indirect_dma source(%dma_start3A_2828 : memref<16384x16xf32, #tpu.memory_space<hbm>>) target(%dma_start3A_2823 : memref<128x16xf32, #tpu.memory_space<vmem>>) offsets(%dma_start3A_2825 : memref<128xi32, #tpu.memory_space<vmem>>) semaphore(%arg12 : memref<!tpu.dma_semaphore, #tpu.memory_space<semaphore_mem>>) {add = true}
    %dma_wait3A_2829 = arith.constant 1664 : i32
    %dma_wait3A_2830 = arith.constant 0 : i32
    %dma_wait3A_2831 = tpu.memref_slice %arg11[%dma_wait3A_2829, %dma_wait3A_2830] : memref<2048x16xf32, #tpu.memory_space<vmem>> -> memref<128x16xf32, #tpu.memory_space<vmem>>
    %dma_wait3A_2832 = arith.constant 1664 : i32
    %dma_wait3A_2833 = tpu.memref_slice %arg9[%dma_wait3A_2832] : memref<2048xi32, #tpu.memory_space<vmem>> -> memref<128xi32, #tpu.memory_space<vmem>>
    %dma_wait3A_2834 = arith.constant 0 : i32
    %dma_wait3A_2835 = arith.constant 0 : i32
    %dma_wait3A_2836 = tpu.memref_slice %arg4[%dma_wait3A_2834, %dma_wait3A_2835] : memref<16384x16xf32, #tpu.memory_space<hbm>> -> memref<16384x16xf32, #tpu.memory_space<hbm>>
    tpu.wait_indirect_dma semaphore(%arg12 : memref<!tpu.dma_semaphore, #tpu.memory_space<semaphore_mem>>) src(%dma_wait3A_2836 : memref<16384x16xf32, #tpu.memory_space<hbm>>) dst(%dma_wait3A_2831 : memref<128x16xf32, #tpu.memory_space<vmem>>)
    %dma_start3A_2837 = arith.constant 1664 : i32
    %dma_start3A_2838 = arith.constant 0 : i32
    %dma_start3A_2839 = tpu.memref_slice %arg11[%dma_start3A_2837, %dma_start3A_2838] : memref<2048x16xf32, #tpu.memory_space<vmem>> -> memref<128x16xf32, #tpu.memory_space<vmem>>
    %dma_start3A_2840 = arith.constant 1664 : i32
    %dma_start3A_2841 = tpu.memref_slice %arg10[%dma_start3A_2840] : memref<2048xi32, #tpu.memory_space<vmem>> -> memref<128xi32, #tpu.memory_space<vmem>>
    %dma_start3A_2842 = arith.constant 0 : i32
    %dma_start3A_2843 = arith.constant 0 : i32
    %dma_start3A_2844 = tpu.memref_slice %arg5[%dma_start3A_2842, %dma_start3A_2843] : memref<16384x16xf32, #tpu.memory_space<hbm>> -> memref<16384x16xf32, #tpu.memory_space<hbm>>
    tpu.enqueue_indirect_dma source(%dma_start3A_2844 : memref<16384x16xf32, #tpu.memory_space<hbm>>) target(%dma_start3A_2839 : memref<128x16xf32, #tpu.memory_space<vmem>>) offsets(%dma_start3A_2841 : memref<128xi32, #tpu.memory_space<vmem>>) semaphore(%arg12 : memref<!tpu.dma_semaphore, #tpu.memory_space<semaphore_mem>>) {add = true}
    %dma_wait3A_2845 = arith.constant 1792 : i32
    %dma_wait3A_2846 = arith.constant 0 : i32
    %dma_wait3A_2847 = tpu.memref_slice %arg11[%dma_wait3A_2845, %dma_wait3A_2846] : memref<2048x16xf32, #tpu.memory_space<vmem>> -> memref<128x16xf32, #tpu.memory_space<vmem>>
    %dma_wait3A_2848 = arith.constant 1792 : i32
    %dma_wait3A_2849 = tpu.memref_slice %arg9[%dma_wait3A_2848] : memref<2048xi32, #tpu.memory_space<vmem>> -> memref<128xi32, #tpu.memory_space<vmem>>
    %dma_wait3A_2850 = arith.constant 0 : i32
    %dma_wait3A_2851 = arith.constant 0 : i32
    %dma_wait3A_2852 = tpu.memref_slice %arg4[%dma_wait3A_2850, %dma_wait3A_2851] : memref<16384x16xf32, #tpu.memory_space<hbm>> -> memref<16384x16xf32, #tpu.memory_space<hbm>>
    tpu.wait_indirect_dma semaphore(%arg12 : memref<!tpu.dma_semaphore, #tpu.memory_space<semaphore_mem>>) src(%dma_wait3A_2852 : memref<16384x16xf32, #tpu.memory_space<hbm>>) dst(%dma_wait3A_2847 : memref<128x16xf32, #tpu.memory_space<vmem>>)
    %dma_start3A_2853 = arith.constant 1792 : i32
    %dma_start3A_2854 = arith.constant 0 : i32
    %dma_start3A_2855 = tpu.memref_slice %arg11[%dma_start3A_2853, %dma_start3A_2854] : memref<2048x16xf32, #tpu.memory_space<vmem>> -> memref<128x16xf32, #tpu.memory_space<vmem>>
    %dma_start3A_2856 = arith.constant 1792 : i32
    %dma_start3A_2857 = tpu.memref_slice %arg10[%dma_start3A_2856] : memref<2048xi32, #tpu.memory_space<vmem>> -> memref<128xi32, #tpu.memory_space<vmem>>
    %dma_start3A_2858 = arith.constant 0 : i32
    %dma_start3A_2859 = arith.constant 0 : i32
    %dma_start3A_2860 = tpu.memref_slice %arg5[%dma_start3A_2858, %dma_start3A_2859] : memref<16384x16xf32, #tpu.memory_space<hbm>> -> memref<16384x16xf32, #tpu.memory_space<hbm>>
    tpu.enqueue_indirect_dma source(%dma_start3A_2860 : memref<16384x16xf32, #tpu.memory_space<hbm>>) target(%dma_start3A_2855 : memref<128x16xf32, #tpu.memory_space<vmem>>) offsets(%dma_start3A_2857 : memref<128xi32, #tpu.memory_space<vmem>>) semaphore(%arg12 : memref<!tpu.dma_semaphore, #tpu.memory_space<semaphore_mem>>) {add = true}
    %dma_wait3A_2861 = arith.constant 1920 : i32
    %dma_wait3A_2862 = arith.constant 0 : i32
    %dma_wait3A_2863 = tpu.memref_slice %arg11[%dma_wait3A_2861, %dma_wait3A_2862] : memref<2048x16xf32, #tpu.memory_space<vmem>> -> memref<128x16xf32, #tpu.memory_space<vmem>>
    %dma_wait3A_2864 = arith.constant 1920 : i32
    %dma_wait3A_2865 = tpu.memref_slice %arg9[%dma_wait3A_2864] : memref<2048xi32, #tpu.memory_space<vmem>> -> memref<128xi32, #tpu.memory_space<vmem>>
    %dma_wait3A_2866 = arith.constant 0 : i32
    %dma_wait3A_2867 = arith.constant 0 : i32
    %dma_wait3A_2868 = tpu.memref_slice %arg4[%dma_wait3A_2866, %dma_wait3A_2867] : memref<16384x16xf32, #tpu.memory_space<hbm>> -> memref<16384x16xf32, #tpu.memory_space<hbm>>
    tpu.wait_indirect_dma semaphore(%arg12 : memref<!tpu.dma_semaphore, #tpu.memory_space<semaphore_mem>>) src(%dma_wait3A_2868 : memref<16384x16xf32, #tpu.memory_space<hbm>>) dst(%dma_wait3A_2863 : memref<128x16xf32, #tpu.memory_space<vmem>>)
    %dma_start3A_2869 = arith.constant 1920 : i32
    %dma_start3A_2870 = arith.constant 0 : i32
    %dma_start3A_2871 = tpu.memref_slice %arg11[%dma_start3A_2869, %dma_start3A_2870] : memref<2048x16xf32, #tpu.memory_space<vmem>> -> memref<128x16xf32, #tpu.memory_space<vmem>>
    %dma_start3A_2872 = arith.constant 1920 : i32
    %dma_start3A_2873 = tpu.memref_slice %arg10[%dma_start3A_2872] : memref<2048xi32, #tpu.memory_space<vmem>> -> memref<128xi32, #tpu.memory_space<vmem>>
    %dma_start3A_2874 = arith.constant 0 : i32
    %dma_start3A_2875 = arith.constant 0 : i32
    %dma_start3A_2876 = tpu.memref_slice %arg5[%dma_start3A_2874, %dma_start3A_2875] : memref<16384x16xf32, #tpu.memory_space<hbm>> -> memref<16384x16xf32, #tpu.memory_space<hbm>>
    tpu.enqueue_indirect_dma source(%dma_start3A_2876 : memref<16384x16xf32, #tpu.memory_space<hbm>>) target(%dma_start3A_2871 : memref<128x16xf32, #tpu.memory_space<vmem>>) offsets(%dma_start3A_2873 : memref<128xi32, #tpu.memory_space<vmem>>) semaphore(%arg12 : memref<!tpu.dma_semaphore, #tpu.memory_space<semaphore_mem>>) {add = true}
    %dma_wait3A_2877 = arith.constant 0 : i32
    %dma_wait3A_2878 = arith.constant 0 : i32
    %dma_wait3A_2879 = tpu.memref_slice %arg11[%dma_wait3A_2877, %dma_wait3A_2878] : memref<2048x16xf32, #tpu.memory_space<vmem>> -> memref<128x16xf32, #tpu.memory_space<vmem>>
    %dma_wait3A_2880 = arith.constant 0 : i32
    %dma_wait3A_2881 = tpu.memref_slice %arg10[%dma_wait3A_2880] : memref<2048xi32, #tpu.memory_space<vmem>> -> memref<128xi32, #tpu.memory_space<vmem>>
    %dma_wait3A_2882 = arith.constant 0 : i32
    %dma_wait3A_2883 = arith.constant 0 : i32
    %dma_wait3A_2884 = tpu.memref_slice %arg5[%dma_wait3A_2882, %dma_wait3A_2883] : memref<16384x16xf32, #tpu.memory_space<hbm>> -> memref<16384x16xf32, #tpu.memory_space<hbm>>
    tpu.wait_indirect_dma semaphore(%arg12 : memref<!tpu.dma_semaphore, #tpu.memory_space<semaphore_mem>>) src(%dma_wait3A_2884 : memref<16384x16xf32, #tpu.memory_space<hbm>>) dst(%dma_wait3A_2879 : memref<128x16xf32, #tpu.memory_space<vmem>>)
    %dma_wait3A_2885 = arith.constant 128 : i32
    %dma_wait3A_2886 = arith.constant 0 : i32
    %dma_wait3A_2887 = tpu.memref_slice %arg11[%dma_wait3A_2885, %dma_wait3A_2886] : memref<2048x16xf32, #tpu.memory_space<vmem>> -> memref<128x16xf32, #tpu.memory_space<vmem>>
    %dma_wait3A_2888 = arith.constant 128 : i32
    %dma_wait3A_2889 = tpu.memref_slice %arg10[%dma_wait3A_2888] : memref<2048xi32, #tpu.memory_space<vmem>> -> memref<128xi32, #tpu.memory_space<vmem>>
    %dma_wait3A_2890 = arith.constant 0 : i32
    %dma_wait3A_2891 = arith.constant 0 : i32
    %dma_wait3A_2892 = tpu.memref_slice %arg5[%dma_wait3A_2890, %dma_wait3A_2891] : memref<16384x16xf32, #tpu.memory_space<hbm>> -> memref<16384x16xf32, #tpu.memory_space<hbm>>
    tpu.wait_indirect_dma semaphore(%arg12 : memref<!tpu.dma_semaphore, #tpu.memory_space<semaphore_mem>>) src(%dma_wait3A_2892 : memref<16384x16xf32, #tpu.memory_space<hbm>>) dst(%dma_wait3A_2887 : memref<128x16xf32, #tpu.memory_space<vmem>>)
    %dma_wait3A_2893 = arith.constant 256 : i32
    %dma_wait3A_2894 = arith.constant 0 : i32
    %dma_wait3A_2895 = tpu.memref_slice %arg11[%dma_wait3A_2893, %dma_wait3A_2894] : memref<2048x16xf32, #tpu.memory_space<vmem>> -> memref<128x16xf32, #tpu.memory_space<vmem>>
    %dma_wait3A_2896 = arith.constant 256 : i32
    %dma_wait3A_2897 = tpu.memref_slice %arg10[%dma_wait3A_2896] : memref<2048xi32, #tpu.memory_space<vmem>> -> memref<128xi32, #tpu.memory_space<vmem>>
    %dma_wait3A_2898 = arith.constant 0 : i32
    %dma_wait3A_2899 = arith.constant 0 : i32
    %dma_wait3A_2900 = tpu.memref_slice %arg5[%dma_wait3A_2898, %dma_wait3A_2899] : memref<16384x16xf32, #tpu.memory_space<hbm>> -> memref<16384x16xf32, #tpu.memory_space<hbm>>
    tpu.wait_indirect_dma semaphore(%arg12 : memref<!tpu.dma_semaphore, #tpu.memory_space<semaphore_mem>>) src(%dma_wait3A_2900 : memref<16384x16xf32, #tpu.memory_space<hbm>>) dst(%dma_wait3A_2895 : memref<128x16xf32, #tpu.memory_space<vmem>>)
    %dma_wait3A_2901 = arith.constant 384 : i32
    %dma_wait3A_2902 = arith.constant 0 : i32
    %dma_wait3A_2903 = tpu.memref_slice %arg11[%dma_wait3A_2901, %dma_wait3A_2902] : memref<2048x16xf32, #tpu.memory_space<vmem>> -> memref<128x16xf32, #tpu.memory_space<vmem>>
    %dma_wait3A_2904 = arith.constant 384 : i32
    %dma_wait3A_2905 = tpu.memref_slice %arg10[%dma_wait3A_2904] : memref<2048xi32, #tpu.memory_space<vmem>> -> memref<128xi32, #tpu.memory_space<vmem>>
    %dma_wait3A_2906 = arith.constant 0 : i32
    %dma_wait3A_2907 = arith.constant 0 : i32
    %dma_wait3A_2908 = tpu.memref_slice %arg5[%dma_wait3A_2906, %dma_wait3A_2907] : memref<16384x16xf32, #tpu.memory_space<hbm>> -> memref<16384x16xf32, #tpu.memory_space<hbm>>
    tpu.wait_indirect_dma semaphore(%arg12 : memref<!tpu.dma_semaphore, #tpu.memory_space<semaphore_mem>>) src(%dma_wait3A_2908 : memref<16384x16xf32, #tpu.memory_space<hbm>>) dst(%dma_wait3A_2903 : memref<128x16xf32, #tpu.memory_space<vmem>>)
    %dma_wait3A_2909 = arith.constant 512 : i32
    %dma_wait3A_2910 = arith.constant 0 : i32
    %dma_wait3A_2911 = tpu.memref_slice %arg11[%dma_wait3A_2909, %dma_wait3A_2910] : memref<2048x16xf32, #tpu.memory_space<vmem>> -> memref<128x16xf32, #tpu.memory_space<vmem>>
    %dma_wait3A_2912 = arith.constant 512 : i32
    %dma_wait3A_2913 = tpu.memref_slice %arg10[%dma_wait3A_2912] : memref<2048xi32, #tpu.memory_space<vmem>> -> memref<128xi32, #tpu.memory_space<vmem>>
    %dma_wait3A_2914 = arith.constant 0 : i32
    %dma_wait3A_2915 = arith.constant 0 : i32
    %dma_wait3A_2916 = tpu.memref_slice %arg5[%dma_wait3A_2914, %dma_wait3A_2915] : memref<16384x16xf32, #tpu.memory_space<hbm>> -> memref<16384x16xf32, #tpu.memory_space<hbm>>
    tpu.wait_indirect_dma semaphore(%arg12 : memref<!tpu.dma_semaphore, #tpu.memory_space<semaphore_mem>>) src(%dma_wait3A_2916 : memref<16384x16xf32, #tpu.memory_space<hbm>>) dst(%dma_wait3A_2911 : memref<128x16xf32, #tpu.memory_space<vmem>>)
    %dma_wait3A_2917 = arith.constant 640 : i32
    %dma_wait3A_2918 = arith.constant 0 : i32
    %dma_wait3A_2919 = tpu.memref_slice %arg11[%dma_wait3A_2917, %dma_wait3A_2918] : memref<2048x16xf32, #tpu.memory_space<vmem>> -> memref<128x16xf32, #tpu.memory_space<vmem>>
    %dma_wait3A_2920 = arith.constant 640 : i32
    %dma_wait3A_2921 = tpu.memref_slice %arg10[%dma_wait3A_2920] : memref<2048xi32, #tpu.memory_space<vmem>> -> memref<128xi32, #tpu.memory_space<vmem>>
    %dma_wait3A_2922 = arith.constant 0 : i32
    %dma_wait3A_2923 = arith.constant 0 : i32
    %dma_wait3A_2924 = tpu.memref_slice %arg5[%dma_wait3A_2922, %dma_wait3A_2923] : memref<16384x16xf32, #tpu.memory_space<hbm>> -> memref<16384x16xf32, #tpu.memory_space<hbm>>
    tpu.wait_indirect_dma semaphore(%arg12 : memref<!tpu.dma_semaphore, #tpu.memory_space<semaphore_mem>>) src(%dma_wait3A_2924 : memref<16384x16xf32, #tpu.memory_space<hbm>>) dst(%dma_wait3A_2919 : memref<128x16xf32, #tpu.memory_space<vmem>>)
    %dma_wait3A_2925 = arith.constant 768 : i32
    %dma_wait3A_2926 = arith.constant 0 : i32
    %dma_wait3A_2927 = tpu.memref_slice %arg11[%dma_wait3A_2925, %dma_wait3A_2926] : memref<2048x16xf32, #tpu.memory_space<vmem>> -> memref<128x16xf32, #tpu.memory_space<vmem>>
    %dma_wait3A_2928 = arith.constant 768 : i32
    %dma_wait3A_2929 = tpu.memref_slice %arg10[%dma_wait3A_2928] : memref<2048xi32, #tpu.memory_space<vmem>> -> memref<128xi32, #tpu.memory_space<vmem>>
    %dma_wait3A_2930 = arith.constant 0 : i32
    %dma_wait3A_2931 = arith.constant 0 : i32
    %dma_wait3A_2932 = tpu.memref_slice %arg5[%dma_wait3A_2930, %dma_wait3A_2931] : memref<16384x16xf32, #tpu.memory_space<hbm>> -> memref<16384x16xf32, #tpu.memory_space<hbm>>
    tpu.wait_indirect_dma semaphore(%arg12 : memref<!tpu.dma_semaphore, #tpu.memory_space<semaphore_mem>>) src(%dma_wait3A_2932 : memref<16384x16xf32, #tpu.memory_space<hbm>>) dst(%dma_wait3A_2927 : memref<128x16xf32, #tpu.memory_space<vmem>>)
    %dma_wait3A_2933 = arith.constant 896 : i32
    %dma_wait3A_2934 = arith.constant 0 : i32
    %dma_wait3A_2935 = tpu.memref_slice %arg11[%dma_wait3A_2933, %dma_wait3A_2934] : memref<2048x16xf32, #tpu.memory_space<vmem>> -> memref<128x16xf32, #tpu.memory_space<vmem>>
    %dma_wait3A_2936 = arith.constant 896 : i32
    %dma_wait3A_2937 = tpu.memref_slice %arg10[%dma_wait3A_2936] : memref<2048xi32, #tpu.memory_space<vmem>> -> memref<128xi32, #tpu.memory_space<vmem>>
    %dma_wait3A_2938 = arith.constant 0 : i32
    %dma_wait3A_2939 = arith.constant 0 : i32
    %dma_wait3A_2940 = tpu.memref_slice %arg5[%dma_wait3A_2938, %dma_wait3A_2939] : memref<16384x16xf32, #tpu.memory_space<hbm>> -> memref<16384x16xf32, #tpu.memory_space<hbm>>
    tpu.wait_indirect_dma semaphore(%arg12 : memref<!tpu.dma_semaphore, #tpu.memory_space<semaphore_mem>>) src(%dma_wait3A_2940 : memref<16384x16xf32, #tpu.memory_space<hbm>>) dst(%dma_wait3A_2935 : memref<128x16xf32, #tpu.memory_space<vmem>>)
    %dma_wait3A_2941 = arith.constant 1024 : i32
    %dma_wait3A_2942 = arith.constant 0 : i32
    %dma_wait3A_2943 = tpu.memref_slice %arg11[%dma_wait3A_2941, %dma_wait3A_2942] : memref<2048x16xf32, #tpu.memory_space<vmem>> -> memref<128x16xf32, #tpu.memory_space<vmem>>
    %dma_wait3A_2944 = arith.constant 1024 : i32
    %dma_wait3A_2945 = tpu.memref_slice %arg10[%dma_wait3A_2944] : memref<2048xi32, #tpu.memory_space<vmem>> -> memref<128xi32, #tpu.memory_space<vmem>>
    %dma_wait3A_2946 = arith.constant 0 : i32
    %dma_wait3A_2947 = arith.constant 0 : i32
    %dma_wait3A_2948 = tpu.memref_slice %arg5[%dma_wait3A_2946, %dma_wait3A_2947] : memref<16384x16xf32, #tpu.memory_space<hbm>> -> memref<16384x16xf32, #tpu.memory_space<hbm>>
    tpu.wait_indirect_dma semaphore(%arg12 : memref<!tpu.dma_semaphore, #tpu.memory_space<semaphore_mem>>) src(%dma_wait3A_2948 : memref<16384x16xf32, #tpu.memory_space<hbm>>) dst(%dma_wait3A_2943 : memref<128x16xf32, #tpu.memory_space<vmem>>)
    %dma_wait3A_2949 = arith.constant 1152 : i32
    %dma_wait3A_2950 = arith.constant 0 : i32
    %dma_wait3A_2951 = tpu.memref_slice %arg11[%dma_wait3A_2949, %dma_wait3A_2950] : memref<2048x16xf32, #tpu.memory_space<vmem>> -> memref<128x16xf32, #tpu.memory_space<vmem>>
    %dma_wait3A_2952 = arith.constant 1152 : i32
    %dma_wait3A_2953 = tpu.memref_slice %arg10[%dma_wait3A_2952] : memref<2048xi32, #tpu.memory_space<vmem>> -> memref<128xi32, #tpu.memory_space<vmem>>
    %dma_wait3A_2954 = arith.constant 0 : i32
    %dma_wait3A_2955 = arith.constant 0 : i32
    %dma_wait3A_2956 = tpu.memref_slice %arg5[%dma_wait3A_2954, %dma_wait3A_2955] : memref<16384x16xf32, #tpu.memory_space<hbm>> -> memref<16384x16xf32, #tpu.memory_space<hbm>>
    tpu.wait_indirect_dma semaphore(%arg12 : memref<!tpu.dma_semaphore, #tpu.memory_space<semaphore_mem>>) src(%dma_wait3A_2956 : memref<16384x16xf32, #tpu.memory_space<hbm>>) dst(%dma_wait3A_2951 : memref<128x16xf32, #tpu.memory_space<vmem>>)
    %dma_wait3A_2957 = arith.constant 1280 : i32
    %dma_wait3A_2958 = arith.constant 0 : i32
    %dma_wait3A_2959 = tpu.memref_slice %arg11[%dma_wait3A_2957, %dma_wait3A_2958] : memref<2048x16xf32, #tpu.memory_space<vmem>> -> memref<128x16xf32, #tpu.memory_space<vmem>>
    %dma_wait3A_2960 = arith.constant 1280 : i32
    %dma_wait3A_2961 = tpu.memref_slice %arg10[%dma_wait3A_2960] : memref<2048xi32, #tpu.memory_space<vmem>> -> memref<128xi32, #tpu.memory_space<vmem>>
    %dma_wait3A_2962 = arith.constant 0 : i32
    %dma_wait3A_2963 = arith.constant 0 : i32
    %dma_wait3A_2964 = tpu.memref_slice %arg5[%dma_wait3A_2962, %dma_wait3A_2963] : memref<16384x16xf32, #tpu.memory_space<hbm>> -> memref<16384x16xf32, #tpu.memory_space<hbm>>
    tpu.wait_indirect_dma semaphore(%arg12 : memref<!tpu.dma_semaphore, #tpu.memory_space<semaphore_mem>>) src(%dma_wait3A_2964 : memref<16384x16xf32, #tpu.memory_space<hbm>>) dst(%dma_wait3A_2959 : memref<128x16xf32, #tpu.memory_space<vmem>>)
    %dma_wait3A_2965 = arith.constant 1408 : i32
    %dma_wait3A_2966 = arith.constant 0 : i32
    %dma_wait3A_2967 = tpu.memref_slice %arg11[%dma_wait3A_2965, %dma_wait3A_2966] : memref<2048x16xf32, #tpu.memory_space<vmem>> -> memref<128x16xf32, #tpu.memory_space<vmem>>
    %dma_wait3A_2968 = arith.constant 1408 : i32
    %dma_wait3A_2969 = tpu.memref_slice %arg10[%dma_wait3A_2968] : memref<2048xi32, #tpu.memory_space<vmem>> -> memref<128xi32, #tpu.memory_space<vmem>>
    %dma_wait3A_2970 = arith.constant 0 : i32
    %dma_wait3A_2971 = arith.constant 0 : i32
    %dma_wait3A_2972 = tpu.memref_slice %arg5[%dma_wait3A_2970, %dma_wait3A_2971] : memref<16384x16xf32, #tpu.memory_space<hbm>> -> memref<16384x16xf32, #tpu.memory_space<hbm>>
    tpu.wait_indirect_dma semaphore(%arg12 : memref<!tpu.dma_semaphore, #tpu.memory_space<semaphore_mem>>) src(%dma_wait3A_2972 : memref<16384x16xf32, #tpu.memory_space<hbm>>) dst(%dma_wait3A_2967 : memref<128x16xf32, #tpu.memory_space<vmem>>)
    %dma_wait3A_2973 = arith.constant 1536 : i32
    %dma_wait3A_2974 = arith.constant 0 : i32
    %dma_wait3A_2975 = tpu.memref_slice %arg11[%dma_wait3A_2973, %dma_wait3A_2974] : memref<2048x16xf32, #tpu.memory_space<vmem>> -> memref<128x16xf32, #tpu.memory_space<vmem>>
    %dma_wait3A_2976 = arith.constant 1536 : i32
    %dma_wait3A_2977 = tpu.memref_slice %arg10[%dma_wait3A_2976] : memref<2048xi32, #tpu.memory_space<vmem>> -> memref<128xi32, #tpu.memory_space<vmem>>
    %dma_wait3A_2978 = arith.constant 0 : i32
    %dma_wait3A_2979 = arith.constant 0 : i32
    %dma_wait3A_2980 = tpu.memref_slice %arg5[%dma_wait3A_2978, %dma_wait3A_2979] : memref<16384x16xf32, #tpu.memory_space<hbm>> -> memref<16384x16xf32, #tpu.memory_space<hbm>>
    tpu.wait_indirect_dma semaphore(%arg12 : memref<!tpu.dma_semaphore, #tpu.memory_space<semaphore_mem>>) src(%dma_wait3A_2980 : memref<16384x16xf32, #tpu.memory_space<hbm>>) dst(%dma_wait3A_2975 : memref<128x16xf32, #tpu.memory_space<vmem>>)
    %dma_wait3A_2981 = arith.constant 1664 : i32
    %dma_wait3A_2982 = arith.constant 0 : i32
    %dma_wait3A_2983 = tpu.memref_slice %arg11[%dma_wait3A_2981, %dma_wait3A_2982] : memref<2048x16xf32, #tpu.memory_space<vmem>> -> memref<128x16xf32, #tpu.memory_space<vmem>>
    %dma_wait3A_2984 = arith.constant 1664 : i32
    %dma_wait3A_2985 = tpu.memref_slice %arg10[%dma_wait3A_2984] : memref<2048xi32, #tpu.memory_space<vmem>> -> memref<128xi32, #tpu.memory_space<vmem>>
    %dma_wait3A_2986 = arith.constant 0 : i32
    %dma_wait3A_2987 = arith.constant 0 : i32
    %dma_wait3A_2988 = tpu.memref_slice %arg5[%dma_wait3A_2986, %dma_wait3A_2987] : memref<16384x16xf32, #tpu.memory_space<hbm>> -> memref<16384x16xf32, #tpu.memory_space<hbm>>
    tpu.wait_indirect_dma semaphore(%arg12 : memref<!tpu.dma_semaphore, #tpu.memory_space<semaphore_mem>>) src(%dma_wait3A_2988 : memref<16384x16xf32, #tpu.memory_space<hbm>>) dst(%dma_wait3A_2983 : memref<128x16xf32, #tpu.memory_space<vmem>>)
    %dma_wait3A_2989 = arith.constant 1792 : i32
    %dma_wait3A_2990 = arith.constant 0 : i32
    %dma_wait3A_2991 = tpu.memref_slice %arg11[%dma_wait3A_2989, %dma_wait3A_2990] : memref<2048x16xf32, #tpu.memory_space<vmem>> -> memref<128x16xf32, #tpu.memory_space<vmem>>
    %dma_wait3A_2992 = arith.constant 1792 : i32
    %dma_wait3A_2993 = tpu.memref_slice %arg10[%dma_wait3A_2992] : memref<2048xi32, #tpu.memory_space<vmem>> -> memref<128xi32, #tpu.memory_space<vmem>>
    %dma_wait3A_2994 = arith.constant 0 : i32
    %dma_wait3A_2995 = arith.constant 0 : i32
    %dma_wait3A_2996 = tpu.memref_slice %arg5[%dma_wait3A_2994, %dma_wait3A_2995] : memref<16384x16xf32, #tpu.memory_space<hbm>> -> memref<16384x16xf32, #tpu.memory_space<hbm>>
    tpu.wait_indirect_dma semaphore(%arg12 : memref<!tpu.dma_semaphore, #tpu.memory_space<semaphore_mem>>) src(%dma_wait3A_2996 : memref<16384x16xf32, #tpu.memory_space<hbm>>) dst(%dma_wait3A_2991 : memref<128x16xf32, #tpu.memory_space<vmem>>)
    %dma_wait3A_2997 = arith.constant 1920 : i32
    %dma_wait3A_2998 = arith.constant 0 : i32
    %dma_wait3A_2999 = tpu.memref_slice %arg11[%dma_wait3A_2997, %dma_wait3A_2998] : memref<2048x16xf32, #tpu.memory_space<vmem>> -> memref<128x16xf32, #tpu.memory_space<vmem>>
    %dma_wait3A_3000 = arith.constant 1920 : i32
    %dma_wait3A_3001 = tpu.memref_slice %arg10[%dma_wait3A_3000] : memref<2048xi32, #tpu.memory_space<vmem>> -> memref<128xi32, #tpu.memory_space<vmem>>
    %dma_wait3A_3002 = arith.constant 0 : i32
    %dma_wait3A_3003 = arith.constant 0 : i32
    %dma_wait3A_3004 = tpu.memref_slice %arg5[%dma_wait3A_3002, %dma_wait3A_3003] : memref<16384x16xf32, #tpu.memory_space<hbm>> -> memref<16384x16xf32, #tpu.memory_space<hbm>>
    tpu.wait_indirect_dma semaphore(%arg12 : memref<!tpu.dma_semaphore, #tpu.memory_space<semaphore_mem>>) src(%dma_wait3A_3004 : memref<16384x16xf32, #tpu.memory_space<hbm>>) dst(%dma_wait3A_2999 : memref<128x16xf32, #tpu.memory_space<vmem>>)
    "tpu.region"() ({
      %run_scoped3A = tpu.sem_alloc : memref<!tpu.dma_semaphore, #tpu.memory_space<semaphore_mem>>
      %dma_start3A_3005 = arith.constant 0 : i32
      %dma_start3A_3006 = arith.constant 0 : i32
      %dma_start3A_3007 = tpu.memref_slice %arg11[%dma_start3A_3005, %dma_start3A_3006] : memref<2048x16xf32, #tpu.memory_space<vmem>> -> memref<512x16xf32, #tpu.memory_space<vmem>>
      %dma_start3A_3008 = arith.constant 0 : i32
      %dma_start3A_3009 = tpu.memref_slice %arg6[%mul3A_2, %dma_start3A_3008] : memref<16384x64xf32, #tpu.memory_space<hbm>> -> memref<512x16xf32, #tpu.memory_space<hbm>>
      %dma_start3A_3010 = arith.constant 0 : i32
      %dma_start3A_3011 = tpu.memref_slice %arg6[%mul3A_2, %dma_start3A_3010] : memref<16384x64xf32, #tpu.memory_space<hbm>> -> memref<512x16xf32, #tpu.memory_space<hbm>>
      %dma_start3A_3012 = arith.constant 0 : i32
      %dma_start3A_3013 = arith.constant 0 : i32
      %dma_start3A_3014 = tpu.memref_slice %arg11[%dma_start3A_3012, %dma_start3A_3013] : memref<2048x16xf32, #tpu.memory_space<vmem>> -> memref<512x16xf32, #tpu.memory_space<vmem>>
      tpu.enqueue_dma source(%dma_start3A_3014 : memref<512x16xf32, #tpu.memory_space<vmem>>) target(%dma_start3A_3011 : memref<512x16xf32, #tpu.memory_space<hbm>>) target_semaphore(%run_scoped3A : memref<!tpu.dma_semaphore, #tpu.memory_space<semaphore_mem>>)
      %dma_wait3A_3015 = arith.constant 0 : i32
      %dma_wait3A_3016 = arith.constant 0 : i32
      %dma_wait3A_3017 = tpu.memref_slice %arg11[%dma_wait3A_3015, %dma_wait3A_3016] : memref<2048x16xf32, #tpu.memory_space<vmem>> -> memref<512x16xf32, #tpu.memory_space<vmem>>
      %dma_wait3A_3018 = arith.constant 0 : i32
      %dma_wait3A_3019 = tpu.memref_slice %arg6[%mul3A_2, %dma_wait3A_3018] : memref<16384x64xf32, #tpu.memory_space<hbm>> -> memref<512x16xf32, #tpu.memory_space<hbm>>
      %dma_wait3A_3020 = arith.constant 0 : i32
      %dma_wait3A_3021 = tpu.memref_slice %arg6[%mul3A_2, %dma_wait3A_3020] : memref<16384x64xf32, #tpu.memory_space<hbm>> -> memref<512x16xf32, #tpu.memory_space<hbm>>
      %dma_wait3A_3022 = arith.constant 0 : i32
      %dma_wait3A_3023 = arith.constant 0 : i32
      %dma_wait3A_3024 = tpu.memref_slice %arg11[%dma_wait3A_3022, %dma_wait3A_3023] : memref<2048x16xf32, #tpu.memory_space<vmem>> -> memref<512x16xf32, #tpu.memory_space<vmem>>
      tpu.wait_dma2 semaphore(%run_scoped3A : memref<!tpu.dma_semaphore, #tpu.memory_space<semaphore_mem>>) src(%dma_wait3A_3024 : memref<512x16xf32, #tpu.memory_space<vmem>>) dst(%dma_wait3A_3021 : memref<512x16xf32, #tpu.memory_space<hbm>>)
      tpu.yield
    }) : () -> ()
    "tpu.region"() ({
      %run_scoped3A = tpu.sem_alloc : memref<!tpu.dma_semaphore, #tpu.memory_space<semaphore_mem>>
      %dma_start3A_3005 = arith.constant 512 : i32
      %dma_start3A_3006 = arith.constant 0 : i32
      %dma_start3A_3007 = tpu.memref_slice %arg11[%dma_start3A_3005, %dma_start3A_3006] : memref<2048x16xf32, #tpu.memory_space<vmem>> -> memref<512x16xf32, #tpu.memory_space<vmem>>
      %dma_start3A_3008 = arith.constant 16 : i32
      %dma_start3A_3009 = tpu.memref_slice %arg6[%mul3A_2, %dma_start3A_3008] : memref<16384x64xf32, #tpu.memory_space<hbm>> -> memref<512x16xf32, #tpu.memory_space<hbm>>
      %dma_start3A_3010 = arith.constant 16 : i32
      %dma_start3A_3011 = tpu.memref_slice %arg6[%mul3A_2, %dma_start3A_3010] : memref<16384x64xf32, #tpu.memory_space<hbm>> -> memref<512x16xf32, #tpu.memory_space<hbm>>
      %dma_start3A_3012 = arith.constant 512 : i32
      %dma_start3A_3013 = arith.constant 0 : i32
      %dma_start3A_3014 = tpu.memref_slice %arg11[%dma_start3A_3012, %dma_start3A_3013] : memref<2048x16xf32, #tpu.memory_space<vmem>> -> memref<512x16xf32, #tpu.memory_space<vmem>>
      tpu.enqueue_dma source(%dma_start3A_3014 : memref<512x16xf32, #tpu.memory_space<vmem>>) target(%dma_start3A_3011 : memref<512x16xf32, #tpu.memory_space<hbm>>) target_semaphore(%run_scoped3A : memref<!tpu.dma_semaphore, #tpu.memory_space<semaphore_mem>>)
      %dma_wait3A_3015 = arith.constant 512 : i32
      %dma_wait3A_3016 = arith.constant 0 : i32
      %dma_wait3A_3017 = tpu.memref_slice %arg11[%dma_wait3A_3015, %dma_wait3A_3016] : memref<2048x16xf32, #tpu.memory_space<vmem>> -> memref<512x16xf32, #tpu.memory_space<vmem>>
      %dma_wait3A_3018 = arith.constant 16 : i32
      %dma_wait3A_3019 = tpu.memref_slice %arg6[%mul3A_2, %dma_wait3A_3018] : memref<16384x64xf32, #tpu.memory_space<hbm>> -> memref<512x16xf32, #tpu.memory_space<hbm>>
      %dma_wait3A_3020 = arith.constant 16 : i32
      %dma_wait3A_3021 = tpu.memref_slice %arg6[%mul3A_2, %dma_wait3A_3020] : memref<16384x64xf32, #tpu.memory_space<hbm>> -> memref<512x16xf32, #tpu.memory_space<hbm>>
      %dma_wait3A_3022 = arith.constant 512 : i32
      %dma_wait3A_3023 = arith.constant 0 : i32
      %dma_wait3A_3024 = tpu.memref_slice %arg11[%dma_wait3A_3022, %dma_wait3A_3023] : memref<2048x16xf32, #tpu.memory_space<vmem>> -> memref<512x16xf32, #tpu.memory_space<vmem>>
      tpu.wait_dma2 semaphore(%run_scoped3A : memref<!tpu.dma_semaphore, #tpu.memory_space<semaphore_mem>>) src(%dma_wait3A_3024 : memref<512x16xf32, #tpu.memory_space<vmem>>) dst(%dma_wait3A_3021 : memref<512x16xf32, #tpu.memory_space<hbm>>)
      tpu.yield
    }) : () -> ()
    "tpu.region"() ({
      %run_scoped3A = tpu.sem_alloc : memref<!tpu.dma_semaphore, #tpu.memory_space<semaphore_mem>>
      %dma_start3A_3005 = arith.constant 1024 : i32
      %dma_start3A_3006 = arith.constant 0 : i32
      %dma_start3A_3007 = tpu.memref_slice %arg11[%dma_start3A_3005, %dma_start3A_3006] : memref<2048x16xf32, #tpu.memory_space<vmem>> -> memref<512x16xf32, #tpu.memory_space<vmem>>
      %dma_start3A_3008 = arith.constant 32 : i32
      %dma_start3A_3009 = tpu.memref_slice %arg6[%mul3A_2, %dma_start3A_3008] : memref<16384x64xf32, #tpu.memory_space<hbm>> -> memref<512x16xf32, #tpu.memory_space<hbm>>
      %dma_start3A_3010 = arith.constant 32 : i32
      %dma_start3A_3011 = tpu.memref_slice %arg6[%mul3A_2, %dma_start3A_3010] : memref<16384x64xf32, #tpu.memory_space<hbm>> -> memref<512x16xf32, #tpu.memory_space<hbm>>
      %dma_start3A_3012 = arith.constant 1024 : i32
      %dma_start3A_3013 = arith.constant 0 : i32
      %dma_start3A_3014 = tpu.memref_slice %arg11[%dma_start3A_3012, %dma_start3A_3013] : memref<2048x16xf32, #tpu.memory_space<vmem>> -> memref<512x16xf32, #tpu.memory_space<vmem>>
      tpu.enqueue_dma source(%dma_start3A_3014 : memref<512x16xf32, #tpu.memory_space<vmem>>) target(%dma_start3A_3011 : memref<512x16xf32, #tpu.memory_space<hbm>>) target_semaphore(%run_scoped3A : memref<!tpu.dma_semaphore, #tpu.memory_space<semaphore_mem>>)
      %dma_wait3A_3015 = arith.constant 1024 : i32
      %dma_wait3A_3016 = arith.constant 0 : i32
      %dma_wait3A_3017 = tpu.memref_slice %arg11[%dma_wait3A_3015, %dma_wait3A_3016] : memref<2048x16xf32, #tpu.memory_space<vmem>> -> memref<512x16xf32, #tpu.memory_space<vmem>>
      %dma_wait3A_3018 = arith.constant 32 : i32
      %dma_wait3A_3019 = tpu.memref_slice %arg6[%mul3A_2, %dma_wait3A_3018] : memref<16384x64xf32, #tpu.memory_space<hbm>> -> memref<512x16xf32, #tpu.memory_space<hbm>>
      %dma_wait3A_3020 = arith.constant 32 : i32
      %dma_wait3A_3021 = tpu.memref_slice %arg6[%mul3A_2, %dma_wait3A_3020] : memref<16384x64xf32, #tpu.memory_space<hbm>> -> memref<512x16xf32, #tpu.memory_space<hbm>>
      %dma_wait3A_3022 = arith.constant 1024 : i32
      %dma_wait3A_3023 = arith.constant 0 : i32
      %dma_wait3A_3024 = tpu.memref_slice %arg11[%dma_wait3A_3022, %dma_wait3A_3023] : memref<2048x16xf32, #tpu.memory_space<vmem>> -> memref<512x16xf32, #tpu.memory_space<vmem>>
      tpu.wait_dma2 semaphore(%run_scoped3A : memref<!tpu.dma_semaphore, #tpu.memory_space<semaphore_mem>>) src(%dma_wait3A_3024 : memref<512x16xf32, #tpu.memory_space<vmem>>) dst(%dma_wait3A_3021 : memref<512x16xf32, #tpu.memory_space<hbm>>)
      tpu.yield
    }) : () -> ()
    "tpu.region"() ({
      %run_scoped3A = tpu.sem_alloc : memref<!tpu.dma_semaphore, #tpu.memory_space<semaphore_mem>>
      %dma_start3A_3005 = arith.constant 1536 : i32
      %dma_start3A_3006 = arith.constant 0 : i32
      %dma_start3A_3007 = tpu.memref_slice %arg11[%dma_start3A_3005, %dma_start3A_3006] : memref<2048x16xf32, #tpu.memory_space<vmem>> -> memref<512x16xf32, #tpu.memory_space<vmem>>
      %dma_start3A_3008 = arith.constant 48 : i32
      %dma_start3A_3009 = tpu.memref_slice %arg6[%mul3A_2, %dma_start3A_3008] : memref<16384x64xf32, #tpu.memory_space<hbm>> -> memref<512x16xf32, #tpu.memory_space<hbm>>
      %dma_start3A_3010 = arith.constant 48 : i32
      %dma_start3A_3011 = tpu.memref_slice %arg6[%mul3A_2, %dma_start3A_3010] : memref<16384x64xf32, #tpu.memory_space<hbm>> -> memref<512x16xf32, #tpu.memory_space<hbm>>
      %dma_start3A_3012 = arith.constant 1536 : i32
      %dma_start3A_3013 = arith.constant 0 : i32
      %dma_start3A_3014 = tpu.memref_slice %arg11[%dma_start3A_3012, %dma_start3A_3013] : memref<2048x16xf32, #tpu.memory_space<vmem>> -> memref<512x16xf32, #tpu.memory_space<vmem>>
      tpu.enqueue_dma source(%dma_start3A_3014 : memref<512x16xf32, #tpu.memory_space<vmem>>) target(%dma_start3A_3011 : memref<512x16xf32, #tpu.memory_space<hbm>>) target_semaphore(%run_scoped3A : memref<!tpu.dma_semaphore, #tpu.memory_space<semaphore_mem>>)
      %dma_wait3A_3015 = arith.constant 1536 : i32
      %dma_wait3A_3016 = arith.constant 0 : i32
      %dma_wait3A_3017 = tpu.memref_slice %arg11[%dma_wait3A_3015, %dma_wait3A_3016] : memref<2048x16xf32, #tpu.memory_space<vmem>> -> memref<512x16xf32, #tpu.memory_space<vmem>>
      %dma_wait3A_3018 = arith.constant 48 : i32
      %dma_wait3A_3019 = tpu.memref_slice %arg6[%mul3A_2, %dma_wait3A_3018] : memref<16384x64xf32, #tpu.memory_space<hbm>> -> memref<512x16xf32, #tpu.memory_space<hbm>>
      %dma_wait3A_3020 = arith.constant 48 : i32
      %dma_wait3A_3021 = tpu.memref_slice %arg6[%mul3A_2, %dma_wait3A_3020] : memref<16384x64xf32, #tpu.memory_space<hbm>> -> memref<512x16xf32, #tpu.memory_space<hbm>>
      %dma_wait3A_3022 = arith.constant 1536 : i32
      %dma_wait3A_3023 = arith.constant 0 : i32
      %dma_wait3A_3024 = tpu.memref_slice %arg11[%dma_wait3A_3022, %dma_wait3A_3023] : memref<2048x16xf32, #tpu.memory_space<vmem>> -> memref<512x16xf32, #tpu.memory_space<vmem>>
      tpu.wait_dma2 semaphore(%run_scoped3A : memref<!tpu.dma_semaphore, #tpu.memory_space<semaphore_mem>>) src(%dma_wait3A_3024 : memref<512x16xf32, #tpu.memory_space<vmem>>) dst(%dma_wait3A_3021 : memref<512x16xf32, #tpu.memory_space<hbm>>)
      tpu.yield
    }) : () -> ()
    return
  }
}

</mosaic_0001>

<sc_bundles>
// kernel: _run.3.cloned.1.call-start
scs
__scs_entry_jumppad:
0x0: {  	(pc) =	sbr.rel $0x88, $3  }
0x1: {  	(tag) =	ssettag $0x0;
	lr =	simm.s32 $0x1  }
0x2: {  	[smem:$0x3F9D] =	sst lr;
	_ =	strace $0xD0000000  }
0x3: {  	_ = 	snop  }
0x4: {  	_ = 	snop  }
0x5: {  	_ = 	snop  }
0x6: {  	_ = 	snop  }
0x7: {  	_ = 	snop  }
__scs_overlays_trampoline_lowered:
0x8: {  	[smem:$0x3FAC] =	sst s0  }
0x9: {  	[smem:$0x3FAD] =	sst s1  }
0xa: {  	[smem:$0x3FAE] =	sst s2  }
0xb: {  	[smem:$0x3FAF] =	sst s3  }
0xc: {  	[smem:$0x3FB0] =	sst s4  }
0xd: {  	[smem:$0x3FB1] =	sst s5  }
0xe: {  	[smem:$0x3FB2] =	sst s6  }
0xf: {  	[smem:$0x3FB3] =	sst s7  }
0x10: {  	[smem:$0x3FB4] =	sst s8  }
0x11: {  	[smem:$0x3FB5] =	sst s9;
	s0 =	simm.s32 @!p0 $0x0  }
0x12: {  	s1 =	sld [smem:$0x3F9B];
	s0 =	simm.s32 @p0 $0x1  }
0x13: {  	[smem:$0x3FB6] =	sst s0;
	s0 =	simm.s32 @!p1 $0x0  }
0x14: {  	s2 =	sld [smem:$0x3F9A];
	s0 =	simm.s32 @p1 $0x1  }
0x15: {  	[smem:$0x3FB7] =	sst s0;
	s0 =	simm.s32 @!p2 $0x0  }
0x16: {  	s3 =	sld [smem:$0x3FDB];
	s0 =	simm.s32 @p2 $0x1  }
0x17: {  	s4 =	simm.s32 $0x1BF5;
	[smem:$0x3FB9] =	sst s0  }
0x18: {  	s0 =	sld [smem:$0x3F9C];
	_ =	swait.ge [sflag:s4], $0x0  }
0x19: {  	s7 =	sld [smem:$0x3F9D]  }
0x1a: {  	s8 =	sadd.s32 $0xFFFFE003, lr  }
0x1b: {  	s9 =	sadd.s32 $0xFFFFFEF7, lr;
	s5 =	simm.s32 $0xFFFFFFFF;
	p2 =	slt.u32 s8, $0xFFFFF086  }
0x1c: {  	p1 =	slt.u32 s9, $0xF7A;
	s5 =	simm.s32 @!p2 $0x0  }
0x1d: {  	s5 =	simm.s32 @p1 $0x1;
	p0 =	seq.s32 s7, s2  }
0x1e: {  	s7 =	smul.u32 @!p0 $0xF7A, s2;
	p2 =	seq.s32 @!p0 s5, $0x0  }
0x1f: {  	s9 =	smul.u32 $0xF7A, s1;
	s8 =	simm.s32 @!p0 $0x1BF5;
	p2 =	por !p2, p0  }
0x20: {  	[sflag:s8] =	ssyncset.s32 @!p0 $0xFFFFF086;
	s6 =	sadd.s32 @!p0 s3, s7;
	s7 =	simm.s32 @!p0 $0x108  }
0x21: {  	s3 =	sadd.s32 s3, s9;
	s6 =	sadd.s32 @!p0 $0x88, s6;
	s7 =	simm.s32 @p2 $0x1082  }
0x22: {  	[simem:s7], [sflag:s8] =	dma.local @!p0 [hbm:s6], $0xF7A  }
0x23: {  	s9 =	sor.u32 $0xD0000000, s2;
	s6 =	simm.s32 $0x108;
	_ =	swait.ge @!p0 [sflag:s8], $0x0  }
0x24: {  	s3 =	sadd.s32 $0x88, s3;
	s6 =	simm.s32 @!p1 $0x1082;
	[sflag:s4] =	ssyncset.s32 $0xFFFFF086  }
0x25: {  	[simem:s6], [sflag:s4] =	dma.local [hbm:s3], $0xF7A  }
0x26: {  	[smem:$0x3F9D] =	sst s1;
	(tag) =	ssettag s2;
	_ =	strace s9  }
0x27: {  	s1 =	sld [smem:$0x3FAD]  }
0x28: {  	s2 =	sld [smem:$0x3FAE]  }
0x29: {  	s4 =	sld [smem:$0x3FB0]  }
0x2a: {  	p0 =	seq.s32 s5, $0x0;
	s5 =	sld [smem:$0x3FB1]  }
0x2b: {  	s6 =	sld [smem:$0x3FB2]  }
0x2c: {  	s7 =	sld [smem:$0x3FB3]  }
0x2d: {  	s3 =	simm.s32 $0x108;
	s8 =	sld [smem:$0x3FB4]  }
0x2e: {  	s3 =	simm.s32 @!p0 $0x1082;
	s9 =	sld [smem:$0x3FB5]  }
0x2f: {  	lr =	sadd.s32 s0, s3;
	s0 =	sld [smem:$0x3FAC]  }
0x30: {  	s3 =	sld [smem:$0x3FAF]  }
0x31: {  	[smem:$0x3FB8] =	sst s10  }
0x32: {  	s10 =	sld [smem:$0x3FB6];
	_ =	sdelay $0x3  }
0x33: {  	p0 =	seq.s32 s10, $0x1;
	s10 =	sld [smem:$0x3FB8];
	_ =	sdelay $0x3  }
0x34: {  	[smem:$0x3FB8] =	sst s10  }
0x35: {  	s10 =	sld [smem:$0x3FB7];
	_ =	sdelay $0x3  }
0x36: {  	p1 =	seq.s32 s10, $0x1;
	s10 =	sld [smem:$0x3FB8];
	_ =	sdelay $0x3  }
0x37: {  	[smem:$0x3FB8] =	sst s10  }
0x38: {  	s10 =	sld [smem:$0x3FB9]  }
0x39: {  	_ = 	snop;
	(pc) =	sbr.ind lr, $3  }
0x3a: {  	_ = 	snop  }
0x3b: {  	_ = 	snop  }
0x3c: {  	p2 =	seq.s32 s10, $0x1;
	s10 =	sld [smem:$0x3FB8]  }
0x3d: {  	_ =	shalt  }
0x3e: {  	_ =	shalt  }
0x3f: {  	_ =	shalt  }
0x40: {  	_ =	shalt  }
0x41: {  	_ =	shalt  }
0x42: {  	_ =	shalt  }
0x43: {  	_ =	shalt  }
0x44: {  	_ =	shalt  }
0x45: {  	_ =	shalt  }
0x46: {  	_ =	shalt  }
0x47: {  	_ =	shalt  }
0x48: {  	_ =	shalt  }
0x49: {  	_ =	shalt  }
0x4a: {  	_ =	shalt  }
0x4b: {  	_ =	shalt  }
0x4c: {  	_ =	shalt  }
0x4d: {  	_ =	shalt  }
0x4e: {  	_ =	shalt  }
0x4f: {  	_ =	shalt  }
0x50: {  	_ =	shalt  }
0x51: {  	_ =	shalt  }
0x52: {  	_ =	shalt  }
0x53: {  	_ =	shalt  }
0x54: {  	_ =	shalt  }
0x55: {  	_ =	shalt  }
0x56: {  	_ =	shalt  }
0x57: {  	_ =	shalt  }
0x58: {  	_ =	shalt  }
0x59: {  	_ =	shalt  }
0x5a: {  	_ =	shalt  }
0x5b: {  	_ =	shalt  }
0x5c: {  	_ =	shalt  }
0x5d: {  	_ =	shalt  }
0x5e: {  	_ =	shalt  }
0x5f: {  	_ =	shalt  }
0x60: {  	_ =	shalt  }
0x61: {  	_ =	shalt  }
0x62: {  	_ =	shalt  }
0x63: {  	_ =	shalt  }
0x64: {  	_ =	shalt  }
0x65: {  	_ =	shalt  }
0x66: {  	_ =	shalt  }
0x67: {  	_ =	shalt  }
0x68: {  	_ =	shalt  }
0x69: {  	_ =	shalt  }
0x6a: {  	_ =	shalt  }
0x6b: {  	_ =	shalt  }
0x6c: {  	_ =	shalt  }
0x6d: {  	_ =	shalt  }
0x6e: {  	_ =	shalt  }
0x6f: {  	_ =	shalt  }
0x70: {  	_ =	shalt  }
0x71: {  	_ =	shalt  }
0x72: {  	_ =	shalt  }
0x73: {  	_ =	shalt  }
0x74: {  	_ =	shalt  }
0x75: {  	_ =	shalt  }
0x76: {  	_ =	shalt  }
0x77: {  	_ =	shalt  }
0x78: {  	_ =	shalt  }
0x79: {  	_ =	shalt  }
0x7a: {  	_ =	shalt  }
0x7b: {  	_ =	shalt  }
0x7c: {  	_ =	shalt  }
0x7d: {  	_ =	shalt  }
0x7e: {  	_ =	shalt  }
0x7f: {  	_ =	shalt  }
0x80: {  	_ =	shalt  }
0x81: {  	_ =	shalt  }
0x82: {  	_ =	shalt  }
0x83: {  	_ =	shalt  }
0x84: {  	_ =	shalt  }
0x85: {  	_ =	shalt  }
0x86: {  	_ =	shalt  }
0x87: {  	_ =	shalt  }
.Lfunc_end0:
.L_simem_size_0:
called_computation_lowered:
.L_overlay_start_0:
0x88: {  	s2 =	sld [smem:$0x3FD9]  }
0x89: {  	s3 =	sld [smem:$0x3FFE];
	_ =	sdelay $0x1  }
0x8a: {  	s1 =	srdreg.scid  }
0x8b: {  	s0 =	sand.u32 $0x1, s1  }
0x8c: {  	s17 =	sshll.u32 s0, $0xA;
	s2 =	sadd.s32 s3, s2  }
0x8d: {  	s2 =	sadd.s32 s2, s17  }
0x8e: {  	[smem:$0x3FC4] =	sst s2  }
0x8f: {  	_ = 	snop  }
0x90: {  	s2 =	sld [smem:$0x3FC9]  }
0x91: {  	s18 =	sld [smem:$0x3FD0];
	(tm) =	ssettm $0x1  }
0x92: {  	s4 =	sld [smem:$0x3FFB];
	_ =	sdelay $0x3  }
0x93: {  	_ =	strace s4  }
0x94: {  	s4 =	sld [smem:$0x3FFC];
	_ =	sdelay $0x3  }
0x95: {  	_ =	strace s4  }
0x96: {  	s4 =	sld [smem:$0x3FFD];
	_ =	sdelay $0x3  }
0x97: {  	_ =	strace s4  }
0x98: {  	_ =	strace $0x8FFFFFFF  }
0x99: {  	s19 =	sld [smem:$0x3FDB];
	_ =	sdelay $0x1  }
0x9a: {  	s5 =	simm.s32 $_scs_section_size  }
0x9b: {  	s6 =	simm.s32 $_size__tile_overlayer_lowered;
	s7 =	simm.s32 $_tile_overlayer_lowered  }
0x9c: {  	s22 =	simm.s32 $0x1BFF;
	s21 =	sshll.u32 s7, $0x1;
	s4 =	sadd.s32 s5, s19  }
0x9d: {  	s8 =	simm.s32 $0x0;
	s20 =	sshll.u32 s6, $0x1;
	s6 =	sadd.s32 s21, s4  }
0x9e: {  	[timem:s8], [sflag:s22] =	dma.local [hbm:s6], s20  }
0x9f: {  	_ =	swait.ge [sflag:s22], s20  }
0xa0: {  	s5 =	ssub.s32 $0x0, s20;
	[sflag:s22] =	ssyncset.done $0x0  }
0xa1: {  	[sflag:s22] =	ssyncadd.s32 s5;
	_ =	sdelay $0x1  }
0xa2: {  	s23 =	simm.s32 $0x1B8B  }
0xa3: {  	_ =	swait.ge [sflag:s23], $0x1  }
0xa4: {  	[sflag:s23] =	ssyncset.done $0x0  }
0xa5: {  	s25 =	simm.s32 $0x1B8E;
	s24 =	sld [smem:$0x3FFE];
	[sflag:s23] =	ssyncadd.s32 $0xFFFFFFFF  }
0xa6: {  	s26 =	simm.s32 $execute0_lowered;
	[smem:$0x3FD2] =	sst s25  }
0xa7: {  	s6 =	sshll.u32 s26, $0x1;
	_ =	strace $0x80000046;
	[dreg:$0x1] =	wrdreg $0xFFFFFFFF  }
0xa8: {  	s28 =	simm.s32 $_size_execute0_lowered;
	s4 =	sadd.s32 s4, s6;
	[dreg:$0x0] =	wrdreg $0x0  }
0xa9: {  	s6 =	sshll.u32 s28, $0x1;
	[dreg:$0x2] =	wrdreg s4  }
0xaa: {  	[dreg:$0x3] =	wrdreg s6  }
0xab: {  	[dreg:$0x4] =	wrdreg $0xC0  }
0xac: {  	_ =	task [dreg:s8], $0x5FFFF  }
0xad: {  	[dreg:$0x1] =	wrdreg $0xFFFFFFFF  }
0xae: {  	[dreg:$0x0] =	wrdreg $0x60  }
0xaf: {  	[dreg:$0x2] =	wrdreg s2  }
0xb0: {  	[dreg:$0x3] =	wrdreg s24  }
0xb1: {  	[dreg:$0x4] =	wrdreg s18  }
0xb2: {  	[dreg:$0x5] =	wrdreg $0x9  }
0xb3: {  	_ =	task.clear_ibuf [dreg:s8], $0x6FFFF;
	_ =	strace $0x90000046  }
0xb4: {  	s29 =	simm.s32 $0x9;
	_ =	strace $0x80000048  }
0xb5: {  	_ =	swait.ge [sflag:s29], $0x1  }
0xb6: {  	[sflag:s29] =	ssyncadd.s32 $0xFFFFFFFF  }
0xb7: {  	_ =	strace $0x90000048  }
0xb8: {  	_ =	sfence  }
0xb9: {  	s30 =	sld [smem:$0x0];
	_ =	sdelay $0x2  }
0xba: {  	s31 =	sshll.u32 s1, $0xD;
	s1 =	sshrl.u32 s1, $0x2  }
0xbb: {  	s3 =	sand.u32 $0x4000, s31;
	s1 =	sadd.s32 s1, s30  }
0xbc: {  	s0 =	sor.u32 s3, s0;
	s1 =	sshll.u32 s1, $0x11  }
0xbd: {  	s0 =	sor.u32 s1, s0  }
0xbe: {  	s0 =	sadd.s32 $0x8F2B, s0  }
0xbf: {  	[sflag:s0] =	ssyncadd.remote.s32 $0x1  }
0xc0: {  	_ =	sfence.sel $0xFFFF  }
0xc1: {  	[dreg:$0x0] =	wrdreg $0xFFFFFFFF;
	(pc) =	sbr.abs _section_cstart, $3  }
0xc2: {  	[dreg:$0x1] =	wrdreg $0xFFFFFFFF  }
0xc3: {  	_ =	task.clear_ibuf [dreg:s8], $0x2FFFF;
	_ =	strace $0x9FFFFFFF  }
0xc4: {  	(tm) =	ssettm $0x7FFFFFFF  }
0xc5: {  	_ =	shalt  }
tec
execute0_lowered:
.L_overlay_start_1:
0x0: {  	(tag) =	ssettag $0x1  }
0x1: {  	s3 =	rddreg [dreg:$0x0]  }
0x2: {  	s0 =	rddreg [dreg:$0x1];
	s2 =	stileid.u32  }
0x3: {  	s4 =	rddreg [dreg:$0x2];
	s5 =	sshll.u32 s2, $0xA;
	s2 =	simm.s32 $0x0  }
0x4: {  	s22 =	simm.s32 $0x200;
	[smem:$0x7FF] =	sst s2  }
0x5: {  	s23 =	simm.s32 $0x280;
	_ =	strace $0x80000047;
	[dreg:$0x8] =	wrdreg s22  }
0x6: {  	s24 =	simm.s32 $0x300;
	[dreg:$0x9] =	wrdreg s23  }
0x7: {  	s25 =	simm.s32 $0x380;
	[dreg:$0xa] =	wrdreg s24  }
0x8: {  	s26 =	simm.s32 $0x400;
	[dreg:$0xb] =	wrdreg s25  }
0x9: {  	s7 =	simm.s32 $0x600;
	[dreg:$0xc] =	wrdreg s26  }
0xa: {  	s8 =	simm.s32 $0x680;
	[dreg:$0x10] =	wrdreg s7  }
0xb: {  	s9 =	simm.s32 $0x700;
	[dreg:$0x11] =	wrdreg s8  }
0xc: {  	s10 =	simm.s32 $0x780;
	[dreg:$0x12] =	wrdreg s9  }
0xd: {  	s11 =	simm.s32 $0x800;
	[dreg:$0x13] =	wrdreg s10  }
0xe: {  	s12 =	simm.s32 $0x880;
	[dreg:$0x14] =	wrdreg s11  }
0xf: {  	s13 =	simm.s32 $0x900;
	[dreg:$0x15] =	wrdreg s12  }
0x10: {  	s14 =	simm.s32 $0x980;
	[dreg:$0x16] =	wrdreg s13  }
0x11: {  	s15 =	simm.s32 $0xA00;
	[dreg:$0x17] =	wrdreg s14  }
0x12: {  	s16 =	simm.s32 $0xA80;
	[dreg:$0x18] =	wrdreg s15  }
0x13: {  	s17 =	simm.s32 $0xB00;
	[dreg:$0x19] =	wrdreg s16  }
0x14: {  	s18 =	simm.s32 $0xB80;
	[dreg:$0x1a] =	wrdreg s17  }
0x15: {  	[dreg:$0x1b] =	wrdreg s18;
	s22 =	simm.s32 $0xD80  }
0x16: {  	s23 =	simm.s32 $0xE00;
	[dreg:$0x1f] =	wrdreg s22  }
0x17: {  	s24 =	simm.s32 $0xE80;
	[smem:$0x7E6] =	sst s23  }
0x18: {  	s25 =	simm.s32 $0xF00;
	[smem:$0x7E7] =	sst s24  }
0x19: {  	s26 =	simm.s32 $0xF80;
	[smem:$0x7E8] =	sst s25  }
0x1a: {  	s1 =	srdreg.scid;
	s7 =	simm.s32 $0x1000;
	[smem:$0x7E9] =	sst s26  }
0x1b: {  	s29 =	simm.s32 $0x5A00;
	s8 =	simm.s32 $0x1080;
	[smem:$0x7EA] =	sst s7  }
0x1c: {  	s28 =	simm.s32 $0x6A00;
	s9 =	simm.s32 $0x1100;
	[smem:$0x7EB] =	sst s8  }
0x1d: {  	s30 =	simm.s32 $0x7200;
	s10 =	simm.s32 $0x1180;
	[smem:$0x7EC] =	sst s9  }
0x1e: {  	s31 =	simm.s32 $0x8200;
	s11 =	simm.s32 $0x1200;
	[smem:$0x7ED] =	sst s10  }
0x1f: {  	s1 =	sand.u32 $0x1, s1;
	s12 =	simm.s32 $0x1280;
	[smem:$0x7EE] =	sst s11  }
0x20: {  	s6 =	sshll.u32 s1, $0x9;
	s13 =	simm.s32 $0x1300;
	[smem:$0x7EF] =	sst s12  }
0x21: {  	s1 =	ssub.s32 $0x2, s1;
	s14 =	simm.s32 $0x1380;
	[smem:$0x7F0] =	sst s13  }
0x22: {  	s5 =	sor.u32 s6, s5;
	s15 =	simm.s32 $0x1400;
	[smem:$0x7F1] =	sst s14  }
0x23: {  	s16 =	simm.s32 $0x1480;
	s17 =	simm.s32 $0x1500;
	[smem:$0x7F2] =	sst s15  }
0x24: {  	s18 =	simm.s32 $0x1580;
	s6 =	sshrl.u32 s5, $0x3;
	[smem:$0x7F3] =	sst s16  }
0x25: {  	s5 =	sshll.u32 s5, $0x3;
	s7 =	sshrl.u32 s1, $0x1;
	[smem:$0x7F4] =	sst s17  }
0x26: {  	s8 =	sadd.s32 $0x4E690, s0;
	[smem:$0x7F5] =	sst s18;
	s22 =	simm.s32 $0x1780  }
0x27: {  	s9 =	sadd.s32 $0x6CED8, s0;
	s23 =	simm.s32 $0x1800;
	[smem:$0x7F9] =	sst s22  }
0x28: {  	s11 =	simm.s32 $0x2;
	s24 =	simm.s32 $0x1880;
	[smem:$0x7FA] =	sst s23  }
0x29: {  	s12 =	simm.s32 $0x80;
	s25 =	simm.s32 $0x1900;
	[smem:$0x7FB] =	sst s24  }
0x2a: {  	s14 =	simm.s32 $0x180;
	s26 =	simm.s32 $0x1980;
	[smem:$0x7FC] =	sst s25  }
0x2b: {  	s15 =	simm.s32 $0x1;
	s3 =	sadd.s32 s3, s6;
	[smem:$0x7FD] =	sst s26  }
0x2c: {  	s13 =	simm.s32 $0x7A00;
	s4 =	sadd.s32 s4, s5;
	[dreg:$0x4] =	wrdreg s3  }
0x2d: {  	s16 =	simm.s32 $0x9200;
	s5 =	simm.s32 $0x500;
	[smem:$0x7E5] =	sst s4  }
0x2e: {  	s6 =	simm.s32 $0x580;
	s1 =	ssub.s32 s1, s7;
	[dreg:$0xe] =	wrdreg s5  }
0x2f: {  	s7 =	sadd.s32 $0x2FE48, s0;
	s19 =	sadd.s32 $0x2, s4;
	[dreg:$0xf] =	wrdreg s6  }
0x30: {  	s24 =	simm.s32 $0x3A00;
	s20 =	sadd.s32 $0x4, s4;
	[dreg:$0x5] =	wrdreg s19  }
0x31: {  	s22 =	simm.s32 $0x4200;
	s21 =	sadd.s32 $0x6, s4;
	[dreg:$0x6] =	wrdreg s20  }
0x32: {  	s23 =	simm.s32 $0x4A00;
	s4 =	simm.s32 $0x480;
	[dreg:$0x7] =	wrdreg s21  }
0x33: {  	s25 =	simm.s32 $0x5200;
	[dreg:$0xd] =	wrdreg s4;
	s19 =	simm.s32 $0xC00  }
0x34: {  	s26 =	simm.s32 $0x6200;
	s20 =	simm.s32 $0xC80;
	[dreg:$0x1c] =	wrdreg s19  }
0x35: {  	s5 =	sadd.s32 $0x1600, s0;
	s21 =	simm.s32 $0xD00;
	[dreg:$0x1d] =	wrdreg s20  }
0x36: {  	s6 =	sadd.s32 $0x9600, s0;
	[dreg:$0x1e] =	wrdreg s21;
	s19 =	simm.s32 $0x1600  }
0x37: {  	s10 =	smax.u32 s1, $0x1;
	s20 =	simm.s32 $0x1680;
	[smem:$0x7F6] =	sst s19  }
0x38: {  	s3 =	simm.s32 $0x40;
	s21 =	simm.s32 $0x1700;
	[smem:$0x7F7] =	sst s20  }
0x39: {  	s4 =	sadd.s32 $0x11600, s0;
	s0 =	simm.s32 $0x10;
	[smem:$0x7F8] =	sst s21  }
0x3a: {  	s20 =	simm.s32 $0x1A00;
	s19 =	simm.s32 $0x2A00;
	s21 =	simm.s32 $0x3200  }
.LBB2_1:
0x3b: {  	s17 =	rddreg [dreg:$0x4]  }
0x3c: {  	[tilespmem:s2], [sflag:$0x2] =	stream.linear.gather [hbm4b:s17+s2], $0x200, $0x38;
	[tilespmem:$0x9A00] =	vst v63  }
0x3d: {  	_ =	swait.ge [sflag:s11], $0x200  }
0x3e: {  	[sflag:s11] =	ssyncset.done $0x0  }
0x3f: {  	s1 =	rddreg [dreg:$0x8];
	[sflag:s11] =	ssyncadd.s32 $0xFFFFFE00  }
0x40: {  	[tilespmem:s1], [sflag:$0x1] =	stream.indirect.gather [hbm4b:s4+s12], $0x1, s2, s12, $0xb8;
	[tilespmem:$0x9A00] =	vst v63  }
0x41: {  	s18 =	rddreg [dreg:$0x9]  }
0x42: {  	[tilespmem:s18], [sflag:$0x1] =	stream.indirect.gather [hbm4b:s4+s12], $0x1, s12, s12, $0xb8;
	[tilespmem:$0x9A00] =	vst v63  }
0x43: {  	s17 =	rddreg [dreg:$0xa];
	s1 =	simm.s32 $0x100  }
0x44: {  	[tilespmem:s17], [sflag:$0x1] =	stream.indirect.gather [hbm4b:s4+s12], $0x1, s1, s12, $0xb8;
	[tilespmem:$0x9A00] =	vst v63  }
0x45: {  	s18 =	rddreg [dreg:$0xb]  }
0x46: {  	[tilespmem:s18], [sflag:$0x1] =	stream.indirect.gather [hbm4b:s4+s12], $0x1, s14, s12, $0xb8;
	[tilespmem:$0x9A00] =	vst v63  }
0x47: {  	s17 =	rddreg [dreg:$0xc]  }
0x48: {  	[tilespmem:s17], [sflag:$0x1] =	stream.indirect.gather [hbm4b:s7+s12], $0x1, s2, s12, $0xb8;
	[tilespmem:$0x9A00] =	vst v63  }
0x49: {  	s18 =	rddreg [dreg:$0xd]  }
0x4a: {  	[tilespmem:s18], [sflag:$0x1] =	stream.indirect.gather [hbm4b:s7+s12], $0x1, s12, s12, $0xb8;
	[tilespmem:$0x9A00] =	vst v63  }
0x4b: {  	s17 =	rddreg [dreg:$0xe]  }
0x4c: {  	[tilespmem:s17], [sflag:$0x1] =	stream.indirect.gather [hbm4b:s7+s12], $0x1, s1, s12, $0xb8;
	[tilespmem:$0x9A00] =	vst v63  }
0x4d: {  	s18 =	rddreg [dreg:$0xf]  }
0x4e: {  	[tilespmem:s18], [sflag:$0x1] =	stream.indirect.gather [hbm4b:s7+s12], $0x1, s14, s12, $0xb8;
	[tilespmem:$0x9A00] =	vst v63  }
0x4f: {  	s17 =	rddreg [dreg:$0x10]  }
0x50: {  	[tilespmem:s17], [sflag:$0x1] =	stream.indirect.gather [hbm4b:s8+s12], $0x1, s2, s12, $0xb8;
	[tilespmem:$0x9A00] =	vst v63  }
0x51: {  	s18 =	rddreg [dreg:$0x11]  }
0x52: {  	[tilespmem:s18], [sflag:$0x1] =	stream.indirect.gather [hbm4b:s8+s12], $0x1, s12, s12, $0xb8;
	[tilespmem:$0x9A00] =	vst v63  }
0x53: {  	s17 =	rddreg [dreg:$0x12]  }
0x54: {  	[tilespmem:s17], [sflag:$0x1] =	stream.indirect.gather [hbm4b:s8+s12], $0x1, s1, s12, $0xb8;
	[tilespmem:$0x9A00] =	vst v63  }
0x55: {  	s18 =	rddreg [dreg:$0x13]  }
0x56: {  	[tilespmem:s18], [sflag:$0x1] =	stream.indirect.gather [hbm4b:s8+s12], $0x1, s14, s12, $0xb8;
	[tilespmem:$0x9A00] =	vst v63  }
0x57: {  	s17 =	rddreg [dreg:$0x14]  }
0x58: {  	[tilespmem:s17], [sflag:$0x1] =	stream.indirect.gather [hbm4b:s9+s12], $0x1, s2, s12, $0xb8;
	[tilespmem:$0x9A00] =	vst v63  }
0x59: {  	s18 =	rddreg [dreg:$0x15]  }
0x5a: {  	[tilespmem:s18], [sflag:$0x1] =	stream.indirect.gather [hbm4b:s9+s12], $0x1, s12, s12, $0xb8;
	[tilespmem:$0x9A00] =	vst v63  }
0x5b: {  	s17 =	rddreg [dreg:$0x16]  }
0x5c: {  	[tilespmem:s17], [sflag:$0x1] =	stream.indirect.gather [hbm4b:s9+s12], $0x1, s1, s12, $0xb8;
	[tilespmem:$0x9A00] =	vst v63  }
0x5d: {  	s18 =	rddreg [dreg:$0x17]  }
0x5e: {  	[tilespmem:s18], [sflag:$0x1] =	stream.indirect.gather [hbm4b:s9+s12], $0x1, s14, s12, $0xb8;
	[tilespmem:$0x9A00] =	vst v63  }
0x5f: {  	_ =	swait.ge [sflag:s15], $0x80  }
0x60: {  	[sflag:s15] =	ssyncset.done $0x0  }
0x61: {  	[sflag:s15] =	ssyncadd.s32 $0xFFFFFF80  }
0x62: {  	v0 =	vld [tilespmem:$0x200];
	_ =	sdelay $0x1  }
0x63: {  	v1 =	vld [tilespmem:$0x210];
	_ =	sdelay $0x1  }
0x64: {  	v2 =	vld [tilespmem:$0x220]  }
0x65: {  	v3 =	vand.u32 $0xFFFF, v0  }
0x66: {  	v54 =	vld [tilespmem:$0x230];
	v0 =	vshrl.u32 v0, $0x10;
	[tilespmem:$0xA00] =	vst v3  }
0x67: {  	v55 =	vand.u32 $0xFFFF, v1;
	[tilespmem:$0x1200] =	vst v0  }
0x68: {  	v57 =	vld [tilespmem:$0x240];
	v56 =	vshrl.u32 v1, $0x10;
	[tilespmem:$0xA10] =	vst v55  }
0x69: {  	v58 =	vand.u32 $0xFFFF, v2;
	[tilespmem:$0x1210] =	vst v56  }
0x6a: {  	v60 =	vld [tilespmem:$0x250];
	v59 =	vshrl.u32 v2, $0x10;
	[tilespmem:$0xA20] =	vst v58  }
0x6b: {  	v61 =	vand.u32 $0xFFFF, v54;
	[tilespmem:$0x1220] =	vst v59  }
0x6c: {  	v63 =	vld [tilespmem:$0x260];
	v62 =	vshrl.u32 v54, $0x10;
	[tilespmem:$0xA30] =	vst v61  }
0x6d: {  	v5 =	vand.u32 $0xFFFF, v57;
	[tilespmem:$0x1230] =	vst v62  }
0x6e: {  	v7 =	vld [tilespmem:$0x270];
	v6 =	vshrl.u32 v57, $0x10;
	[tilespmem:$0xA40] =	vst v5  }
0x6f: {  	v8 =	vand.u32 $0xFFFF, v60;
	[tilespmem:$0x1240] =	vst v6  }
0x70: {  	v9 =	vshrl.u32 v60, $0x10;
	[tilespmem:$0xA50] =	vst v8  }
0x71: {  	v10 =	vand.u32 $0xFFFF, v63;
	[tilespmem:$0x1250] =	vst v9  }
0x72: {  	v11 =	vshrl.u32 v63, $0x10;
	[tilespmem:$0xA60] =	vst v10  }
0x73: {  	v12 =	vand.u32 $0xFFFF, v7;
	[tilespmem:$0x1260] =	vst v11  }
0x74: {  	v13 =	vshrl.u32 v7, $0x10;
	[tilespmem:$0xA70] =	vst v12  }
0x75: {  	s18 =	rddreg [dreg:$0x18];
	[tilespmem:$0x1270] =	vst v13  }
0x76: {  	[tilespmem:s20], [sflag:$0x1] =	stream.indirect.gather [hbm4b:s5+s12], $0x10, s18, s12, $0xb8;
	[tilespmem:$0x9A00] =	vst v63  }
0x77: {  	_ =	swait.ge [sflag:s15], $0x80  }
0x78: {  	[sflag:s15] =	ssyncset.done $0x0  }
0x79: {  	[sflag:s15] =	ssyncadd.s32 $0xFFFFFF80  }
0x7a: {  	v14 =	vld [tilespmem:$0x280];
	_ =	sdelay $0x1  }
0x7b: {  	v15 =	vld [tilespmem:$0x290];
	_ =	sdelay $0x1  }
0x7c: {  	v16 =	vld [tilespmem:$0x2A0]  }
0x7d: {  	v17 =	vand.u32 $0xFFFF, v14  }
0x7e: {  	v18 =	vld [tilespmem:$0x2B0];
	v0 =	vshrl.u32 v14, $0x10;
	[tilespmem:$0xA80] =	vst v17  }
0x7f: {  	v19 =	vand.u32 $0xFFFF, v15;
	[tilespmem:$0x1280] =	vst v0  }
0x80: {  	v21 =	vld [tilespmem:$0x2C0];
	v20 =	vshrl.u32 v15, $0x10;
	[tilespmem:$0xA90] =	vst v19  }
0x81: {  	v22 =	vand.u32 $0xFFFF, v16;
	[tilespmem:$0x1290] =	vst v20  }
0x82: {  	v24 =	vld [tilespmem:$0x2D0];
	v23 =	vshrl.u32 v16, $0x10;
	[tilespmem:$0xAA0] =	vst v22  }
0x83: {  	v25 =	vand.u32 $0xFFFF, v18;
	[tilespmem:$0x12A0] =	vst v23  }
0x84: {  	v27 =	vld [tilespmem:$0x2E0];
	v26 =	vshrl.u32 v18, $0x10;
	[tilespmem:$0xAB0] =	vst v25  }
0x85: {  	v28 =	vand.u32 $0xFFFF, v21;
	[tilespmem:$0x12B0] =	vst v26  }
0x86: {  	v30 =	vld [tilespmem:$0x2F0];
	v29 =	vshrl.u32 v21, $0x10;
	[tilespmem:$0xAC0] =	vst v28  }
0x87: {  	v31 =	vand.u32 $0xFFFF, v24;
	[tilespmem:$0x12C0] =	vst v29  }
0x88: {  	v32 =	vshrl.u32 v24, $0x10;
	[tilespmem:$0xAD0] =	vst v31  }
0x89: {  	v33 =	vand.u32 $0xFFFF, v27;
	[tilespmem:$0x12D0] =	vst v32  }
0x8a: {  	v34 =	vshrl.u32 v27, $0x10;
	[tilespmem:$0xAE0] =	vst v33  }
0x8b: {  	v35 =	vand.u32 $0xFFFF, v30;
	[tilespmem:$0x12E0] =	vst v34  }
0x8c: {  	v36 =	vshrl.u32 v30, $0x10;
	[tilespmem:$0xAF0] =	vst v35  }
0x8d: {  	s18 =	simm.s32 $0x2200;
	s1 =	rddreg [dreg:$0x19];
	[tilespmem:$0x12F0] =	vst v36  }
0x8e: {  	[tilespmem:s18], [sflag:$0x1] =	stream.indirect.gather [hbm4b:s5+s12], $0x10, s1, s12, $0xb8;
	[tilespmem:$0x9A00] =	vst v63  }
0x8f: {  	_ =	swait.ge [sflag:s15], $0x80  }
0x90: {  	[sflag:s15] =	ssyncset.done $0x0  }
0x91: {  	[sflag:s15] =	ssyncadd.s32 $0xFFFFFF80  }
0x92: {  	v37 =	vld [tilespmem:$0x300];
	_ =	sdelay $0x4  }
0x93: {  	v38 =	vand.u32 $0xFFFF, v37  }
0x94: {  	[tilespmem:$0xB00] =	vst v38  }
0x95: {  	v1 =	vld [tilespmem:$0x310];
	_ =	sdelay $0x1  }
0x96: {  	v39 =	vld [tilespmem:$0x320];
	_ =	sdelay $0x1  }
0x97: {  	v0 =	vshrl.u32 v37, $0x10;
	v40 =	vld [tilespmem:$0x330]  }
0x98: {  	[tilespmem:$0x1300] =	vst v0;
	v41 =	vand.u32 $0xFFFF, v1  }
0x99: {  	v43 =	vld [tilespmem:$0x340];
	v42 =	vshrl.u32 v1, $0x10;
	[tilespmem:$0xB10] =	vst v41  }
0x9a: {  	v44 =	vand.u32 $0xFFFF, v39;
	[tilespmem:$0x1310] =	vst v42  }
0x9b: {  	v46 =	vld [tilespmem:$0x350];
	v45 =	vshrl.u32 v39, $0x10;
	[tilespmem:$0xB20] =	vst v44  }
0x9c: {  	v47 =	vand.u32 $0xFFFF, v40;
	[tilespmem:$0x1320] =	vst v45  }
0x9d: {  	v49 =	vld [tilespmem:$0x360];
	v48 =	vshrl.u32 v40, $0x10;
	[tilespmem:$0xB30] =	vst v47  }
0x9e: {  	v50 =	vand.u32 $0xFFFF, v43;
	[tilespmem:$0x1330] =	vst v48  }
0x9f: {  	v52 =	vld [tilespmem:$0x370];
	v51 =	vshrl.u32 v43, $0x10;
	[tilespmem:$0xB40] =	vst v50  }
0xa0: {  	v53 =	vand.u32 $0xFFFF, v46;
	[tilespmem:$0x1340] =	vst v51  }
0xa1: {  	v54 =	vshrl.u32 v46, $0x10;
	[tilespmem:$0xB50] =	vst v53  }
0xa2: {  	v55 =	vand.u32 $0xFFFF, v49;
	[tilespmem:$0x1350] =	vst v54  }
0xa3: {  	v56 =	vshrl.u32 v49, $0x10;
	[tilespmem:$0xB60] =	vst v55  }
0xa4: {  	v57 =	vand.u32 $0xFFFF, v52;
	[tilespmem:$0x1360] =	vst v56  }
0xa5: {  	v58 =	vshrl.u32 v52, $0x10;
	[tilespmem:$0xB70] =	vst v57  }
0xa6: {  	s1 =	rddreg [dreg:$0x1a];
	[tilespmem:$0x1370] =	vst v58  }
0xa7: {  	[tilespmem:s19], [sflag:$0x1] =	stream.indirect.gather [hbm4b:s5+s12], $0x10, s1, s12, $0xb8;
	[tilespmem:$0x9A00] =	vst v63  }
0xa8: {  	_ =	swait.ge [sflag:s15], $0x80  }
0xa9: {  	[sflag:s15] =	ssyncset.done $0x0  }
0xaa: {  	[sflag:s15] =	ssyncadd.s32 $0xFFFFFF80  }
0xab: {  	v59 =	vld [tilespmem:$0x380];
	_ =	sdelay $0x1  }
0xac: {  	v60 =	vld [tilespmem:$0x390];
	_ =	sdelay $0x1  }
0xad: {  	v61 =	vld [tilespmem:$0x3A0]  }
0xae: {  	v62 =	vand.u32 $0xFFFF, v59  }
0xaf: {  	v63 =	vld [tilespmem:$0x3B0];
	v0 =	vshrl.u32 v59, $0x10;
	[tilespmem:$0xB80] =	vst v62  }
0xb0: {  	v6 =	vand.u32 $0xFFFF, v60;
	[tilespmem:$0x1380] =	vst v0  }
0xb1: {  	v8 =	vld [tilespmem:$0x3C0];
	v7 =	vshrl.u32 v60, $0x10;
	[tilespmem:$0xB90] =	vst v6  }
0xb2: {  	v9 =	vand.u32 $0xFFFF, v61;
	[tilespmem:$0x1390] =	vst v7  }
0xb3: {  	v11 =	vld [tilespmem:$0x3D0];
	v10 =	vshrl.u32 v61, $0x10;
	[tilespmem:$0xBA0] =	vst v9  }
0xb4: {  	v12 =	vand.u32 $0xFFFF, v63;
	[tilespmem:$0x13A0] =	vst v10  }
0xb5: {  	v14 =	vld [tilespmem:$0x3E0];
	v13 =	vshrl.u32 v63, $0x10;
	[tilespmem:$0xBB0] =	vst v12  }
0xb6: {  	v15 =	vand.u32 $0xFFFF, v8;
	[tilespmem:$0x13B0] =	vst v13  }
0xb7: {  	v17 =	vld [tilespmem:$0x3F0];
	v16 =	vshrl.u32 v8, $0x10;
	[tilespmem:$0xBC0] =	vst v15  }
0xb8: {  	v18 =	vand.u32 $0xFFFF, v11;
	[tilespmem:$0x13C0] =	vst v16  }
0xb9: {  	v19 =	vshrl.u32 v11, $0x10;
	[tilespmem:$0xBD0] =	vst v18  }
0xba: {  	v20 =	vand.u32 $0xFFFF, v14;
	[tilespmem:$0x13D0] =	vst v19  }
0xbb: {  	v21 =	vshrl.u32 v14, $0x10;
	[tilespmem:$0xBE0] =	vst v20  }
0xbc: {  	v22 =	vand.u32 $0xFFFF, v17;
	[tilespmem:$0x13E0] =	vst v21  }
0xbd: {  	v23 =	vshrl.u32 v17, $0x10;
	[tilespmem:$0xBF0] =	vst v22  }
0xbe: {  	s1 =	rddreg [dreg:$0x1b];
	[tilespmem:$0x13F0] =	vst v23  }
0xbf: {  	[tilespmem:s21], [sflag:$0x1] =	stream.indirect.gather [hbm4b:s5+s12], $0x10, s1, s12, $0xb8;
	[tilespmem:$0x9A00] =	vst v63  }
0xc0: {  	_ =	swait.ge [sflag:s15], $0x80  }
0xc1: {  	[sflag:s15] =	ssyncset.done $0x0  }
0xc2: {  	[sflag:s15] =	ssyncadd.s32 $0xFFFFFF80  }
0xc3: {  	v24 =	vld [tilespmem:$0x400];
	_ =	sdelay $0x1  }
0xc4: {  	v25 =	vld [tilespmem:$0x410];
	_ =	sdelay $0x1  }
0xc5: {  	v26 =	vld [tilespmem:$0x420]  }
0xc6: {  	v27 =	vand.u32 $0xFFFF, v24  }
0xc7: {  	v28 =	vld [tilespmem:$0x430];
	v0 =	vshrl.u32 v24, $0x10;
	[tilespmem:$0xC00] =	vst v27  }
0xc8: {  	v29 =	vand.u32 $0xFFFF, v25;
	[tilespmem:$0x1400] =	vst v0  }
0xc9: {  	v31 =	vld [tilespmem:$0x440];
	v30 =	vshrl.u32 v25, $0x10;
	[tilespmem:$0xC10] =	vst v29  }
0xca: {  	v32 =	vand.u32 $0xFFFF, v26;
	[tilespmem:$0x1410] =	vst v30  }
0xcb: {  	v34 =	vld [tilespmem:$0x450];
	v33 =	vshrl.u32 v26, $0x10;
	[tilespmem:$0xC20] =	vst v32  }
0xcc: {  	v35 =	vand.u32 $0xFFFF, v28;
	[tilespmem:$0x1420] =	vst v33  }
0xcd: {  	v37 =	vld [tilespmem:$0x460];
	v36 =	vshrl.u32 v28, $0x10;
	[tilespmem:$0xC30] =	vst v35  }
0xce: {  	v38 =	vand.u32 $0xFFFF, v31;
	[tilespmem:$0x1430] =	vst v36  }
0xcf: {  	v40 =	vld [tilespmem:$0x470];
	v39 =	vshrl.u32 v31, $0x10;
	[tilespmem:$0xC40] =	vst v38  }
0xd0: {  	v41 =	vand.u32 $0xFFFF, v34;
	[tilespmem:$0x1440] =	vst v39  }
0xd1: {  	v42 =	vshrl.u32 v34, $0x10;
	[tilespmem:$0xC50] =	vst v41  }
0xd2: {  	v43 =	vand.u32 $0xFFFF, v37;
	[tilespmem:$0x1450] =	vst v42  }
0xd3: {  	v44 =	vshrl.u32 v37, $0x10;
	[tilespmem:$0xC60] =	vst v43  }
0xd4: {  	v45 =	vand.u32 $0xFFFF, v40;
	[tilespmem:$0x1460] =	vst v44  }
0xd5: {  	v46 =	vshrl.u32 v40, $0x10;
	[tilespmem:$0xC70] =	vst v45  }
0xd6: {  	s1 =	rddreg [dreg:$0x1c];
	[tilespmem:$0x1470] =	vst v46  }
0xd7: {  	[tilespmem:s24], [sflag:$0x1] =	stream.indirect.gather [hbm4b:s5+s12], $0x10, s1, s12, $0xb8;
	[tilespmem:$0x9A00] =	vst v63  }
0xd8: {  	_ =	swait.ge [sflag:s15], $0x80  }
0xd9: {  	[sflag:s15] =	ssyncset.done $0x0  }
0xda: {  	[sflag:s15] =	ssyncadd.s32 $0xFFFFFF80  }
0xdb: {  	v47 =	vld [tilespmem:$0x480];
	_ =	sdelay $0x1  }
0xdc: {  	v48 =	vld [tilespmem:$0x490];
	_ =	sdelay $0x1  }
0xdd: {  	v49 =	vld [tilespmem:$0x4A0]  }
0xde: {  	v50 =	vand.u32 $0xFFFF, v47  }
0xdf: {  	v51 =	vld [tilespmem:$0x4B0];
	v0 =	vshrl.u32 v47, $0x10;
	[tilespmem:$0xC80] =	vst v50  }
0xe0: {  	v52 =	vand.u32 $0xFFFF, v48;
	[tilespmem:$0x1480] =	vst v0  }
0xe1: {  	v54 =	vld [tilespmem:$0x4C0];
	v53 =	vshrl.u32 v48, $0x10;
	[tilespmem:$0xC90] =	vst v52  }
0xe2: {  	v55 =	vand.u32 $0xFFFF, v49;
	[tilespmem:$0x1490] =	vst v53  }
0xe3: {  	v57 =	vld [tilespmem:$0x4D0];
	v56 =	vshrl.u32 v49, $0x10;
	[tilespmem:$0xCA0] =	vst v55  }
0xe4: {  	v58 =	vand.u32 $0xFFFF, v51;
	[tilespmem:$0x14A0] =	vst v56  }
0xe5: {  	v60 =	vld [tilespmem:$0x4E0];
	v59 =	vshrl.u32 v51, $0x10;
	[tilespmem:$0xCB0] =	vst v58  }
0xe6: {  	v61 =	vand.u32 $0xFFFF, v54;
	[tilespmem:$0x14B0] =	vst v59  }
0xe7: {  	v63 =	vld [tilespmem:$0x4F0];
	v62 =	vshrl.u32 v54, $0x10;
	[tilespmem:$0xCC0] =	vst v61  }
0xe8: {  	v4 =	vand.u32 $0xFFFF, v57;
	[tilespmem:$0x14C0] =	vst v62  }
0xe9: {  	v5 =	vshrl.u32 v57, $0x10;
	[tilespmem:$0xCD0] =	vst v4  }
0xea: {  	v6 =	vand.u32 $0xFFFF, v60;
	[tilespmem:$0x14D0] =	vst v5  }
0xeb: {  	v7 =	vshrl.u32 v60, $0x10;
	[tilespmem:$0xCE0] =	vst v6  }
0xec: {  	v8 =	vand.u32 $0xFFFF, v63;
	[tilespmem:$0x14E0] =	vst v7  }
0xed: {  	v9 =	vshrl.u32 v63, $0x10;
	[tilespmem:$0xCF0] =	vst v8  }
0xee: {  	s1 =	rddreg [dreg:$0x1d];
	[tilespmem:$0x14F0] =	vst v9  }
0xef: {  	[tilespmem:s22], [sflag:$0x1] =	stream.indirect.gather [hbm4b:s5+s12], $0x10, s1, s12, $0xb8;
	[tilespmem:$0x9A00] =	vst v63  }
0xf0: {  	_ =	swait.ge [sflag:s15], $0x80  }
0xf1: {  	[sflag:s15] =	ssyncset.done $0x0  }
0xf2: {  	[sflag:s15] =	ssyncadd.s32 $0xFFFFFF80  }
0xf3: {  	v10 =	vld [tilespmem:$0x500];
	_ =	sdelay $0x1  }
0xf4: {  	v11 =	vld [tilespmem:$0x510];
	_ =	sdelay $0x1  }
0xf5: {  	v12 =	vld [tilespmem:$0x520]  }
0xf6: {  	v13 =	vand.u32 $0xFFFF, v10  }
0xf7: {  	v14 =	vld [tilespmem:$0x530];
	v0 =	vshrl.u32 v10, $0x10;
	[tilespmem:$0xD00] =	vst v13  }
0xf8: {  	v15 =	vand.u32 $0xFFFF, v11;
	[tilespmem:$0x1500] =	vst v0  }
0xf9: {  	v17 =	vld [tilespmem:$0x540];
	v16 =	vshrl.u32 v11, $0x10;
	[tilespmem:$0xD10] =	vst v15  }
0xfa: {  	v18 =	vand.u32 $0xFFFF, v12;
	[tilespmem:$0x1510] =	vst v16  }
0xfb: {  	v20 =	vld [tilespmem:$0x550];
	v19 =	vshrl.u32 v12, $0x10;
	[tilespmem:$0xD20] =	vst v18  }
0xfc: {  	v21 =	vand.u32 $0xFFFF, v14;
	[tilespmem:$0x1520] =	vst v19  }
0xfd: {  	v23 =	vld [tilespmem:$0x560];
	v22 =	vshrl.u32 v14, $0x10;
	[tilespmem:$0xD30] =	vst v21  }
0xfe: {  	v24 =	vand.u32 $0xFFFF, v17;
	[tilespmem:$0x1530] =	vst v22  }
0xff: {  	v26 =	vld [tilespmem:$0x570];
	v25 =	vshrl.u32 v17, $0x10;
	[tilespmem:$0xD40] =	vst v24  }
0x100: {  	v27 =	vand.u32 $0xFFFF, v20;
	[tilespmem:$0x1540] =	vst v25  }
0x101: {  	v28 =	vshrl.u32 v20, $0x10;
	[tilespmem:$0xD50] =	vst v27  }
0x102: {  	v29 =	vand.u32 $0xFFFF, v23;
	[tilespmem:$0x1550] =	vst v28  }
0x103: {  	v30 =	vshrl.u32 v23, $0x10;
	[tilespmem:$0xD60] =	vst v29  }
0x104: {  	v31 =	vand.u32 $0xFFFF, v26;
	[tilespmem:$0x1560] =	vst v30  }
0x105: {  	v32 =	vshrl.u32 v26, $0x10;
	[tilespmem:$0xD70] =	vst v31  }
0x106: {  	s1 =	rddreg [dreg:$0x1e];
	[tilespmem:$0x1570] =	vst v32  }
0x107: {  	[tilespmem:s23], [sflag:$0x1] =	stream.indirect.gather [hbm4b:s5+s12], $0x10, s1, s12, $0xb8;
	[tilespmem:$0x9A00] =	vst v63  }
0x108: {  	_ =	swait.ge [sflag:s15], $0x80  }
0x109: {  	[sflag:s15] =	ssyncset.done $0x0  }
0x10a: {  	[sflag:s15] =	ssyncadd.s32 $0xFFFFFF80  }
0x10b: {  	v33 =	vld [tilespmem:$0x580];
	_ =	sdelay $0x1  }
0x10c: {  	v34 =	vld [tilespmem:$0x590];
	_ =	sdelay $0x1  }
0x10d: {  	v35 =	vld [tilespmem:$0x5A0]  }
0x10e: {  	v36 =	vand.u32 $0xFFFF, v33  }
0x10f: {  	v37 =	vld [tilespmem:$0x5B0];
	v0 =	vshrl.u32 v33, $0x10;
	[tilespmem:$0xD80] =	vst v36  }
0x110: {  	v38 =	vand.u32 $0xFFFF, v34;
	[tilespmem:$0x1580] =	vst v0  }
0x111: {  	v40 =	vld [tilespmem:$0x5C0];
	v39 =	vshrl.u32 v34, $0x10;
	[tilespmem:$0xD90] =	vst v38  }
0x112: {  	v41 =	vand.u32 $0xFFFF, v35;
	[tilespmem:$0x1590] =	vst v39  }
0x113: {  	v43 =	vld [tilespmem:$0x5D0];
	v42 =	vshrl.u32 v35, $0x10;
	[tilespmem:$0xDA0] =	vst v41  }
0x114: {  	v44 =	vand.u32 $0xFFFF, v37;
	[tilespmem:$0x15A0] =	vst v42  }
0x115: {  	v46 =	vld [tilespmem:$0x5E0];
	v45 =	vshrl.u32 v37, $0x10;
	[tilespmem:$0xDB0] =	vst v44  }
0x116: {  	v47 =	vand.u32 $0xFFFF, v40;
	[tilespmem:$0x15B0] =	vst v45  }
0x117: {  	v49 =	vld [tilespmem:$0x5F0];
	v48 =	vshrl.u32 v40, $0x10;
	[tilespmem:$0xDC0] =	vst v47  }
0x118: {  	v50 =	vand.u32 $0xFFFF, v43;
	[tilespmem:$0x15C0] =	vst v48  }
0x119: {  	v51 =	vshrl.u32 v43, $0x10;
	[tilespmem:$0xDD0] =	vst v50  }
0x11a: {  	v52 =	vand.u32 $0xFFFF, v46;
	[tilespmem:$0x15D0] =	vst v51  }
0x11b: {  	v53 =	vshrl.u32 v46, $0x10;
	[tilespmem:$0xDE0] =	vst v52  }
0x11c: {  	v54 =	vand.u32 $0xFFFF, v49;
	[tilespmem:$0x15E0] =	vst v53  }
0x11d: {  	v55 =	vshrl.u32 v49, $0x10;
	[tilespmem:$0xDF0] =	vst v54  }
0x11e: {  	s1 =	rddreg [dreg:$0x1f];
	[tilespmem:$0x15F0] =	vst v55  }
0x11f: {  	[tilespmem:s25], [sflag:$0x1] =	stream.indirect.gather [hbm4b:s5+s12], $0x10, s1, s12, $0xb8;
	[tilespmem:$0x9A00] =	vst v63  }
0x120: {  	_ =	swait.ge [sflag:s15], $0x80  }
0x121: {  	[sflag:s15] =	ssyncset.done $0x0  }
0x122: {  	[sflag:s15] =	ssyncadd.s32 $0xFFFFFF80  }
0x123: {  	v56 =	vld [tilespmem:$0x600];
	_ =	sdelay $0x1  }
0x124: {  	v57 =	vld [tilespmem:$0x610];
	_ =	sdelay $0x1  }
0x125: {  	v58 =	vld [tilespmem:$0x620]  }
0x126: {  	v59 =	vand.u32 $0xFFFF, v56  }
0x127: {  	v60 =	vld [tilespmem:$0x630];
	v0 =	vshrl.u32 v56, $0x10;
	[tilespmem:$0xE00] =	vst v59  }
0x128: {  	v61 =	vand.u32 $0xFFFF, v57;
	[tilespmem:$0x1600] =	vst v0  }
0x129: {  	v63 =	vld [tilespmem:$0x640];
	v62 =	vshrl.u32 v57, $0x10;
	[tilespmem:$0xE10] =	vst v61  }
0x12a: {  	v6 =	vand.u32 $0xFFFF, v58;
	[tilespmem:$0x1610] =	vst v62  }
0x12b: {  	v8 =	vld [tilespmem:$0x650];
	v7 =	vshrl.u32 v58, $0x10;
	[tilespmem:$0xE20] =	vst v6  }
0x12c: {  	v9 =	vand.u32 $0xFFFF, v60;
	[tilespmem:$0x1620] =	vst v7  }
0x12d: {  	v11 =	vld [tilespmem:$0x660];
	v10 =	vshrl.u32 v60, $0x10;
	[tilespmem:$0xE30] =	vst v9  }
0x12e: {  	v12 =	vand.u32 $0xFFFF, v63;
	[tilespmem:$0x1630] =	vst v10  }
0x12f: {  	v14 =	vld [tilespmem:$0x670];
	v13 =	vshrl.u32 v63, $0x10;
	[tilespmem:$0xE40] =	vst v12  }
0x130: {  	v15 =	vand.u32 $0xFFFF, v8;
	[tilespmem:$0x1640] =	vst v13  }
0x131: {  	v16 =	vshrl.u32 v8, $0x10;
	[tilespmem:$0xE50] =	vst v15  }
0x132: {  	v17 =	vand.u32 $0xFFFF, v11;
	[tilespmem:$0x1650] =	vst v16  }
0x133: {  	v18 =	vshrl.u32 v11, $0x10;
	[tilespmem:$0xE60] =	vst v17  }
0x134: {  	s1 =	sld [smem:$0x7E6];
	v19 =	vand.u32 $0xFFFF, v14;
	[tilespmem:$0x1660] =	vst v18  }
0x135: {  	v20 =	vshrl.u32 v14, $0x10;
	[tilespmem:$0xE70] =	vst v19  }
0x136: {  	[tilespmem:$0x1670] =	vst v20  }
0x137: {  	[tilespmem:s29], [sflag:$0x1] =	stream.indirect.gather [hbm4b:s5+s12], $0x10, s1, s12, $0xb8;
	[tilespmem:$0x9A00] =	vst v63  }
0x138: {  	_ =	swait.ge [sflag:s15], $0x80  }
0x139: {  	[sflag:s15] =	ssyncset.done $0x0  }
0x13a: {  	[sflag:s15] =	ssyncadd.s32 $0xFFFFFF80  }
0x13b: {  	v21 =	vld [tilespmem:$0x680];
	_ =	sdelay $0x1  }
0x13c: {  	v22 =	vld [tilespmem:$0x690];
	_ =	sdelay $0x1  }
0x13d: {  	v23 =	vld [tilespmem:$0x6A0]  }
0x13e: {  	v24 =	vand.u32 $0xFFFF, v21  }
0x13f: {  	v25 =	vld [tilespmem:$0x6B0];
	v0 =	vshrl.u32 v21, $0x10;
	[tilespmem:$0xE80] =	vst v24  }
0x140: {  	v26 =	vand.u32 $0xFFFF, v22;
	[tilespmem:$0x1680] =	vst v0  }
0x141: {  	v28 =	vld [tilespmem:$0x6C0];
	v27 =	vshrl.u32 v22, $0x10;
	[tilespmem:$0xE90] =	vst v26  }
0x142: {  	v29 =	vand.u32 $0xFFFF, v23;
	[tilespmem:$0x1690] =	vst v27  }
0x143: {  	v31 =	vld [tilespmem:$0x6D0];
	v30 =	vshrl.u32 v23, $0x10;
	[tilespmem:$0xEA0] =	vst v29  }
0x144: {  	v32 =	vand.u32 $0xFFFF, v25;
	[tilespmem:$0x16A0] =	vst v30  }
0x145: {  	v34 =	vld [tilespmem:$0x6E0];
	v33 =	vshrl.u32 v25, $0x10;
	[tilespmem:$0xEB0] =	vst v32  }
0x146: {  	v35 =	vand.u32 $0xFFFF, v28;
	[tilespmem:$0x16B0] =	vst v33  }
0x147: {  	v37 =	vld [tilespmem:$0x6F0];
	v36 =	vshrl.u32 v28, $0x10;
	[tilespmem:$0xEC0] =	vst v35  }
0x148: {  	v38 =	vand.u32 $0xFFFF, v31;
	[tilespmem:$0x16C0] =	vst v36  }
0x149: {  	v39 =	vshrl.u32 v31, $0x10;
	[tilespmem:$0xED0] =	vst v38  }
0x14a: {  	v40 =	vand.u32 $0xFFFF, v34;
	[tilespmem:$0x16D0] =	vst v39  }
0x14b: {  	v41 =	vshrl.u32 v34, $0x10;
	[tilespmem:$0xEE0] =	vst v40  }
0x14c: {  	s1 =	sld [smem:$0x7E7];
	v42 =	vand.u32 $0xFFFF, v37;
	[tilespmem:$0x16E0] =	vst v41  }
0x14d: {  	v43 =	vshrl.u32 v37, $0x10;
	[tilespmem:$0xEF0] =	vst v42  }
0x14e: {  	[tilespmem:$0x16F0] =	vst v43  }
0x14f: {  	[tilespmem:s26], [sflag:$0x1] =	stream.indirect.gather [hbm4b:s5+s12], $0x10, s1, s12, $0xb8;
	[tilespmem:$0x9A00] =	vst v63  }
0x150: {  	_ =	swait.ge [sflag:s15], $0x80  }
0x151: {  	[sflag:s15] =	ssyncset.done $0x0  }
0x152: {  	[sflag:s15] =	ssyncadd.s32 $0xFFFFFF80  }
0x153: {  	v44 =	vld [tilespmem:$0x700];
	_ =	sdelay $0x1  }
0x154: {  	v45 =	vld [tilespmem:$0x710];
	_ =	sdelay $0x1  }
0x155: {  	v46 =	vld [tilespmem:$0x720]  }
0x156: {  	v47 =	vand.u32 $0xFFFF, v44  }
0x157: {  	v48 =	vld [tilespmem:$0x730];
	v0 =	vshrl.u32 v44, $0x10;
	[tilespmem:$0xF00] =	vst v47  }
0x158: {  	v49 =	vand.u32 $0xFFFF, v45;
	[tilespmem:$0x1700] =	vst v0  }
0x159: {  	v51 =	vld [tilespmem:$0x740];
	v50 =	vshrl.u32 v45, $0x10;
	[tilespmem:$0xF10] =	vst v49  }
0x15a: {  	v52 =	vand.u32 $0xFFFF, v46;
	[tilespmem:$0x1710] =	vst v50  }
0x15b: {  	v54 =	vld [tilespmem:$0x750];
	v53 =	vshrl.u32 v46, $0x10;
	[tilespmem:$0xF20] =	vst v52  }
0x15c: {  	v55 =	vand.u32 $0xFFFF, v48;
	[tilespmem:$0x1720] =	vst v53  }
0x15d: {  	v57 =	vld [tilespmem:$0x760];
	v56 =	vshrl.u32 v48, $0x10;
	[tilespmem:$0xF30] =	vst v55  }
0x15e: {  	v58 =	vand.u32 $0xFFFF, v51;
	[tilespmem:$0x1730] =	vst v56  }
0x15f: {  	v60 =	vld [tilespmem:$0x770];
	v59 =	vshrl.u32 v51, $0x10;
	[tilespmem:$0xF40] =	vst v58  }
0x160: {  	v61 =	vand.u32 $0xFFFF, v54;
	[tilespmem:$0x1740] =	vst v59  }
0x161: {  	v62 =	vshrl.u32 v54, $0x10;
	[tilespmem:$0xF50] =	vst v61  }
0x162: {  	v63 =	vand.u32 $0xFFFF, v57;
	[tilespmem:$0x1750] =	vst v62  }
0x163: {  	v4 =	vshrl.u32 v57, $0x10;
	[tilespmem:$0xF60] =	vst v63  }
0x164: {  	s1 =	sld [smem:$0x7E8];
	v5 =	vand.u32 $0xFFFF, v60;
	[tilespmem:$0x1760] =	vst v4  }
0x165: {  	v6 =	vshrl.u32 v60, $0x10;
	[tilespmem:$0xF70] =	vst v5  }
0x166: {  	[tilespmem:$0x1770] =	vst v6  }
0x167: {  	[tilespmem:s28], [sflag:$0x1] =	stream.indirect.gather [hbm4b:s5+s12], $0x10, s1, s12, $0xb8;
	[tilespmem:$0x9A00] =	vst v63  }
0x168: {  	_ =	swait.ge [sflag:s15], $0x80  }
0x169: {  	[sflag:s15] =	ssyncset.done $0x0  }
0x16a: {  	[sflag:s15] =	ssyncadd.s32 $0xFFFFFF80  }
0x16b: {  	v7 =	vld [tilespmem:$0x780];
	_ =	sdelay $0x1  }
0x16c: {  	v8 =	vld [tilespmem:$0x790];
	_ =	sdelay $0x1  }
0x16d: {  	v9 =	vld [tilespmem:$0x7A0]  }
0x16e: {  	v10 =	vand.u32 $0xFFFF, v7  }
0x16f: {  	v11 =	vld [tilespmem:$0x7B0];
	v0 =	vshrl.u32 v7, $0x10;
	[tilespmem:$0xF80] =	vst v10  }
0x170: {  	v12 =	vand.u32 $0xFFFF, v8;
	[tilespmem:$0x1780] =	vst v0  }
0x171: {  	v14 =	vld [tilespmem:$0x7C0];
	v13 =	vshrl.u32 v8, $0x10;
	[tilespmem:$0xF90] =	vst v12  }
0x172: {  	v15 =	vand.u32 $0xFFFF, v9;
	[tilespmem:$0x1790] =	vst v13  }
0x173: {  	v17 =	vld [tilespmem:$0x7D0];
	v16 =	vshrl.u32 v9, $0x10;
	[tilespmem:$0xFA0] =	vst v15  }
0x174: {  	v18 =	vand.u32 $0xFFFF, v11;
	[tilespmem:$0x17A0] =	vst v16  }
0x175: {  	v20 =	vld [tilespmem:$0x7E0];
	v19 =	vshrl.u32 v11, $0x10;
	[tilespmem:$0xFB0] =	vst v18  }
0x176: {  	v21 =	vand.u32 $0xFFFF, v14;
	[tilespmem:$0x17B0] =	vst v19  }
0x177: {  	v23 =	vld [tilespmem:$0x7F0];
	v22 =	vshrl.u32 v14, $0x10;
	[tilespmem:$0xFC0] =	vst v21  }
0x178: {  	v24 =	vand.u32 $0xFFFF, v17;
	[tilespmem:$0x17C0] =	vst v22  }
0x179: {  	v25 =	vshrl.u32 v17, $0x10;
	[tilespmem:$0xFD0] =	vst v24  }
0x17a: {  	v26 =	vand.u32 $0xFFFF, v20;
	[tilespmem:$0x17D0] =	vst v25  }
0x17b: {  	v27 =	vshrl.u32 v20, $0x10;
	[tilespmem:$0xFE0] =	vst v26  }
0x17c: {  	s1 =	sld [smem:$0x7E9];
	v28 =	vand.u32 $0xFFFF, v23;
	[tilespmem:$0x17E0] =	vst v27  }
0x17d: {  	v29 =	vshrl.u32 v23, $0x10;
	[tilespmem:$0xFF0] =	vst v28  }
0x17e: {  	[tilespmem:$0x17F0] =	vst v29  }
0x17f: {  	[tilespmem:s30], [sflag:$0x1] =	stream.indirect.gather [hbm4b:s5+s12], $0x10, s1, s12, $0xb8;
	[tilespmem:$0x9A00] =	vst v63  }
0x180: {  	_ =	swait.ge [sflag:s15], $0x80  }
0x181: {  	[sflag:s15] =	ssyncset.done $0x0  }
0x182: {  	[sflag:s15] =	ssyncadd.s32 $0xFFFFFF80  }
0x183: {  	v30 =	vld [tilespmem:$0x800];
	_ =	sdelay $0x1  }
0x184: {  	v31 =	vld [tilespmem:$0x810];
	_ =	sdelay $0x1  }
0x185: {  	v32 =	vld [tilespmem:$0x820]  }
0x186: {  	v33 =	vand.u32 $0xFFFF, v30  }
0x187: {  	v34 =	vld [tilespmem:$0x830];
	v0 =	vshrl.u32 v30, $0x10;
	[tilespmem:$0x1000] =	vst v33  }
0x188: {  	v35 =	vand.u32 $0xFFFF, v31;
	[tilespmem:$0x1800] =	vst v0  }
0x189: {  	v37 =	vld [tilespmem:$0x840];
	v36 =	vshrl.u32 v31, $0x10;
	[tilespmem:$0x1010] =	vst v35  }
0x18a: {  	v38 =	vand.u32 $0xFFFF, v32;
	[tilespmem:$0x1810] =	vst v36  }
0x18b: {  	v40 =	vld [tilespmem:$0x850];
	v39 =	vshrl.u32 v32, $0x10;
	[tilespmem:$0x1020] =	vst v38  }
0x18c: {  	v41 =	vand.u32 $0xFFFF, v34;
	[tilespmem:$0x1820] =	vst v39  }
0x18d: {  	v43 =	vld [tilespmem:$0x860];
	v42 =	vshrl.u32 v34, $0x10;
	[tilespmem:$0x1030] =	vst v41  }
0x18e: {  	v44 =	vand.u32 $0xFFFF, v37;
	[tilespmem:$0x1830] =	vst v42  }
0x18f: {  	v46 =	vld [tilespmem:$0x870];
	v45 =	vshrl.u32 v37, $0x10;
	[tilespmem:$0x1040] =	vst v44  }
0x190: {  	v47 =	vand.u32 $0xFFFF, v40;
	[tilespmem:$0x1840] =	vst v45  }
0x191: {  	v48 =	vshrl.u32 v40, $0x10;
	[tilespmem:$0x1050] =	vst v47  }
0x192: {  	v49 =	vand.u32 $0xFFFF, v43;
	[tilespmem:$0x1850] =	vst v48  }
0x193: {  	v50 =	vshrl.u32 v43, $0x10;
	[tilespmem:$0x1060] =	vst v49  }
0x194: {  	s1 =	sld [smem:$0x7EA];
	v51 =	vand.u32 $0xFFFF, v46;
	[tilespmem:$0x1860] =	vst v50  }
0x195: {  	v52 =	vshrl.u32 v46, $0x10;
	[tilespmem:$0x1070] =	vst v51  }
0x196: {  	[tilespmem:$0x1870] =	vst v52  }
0x197: {  	[tilespmem:s13], [sflag:$0x1] =	stream.indirect.gather [hbm4b:s5+s12], $0x10, s1, s12, $0xb8;
	[tilespmem:$0x9A00] =	vst v63  }
0x198: {  	_ =	swait.ge [sflag:s15], $0x80  }
0x199: {  	[sflag:s15] =	ssyncset.done $0x0  }
0x19a: {  	[sflag:s15] =	ssyncadd.s32 $0xFFFFFF80  }
0x19b: {  	v53 =	vld [tilespmem:$0x880];
	_ =	sdelay $0x1  }
0x19c: {  	v54 =	vld [tilespmem:$0x890];
	_ =	sdelay $0x1  }
0x19d: {  	v55 =	vld [tilespmem:$0x8A0]  }
0x19e: {  	v56 =	vand.u32 $0xFFFF, v53  }
0x19f: {  	v57 =	vld [tilespmem:$0x8B0];
	v0 =	vshrl.u32 v53, $0x10;
	[tilespmem:$0x1080] =	vst v56  }
0x1a0: {  	v58 =	vand.u32 $0xFFFF, v54;
	[tilespmem:$0x1880] =	vst v0  }
0x1a1: {  	v60 =	vld [tilespmem:$0x8C0];
	v59 =	vshrl.u32 v54, $0x10;
	[tilespmem:$0x1090] =	vst v58  }
0x1a2: {  	v61 =	vand.u32 $0xFFFF, v55;
	[tilespmem:$0x1890] =	vst v59  }
0x1a3: {  	v63 =	vld [tilespmem:$0x8D0];
	v62 =	vshrl.u32 v55, $0x10;
	[tilespmem:$0x10A0] =	vst v61  }
0x1a4: {  	v6 =	vand.u32 $0xFFFF, v57;
	[tilespmem:$0x18A0] =	vst v62  }
0x1a5: {  	v8 =	vld [tilespmem:$0x8E0];
	v7 =	vshrl.u32 v57, $0x10;
	[tilespmem:$0x10B0] =	vst v6  }
0x1a6: {  	v9 =	vand.u32 $0xFFFF, v60;
	[tilespmem:$0x18B0] =	vst v7  }
0x1a7: {  	v11 =	vld [tilespmem:$0x8F0];
	v10 =	vshrl.u32 v60, $0x10;
	[tilespmem:$0x10C0] =	vst v9  }
0x1a8: {  	v12 =	vand.u32 $0xFFFF, v63;
	[tilespmem:$0x18C0] =	vst v10  }
0x1a9: {  	v13 =	vshrl.u32 v63, $0x10;
	[tilespmem:$0x10D0] =	vst v12  }
0x1aa: {  	v14 =	vand.u32 $0xFFFF, v8;
	[tilespmem:$0x18D0] =	vst v13  }
0x1ab: {  	v15 =	vshrl.u32 v8, $0x10;
	[tilespmem:$0x10E0] =	vst v14  }
0x1ac: {  	s1 =	sld [smem:$0x7EB];
	v16 =	vand.u32 $0xFFFF, v11;
	[tilespmem:$0x18E0] =	vst v15  }
0x1ad: {  	v17 =	vshrl.u32 v11, $0x10;
	[tilespmem:$0x10F0] =	vst v16  }
0x1ae: {  	[tilespmem:$0x18F0] =	vst v17  }
0x1af: {  	[tilespmem:s31], [sflag:$0x1] =	stream.indirect.gather [hbm4b:s5+s12], $0x10, s1, s12, $0xb8;
	[tilespmem:$0x9A00] =	vst v63  }
0x1b0: {  	_ =	swait.ge [sflag:s15], $0x80  }
0x1b1: {  	[sflag:s15] =	ssyncset.done $0x0  }
0x1b2: {  	[sflag:s15] =	ssyncadd.s32 $0xFFFFFF80  }
0x1b3: {  	v18 =	vld [tilespmem:$0x900];
	_ =	sdelay $0x1  }
0x1b4: {  	v19 =	vld [tilespmem:$0x910];
	_ =	sdelay $0x1  }
0x1b5: {  	v20 =	vld [tilespmem:$0x920]  }
0x1b6: {  	v21 =	vand.u32 $0xFFFF, v18  }
0x1b7: {  	v22 =	vld [tilespmem:$0x930];
	v0 =	vshrl.u32 v18, $0x10;
	[tilespmem:$0x1100] =	vst v21  }
0x1b8: {  	v23 =	vand.u32 $0xFFFF, v19;
	[tilespmem:$0x1900] =	vst v0  }
0x1b9: {  	v25 =	vld [tilespmem:$0x940];
	v24 =	vshrl.u32 v19, $0x10;
	[tilespmem:$0x1110] =	vst v23  }
0x1ba: {  	v26 =	vand.u32 $0xFFFF, v20;
	[tilespmem:$0x1910] =	vst v24  }
0x1bb: {  	v28 =	vld [tilespmem:$0x950];
	v27 =	vshrl.u32 v20, $0x10;
	[tilespmem:$0x1120] =	vst v26  }
0x1bc: {  	v29 =	vand.u32 $0xFFFF, v22;
	[tilespmem:$0x1920] =	vst v27  }
0x1bd: {  	v31 =	vld [tilespmem:$0x960];
	v30 =	vshrl.u32 v22, $0x10;
	[tilespmem:$0x1130] =	vst v29  }
0x1be: {  	v32 =	vand.u32 $0xFFFF, v25;
	[tilespmem:$0x1930] =	vst v30  }
0x1bf: {  	v34 =	vld [tilespmem:$0x970];
	v33 =	vshrl.u32 v25, $0x10;
	[tilespmem:$0x1140] =	vst v32  }
0x1c0: {  	v35 =	vand.u32 $0xFFFF, v28;
	[tilespmem:$0x1940] =	vst v33  }
0x1c1: {  	v36 =	vshrl.u32 v28, $0x10;
	[tilespmem:$0x1150] =	vst v35  }
0x1c2: {  	v37 =	vand.u32 $0xFFFF, v31;
	[tilespmem:$0x1950] =	vst v36  }
0x1c3: {  	v38 =	vshrl.u32 v31, $0x10;
	[tilespmem:$0x1160] =	vst v37  }
0x1c4: {  	s17 =	sld [smem:$0x7EC];
	v39 =	vand.u32 $0xFFFF, v34;
	[tilespmem:$0x1960] =	vst v38  }
0x1c5: {  	v40 =	vshrl.u32 v34, $0x10;
	[tilespmem:$0x1170] =	vst v39  }
0x1c6: {  	s1 =	simm.s32 $0x8A00;
	[tilespmem:$0x1970] =	vst v40  }
0x1c7: {  	[tilespmem:s1], [sflag:$0x1] =	stream.indirect.gather [hbm4b:s5+s12], $0x10, s17, s12, $0xb8;
	[tilespmem:$0x9A00] =	vst v63  }
0x1c8: {  	_ =	swait.ge [sflag:s15], $0x80  }
0x1c9: {  	[sflag:s15] =	ssyncset.done $0x0  }
0x1ca: {  	[sflag:s15] =	ssyncadd.s32 $0xFFFFFF80  }
0x1cb: {  	v41 =	vld [tilespmem:$0x980];
	_ =	sdelay $0x1  }
0x1cc: {  	v42 =	vld [tilespmem:$0x990];
	_ =	sdelay $0x1  }
0x1cd: {  	v43 =	vld [tilespmem:$0x9A0]  }
0x1ce: {  	v44 =	vand.u32 $0xFFFF, v41  }
0x1cf: {  	v45 =	vld [tilespmem:$0x9B0];
	v0 =	vshrl.u32 v41, $0x10;
	[tilespmem:$0x1180] =	vst v44  }
0x1d0: {  	v46 =	vand.u32 $0xFFFF, v42;
	[tilespmem:$0x1980] =	vst v0  }
0x1d1: {  	v48 =	vld [tilespmem:$0x9C0];
	v47 =	vshrl.u32 v42, $0x10;
	[tilespmem:$0x1190] =	vst v46  }
0x1d2: {  	v49 =	vand.u32 $0xFFFF, v43;
	[tilespmem:$0x1990] =	vst v47  }
0x1d3: {  	v51 =	vld [tilespmem:$0x9D0];
	v50 =	vshrl.u32 v43, $0x10;
	[tilespmem:$0x11A0] =	vst v49  }
0x1d4: {  	v52 =	vand.u32 $0xFFFF, v45;
	[tilespmem:$0x19A0] =	vst v50  }
0x1d5: {  	v54 =	vld [tilespmem:$0x9E0];
	v53 =	vshrl.u32 v45, $0x10;
	[tilespmem:$0x11B0] =	vst v52  }
0x1d6: {  	v55 =	vand.u32 $0xFFFF, v48;
	[tilespmem:$0x19B0] =	vst v53  }
0x1d7: {  	v57 =	vld [tilespmem:$0x9F0];
	v56 =	vshrl.u32 v48, $0x10;
	[tilespmem:$0x11C0] =	vst v55  }
0x1d8: {  	v58 =	vand.u32 $0xFFFF, v51;
	[tilespmem:$0x19C0] =	vst v56  }
0x1d9: {  	v59 =	vshrl.u32 v51, $0x10;
	[tilespmem:$0x11D0] =	vst v58  }
0x1da: {  	v60 =	vand.u32 $0xFFFF, v54;
	[tilespmem:$0x19D0] =	vst v59  }
0x1db: {  	v61 =	vshrl.u32 v54, $0x10;
	[tilespmem:$0x11E0] =	vst v60  }
0x1dc: {  	s17 =	sld [smem:$0x7ED];
	v62 =	vand.u32 $0xFFFF, v57;
	[tilespmem:$0x19E0] =	vst v61  }
0x1dd: {  	v63 =	vshrl.u32 v57, $0x10;
	[tilespmem:$0x11F0] =	vst v62  }
0x1de: {  	[tilespmem:$0x19F0] =	vst v63  }
0x1df: {  	[tilespmem:s16], [sflag:$0x1] =	stream.indirect.gather [hbm4b:s5+s12], $0x10, s17, s12, $0xb8;
	[tilespmem:$0x9A00] =	vst v63  }
0x1e0: {  	_ =	swait.ge [sflag:s15], $0x800  }
0x1e1: {  	s17 =	sld [smem:$0x7EE]  }
0x1e2: {  	[sflag:s15] =	ssyncset.done $0x0  }
0x1e3: {  	[sflag:s15] =	ssyncadd.s32 $0xFFFFF800  }
0x1e4: {  	[tilespmem:s20], [sflag:$0x1] =	stream.indirect.gather.add.f32 [hbm:s6], $0x10, s17, s12, $0xb8;
	[tilespmem:$0x9A00] =	vst v63  }
0x1e5: {  	_ =	swait.ge [sflag:s15], $0x800  }
0x1e6: {  	s17 =	sld [smem:$0x7EF]  }
0x1e7: {  	[sflag:s15] =	ssyncset.done $0x0  }
0x1e8: {  	[sflag:s15] =	ssyncadd.s32 $0xFFFFF800  }
0x1e9: {  	[tilespmem:s18], [sflag:$0x1] =	stream.indirect.gather.add.f32 [hbm:s6], $0x10, s17, s12, $0xb8;
	[tilespmem:$0x9A00] =	vst v63  }
0x1ea: {  	_ =	swait.ge [sflag:s15], $0x800  }
0x1eb: {  	s18 =	sld [smem:$0x7F0]  }
0x1ec: {  	[sflag:s15] =	ssyncset.done $0x0  }
0x1ed: {  	[sflag:s15] =	ssyncadd.s32 $0xFFFFF800  }
0x1ee: {  	[tilespmem:s19], [sflag:$0x1] =	stream.indirect.gather.add.f32 [hbm:s6], $0x10, s18, s12, $0xb8;
	[tilespmem:$0x9A00] =	vst v63  }
0x1ef: {  	_ =	swait.ge [sflag:s15], $0x800  }
0x1f0: {  	s18 =	sld [smem:$0x7F1]  }
0x1f1: {  	[sflag:s15] =	ssyncset.done $0x0  }
0x1f2: {  	[sflag:s15] =	ssyncadd.s32 $0xFFFFF800  }
0x1f3: {  	[tilespmem:s21], [sflag:$0x1] =	stream.indirect.gather.add.f32 [hbm:s6], $0x10, s18, s12, $0xb8;
	[tilespmem:$0x9A00] =	vst v63  }
0x1f4: {  	_ =	swait.ge [sflag:s15], $0x800  }
0x1f5: {  	s18 =	sld [smem:$0x7F2]  }
0x1f6: {  	[sflag:s15] =	ssyncset.done $0x0  }
0x1f7: {  	[sflag:s15] =	ssyncadd.s32 $0xFFFFF800  }
0x1f8: {  	[tilespmem:s24], [sflag:$0x1] =	stream.indirect.gather.add.f32 [hbm:s6], $0x10, s18, s12, $0xb8;
	[tilespmem:$0x9A00] =	vst v63  }
0x1f9: {  	_ =	swait.ge [sflag:s15], $0x800  }
0x1fa: {  	s18 =	sld [smem:$0x7F3]  }
0x1fb: {  	[sflag:s15] =	ssyncset.done $0x0  }
0x1fc: {  	[sflag:s15] =	ssyncadd.s32 $0xFFFFF800  }
0x1fd: {  	[tilespmem:s22], [sflag:$0x1] =	stream.indirect.gather.add.f32 [hbm:s6], $0x10, s18, s12, $0xb8;
	[tilespmem:$0x9A00] =	vst v63  }
0x1fe: {  	_ =	swait.ge [sflag:s15], $0x800  }
0x1ff: {  	s18 =	sld [smem:$0x7F4]  }
0x200: {  	[sflag:s15] =	ssyncset.done $0x0  }
0x201: {  	[sflag:s15] =	ssyncadd.s32 $0xFFFFF800  }
0x202: {  	[tilespmem:s23], [sflag:$0x1] =	stream.indirect.gather.add.f32 [hbm:s6], $0x10, s18, s12, $0xb8;
	[tilespmem:$0x9A00] =	vst v63  }
0x203: {  	_ =	swait.ge [sflag:s15], $0x800  }
0x204: {  	s18 =	sld [smem:$0x7F5]  }
0x205: {  	[sflag:s15] =	ssyncset.done $0x0  }
0x206: {  	[sflag:s15] =	ssyncadd.s32 $0xFFFFF800  }
0x207: {  	[tilespmem:s25], [sflag:$0x1] =	stream.indirect.gather.add.f32 [hbm:s6], $0x10, s18, s12, $0xb8;
	[tilespmem:$0x9A00] =	vst v63  }
0x208: {  	_ =	swait.ge [sflag:s15], $0x800  }
0x209: {  	s18 =	sld [smem:$0x7F6]  }
0x20a: {  	[sflag:s15] =	ssyncset.done $0x0  }
0x20b: {  	[sflag:s15] =	ssyncadd.s32 $0xFFFFF800  }
0x20c: {  	[tilespmem:s29], [sflag:$0x1] =	stream.indirect.gather.add.f32 [hbm:s6], $0x10, s18, s12, $0xb8;
	[tilespmem:$0x9A00] =	vst v63  }
0x20d: {  	_ =	swait.ge [sflag:s15], $0x800  }
0x20e: {  	s18 =	sld [smem:$0x7F7]  }
0x20f: {  	[sflag:s15] =	ssyncset.done $0x0  }
0x210: {  	[sflag:s15] =	ssyncadd.s32 $0xFFFFF800  }
0x211: {  	[tilespmem:s26], [sflag:$0x1] =	stream.indirect.gather.add.f32 [hbm:s6], $0x10, s18, s12, $0xb8;
	[tilespmem:$0x9A00] =	vst v63  }
0x212: {  	_ =	swait.ge [sflag:s15], $0x800  }
0x213: {  	s18 =	sld [smem:$0x7F8]  }
0x214: {  	[sflag:s15] =	ssyncset.done $0x0  }
0x215: {  	[sflag:s15] =	ssyncadd.s32 $0xFFFFF800  }
0x216: {  	[tilespmem:s28], [sflag:$0x1] =	stream.indirect.gather.add.f32 [hbm:s6], $0x10, s18, s12, $0xb8;
	[tilespmem:$0x9A00] =	vst v63  }
0x217: {  	_ =	swait.ge [sflag:s15], $0x800  }
0x218: {  	s18 =	sld [smem:$0x7F9]  }
0x219: {  	[sflag:s15] =	ssyncset.done $0x0  }
0x21a: {  	[sflag:s15] =	ssyncadd.s32 $0xFFFFF800  }
0x21b: {  	[tilespmem:s30], [sflag:$0x1] =	stream.indirect.gather.add.f32 [hbm:s6], $0x10, s18, s12, $0xb8;
	[tilespmem:$0x9A00] =	vst v63  }
0x21c: {  	_ =	swait.ge [sflag:s15], $0x800  }
0x21d: {  	s18 =	sld [smem:$0x7FA]  }
0x21e: {  	[sflag:s15] =	ssyncset.done $0x0  }
0x21f: {  	[sflag:s15] =	ssyncadd.s32 $0xFFFFF800  }
0x220: {  	[tilespmem:s13], [sflag:$0x1] =	stream.indirect.gather.add.f32 [hbm:s6], $0x10, s18, s12, $0xb8;
	[tilespmem:$0x9A00] =	vst v63  }
0x221: {  	_ =	swait.ge [sflag:s15], $0x800  }
0x222: {  	s18 =	sld [smem:$0x7FB]  }
0x223: {  	[sflag:s15] =	ssyncset.done $0x0  }
0x224: {  	[sflag:s15] =	ssyncadd.s32 $0xFFFFF800  }
0x225: {  	[tilespmem:s31], [sflag:$0x1] =	stream.indirect.gather.add.f32 [hbm:s6], $0x10, s18, s12, $0xb8;
	[tilespmem:$0x9A00] =	vst v63  }
0x226: {  	_ =	swait.ge [sflag:s15], $0x800  }
0x227: {  	s18 =	sld [smem:$0x7FC]  }
0x228: {  	[sflag:s15] =	ssyncset.done $0x0  }
0x229: {  	[sflag:s15] =	ssyncadd.s32 $0xFFFFF800  }
0x22a: {  	[tilespmem:s1], [sflag:$0x1] =	stream.indirect.gather.add.f32 [hbm:s6], $0x10, s18, s12, $0xb8;
	[tilespmem:$0x9A00] =	vst v63  }
0x22b: {  	_ =	swait.ge [sflag:s15], $0x800  }
0x22c: {  	s18 =	sld [smem:$0x7FD]  }
0x22d: {  	[sflag:s15] =	ssyncset.done $0x0  }
0x22e: {  	[sflag:s15] =	ssyncadd.s32 $0xFFFFF800  }
0x22f: {  	[tilespmem:s16], [sflag:$0x1] =	stream.indirect.gather.add.f32 [hbm:s6], $0x10, s18, s12, $0xb8;
	[tilespmem:$0x9A00] =	vst v63  }
0x230: {  	_ =	swait.ge [sflag:s15], $0x800  }
0x231: {  	[sflag:s15] =	ssyncset.done $0x0  }
0x232: {  	[sflag:s15] =	ssyncadd.s32 $0xFFFFF800  }
0x233: {  	_ =	swait.ge [sflag:s15], $0x800  }
0x234: {  	[sflag:s15] =	ssyncset.done $0x0  }
0x235: {  	[sflag:s15] =	ssyncadd.s32 $0xFFFFF800  }
0x236: {  	_ =	swait.ge [sflag:s15], $0x800  }
0x237: {  	[sflag:s15] =	ssyncset.done $0x0  }
0x238: {  	[sflag:s15] =	ssyncadd.s32 $0xFFFFF800  }
0x239: {  	_ =	swait.ge [sflag:s15], $0x800  }
0x23a: {  	[sflag:s15] =	ssyncset.done $0x0  }
0x23b: {  	[sflag:s15] =	ssyncadd.s32 $0xFFFFF800  }
0x23c: {  	_ =	swait.ge [sflag:s15], $0x800  }
0x23d: {  	[sflag:s15] =	ssyncset.done $0x0  }
0x23e: {  	[sflag:s15] =	ssyncadd.s32 $0xFFFFF800  }
0x23f: {  	_ =	swait.ge [sflag:s15], $0x800  }
0x240: {  	[sflag:s15] =	ssyncset.done $0x0  }
0x241: {  	[sflag:s15] =	ssyncadd.s32 $0xFFFFF800  }
0x242: {  	_ =	swait.ge [sflag:s15], $0x800  }
0x243: {  	[sflag:s15] =	ssyncset.done $0x0  }
0x244: {  	[sflag:s15] =	ssyncadd.s32 $0xFFFFF800  }
0x245: {  	_ =	swait.ge [sflag:s15], $0x800  }
0x246: {  	[sflag:s15] =	ssyncset.done $0x0  }
0x247: {  	[sflag:s15] =	ssyncadd.s32 $0xFFFFF800  }
0x248: {  	_ =	swait.ge [sflag:s15], $0x800  }
0x249: {  	[sflag:s15] =	ssyncset.done $0x0  }
0x24a: {  	[sflag:s15] =	ssyncadd.s32 $0xFFFFF800  }
0x24b: {  	_ =	swait.ge [sflag:s15], $0x800  }
0x24c: {  	[sflag:s15] =	ssyncset.done $0x0  }
0x24d: {  	[sflag:s15] =	ssyncadd.s32 $0xFFFFF800  }
0x24e: {  	_ =	swait.ge [sflag:s15], $0x800  }
0x24f: {  	[sflag:s15] =	ssyncset.done $0x0  }
0x250: {  	[sflag:s15] =	ssyncadd.s32 $0xFFFFF800  }
0x251: {  	_ =	swait.ge [sflag:s15], $0x800  }
0x252: {  	[sflag:s15] =	ssyncset.done $0x0  }
0x253: {  	[sflag:s15] =	ssyncadd.s32 $0xFFFFF800  }
0x254: {  	_ =	swait.ge [sflag:s15], $0x800  }
0x255: {  	[sflag:s15] =	ssyncset.done $0x0  }
0x256: {  	[sflag:s15] =	ssyncadd.s32 $0xFFFFF800  }
0x257: {  	_ =	swait.ge [sflag:s15], $0x800  }
0x258: {  	[sflag:s15] =	ssyncset.done $0x0  }
0x259: {  	[sflag:s15] =	ssyncadd.s32 $0xFFFFF800  }
0x25a: {  	_ =	swait.ge [sflag:s15], $0x800  }
0x25b: {  	[sflag:s15] =	ssyncset.done $0x0  }
0x25c: {  	[sflag:s15] =	ssyncadd.s32 $0xFFFFF800  }
0x25d: {  	_ =	swait.ge [sflag:s15], $0x800  }
0x25e: {  	s1 =	sld [smem:$0x7E5]  }
0x25f: {  	[sflag:s15] =	ssyncset.done $0x0  }
0x260: {  	[sflag:s15] =	ssyncadd.s32 $0xFFFFF800  }
0x261: {  	[hbm4b:s1+s0] =	stream.strided.scatter [tilespmem:s20], [sflag:$0x2], $0x2000, s3, s0, $0x38;
	[tilespmem:$0x9A00] =	vst v63  }
0x262: {  	_ =	swait.ge [sflag:s11], $0x2000  }
0x263: {  	[sflag:s11] =	ssyncset.done $0x0  }
0x264: {  	s18 =	rddreg [dreg:$0x5];
	[sflag:s11] =	ssyncadd.s32 $0xFFFFE000  }
0x265: {  	[hbm4b:s18+s0] =	stream.strided.scatter [tilespmem:s24], [sflag:$0x2], $0x2000, s3, s0, $0x38;
	[tilespmem:$0x9A00] =	vst v63  }
0x266: {  	_ =	swait.ge [sflag:s11], $0x2000  }
0x267: {  	[sflag:s11] =	ssyncset.done $0x0  }
0x268: {  	s1 =	rddreg [dreg:$0x6];
	[sflag:s11] =	ssyncadd.s32 $0xFFFFE000  }
0x269: {  	[hbm4b:s1+s0] =	stream.strided.scatter [tilespmem:s29], [sflag:$0x2], $0x2000, s3, s0, $0x38;
	[tilespmem:$0x9A00] =	vst v63  }
0x26a: {  	_ =	swait.ge [sflag:s11], $0x2000  }
0x26b: {  	p0 =	sne.s32 s10, $0x1;
	[sflag:s11] =	ssyncset.done $0x0  }
.Ltmp0:
0x26c: {  	s18 =	rddreg [dreg:$0x7];
	[sflag:s11] =	ssyncadd.s32 $0xFFFFE000;
	(pc) =	sbr.rel @p0 .LBB2_1-.Ltmp0, $4  }
0x26d: {  	[hbm4b:s18+s0] =	stream.strided.scatter [tilespmem:s13], [sflag:$0x2], $0x2000, s3, s0, $0x38;
	[tilespmem:$0x9A00] =	vst v63  }
0x26e: {  	_ =	swait.ge [sflag:s11], $0x2000  }
0x26f: {  	[sflag:s11] =	ssyncset.done $0x0  }
0x270: {  	s10 =	sadd.s32 $0xFFFFFFFF, s10;
	[sflag:s11] =	ssyncadd.s32 $0xFFFFE000  }
0x271: {  	_ =	sfence.sel $0x180000  }
0x272: {  	[bflag:$0x0] =	sbarrier.arrive $0xFFFF  }
0x273: {  	_ =	strace $0x90000047  }
0x274: {  	s0 =	stileid.u32;
	[bflag:$0x2] =	sbarrier.arrive $0xFFFF  }
0x275: {  	p0 =	sne.s32 s0, $0x0;
	s0 =	rddreg [dreg:$0x3]  }
0x276: {  	s0 =	sadd.s32 @!p0 $0x100000, s0  }
0x277: {  	[sflag:s0] =	ssyncadd.tile.s32 @!p0 $0x1;
	_ =	shalt  }
.Lfunc_end2:
_tile_overlayer_lowered:
.L_overlay_start_2:
0x278: {  	(tag) =	ssettag $0x2  }
0x279: {  	s0 =	rddreg [dreg:$0x0];
	s2 =	stileid.u32  }
0x27a: {  	s1 =	rddreg [dreg:$0x1];
	p0 =	sne.s32 s2, $0x0  }
0x27b: {  	s3 =	rddreg [dreg:$0x2];
	[bflag:$0x3] =	sbarrier.arrive $0xFFFF;
	s2 =	simm.s32 @!p0 $0x1C02  }
0x27c: {  	[timem:s3], [sflag:s2] =	dma.local @!p0 [hbm:s0], s1  }
0x27d: {  	s0 =	simm.s32 @!p0 $0x2  }
0x27e: {  	_ =	swait.ge @!p0 [sflag:s0], s1  }
0x27f: {  	s1 =	ssub.s32 @!p0 $0x0, s1;
	[sflag:s0] =	ssyncset.done @!p0 $0x0  }
0x280: {  	[sflag:s0] =	ssyncadd.s32 @!p0 s1  }
0x281: {  	[bflag:$0x3] =	sbarrier.arrive $0xFFFF  }
0x282: {  	_ =	shalt  }

</sc_bundles>
